<compile_context>
chip_gen: v7x
topology: tpu7x:2x2x1
jax: 0.10.2.dev20260603
libtpu: 0.0.44.dev20260713+nightly
codegen_flags: <defaults>
</compile_context>

<pallas_src>
import functools

import jax
import jax.numpy as jnp
from jax import lax
from jax.experimental import pallas as pl
from jax.experimental.pallas import tpu as pltpu
from jax.experimental.pallas import tpu_sc as plsc

_NUM_FIELDS = 26
_VOCAB = 100000
_EMBED = 16
_BATCH = 16384

_PCH = 9088
_VMAIN = 99968
_NSTEP = _VMAIN // _PCH
_NGRP = 4
_TOT = _NGRP * _NSTEP


def _pack_tables(tFE, eye, tail8):

    def body(eye_ref, in_hbm, out_ref, bufs, sem):
        g = pl.program_id(0)
        c = pl.program_id(1)
        s = g * _NSTEP + c

        def src(step):
            gg = jnp.minimum(step // _NSTEP, _NGRP - 1)
            cc = lax.rem(step, _NSTEP)
            return in_hbm.at[pl.ds(6 * gg, 8), :, pl.ds(cc * _PCH, _PCH)]

        par = lax.rem(s, 3)
        n2 = lax.rem(s + 2, 3)

        @pl.when(s == 0)
        def _():
            for t in range(2):
                pltpu.make_async_copy(src(t), bufs.at[t], sem.at[t]).start()

        @pl.when((s > 0) & (s < _TOT - 2) | (s == 0))
        def _():
            pltpu.make_async_copy(src(s + 2), bufs.at[n2], sem.at[n2]).start()

        pltpu.make_async_copy(src(s), bufs.at[par], sem.at[par]).wait()
        x = bufs[par].reshape(128, _PCH)
        out_ref[0] = lax.dot_general(x, eye_ref[...], (((0,), (0,)), ((), ())),
                                     preferred_element_type=jnp.float32)

    main = pl.pallas_call(
        body,
        grid=(_NGRP, _NSTEP),
        in_specs=[
            pl.BlockSpec((128, 128), lambda g, c: (0, 0)),
            pl.BlockSpec(memory_space=pl.ANY),
        ],
        out_specs=pl.BlockSpec((1, _PCH, 128), lambda g, c: (g, c, 0)),
        out_shape=jax.ShapeDtypeStruct((_NGRP, _VOCAB, 128), jnp.float32),
        scratch_shapes=[
            pltpu.VMEM((3, 8, 16, _PCH), jnp.float32),
            pltpu.SemaphoreType.DMA((3,)),
        ],
    )(eye, tFE)

    def tail_body(eye_ref, t_ref, full_ref, out_ref):
        x = t_ref[0].reshape(128, 128)
        xt = lax.dot_general(x, eye_ref[...], (((0,), (0,)), ((), ())),
                             preferred_element_type=jnp.float32)
        out_ref[0] = xt[: (_VOCAB - _VMAIN), :]

    return pl.pallas_call(
        tail_body,
        grid=(_NGRP,),
        in_specs=[
            pl.BlockSpec((128, 128), lambda g: (0, 0)),
            pl.BlockSpec((1, 8, 16, 128), lambda g: (g, 0, 0, 0)),
            pl.BlockSpec(memory_space=pl.ANY),
        ],
        out_specs=pl.BlockSpec((1, _VOCAB - _VMAIN, 128),
                               lambda g: (g, _VMAIN // (_VOCAB - _VMAIN), 0)),
        out_shape=jax.ShapeDtypeStruct((_NGRP, _VOCAB, 128), jnp.float32),
        input_output_aliases={2: 0},
    )(eye, tail8, main)


_NC = 2
_NS = 16
_NW = _NC * _NS

_BF = _BATCH * _NUM_FIELDS
_PER_W = _BF // _NW
_IDXW = 128
_ROWS_PER_W = _PER_W // _IDXW
_STREAMS = 8
_GROUPS = _ROWS_PER_W // _STREAMS
_CHUNK = _STREAMS * _IDXW


def _sc_gather(idx2, table_lin, p0, nrows, streams):
    mesh = plsc.VectorSubcoreMesh(core_axis_name="c", subcore_axis_name="s")
    rows_per_w = nrows // (_NW * _IDXW)
    n_groups = rows_per_w // streams
    chunk = streams * _IDXW

    @functools.partial(
        pl.kernel,
        out_type=jax.ShapeDtypeStruct((nrows, _EMBED), jnp.float32),
        mesh=mesh,
        scratch_types=[
            pltpu.VMEM((2, streams, _IDXW), jnp.int32),
            pltpu.VMEM((2, chunk, _EMBED), jnp.float32),
            pltpu.SemaphoreType.DMA((2,)),
            pltpu.SemaphoreType.DMA((2,)),
            pltpu.SemaphoreType.DMA((2,)),
        ],
        compiler_params=pltpu.CompilerParams(use_tc_tiling_on_sc=False),
    )
    def k(idx_hbm, tab_hbm, out_hbm, idx_v, rows_v, sem_i, sem_g, sem_o):
        wid = lax.axis_index("s") * _NC + lax.axis_index("c")
        row0 = wid * rows_per_w
        lanes = lax.iota(jnp.int32, 16)
        _STREAMS = streams
        _GROUPS = n_groups
        _CHUNK = chunk

        def idx_src(gi):
            return idx_hbm.at[pl.ds(row0 + gi * _STREAMS, _STREAMS)]

        def out_dst(gi):
            return out_hbm.at[pl.ds((row0 + gi * _STREAMS) * _IDXW, _CHUNK)]

        pltpu.async_copy(idx_src(0), idx_v.at[0], sem_i.at[0])

        def group(gi, carry):
            par = lax.rem(gi, 2)
            nxt = lax.rem(gi + 1, 2)

            @pl.when(gi < _GROUPS - 1)
            def _():
                pltpu.async_copy(idx_src(gi + 1), idx_v.at[nxt], sem_i.at[nxt])

            pltpu.make_async_copy(idx_src(gi), idx_v.at[par], sem_i.at[par]).wait()
            rbase = row0 + gi * _STREAMS
            for j in range(_STREAMS):
                base_j = p0 + (rbase + j) * _IDXW
                for i in range(_IDXW // 16):
                    p = lanes + (base_j + i * 16)
                    f = lax.rem(p, _NUM_FIELDS)
                    g = (3 + lax.shift_right_arithmetic(f - 6, 31)
                         + lax.shift_right_arithmetic(f - 12, 31)
                         + lax.shift_right_arithmetic(f - 18, 31))
                    off = g * (_VOCAB * 8 - 6) + f
                    sl = pl.ds(i * 16, 16)
                    idx_v[par, j, sl] = idx_v[par, j, sl] * 8 + off

            @pl.when(gi >= 2)
            def _():
                pltpu.make_async_copy(rows_v.at[par], out_dst(gi - 2), sem_o.at[par]).wait()

            for j in range(_STREAMS):
                pltpu.async_copy(
                    tab_hbm.at[idx_v.at[par].at[j]],
                    rows_v.at[par].at[pl.ds(j * _IDXW, _IDXW)],
                    sem_g.at[par],
                )
            for j in range(_STREAMS):
                pltpu.make_async_copy(
                    tab_hbm.at[idx_v.at[par].at[j]],
                    rows_v.at[par].at[pl.ds(j * _IDXW, _IDXW)],
                    sem_g.at[par],
                ).wait()
            pltpu.async_copy(rows_v.at[par], out_dst(gi), sem_o.at[par])
            return carry

        lax.fori_loop(0, _GROUPS, group, 0)
        for t in (_GROUPS - 2, _GROUPS - 1):
            pltpu.make_async_copy(
                rows_v.at[t % 2], out_dst(t), sem_o.at[t % 2]
            ).wait()

    return k(idx2, table_lin)


_BSZ = 2048


def _tc_mlp(nbatch, se, dense16, Wb0p, bb0, Wb1, bb1, Wb2, bb2, Wt0a, Wt0b, bt0, Wt1, bt1, Wf, bf):
    def body(se_ref, d_ref, wb0, b0, wb1, b1, wb2, b2, wt0a, wt0b, t0, wt1, t1, wf, fb, out_ref):
        f32 = jnp.float32
        h = jnp.maximum(jnp.dot(d_ref[...], wb0[...], preferred_element_type=f32) + b0[...], 0.0)
        h = jnp.maximum(jnp.dot(h, wb1[...], preferred_element_type=f32) + b1[...], 0.0)
        h = jnp.maximum(jnp.dot(h, wb2[...], preferred_element_type=f32) + b2[...], 0.0)
        x = (jnp.dot(se_ref[...], wt0a[...], preferred_element_type=f32)
             + jnp.dot(h, wt0b[...], preferred_element_type=f32) + t0[...])
        x = jnp.maximum(x, 0.0)
        x = jnp.maximum(jnp.dot(x, wt1[...], preferred_element_type=f32) + t1[...], 0.0)
        logit = jnp.dot(x, wf[...], preferred_element_type=f32) + fb[...]
        out_ref[...] = jax.nn.sigmoid(logit)

    full = lambda shape: pl.BlockSpec(shape, lambda i: tuple(0 for _ in shape))
    return pl.pallas_call(
        body,
        grid=(nbatch // _BSZ,),
        in_specs=[
            pl.BlockSpec((_BSZ, _NUM_FIELDS * _EMBED), lambda i: (i, 0)),
            pl.BlockSpec((_BSZ, 16), lambda i: (i, 0)),
            full(Wb0p.shape), full(bb0.shape), full(Wb1.shape), full(bb1.shape),
            full(Wb2.shape), full(bb2.shape), full(Wt0a.shape), full(Wt0b.shape),
            full(bt0.shape), full(Wt1.shape), full(bt1.shape), full(Wf.shape),
            full(bf.shape),
        ],
        out_specs=pl.BlockSpec((_BSZ, 1), lambda i: (i, 0)),
        out_shape=jax.ShapeDtypeStruct((nbatch, 1), jnp.float32),
    )(se, dense16, Wb0p, bb0, Wb1, bb1, Wb2, bb2, Wt0a, Wt0b, bt0, Wt1, bt1, Wf, bf)


def kernel(dense_inputs, sparse_inputs, tables, Wb0, bb0, Wb1, bb1, Wb2, bb2,
           Wt0, bt0, Wt1, bt1, Wf, bf):
    tFE = tables.transpose(0, 2, 1)
    eye = jnp.eye(128, dtype=jnp.float32)
    tail_pad = jnp.pad(tFE[:, :, _VMAIN:], ((0, 0), (0, 0), (0, 128 - (_VOCAB - _VMAIN))))
    tail8 = jnp.stack([tail_pad[6 * g: 6 * g + 8] for g in range(_NGRP)])
    packed = _pack_tables(tFE, eye, tail8)
    table_lin = packed.reshape(_NGRP * _VOCAB * 8, _EMBED)

    idx2 = sparse_inputs.astype(jnp.int32).reshape(_BF // _IDXW, _IDXW)
    half = _BATCH // 2
    halfrows = half * _NUM_FIELDS
    rowsA = _sc_gather(idx2[: halfrows // _IDXW], table_lin, 0, halfrows, 4)
    rowsB = _sc_gather(idx2[halfrows // _IDXW:], table_lin, halfrows, halfrows, 4)

    dense16 = jnp.pad(dense_inputs, ((0, 0), (0, 3)))
    Wb0p = jnp.pad(Wb0, ((0, 3), (0, 0)))
    Wt0a = Wt0[: _NUM_FIELDS * _EMBED]
    Wt0b = Wt0[_NUM_FIELDS * _EMBED:]
    b2 = lambda v: v.reshape(1, -1)
    ws = (Wb0p, b2(bb0), Wb1, b2(bb1), Wb2, b2(bb2), Wt0a, Wt0b, b2(bt0),
          Wt1, b2(bt1), Wf, b2(bf))
    outA = _tc_mlp(half, rowsA.reshape(half, _NUM_FIELDS * _EMBED), dense16[:half], *ws)
    outB = _tc_mlp(half, rowsB.reshape(half, _NUM_FIELDS * _EMBED), dense16[half:], *ws)
    return jnp.concatenate([outA, outB], axis=0)

# --- scband reference (transcript-rebuilt; emitter-appended) ---
"""Pipeline reference for scband-dlrm-48249662603845 (READ-ONLY COPY).

The authoritative reference and input builder live on the scoring server;
editing this copy changes nothing except your own understanding.
"""

import jax, jax.numpy as jnp
import numpy as np

NUM_FIELDS = 26
VOCAB = 100000
EMBED_DIM = 16
NUM_DENSE = 13
BATCH = 16384


def setup_inputs(seed: int = 0) -> dict:
    key = jax.random.key(seed)
    ks = jax.random.split(key, 20)
    dense_inputs = jax.random.normal(ks[0], (BATCH, NUM_DENSE), dtype=jnp.float32)
    sparse_inputs = jax.random.randint(ks[1], (BATCH, NUM_FIELDS), 0, VOCAB, dtype=jnp.int64)
    # Embedding tables (random_uniform init in keras) stacked: [26, 100000, 16]
    tables = jax.random.uniform(ks[2], (NUM_FIELDS, VOCAB, EMBED_DIM), dtype=jnp.float32, minval=-0.05, maxval=0.05)
    def dense_init(k, fan_in, fan_out):
        lim = np.sqrt(6.0 / (fan_in + fan_out))
        return jax.random.uniform(k, (fan_in, fan_out), dtype=jnp.float32, minval=-lim, maxval=lim)
    # Bot DNN: 13 -> 64 -> 32 -> 16
    Wb0 = dense_init(ks[3], NUM_DENSE, 64); bb0 = jnp.zeros((64,), jnp.float32)
    Wb1 = dense_init(ks[4], 64, 32); bb1 = jnp.zeros((32,), jnp.float32)
    Wb2 = dense_init(ks[5], 32, 16); bb2 = jnp.zeros((16,), jnp.float32)
    # Top DNN input: 26*16 + 16 = 432 -> 128 -> 64 -> 1
    top_in = NUM_FIELDS * EMBED_DIM + 16
    Wt0 = dense_init(ks[6], top_in, 128); bt0 = jnp.zeros((128,), jnp.float32)
    Wt1 = dense_init(ks[7], 128, 64); bt1 = jnp.zeros((64,), jnp.float32)
    Wf = dense_init(ks[8], 64, 1); bf = jnp.zeros((1,), jnp.float32)
    return {
        "dense_inputs": dense_inputs,
        "sparse_inputs": sparse_inputs,
        "tables": tables,
        "Wb0": Wb0, "bb0": bb0, "Wb1": Wb1, "bb1": bb1, "Wb2": Wb2, "bb2": bb2,
        "Wt0": Wt0, "bt0": bt0, "Wt1": Wt1, "bt1": bt1,
        "Wf": Wf, "bf": bf,
    }


def reference(dense_inputs, sparse_inputs, tables, Wb0, bb0, Wb1, bb1, Wb2, bb2, Wt0, bt0, Wt1, bt1, Wf, bf):
    # Bot DNN over dense features
    h = dense_inputs
    for W, b in ((Wb0, bb0), (Wb1, bb1), (Wb2, bb2)):
        h = jax.nn.relu(h @ W + b)
    # Per-field embedding lookups, concatenated along feature dim
    embeds = [jnp.take(tables[i], sparse_inputs[:, i], axis=0) for i in range(NUM_FIELDS)]
    sparse_embed = jnp.concatenate(embeds, axis=-1)
    x = jnp.concatenate([sparse_embed, h], axis=-1)
    # Top DNN
    for W, b in ((Wt0, bt0), (Wt1, bt1)):
        x = jax.nn.relu(x @ W + b)
    logits = x @ Wf + bf
    return jax.nn.sigmoid(logits)

if __name__ == "__main__":
    import jax
    _d = setup_inputs()
    print(jax.jit(kernel)(*tuple(_d.values())))

</pallas_src>

<mosaic_0001>
#map = affine_map<(d0, d1) -> (0, 0)>
module attributes {stable_mosaic.version = 14 : i64} {
  func.func @k(%arg0: i32, %arg1: i32, %arg2: memref<1664x128xi32, #tpu.memory_space<hbm>>, %arg3: memref<3200000x16xf32, #tpu.memory_space<hbm>>, %arg4: memref<212992x16xf32, #tpu.memory_space<hbm>>, %arg5: memref<2x4x128xi32, #tpu.memory_space<vmem>>, %arg6: memref<2x512x16xf32, #tpu.memory_space<vmem>>, %arg7: memref<2x!tpu.dma_semaphore, #tpu.memory_space<semaphore_mem>>, %arg8: memref<2x!tpu.dma_semaphore, #tpu.memory_space<semaphore_mem>>, %arg9: memref<2x!tpu.dma_semaphore, #tpu.memory_space<semaphore_mem>>) attributes {dimension_semantics = [#tpu.dimension_semantics<core_parallel>, #tpu.dimension_semantics<subcore_parallel>], iteration_bounds = array<i64: 2, 16>, scalar_prefetch = 0 : i64, scratch_operands = 5 : i64, tpu.core_type = #tpu.core_type<sc_vector_subcore>, window_params = [{transform_indices = #map}, {transform_indices = #map}, {transform_indices = #map}]} {
    %mul3A = arith.constant 2 : i32
    %mul3A_0 = arith.muli %arg1, %mul3A : i32
    %add3A = arith.addi %mul3A_0, %arg0 : i32
    %mul3A_1 = arith.constant 52 : i32
    %mul3A_2 = arith.muli %add3A, %mul3A_1 : i32
    %iota3A = tpu.iota {dimensions = array<i32: 0>} : vector<16xi32>
    %add3A_3 = arith.constant 0 : i32
    %add3A_4 = arith.addi %mul3A_2, %add3A_3 : i32
    %dma_start3A = arith.constant 0 : i32
    %dma_start3A_5 = arith.constant 0 : i32
    %dma_start3A_6 = arith.constant 0 : i32
    %dma_start3A_7 = arith.constant 0 : i32
    %dma_start3A_8 = tpu.memref_slice %arg5[%dma_start3A, %dma_start3A_6, %dma_start3A_7] : memref<2x4x128xi32, #tpu.memory_space<vmem>> -> memref<1x4x128xi32, #tpu.memory_space<vmem>>
    %dma_start3A_9 = tpu.memref_squeeze %dma_start3A_8 : memref<1x4x128xi32, #tpu.memory_space<vmem>> -> memref<4x128xi32, #tpu.memory_space<vmem>>
    %dma_start3A_10 = arith.constant 0 : i32
    %dma_start3A_11 = tpu.memref_slice %arg2[%add3A_4, %dma_start3A_10] : memref<1664x128xi32, #tpu.memory_space<hbm>> -> memref<4x128xi32, #tpu.memory_space<hbm>>
    %dma_start3A_12 = tpu.memref_slice %arg7[%dma_start3A_5] : memref<2x!tpu.dma_semaphore, #tpu.memory_space<semaphore_mem>> -> memref<1x!tpu.dma_semaphore, #tpu.memory_space<semaphore_mem>>
    %dma_start3A_13 = tpu.memref_squeeze %dma_start3A_12 : memref<1x!tpu.dma_semaphore, #tpu.memory_space<semaphore_mem>> -> memref<!tpu.dma_semaphore, #tpu.memory_space<semaphore_mem>>
    %dma_start3A_14 = arith.constant 0 : i32
    %dma_start3A_15 = arith.constant 0 : i32
    %dma_start3A_16 = tpu.memref_slice %arg5[%dma_start3A, %dma_start3A_14, %dma_start3A_15] : memref<2x4x128xi32, #tpu.memory_space<vmem>> -> memref<1x4x128xi32, #tpu.memory_space<vmem>>
    %dma_start3A_17 = tpu.memref_squeeze %dma_start3A_16 : memref<1x4x128xi32, #tpu.memory_space<vmem>> -> memref<4x128xi32, #tpu.memory_space<vmem>>
    %dma_start3A_18 = arith.constant 0 : i32
    %dma_start3A_19 = tpu.memref_slice %arg2[%add3A_4, %dma_start3A_18] : memref<1664x128xi32, #tpu.memory_space<hbm>> -> memref<4x128xi32, #tpu.memory_space<hbm>>
    tpu.enqueue_dma source(%dma_start3A_19 : memref<4x128xi32, #tpu.memory_space<hbm>>) target(%dma_start3A_17 : memref<4x128xi32, #tpu.memory_space<vmem>>) target_semaphore(%dma_start3A_13 : memref<!tpu.dma_semaphore, #tpu.memory_space<semaphore_mem>>)
    %scan3A = arith.constant 0 : i32
    %scan3A_20 = arith.constant 0 : i32
    %scan3A_21 = arith.constant 13 : i32
    %scan3A_22 = arith.addi %scan3A_20, %scan3A_21 : i32
    %scan3A_23 = arith.constant 1 : i32
    scf.for %scan3A_64 = %scan3A_20 to %scan3A_22 step %scan3A_23  : i32 {
      %rem3A = arith.constant 2 : i32
      %rem3A_65 = arith.remsi %scan3A_64, %rem3A : i32
      %add3A_66 = arith.constant 1 : i32
      %add3A_67 = arith.addi %scan3A_64, %add3A_66 : i32
      %rem3A_68 = arith.constant 2 : i32
      %rem3A_69 = arith.remsi %add3A_67, %rem3A_68 : i32
      %lt3A = arith.constant 12 : i32
      %lt3A_70 = arith.cmpi slt, %scan3A_64, %lt3A : i32
      %convert_element_type3A = arith.extui %lt3A_70 : i1 to i32
      %cond3A = arith.constant 0 : i32
      %cond3A_71 = arith.cmpi ne, %convert_element_type3A, %cond3A : i32
      scf.if %cond3A_71 {
        %add3A_1927 = arith.constant 1 : i32
        %add3A_1928 = arith.addi %scan3A_64, %add3A_1927 : i32
        %mul3A_1929 = arith.constant 4 : i32
        %mul3A_1930 = arith.muli %add3A_1928, %mul3A_1929 : i32
        %add3A_1931 = arith.addi %mul3A_2, %mul3A_1930 : i32
        %dma_start3A_1932 = arith.constant 0 : i32
        %dma_start3A_1933 = arith.constant 0 : i32
        %dma_start3A_1934 = tpu.memref_slice %arg5[%rem3A_69, %dma_start3A_1932, %dma_start3A_1933] : memref<2x4x128xi32, #tpu.memory_space<vmem>> -> memref<1x4x128xi32, #tpu.memory_space<vmem>>
        %dma_start3A_1935 = tpu.memref_squeeze %dma_start3A_1934 : memref<1x4x128xi32, #tpu.memory_space<vmem>> -> memref<4x128xi32, #tpu.memory_space<vmem>>
        %dma_start3A_1936 = arith.constant 0 : i32
        %dma_start3A_1937 = tpu.memref_slice %arg2[%add3A_1931, %dma_start3A_1936] : memref<1664x128xi32, #tpu.memory_space<hbm>> -> memref<4x128xi32, #tpu.memory_space<hbm>>
        %dma_start3A_1938 = tpu.memref_slice %arg7[%rem3A_69] : memref<2x!tpu.dma_semaphore, #tpu.memory_space<semaphore_mem>> -> memref<1x!tpu.dma_semaphore, #tpu.memory_space<semaphore_mem>>
        %dma_start3A_1939 = tpu.memref_squeeze %dma_start3A_1938 : memref<1x!tpu.dma_semaphore, #tpu.memory_space<semaphore_mem>> -> memref<!tpu.dma_semaphore, #tpu.memory_space<semaphore_mem>>
        %dma_start3A_1940 = arith.constant 0 : i32
        %dma_start3A_1941 = arith.constant 0 : i32
        %dma_start3A_1942 = tpu.memref_slice %arg5[%rem3A_69, %dma_start3A_1940, %dma_start3A_1941] : memref<2x4x128xi32, #tpu.memory_space<vmem>> -> memref<1x4x128xi32, #tpu.memory_space<vmem>>
        %dma_start3A_1943 = tpu.memref_squeeze %dma_start3A_1942 : memref<1x4x128xi32, #tpu.memory_space<vmem>> -> memref<4x128xi32, #tpu.memory_space<vmem>>
        %dma_start3A_1944 = arith.constant 0 : i32
        %dma_start3A_1945 = tpu.memref_slice %arg2[%add3A_1931, %dma_start3A_1944] : memref<1664x128xi32, #tpu.memory_space<hbm>> -> memref<4x128xi32, #tpu.memory_space<hbm>>
        tpu.enqueue_dma source(%dma_start3A_1945 : memref<4x128xi32, #tpu.memory_space<hbm>>) target(%dma_start3A_1943 : memref<4x128xi32, #tpu.memory_space<vmem>>) target_semaphore(%dma_start3A_1939 : memref<!tpu.dma_semaphore, #tpu.memory_space<semaphore_mem>>)
      } else {
      }
      %mul3A_72 = arith.constant 4 : i32
      %mul3A_73 = arith.muli %scan3A_64, %mul3A_72 : i32
      %add3A_74 = arith.addi %mul3A_2, %mul3A_73 : i32
      %dma_wait3A_75 = arith.constant 0 : i32
      %dma_wait3A_76 = arith.constant 0 : i32
      %dma_wait3A_77 = tpu.memref_slice %arg5[%rem3A_65, %dma_wait3A_75, %dma_wait3A_76] : memref<2x4x128xi32, #tpu.memory_space<vmem>> -> memref<1x4x128xi32, #tpu.memory_space<vmem>>
      %dma_wait3A_78 = tpu.memref_squeeze %dma_wait3A_77 : memref<1x4x128xi32, #tpu.memory_space<vmem>> -> memref<4x128xi32, #tpu.memory_space<vmem>>
      %dma_wait3A_79 = arith.constant 0 : i32
      %dma_wait3A_80 = tpu.memref_slice %arg2[%add3A_74, %dma_wait3A_79] : memref<1664x128xi32, #tpu.memory_space<hbm>> -> memref<4x128xi32, #tpu.memory_space<hbm>>
      %dma_wait3A_81 = tpu.memref_slice %arg7[%rem3A_65] : memref<2x!tpu.dma_semaphore, #tpu.memory_space<semaphore_mem>> -> memref<1x!tpu.dma_semaphore, #tpu.memory_space<semaphore_mem>>
      %dma_wait3A_82 = tpu.memref_squeeze %dma_wait3A_81 : memref<1x!tpu.dma_semaphore, #tpu.memory_space<semaphore_mem>> -> memref<!tpu.dma_semaphore, #tpu.memory_space<semaphore_mem>>
      %dma_wait3A_83 = arith.constant 0 : i32
      %dma_wait3A_84 = arith.constant 0 : i32
      %dma_wait3A_85 = tpu.memref_slice %arg5[%rem3A_65, %dma_wait3A_83, %dma_wait3A_84] : memref<2x4x128xi32, #tpu.memory_space<vmem>> -> memref<1x4x128xi32, #tpu.memory_space<vmem>>
      %dma_wait3A_86 = tpu.memref_squeeze %dma_wait3A_85 : memref<1x4x128xi32, #tpu.memory_space<vmem>> -> memref<4x128xi32, #tpu.memory_space<vmem>>
      %dma_wait3A_87 = arith.constant 0 : i32
      %dma_wait3A_88 = tpu.memref_slice %arg2[%add3A_74, %dma_wait3A_87] : memref<1664x128xi32, #tpu.memory_space<hbm>> -> memref<4x128xi32, #tpu.memory_space<hbm>>
      tpu.wait_dma2 semaphore(%dma_wait3A_82 : memref<!tpu.dma_semaphore, #tpu.memory_space<semaphore_mem>>) src(%dma_wait3A_88 : memref<4x128xi32, #tpu.memory_space<hbm>>) dst(%dma_wait3A_86 : memref<4x128xi32, #tpu.memory_space<vmem>>)
      %mul3A_89 = arith.constant 4 : i32
      %mul3A_90 = arith.muli %scan3A_64, %mul3A_89 : i32
      %add3A_91 = arith.addi %mul3A_2, %mul3A_90 : i32
      %add3A_92 = arith.constant 0 : i32
      %add3A_93 = arith.addi %add3A_91, %add3A_92 : i32
      %mul3A_94 = arith.constant 128 : i32
      %mul3A_95 = arith.muli %add3A_93, %mul3A_94 : i32
      %add3A_96 = arith.constant 0 : i32
      %add3A_97 = arith.addi %add3A_96, %mul3A_95 : i32
      %add3A_98 = arith.constant 0 : i32
      %add3A_99 = arith.addi %add3A_97, %add3A_98 : i32
      %add3A_100 = vector.broadcast %add3A_99 : i32 to vector<16xi32>
      %add3A_101 = arith.addi %iota3A, %add3A_100 : vector<16xi32>
      %rem3A_102 = arith.constant 26 : i32
      %rem3A_103 = vector.broadcast %rem3A_102 : i32 to vector<16xi32>
      %rem3A_104 = arith.remsi %add3A_101, %rem3A_103 : vector<16xi32>
      %sub3A = arith.constant 6 : i32
      %sub3A_105 = vector.broadcast %sub3A : i32 to vector<16xi32>
      %sub3A_106 = arith.subi %rem3A_104, %sub3A_105 : vector<16xi32>
      %shift_right_arithmetic3A = arith.constant 31 : i32
      %shift_right_arithmetic3A_107 = vector.broadcast %shift_right_arithmetic3A : i32 to vector<16xi32>
      %shift_right_arithmetic3A_108 = arith.shrsi %sub3A_106, %shift_right_arithmetic3A_107 : vector<16xi32>
      %add3A_109 = arith.constant 3 : i32
      %add3A_110 = vector.broadcast %add3A_109 : i32 to vector<16xi32>
      %add3A_111 = arith.addi %add3A_110, %shift_right_arithmetic3A_108 : vector<16xi32>
      %sub3A_112 = arith.constant 12 : i32
      %sub3A_113 = vector.broadcast %sub3A_112 : i32 to vector<16xi32>
      %sub3A_114 = arith.subi %rem3A_104, %sub3A_113 : vector<16xi32>
      %shift_right_arithmetic3A_115 = arith.constant 31 : i32
      %shift_right_arithmetic3A_116 = vector.broadcast %shift_right_arithmetic3A_115 : i32 to vector<16xi32>
      %shift_right_arithmetic3A_117 = arith.shrsi %sub3A_114, %shift_right_arithmetic3A_116 : vector<16xi32>
      %add3A_118 = arith.addi %add3A_111, %shift_right_arithmetic3A_117 : vector<16xi32>
      %sub3A_119 = arith.constant 18 : i32
      %sub3A_120 = vector.broadcast %sub3A_119 : i32 to vector<16xi32>
      %sub3A_121 = arith.subi %rem3A_104, %sub3A_120 : vector<16xi32>
      %shift_right_arithmetic3A_122 = arith.constant 31 : i32
      %shift_right_arithmetic3A_123 = vector.broadcast %shift_right_arithmetic3A_122 : i32 to vector<16xi32>
      %shift_right_arithmetic3A_124 = arith.shrsi %sub3A_121, %shift_right_arithmetic3A_123 : vector<16xi32>
      %add3A_125 = arith.addi %add3A_118, %shift_right_arithmetic3A_124 : vector<16xi32>
      %mul3A_126 = arith.constant 799994 : i32
      %mul3A_127 = vector.broadcast %mul3A_126 : i32 to vector<16xi32>
      %mul3A_128 = arith.muli %add3A_125, %mul3A_127 : vector<16xi32>
      %add3A_129 = arith.addi %mul3A_128, %rem3A_104 : vector<16xi32>
      %get3A = arith.constant 0 : i32
      %get3A_130 = arith.index_cast %rem3A_65 : i32 to index
      %get3A_131 = arith.index_cast %get3A : i32 to index
      %get3A_132 = arith.constant 0 : index
      %get3A_133 = tpu.vector_load %arg5[%get3A_130, %get3A_131, %get3A_132] {strides = array<i32>} : memref<2x4x128xi32, #tpu.memory_space<vmem>>, vector<1x1x16xi32>,
      %get3A_134 = vector.shape_cast %get3A_133 : vector<1x1x16xi32> to vector<16xi32>
      %mul3A_135 = arith.constant 8 : i32
      %mul3A_136 = vector.broadcast %mul3A_135 : i32 to vector<16xi32>
      %mul3A_137 = arith.muli %get3A_134, %mul3A_136 : vector<16xi32>
      %add3A_138 = arith.addi %mul3A_137, %add3A_129 : vector<16xi32>
      %swap3A = arith.constant 0 : i32
      %swap3A_139 = arith.index_cast %rem3A_65 : i32 to index
      %swap3A_140 = arith.index_cast %swap3A : i32 to index
      %swap3A_141 = arith.constant 0 : index
      %swap3A_142 = tpu.vector_load %arg5[%swap3A_139, %swap3A_140, %swap3A_141] {strides = array<i32>} : memref<2x4x128xi32, #tpu.memory_space<vmem>>, vector<1x1x16xi32>,
      %swap3A_143 = vector.shape_cast %swap3A_142 : vector<1x1x16xi32> to vector<16xi32>
      %swap3A_144 = vector.shape_cast %add3A_138 : vector<16xi32> to vector<1x1x16xi32>
      tpu.vector_store %arg5[%swap3A_139, %swap3A_140, %swap3A_141], %swap3A_144 {strides = array<i32>} : memref<2x4x128xi32, #tpu.memory_space<vmem>>, vector<1x1x16xi32>,
      %add3A_145 = arith.constant 16 : i32
      %add3A_146 = arith.addi %add3A_97, %add3A_145 : i32
      %add3A_147 = vector.broadcast %add3A_146 : i32 to vector<16xi32>
      %add3A_148 = arith.addi %iota3A, %add3A_147 : vector<16xi32>
      %rem3A_149 = arith.constant 26 : i32
      %rem3A_150 = vector.broadcast %rem3A_149 : i32 to vector<16xi32>
      %rem3A_151 = arith.remsi %add3A_148, %rem3A_150 : vector<16xi32>
      %sub3A_152 = arith.constant 6 : i32
      %sub3A_153 = vector.broadcast %sub3A_152 : i32 to vector<16xi32>
      %sub3A_154 = arith.subi %rem3A_151, %sub3A_153 : vector<16xi32>
      %shift_right_arithmetic3A_155 = arith.constant 31 : i32
      %shift_right_arithmetic3A_156 = vector.broadcast %shift_right_arithmetic3A_155 : i32 to vector<16xi32>
      %shift_right_arithmetic3A_157 = arith.shrsi %sub3A_154, %shift_right_arithmetic3A_156 : vector<16xi32>
      %add3A_158 = arith.constant 3 : i32
      %add3A_159 = vector.broadcast %add3A_158 : i32 to vector<16xi32>
      %add3A_160 = arith.addi %add3A_159, %shift_right_arithmetic3A_157 : vector<16xi32>
      %sub3A_161 = arith.constant 12 : i32
      %sub3A_162 = vector.broadcast %sub3A_161 : i32 to vector<16xi32>
      %sub3A_163 = arith.subi %rem3A_151, %sub3A_162 : vector<16xi32>
      %shift_right_arithmetic3A_164 = arith.constant 31 : i32
      %shift_right_arithmetic3A_165 = vector.broadcast %shift_right_arithmetic3A_164 : i32 to vector<16xi32>
      %shift_right_arithmetic3A_166 = arith.shrsi %sub3A_163, %shift_right_arithmetic3A_165 : vector<16xi32>
      %add3A_167 = arith.addi %add3A_160, %shift_right_arithmetic3A_166 : vector<16xi32>
      %sub3A_168 = arith.constant 18 : i32
      %sub3A_169 = vector.broadcast %sub3A_168 : i32 to vector<16xi32>
      %sub3A_170 = arith.subi %rem3A_151, %sub3A_169 : vector<16xi32>
      %shift_right_arithmetic3A_171 = arith.constant 31 : i32
      %shift_right_arithmetic3A_172 = vector.broadcast %shift_right_arithmetic3A_171 : i32 to vector<16xi32>
      %shift_right_arithmetic3A_173 = arith.shrsi %sub3A_170, %shift_right_arithmetic3A_172 : vector<16xi32>
      %add3A_174 = arith.addi %add3A_167, %shift_right_arithmetic3A_173 : vector<16xi32>
      %mul3A_175 = arith.constant 799994 : i32
      %mul3A_176 = vector.broadcast %mul3A_175 : i32 to vector<16xi32>
      %mul3A_177 = arith.muli %add3A_174, %mul3A_176 : vector<16xi32>
      %add3A_178 = arith.addi %mul3A_177, %rem3A_151 : vector<16xi32>
      %get3A_179 = arith.constant 0 : i32
      %get3A_180 = arith.index_cast %rem3A_65 : i32 to index
      %get3A_181 = arith.index_cast %get3A_179 : i32 to index
      %get3A_182 = arith.constant 16 : index
      %get3A_183 = tpu.vector_load %arg5[%get3A_180, %get3A_181, %get3A_182] {strides = array<i32>} : memref<2x4x128xi32, #tpu.memory_space<vmem>>, vector<1x1x16xi32>,
      %get3A_184 = vector.shape_cast %get3A_183 : vector<1x1x16xi32> to vector<16xi32>
      %mul3A_185 = arith.constant 8 : i32
      %mul3A_186 = vector.broadcast %mul3A_185 : i32 to vector<16xi32>
      %mul3A_187 = arith.muli %get3A_184, %mul3A_186 : vector<16xi32>
      %add3A_188 = arith.addi %mul3A_187, %add3A_178 : vector<16xi32>
      %swap3A_189 = arith.constant 0 : i32
      %swap3A_190 = arith.index_cast %rem3A_65 : i32 to index
      %swap3A_191 = arith.index_cast %swap3A_189 : i32 to index
      %swap3A_192 = arith.constant 16 : index
      %swap3A_193 = tpu.vector_load %arg5[%swap3A_190, %swap3A_191, %swap3A_192] {strides = array<i32>} : memref<2x4x128xi32, #tpu.memory_space<vmem>>, vector<1x1x16xi32>,
      %swap3A_194 = vector.shape_cast %swap3A_193 : vector<1x1x16xi32> to vector<16xi32>
      %swap3A_195 = vector.shape_cast %add3A_188 : vector<16xi32> to vector<1x1x16xi32>
      tpu.vector_store %arg5[%swap3A_190, %swap3A_191, %swap3A_192], %swap3A_195 {strides = array<i32>} : memref<2x4x128xi32, #tpu.memory_space<vmem>>, vector<1x1x16xi32>,
      %add3A_196 = arith.constant 32 : i32
      %add3A_197 = arith.addi %add3A_97, %add3A_196 : i32
      %add3A_198 = vector.broadcast %add3A_197 : i32 to vector<16xi32>
      %add3A_199 = arith.addi %iota3A, %add3A_198 : vector<16xi32>
      %rem3A_200 = arith.constant 26 : i32
      %rem3A_201 = vector.broadcast %rem3A_200 : i32 to vector<16xi32>
      %rem3A_202 = arith.remsi %add3A_199, %rem3A_201 : vector<16xi32>
      %sub3A_203 = arith.constant 6 : i32
      %sub3A_204 = vector.broadcast %sub3A_203 : i32 to vector<16xi32>
      %sub3A_205 = arith.subi %rem3A_202, %sub3A_204 : vector<16xi32>
      %shift_right_arithmetic3A_206 = arith.constant 31 : i32
      %shift_right_arithmetic3A_207 = vector.broadcast %shift_right_arithmetic3A_206 : i32 to vector<16xi32>
      %shift_right_arithmetic3A_208 = arith.shrsi %sub3A_205, %shift_right_arithmetic3A_207 : vector<16xi32>
      %add3A_209 = arith.constant 3 : i32
      %add3A_210 = vector.broadcast %add3A_209 : i32 to vector<16xi32>
      %add3A_211 = arith.addi %add3A_210, %shift_right_arithmetic3A_208 : vector<16xi32>
      %sub3A_212 = arith.constant 12 : i32
      %sub3A_213 = vector.broadcast %sub3A_212 : i32 to vector<16xi32>
      %sub3A_214 = arith.subi %rem3A_202, %sub3A_213 : vector<16xi32>
      %shift_right_arithmetic3A_215 = arith.constant 31 : i32
      %shift_right_arithmetic3A_216 = vector.broadcast %shift_right_arithmetic3A_215 : i32 to vector<16xi32>
      %shift_right_arithmetic3A_217 = arith.shrsi %sub3A_214, %shift_right_arithmetic3A_216 : vector<16xi32>
      %add3A_218 = arith.addi %add3A_211, %shift_right_arithmetic3A_217 : vector<16xi32>
      %sub3A_219 = arith.constant 18 : i32
      %sub3A_220 = vector.broadcast %sub3A_219 : i32 to vector<16xi32>
      %sub3A_221 = arith.subi %rem3A_202, %sub3A_220 : vector<16xi32>
      %shift_right_arithmetic3A_222 = arith.constant 31 : i32
      %shift_right_arithmetic3A_223 = vector.broadcast %shift_right_arithmetic3A_222 : i32 to vector<16xi32>
      %shift_right_arithmetic3A_224 = arith.shrsi %sub3A_221, %shift_right_arithmetic3A_223 : vector<16xi32>
      %add3A_225 = arith.addi %add3A_218, %shift_right_arithmetic3A_224 : vector<16xi32>
      %mul3A_226 = arith.constant 799994 : i32
      %mul3A_227 = vector.broadcast %mul3A_226 : i32 to vector<16xi32>
      %mul3A_228 = arith.muli %add3A_225, %mul3A_227 : vector<16xi32>
      %add3A_229 = arith.addi %mul3A_228, %rem3A_202 : vector<16xi32>
      %get3A_230 = arith.constant 0 : i32
      %get3A_231 = arith.index_cast %rem3A_65 : i32 to index
      %get3A_232 = arith.index_cast %get3A_230 : i32 to index
      %get3A_233 = arith.constant 32 : index
      %get3A_234 = tpu.vector_load %arg5[%get3A_231, %get3A_232, %get3A_233] {strides = array<i32>} : memref<2x4x128xi32, #tpu.memory_space<vmem>>, vector<1x1x16xi32>,
      %get3A_235 = vector.shape_cast %get3A_234 : vector<1x1x16xi32> to vector<16xi32>
      %mul3A_236 = arith.constant 8 : i32
      %mul3A_237 = vector.broadcast %mul3A_236 : i32 to vector<16xi32>
      %mul3A_238 = arith.muli %get3A_235, %mul3A_237 : vector<16xi32>
      %add3A_239 = arith.addi %mul3A_238, %add3A_229 : vector<16xi32>
      %swap3A_240 = arith.constant 0 : i32
      %swap3A_241 = arith.index_cast %rem3A_65 : i32 to index
      %swap3A_242 = arith.index_cast %swap3A_240 : i32 to index
      %swap3A_243 = arith.constant 32 : index
      %swap3A_244 = tpu.vector_load %arg5[%swap3A_241, %swap3A_242, %swap3A_243] {strides = array<i32>} : memref<2x4x128xi32, #tpu.memory_space<vmem>>, vector<1x1x16xi32>,
      %swap3A_245 = vector.shape_cast %swap3A_244 : vector<1x1x16xi32> to vector<16xi32>
      %swap3A_246 = vector.shape_cast %add3A_239 : vector<16xi32> to vector<1x1x16xi32>
      tpu.vector_store %arg5[%swap3A_241, %swap3A_242, %swap3A_243], %swap3A_246 {strides = array<i32>} : memref<2x4x128xi32, #tpu.memory_space<vmem>>, vector<1x1x16xi32>,
      %add3A_247 = arith.constant 48 : i32
      %add3A_248 = arith.addi %add3A_97, %add3A_247 : i32
      %add3A_249 = vector.broadcast %add3A_248 : i32 to vector<16xi32>
      %add3A_250 = arith.addi %iota3A, %add3A_249 : vector<16xi32>
      %rem3A_251 = arith.constant 26 : i32
      %rem3A_252 = vector.broadcast %rem3A_251 : i32 to vector<16xi32>
      %rem3A_253 = arith.remsi %add3A_250, %rem3A_252 : vector<16xi32>
      %sub3A_254 = arith.constant 6 : i32
      %sub3A_255 = vector.broadcast %sub3A_254 : i32 to vector<16xi32>
      %sub3A_256 = arith.subi %rem3A_253, %sub3A_255 : vector<16xi32>
      %shift_right_arithmetic3A_257 = arith.constant 31 : i32
      %shift_right_arithmetic3A_258 = vector.broadcast %shift_right_arithmetic3A_257 : i32 to vector<16xi32>
      %shift_right_arithmetic3A_259 = arith.shrsi %sub3A_256, %shift_right_arithmetic3A_258 : vector<16xi32>
      %add3A_260 = arith.constant 3 : i32
      %add3A_261 = vector.broadcast %add3A_260 : i32 to vector<16xi32>
      %add3A_262 = arith.addi %add3A_261, %shift_right_arithmetic3A_259 : vector<16xi32>
      %sub3A_263 = arith.constant 12 : i32
      %sub3A_264 = vector.broadcast %sub3A_263 : i32 to vector<16xi32>
      %sub3A_265 = arith.subi %rem3A_253, %sub3A_264 : vector<16xi32>
      %shift_right_arithmetic3A_266 = arith.constant 31 : i32
      %shift_right_arithmetic3A_267 = vector.broadcast %shift_right_arithmetic3A_266 : i32 to vector<16xi32>
      %shift_right_arithmetic3A_268 = arith.shrsi %sub3A_265, %shift_right_arithmetic3A_267 : vector<16xi32>
      %add3A_269 = arith.addi %add3A_262, %shift_right_arithmetic3A_268 : vector<16xi32>
      %sub3A_270 = arith.constant 18 : i32
      %sub3A_271 = vector.broadcast %sub3A_270 : i32 to vector<16xi32>
      %sub3A_272 = arith.subi %rem3A_253, %sub3A_271 : vector<16xi32>
      %shift_right_arithmetic3A_273 = arith.constant 31 : i32
      %shift_right_arithmetic3A_274 = vector.broadcast %shift_right_arithmetic3A_273 : i32 to vector<16xi32>
      %shift_right_arithmetic3A_275 = arith.shrsi %sub3A_272, %shift_right_arithmetic3A_274 : vector<16xi32>
      %add3A_276 = arith.addi %add3A_269, %shift_right_arithmetic3A_275 : vector<16xi32>
      %mul3A_277 = arith.constant 799994 : i32
      %mul3A_278 = vector.broadcast %mul3A_277 : i32 to vector<16xi32>
      %mul3A_279 = arith.muli %add3A_276, %mul3A_278 : vector<16xi32>
      %add3A_280 = arith.addi %mul3A_279, %rem3A_253 : vector<16xi32>
      %get3A_281 = arith.constant 0 : i32
      %get3A_282 = arith.index_cast %rem3A_65 : i32 to index
      %get3A_283 = arith.index_cast %get3A_281 : i32 to index
      %get3A_284 = arith.constant 48 : index
      %get3A_285 = tpu.vector_load %arg5[%get3A_282, %get3A_283, %get3A_284] {strides = array<i32>} : memref<2x4x128xi32, #tpu.memory_space<vmem>>, vector<1x1x16xi32>,
      %get3A_286 = vector.shape_cast %get3A_285 : vector<1x1x16xi32> to vector<16xi32>
      %mul3A_287 = arith.constant 8 : i32
      %mul3A_288 = vector.broadcast %mul3A_287 : i32 to vector<16xi32>
      %mul3A_289 = arith.muli %get3A_286, %mul3A_288 : vector<16xi32>
      %add3A_290 = arith.addi %mul3A_289, %add3A_280 : vector<16xi32>
      %swap3A_291 = arith.constant 0 : i32
      %swap3A_292 = arith.index_cast %rem3A_65 : i32 to index
      %swap3A_293 = arith.index_cast %swap3A_291 : i32 to index
      %swap3A_294 = arith.constant 48 : index
      %swap3A_295 = tpu.vector_load %arg5[%swap3A_292, %swap3A_293, %swap3A_294] {strides = array<i32>} : memref<2x4x128xi32, #tpu.memory_space<vmem>>, vector<1x1x16xi32>,
      %swap3A_296 = vector.shape_cast %swap3A_295 : vector<1x1x16xi32> to vector<16xi32>
      %swap3A_297 = vector.shape_cast %add3A_290 : vector<16xi32> to vector<1x1x16xi32>
      tpu.vector_store %arg5[%swap3A_292, %swap3A_293, %swap3A_294], %swap3A_297 {strides = array<i32>} : memref<2x4x128xi32, #tpu.memory_space<vmem>>, vector<1x1x16xi32>,
      %add3A_298 = arith.constant 64 : i32
      %add3A_299 = arith.addi %add3A_97, %add3A_298 : i32
      %add3A_300 = vector.broadcast %add3A_299 : i32 to vector<16xi32>
      %add3A_301 = arith.addi %iota3A, %add3A_300 : vector<16xi32>
      %rem3A_302 = arith.constant 26 : i32
      %rem3A_303 = vector.broadcast %rem3A_302 : i32 to vector<16xi32>
      %rem3A_304 = arith.remsi %add3A_301, %rem3A_303 : vector<16xi32>
      %sub3A_305 = arith.constant 6 : i32
      %sub3A_306 = vector.broadcast %sub3A_305 : i32 to vector<16xi32>
      %sub3A_307 = arith.subi %rem3A_304, %sub3A_306 : vector<16xi32>
      %shift_right_arithmetic3A_308 = arith.constant 31 : i32
      %shift_right_arithmetic3A_309 = vector.broadcast %shift_right_arithmetic3A_308 : i32 to vector<16xi32>
      %shift_right_arithmetic3A_310 = arith.shrsi %sub3A_307, %shift_right_arithmetic3A_309 : vector<16xi32>
      %add3A_311 = arith.constant 3 : i32
      %add3A_312 = vector.broadcast %add3A_311 : i32 to vector<16xi32>
      %add3A_313 = arith.addi %add3A_312, %shift_right_arithmetic3A_310 : vector<16xi32>
      %sub3A_314 = arith.constant 12 : i32
      %sub3A_315 = vector.broadcast %sub3A_314 : i32 to vector<16xi32>
      %sub3A_316 = arith.subi %rem3A_304, %sub3A_315 : vector<16xi32>
      %shift_right_arithmetic3A_317 = arith.constant 31 : i32
      %shift_right_arithmetic3A_318 = vector.broadcast %shift_right_arithmetic3A_317 : i32 to vector<16xi32>
      %shift_right_arithmetic3A_319 = arith.shrsi %sub3A_316, %shift_right_arithmetic3A_318 : vector<16xi32>
      %add3A_320 = arith.addi %add3A_313, %shift_right_arithmetic3A_319 : vector<16xi32>
      %sub3A_321 = arith.constant 18 : i32
      %sub3A_322 = vector.broadcast %sub3A_321 : i32 to vector<16xi32>
      %sub3A_323 = arith.subi %rem3A_304, %sub3A_322 : vector<16xi32>
      %shift_right_arithmetic3A_324 = arith.constant 31 : i32
      %shift_right_arithmetic3A_325 = vector.broadcast %shift_right_arithmetic3A_324 : i32 to vector<16xi32>
      %shift_right_arithmetic3A_326 = arith.shrsi %sub3A_323, %shift_right_arithmetic3A_325 : vector<16xi32>
      %add3A_327 = arith.addi %add3A_320, %shift_right_arithmetic3A_326 : vector<16xi32>
      %mul3A_328 = arith.constant 799994 : i32
      %mul3A_329 = vector.broadcast %mul3A_328 : i32 to vector<16xi32>
      %mul3A_330 = arith.muli %add3A_327, %mul3A_329 : vector<16xi32>
      %add3A_331 = arith.addi %mul3A_330, %rem3A_304 : vector<16xi32>
      %get3A_332 = arith.constant 0 : i32
      %get3A_333 = arith.index_cast %rem3A_65 : i32 to index
      %get3A_334 = arith.index_cast %get3A_332 : i32 to index
      %get3A_335 = arith.constant 64 : index
      %get3A_336 = tpu.vector_load %arg5[%get3A_333, %get3A_334, %get3A_335] {strides = array<i32>} : memref<2x4x128xi32, #tpu.memory_space<vmem>>, vector<1x1x16xi32>,
      %get3A_337 = vector.shape_cast %get3A_336 : vector<1x1x16xi32> to vector<16xi32>
      %mul3A_338 = arith.constant 8 : i32
      %mul3A_339 = vector.broadcast %mul3A_338 : i32 to vector<16xi32>
      %mul3A_340 = arith.muli %get3A_337, %mul3A_339 : vector<16xi32>
      %add3A_341 = arith.addi %mul3A_340, %add3A_331 : vector<16xi32>
      %swap3A_342 = arith.constant 0 : i32
      %swap3A_343 = arith.index_cast %rem3A_65 : i32 to index
      %swap3A_344 = arith.index_cast %swap3A_342 : i32 to index
      %swap3A_345 = arith.constant 64 : index
      %swap3A_346 = tpu.vector_load %arg5[%swap3A_343, %swap3A_344, %swap3A_345] {strides = array<i32>} : memref<2x4x128xi32, #tpu.memory_space<vmem>>, vector<1x1x16xi32>,
      %swap3A_347 = vector.shape_cast %swap3A_346 : vector<1x1x16xi32> to vector<16xi32>
      %swap3A_348 = vector.shape_cast %add3A_341 : vector<16xi32> to vector<1x1x16xi32>
      tpu.vector_store %arg5[%swap3A_343, %swap3A_344, %swap3A_345], %swap3A_348 {strides = array<i32>} : memref<2x4x128xi32, #tpu.memory_space<vmem>>, vector<1x1x16xi32>,
      %add3A_349 = arith.constant 80 : i32
      %add3A_350 = arith.addi %add3A_97, %add3A_349 : i32
      %add3A_351 = vector.broadcast %add3A_350 : i32 to vector<16xi32>
      %add3A_352 = arith.addi %iota3A, %add3A_351 : vector<16xi32>
      %rem3A_353 = arith.constant 26 : i32
      %rem3A_354 = vector.broadcast %rem3A_353 : i32 to vector<16xi32>
      %rem3A_355 = arith.remsi %add3A_352, %rem3A_354 : vector<16xi32>
      %sub3A_356 = arith.constant 6 : i32
      %sub3A_357 = vector.broadcast %sub3A_356 : i32 to vector<16xi32>
      %sub3A_358 = arith.subi %rem3A_355, %sub3A_357 : vector<16xi32>
      %shift_right_arithmetic3A_359 = arith.constant 31 : i32
      %shift_right_arithmetic3A_360 = vector.broadcast %shift_right_arithmetic3A_359 : i32 to vector<16xi32>
      %shift_right_arithmetic3A_361 = arith.shrsi %sub3A_358, %shift_right_arithmetic3A_360 : vector<16xi32>
      %add3A_362 = arith.constant 3 : i32
      %add3A_363 = vector.broadcast %add3A_362 : i32 to vector<16xi32>
      %add3A_364 = arith.addi %add3A_363, %shift_right_arithmetic3A_361 : vector<16xi32>
      %sub3A_365 = arith.constant 12 : i32
      %sub3A_366 = vector.broadcast %sub3A_365 : i32 to vector<16xi32>
      %sub3A_367 = arith.subi %rem3A_355, %sub3A_366 : vector<16xi32>
      %shift_right_arithmetic3A_368 = arith.constant 31 : i32
      %shift_right_arithmetic3A_369 = vector.broadcast %shift_right_arithmetic3A_368 : i32 to vector<16xi32>
      %shift_right_arithmetic3A_370 = arith.shrsi %sub3A_367, %shift_right_arithmetic3A_369 : vector<16xi32>
      %add3A_371 = arith.addi %add3A_364, %shift_right_arithmetic3A_370 : vector<16xi32>
      %sub3A_372 = arith.constant 18 : i32
      %sub3A_373 = vector.broadcast %sub3A_372 : i32 to vector<16xi32>
      %sub3A_374 = arith.subi %rem3A_355, %sub3A_373 : vector<16xi32>
      %shift_right_arithmetic3A_375 = arith.constant 31 : i32
      %shift_right_arithmetic3A_376 = vector.broadcast %shift_right_arithmetic3A_375 : i32 to vector<16xi32>
      %shift_right_arithmetic3A_377 = arith.shrsi %sub3A_374, %shift_right_arithmetic3A_376 : vector<16xi32>
      %add3A_378 = arith.addi %add3A_371, %shift_right_arithmetic3A_377 : vector<16xi32>
      %mul3A_379 = arith.constant 799994 : i32
      %mul3A_380 = vector.broadcast %mul3A_379 : i32 to vector<16xi32>
      %mul3A_381 = arith.muli %add3A_378, %mul3A_380 : vector<16xi32>
      %add3A_382 = arith.addi %mul3A_381, %rem3A_355 : vector<16xi32>
      %get3A_383 = arith.constant 0 : i32
      %get3A_384 = arith.index_cast %rem3A_65 : i32 to index
      %get3A_385 = arith.index_cast %get3A_383 : i32 to index
      %get3A_386 = arith.constant 80 : index
      %get3A_387 = tpu.vector_load %arg5[%get3A_384, %get3A_385, %get3A_386] {strides = array<i32>} : memref<2x4x128xi32, #tpu.memory_space<vmem>>, vector<1x1x16xi32>,
      %get3A_388 = vector.shape_cast %get3A_387 : vector<1x1x16xi32> to vector<16xi32>
      %mul3A_389 = arith.constant 8 : i32
      %mul3A_390 = vector.broadcast %mul3A_389 : i32 to vector<16xi32>
      %mul3A_391 = arith.muli %get3A_388, %mul3A_390 : vector<16xi32>
      %add3A_392 = arith.addi %mul3A_391, %add3A_382 : vector<16xi32>
      %swap3A_393 = arith.constant 0 : i32
      %swap3A_394 = arith.index_cast %rem3A_65 : i32 to index
      %swap3A_395 = arith.index_cast %swap3A_393 : i32 to index
      %swap3A_396 = arith.constant 80 : index
      %swap3A_397 = tpu.vector_load %arg5[%swap3A_394, %swap3A_395, %swap3A_396] {strides = array<i32>} : memref<2x4x128xi32, #tpu.memory_space<vmem>>, vector<1x1x16xi32>,
      %swap3A_398 = vector.shape_cast %swap3A_397 : vector<1x1x16xi32> to vector<16xi32>
      %swap3A_399 = vector.shape_cast %add3A_392 : vector<16xi32> to vector<1x1x16xi32>
      tpu.vector_store %arg5[%swap3A_394, %swap3A_395, %swap3A_396], %swap3A_399 {strides = array<i32>} : memref<2x4x128xi32, #tpu.memory_space<vmem>>, vector<1x1x16xi32>,
      %add3A_400 = arith.constant 96 : i32
      %add3A_401 = arith.addi %add3A_97, %add3A_400 : i32
      %add3A_402 = vector.broadcast %add3A_401 : i32 to vector<16xi32>
      %add3A_403 = arith.addi %iota3A, %add3A_402 : vector<16xi32>
      %rem3A_404 = arith.constant 26 : i32
      %rem3A_405 = vector.broadcast %rem3A_404 : i32 to vector<16xi32>
      %rem3A_406 = arith.remsi %add3A_403, %rem3A_405 : vector<16xi32>
      %sub3A_407 = arith.constant 6 : i32
      %sub3A_408 = vector.broadcast %sub3A_407 : i32 to vector<16xi32>
      %sub3A_409 = arith.subi %rem3A_406, %sub3A_408 : vector<16xi32>
      %shift_right_arithmetic3A_410 = arith.constant 31 : i32
      %shift_right_arithmetic3A_411 = vector.broadcast %shift_right_arithmetic3A_410 : i32 to vector<16xi32>
      %shift_right_arithmetic3A_412 = arith.shrsi %sub3A_409, %shift_right_arithmetic3A_411 : vector<16xi32>
      %add3A_413 = arith.constant 3 : i32
      %add3A_414 = vector.broadcast %add3A_413 : i32 to vector<16xi32>
      %add3A_415 = arith.addi %add3A_414, %shift_right_arithmetic3A_412 : vector<16xi32>
      %sub3A_416 = arith.constant 12 : i32
      %sub3A_417 = vector.broadcast %sub3A_416 : i32 to vector<16xi32>
      %sub3A_418 = arith.subi %rem3A_406, %sub3A_417 : vector<16xi32>
      %shift_right_arithmetic3A_419 = arith.constant 31 : i32
      %shift_right_arithmetic3A_420 = vector.broadcast %shift_right_arithmetic3A_419 : i32 to vector<16xi32>
      %shift_right_arithmetic3A_421 = arith.shrsi %sub3A_418, %shift_right_arithmetic3A_420 : vector<16xi32>
      %add3A_422 = arith.addi %add3A_415, %shift_right_arithmetic3A_421 : vector<16xi32>
      %sub3A_423 = arith.constant 18 : i32
      %sub3A_424 = vector.broadcast %sub3A_423 : i32 to vector<16xi32>
      %sub3A_425 = arith.subi %rem3A_406, %sub3A_424 : vector<16xi32>
      %shift_right_arithmetic3A_426 = arith.constant 31 : i32
      %shift_right_arithmetic3A_427 = vector.broadcast %shift_right_arithmetic3A_426 : i32 to vector<16xi32>
      %shift_right_arithmetic3A_428 = arith.shrsi %sub3A_425, %shift_right_arithmetic3A_427 : vector<16xi32>
      %add3A_429 = arith.addi %add3A_422, %shift_right_arithmetic3A_428 : vector<16xi32>
      %mul3A_430 = arith.constant 799994 : i32
      %mul3A_431 = vector.broadcast %mul3A_430 : i32 to vector<16xi32>
      %mul3A_432 = arith.muli %add3A_429, %mul3A_431 : vector<16xi32>
      %add3A_433 = arith.addi %mul3A_432, %rem3A_406 : vector<16xi32>
      %get3A_434 = arith.constant 0 : i32
      %get3A_435 = arith.index_cast %rem3A_65 : i32 to index
      %get3A_436 = arith.index_cast %get3A_434 : i32 to index
      %get3A_437 = arith.constant 96 : index
      %get3A_438 = tpu.vector_load %arg5[%get3A_435, %get3A_436, %get3A_437] {strides = array<i32>} : memref<2x4x128xi32, #tpu.memory_space<vmem>>, vector<1x1x16xi32>,
      %get3A_439 = vector.shape_cast %get3A_438 : vector<1x1x16xi32> to vector<16xi32>
      %mul3A_440 = arith.constant 8 : i32
      %mul3A_441 = vector.broadcast %mul3A_440 : i32 to vector<16xi32>
      %mul3A_442 = arith.muli %get3A_439, %mul3A_441 : vector<16xi32>
      %add3A_443 = arith.addi %mul3A_442, %add3A_433 : vector<16xi32>
      %swap3A_444 = arith.constant 0 : i32
      %swap3A_445 = arith.index_cast %rem3A_65 : i32 to index
      %swap3A_446 = arith.index_cast %swap3A_444 : i32 to index
      %swap3A_447 = arith.constant 96 : index
      %swap3A_448 = tpu.vector_load %arg5[%swap3A_445, %swap3A_446, %swap3A_447] {strides = array<i32>} : memref<2x4x128xi32, #tpu.memory_space<vmem>>, vector<1x1x16xi32>,
      %swap3A_449 = vector.shape_cast %swap3A_448 : vector<1x1x16xi32> to vector<16xi32>
      %swap3A_450 = vector.shape_cast %add3A_443 : vector<16xi32> to vector<1x1x16xi32>
      tpu.vector_store %arg5[%swap3A_445, %swap3A_446, %swap3A_447], %swap3A_450 {strides = array<i32>} : memref<2x4x128xi32, #tpu.memory_space<vmem>>, vector<1x1x16xi32>,
      %add3A_451 = arith.constant 112 : i32
      %add3A_452 = arith.addi %add3A_97, %add3A_451 : i32
      %add3A_453 = vector.broadcast %add3A_452 : i32 to vector<16xi32>
      %add3A_454 = arith.addi %iota3A, %add3A_453 : vector<16xi32>
      %rem3A_455 = arith.constant 26 : i32
      %rem3A_456 = vector.broadcast %rem3A_455 : i32 to vector<16xi32>
      %rem3A_457 = arith.remsi %add3A_454, %rem3A_456 : vector<16xi32>
      %sub3A_458 = arith.constant 6 : i32
      %sub3A_459 = vector.broadcast %sub3A_458 : i32 to vector<16xi32>
      %sub3A_460 = arith.subi %rem3A_457, %sub3A_459 : vector<16xi32>
      %shift_right_arithmetic3A_461 = arith.constant 31 : i32
      %shift_right_arithmetic3A_462 = vector.broadcast %shift_right_arithmetic3A_461 : i32 to vector<16xi32>
      %shift_right_arithmetic3A_463 = arith.shrsi %sub3A_460, %shift_right_arithmetic3A_462 : vector<16xi32>
      %add3A_464 = arith.constant 3 : i32
      %add3A_465 = vector.broadcast %add3A_464 : i32 to vector<16xi32>
      %add3A_466 = arith.addi %add3A_465, %shift_right_arithmetic3A_463 : vector<16xi32>
      %sub3A_467 = arith.constant 12 : i32
      %sub3A_468 = vector.broadcast %sub3A_467 : i32 to vector<16xi32>
      %sub3A_469 = arith.subi %rem3A_457, %sub3A_468 : vector<16xi32>
      %shift_right_arithmetic3A_470 = arith.constant 31 : i32
      %shift_right_arithmetic3A_471 = vector.broadcast %shift_right_arithmetic3A_470 : i32 to vector<16xi32>
      %shift_right_arithmetic3A_472 = arith.shrsi %sub3A_469, %shift_right_arithmetic3A_471 : vector<16xi32>
      %add3A_473 = arith.addi %add3A_466, %shift_right_arithmetic3A_472 : vector<16xi32>
      %sub3A_474 = arith.constant 18 : i32
      %sub3A_475 = vector.broadcast %sub3A_474 : i32 to vector<16xi32>
      %sub3A_476 = arith.subi %rem3A_457, %sub3A_475 : vector<16xi32>
      %shift_right_arithmetic3A_477 = arith.constant 31 : i32
      %shift_right_arithmetic3A_478 = vector.broadcast %shift_right_arithmetic3A_477 : i32 to vector<16xi32>
      %shift_right_arithmetic3A_479 = arith.shrsi %sub3A_476, %shift_right_arithmetic3A_478 : vector<16xi32>
      %add3A_480 = arith.addi %add3A_473, %shift_right_arithmetic3A_479 : vector<16xi32>
      %mul3A_481 = arith.constant 799994 : i32
      %mul3A_482 = vector.broadcast %mul3A_481 : i32 to vector<16xi32>
      %mul3A_483 = arith.muli %add3A_480, %mul3A_482 : vector<16xi32>
      %add3A_484 = arith.addi %mul3A_483, %rem3A_457 : vector<16xi32>
      %get3A_485 = arith.constant 0 : i32
      %get3A_486 = arith.index_cast %rem3A_65 : i32 to index
      %get3A_487 = arith.index_cast %get3A_485 : i32 to index
      %get3A_488 = arith.constant 112 : index
      %get3A_489 = tpu.vector_load %arg5[%get3A_486, %get3A_487, %get3A_488] {strides = array<i32>} : memref<2x4x128xi32, #tpu.memory_space<vmem>>, vector<1x1x16xi32>,
      %get3A_490 = vector.shape_cast %get3A_489 : vector<1x1x16xi32> to vector<16xi32>
      %mul3A_491 = arith.constant 8 : i32
      %mul3A_492 = vector.broadcast %mul3A_491 : i32 to vector<16xi32>
      %mul3A_493 = arith.muli %get3A_490, %mul3A_492 : vector<16xi32>
      %add3A_494 = arith.addi %mul3A_493, %add3A_484 : vector<16xi32>
      %swap3A_495 = arith.constant 0 : i32
      %swap3A_496 = arith.index_cast %rem3A_65 : i32 to index
      %swap3A_497 = arith.index_cast %swap3A_495 : i32 to index
      %swap3A_498 = arith.constant 112 : index
      %swap3A_499 = tpu.vector_load %arg5[%swap3A_496, %swap3A_497, %swap3A_498] {strides = array<i32>} : memref<2x4x128xi32, #tpu.memory_space<vmem>>, vector<1x1x16xi32>,
      %swap3A_500 = vector.shape_cast %swap3A_499 : vector<1x1x16xi32> to vector<16xi32>
      %swap3A_501 = vector.shape_cast %add3A_494 : vector<16xi32> to vector<1x1x16xi32>
      tpu.vector_store %arg5[%swap3A_496, %swap3A_497, %swap3A_498], %swap3A_501 {strides = array<i32>} : memref<2x4x128xi32, #tpu.memory_space<vmem>>, vector<1x1x16xi32>,
      %add3A_502 = arith.constant 1 : i32
      %add3A_503 = arith.addi %add3A_91, %add3A_502 : i32
      %mul3A_504 = arith.constant 128 : i32
      %mul3A_505 = arith.muli %add3A_503, %mul3A_504 : i32
      %add3A_506 = arith.constant 0 : i32
      %add3A_507 = arith.addi %add3A_506, %mul3A_505 : i32
      %add3A_508 = arith.constant 0 : i32
      %add3A_509 = arith.addi %add3A_507, %add3A_508 : i32
      %add3A_510 = vector.broadcast %add3A_509 : i32 to vector<16xi32>
      %add3A_511 = arith.addi %iota3A, %add3A_510 : vector<16xi32>
      %rem3A_512 = arith.constant 26 : i32
      %rem3A_513 = vector.broadcast %rem3A_512 : i32 to vector<16xi32>
      %rem3A_514 = arith.remsi %add3A_511, %rem3A_513 : vector<16xi32>
      %sub3A_515 = arith.constant 6 : i32
      %sub3A_516 = vector.broadcast %sub3A_515 : i32 to vector<16xi32>
      %sub3A_517 = arith.subi %rem3A_514, %sub3A_516 : vector<16xi32>
      %shift_right_arithmetic3A_518 = arith.constant 31 : i32
      %shift_right_arithmetic3A_519 = vector.broadcast %shift_right_arithmetic3A_518 : i32 to vector<16xi32>
      %shift_right_arithmetic3A_520 = arith.shrsi %sub3A_517, %shift_right_arithmetic3A_519 : vector<16xi32>
      %add3A_521 = arith.constant 3 : i32
      %add3A_522 = vector.broadcast %add3A_521 : i32 to vector<16xi32>
      %add3A_523 = arith.addi %add3A_522, %shift_right_arithmetic3A_520 : vector<16xi32>
      %sub3A_524 = arith.constant 12 : i32
      %sub3A_525 = vector.broadcast %sub3A_524 : i32 to vector<16xi32>
      %sub3A_526 = arith.subi %rem3A_514, %sub3A_525 : vector<16xi32>
      %shift_right_arithmetic3A_527 = arith.constant 31 : i32
      %shift_right_arithmetic3A_528 = vector.broadcast %shift_right_arithmetic3A_527 : i32 to vector<16xi32>
      %shift_right_arithmetic3A_529 = arith.shrsi %sub3A_526, %shift_right_arithmetic3A_528 : vector<16xi32>
      %add3A_530 = arith.addi %add3A_523, %shift_right_arithmetic3A_529 : vector<16xi32>
      %sub3A_531 = arith.constant 18 : i32
      %sub3A_532 = vector.broadcast %sub3A_531 : i32 to vector<16xi32>
      %sub3A_533 = arith.subi %rem3A_514, %sub3A_532 : vector<16xi32>
      %shift_right_arithmetic3A_534 = arith.constant 31 : i32
      %shift_right_arithmetic3A_535 = vector.broadcast %shift_right_arithmetic3A_534 : i32 to vector<16xi32>
      %shift_right_arithmetic3A_536 = arith.shrsi %sub3A_533, %shift_right_arithmetic3A_535 : vector<16xi32>
      %add3A_537 = arith.addi %add3A_530, %shift_right_arithmetic3A_536 : vector<16xi32>
      %mul3A_538 = arith.constant 799994 : i32
      %mul3A_539 = vector.broadcast %mul3A_538 : i32 to vector<16xi32>
      %mul3A_540 = arith.muli %add3A_537, %mul3A_539 : vector<16xi32>
      %add3A_541 = arith.addi %mul3A_540, %rem3A_514 : vector<16xi32>
      %get3A_542 = arith.constant 1 : i32
      %get3A_543 = arith.index_cast %rem3A_65 : i32 to index
      %get3A_544 = arith.index_cast %get3A_542 : i32 to index
      %get3A_545 = arith.constant 0 : index
      %get3A_546 = tpu.vector_load %arg5[%get3A_543, %get3A_544, %get3A_545] {strides = array<i32>} : memref<2x4x128xi32, #tpu.memory_space<vmem>>, vector<1x1x16xi32>,
      %get3A_547 = vector.shape_cast %get3A_546 : vector<1x1x16xi32> to vector<16xi32>
      %mul3A_548 = arith.constant 8 : i32
      %mul3A_549 = vector.broadcast %mul3A_548 : i32 to vector<16xi32>
      %mul3A_550 = arith.muli %get3A_547, %mul3A_549 : vector<16xi32>
      %add3A_551 = arith.addi %mul3A_550, %add3A_541 : vector<16xi32>
      %swap3A_552 = arith.constant 1 : i32
      %swap3A_553 = arith.index_cast %rem3A_65 : i32 to index
      %swap3A_554 = arith.index_cast %swap3A_552 : i32 to index
      %swap3A_555 = arith.constant 0 : index
      %swap3A_556 = tpu.vector_load %arg5[%swap3A_553, %swap3A_554, %swap3A_555] {strides = array<i32>} : memref<2x4x128xi32, #tpu.memory_space<vmem>>, vector<1x1x16xi32>,
      %swap3A_557 = vector.shape_cast %swap3A_556 : vector<1x1x16xi32> to vector<16xi32>
      %swap3A_558 = vector.shape_cast %add3A_551 : vector<16xi32> to vector<1x1x16xi32>
      tpu.vector_store %arg5[%swap3A_553, %swap3A_554, %swap3A_555], %swap3A_558 {strides = array<i32>} : memref<2x4x128xi32, #tpu.memory_space<vmem>>, vector<1x1x16xi32>,
      %add3A_559 = arith.constant 16 : i32
      %add3A_560 = arith.addi %add3A_507, %add3A_559 : i32
      %add3A_561 = vector.broadcast %add3A_560 : i32 to vector<16xi32>
      %add3A_562 = arith.addi %iota3A, %add3A_561 : vector<16xi32>
      %rem3A_563 = arith.constant 26 : i32
      %rem3A_564 = vector.broadcast %rem3A_563 : i32 to vector<16xi32>
      %rem3A_565 = arith.remsi %add3A_562, %rem3A_564 : vector<16xi32>
      %sub3A_566 = arith.constant 6 : i32
      %sub3A_567 = vector.broadcast %sub3A_566 : i32 to vector<16xi32>
      %sub3A_568 = arith.subi %rem3A_565, %sub3A_567 : vector<16xi32>
      %shift_right_arithmetic3A_569 = arith.constant 31 : i32
      %shift_right_arithmetic3A_570 = vector.broadcast %shift_right_arithmetic3A_569 : i32 to vector<16xi32>
      %shift_right_arithmetic3A_571 = arith.shrsi %sub3A_568, %shift_right_arithmetic3A_570 : vector<16xi32>
      %add3A_572 = arith.constant 3 : i32
      %add3A_573 = vector.broadcast %add3A_572 : i32 to vector<16xi32>
      %add3A_574 = arith.addi %add3A_573, %shift_right_arithmetic3A_571 : vector<16xi32>
      %sub3A_575 = arith.constant 12 : i32
      %sub3A_576 = vector.broadcast %sub3A_575 : i32 to vector<16xi32>
      %sub3A_577 = arith.subi %rem3A_565, %sub3A_576 : vector<16xi32>
      %shift_right_arithmetic3A_578 = arith.constant 31 : i32
      %shift_right_arithmetic3A_579 = vector.broadcast %shift_right_arithmetic3A_578 : i32 to vector<16xi32>
      %shift_right_arithmetic3A_580 = arith.shrsi %sub3A_577, %shift_right_arithmetic3A_579 : vector<16xi32>
      %add3A_581 = arith.addi %add3A_574, %shift_right_arithmetic3A_580 : vector<16xi32>
      %sub3A_582 = arith.constant 18 : i32
      %sub3A_583 = vector.broadcast %sub3A_582 : i32 to vector<16xi32>
      %sub3A_584 = arith.subi %rem3A_565, %sub3A_583 : vector<16xi32>
      %shift_right_arithmetic3A_585 = arith.constant 31 : i32
      %shift_right_arithmetic3A_586 = vector.broadcast %shift_right_arithmetic3A_585 : i32 to vector<16xi32>
      %shift_right_arithmetic3A_587 = arith.shrsi %sub3A_584, %shift_right_arithmetic3A_586 : vector<16xi32>
      %add3A_588 = arith.addi %add3A_581, %shift_right_arithmetic3A_587 : vector<16xi32>
      %mul3A_589 = arith.constant 799994 : i32
      %mul3A_590 = vector.broadcast %mul3A_589 : i32 to vector<16xi32>
      %mul3A_591 = arith.muli %add3A_588, %mul3A_590 : vector<16xi32>
      %add3A_592 = arith.addi %mul3A_591, %rem3A_565 : vector<16xi32>
      %get3A_593 = arith.constant 1 : i32
      %get3A_594 = arith.index_cast %rem3A_65 : i32 to index
      %get3A_595 = arith.index_cast %get3A_593 : i32 to index
      %get3A_596 = arith.constant 16 : index
      %get3A_597 = tpu.vector_load %arg5[%get3A_594, %get3A_595, %get3A_596] {strides = array<i32>} : memref<2x4x128xi32, #tpu.memory_space<vmem>>, vector<1x1x16xi32>,
      %get3A_598 = vector.shape_cast %get3A_597 : vector<1x1x16xi32> to vector<16xi32>
      %mul3A_599 = arith.constant 8 : i32
      %mul3A_600 = vector.broadcast %mul3A_599 : i32 to vector<16xi32>
      %mul3A_601 = arith.muli %get3A_598, %mul3A_600 : vector<16xi32>
      %add3A_602 = arith.addi %mul3A_601, %add3A_592 : vector<16xi32>
      %swap3A_603 = arith.constant 1 : i32
      %swap3A_604 = arith.index_cast %rem3A_65 : i32 to index
      %swap3A_605 = arith.index_cast %swap3A_603 : i32 to index
      %swap3A_606 = arith.constant 16 : index
      %swap3A_607 = tpu.vector_load %arg5[%swap3A_604, %swap3A_605, %swap3A_606] {strides = array<i32>} : memref<2x4x128xi32, #tpu.memory_space<vmem>>, vector<1x1x16xi32>,
      %swap3A_608 = vector.shape_cast %swap3A_607 : vector<1x1x16xi32> to vector<16xi32>
      %swap3A_609 = vector.shape_cast %add3A_602 : vector<16xi32> to vector<1x1x16xi32>
      tpu.vector_store %arg5[%swap3A_604, %swap3A_605, %swap3A_606], %swap3A_609 {strides = array<i32>} : memref<2x4x128xi32, #tpu.memory_space<vmem>>, vector<1x1x16xi32>,
      %add3A_610 = arith.constant 32 : i32
      %add3A_611 = arith.addi %add3A_507, %add3A_610 : i32
      %add3A_612 = vector.broadcast %add3A_611 : i32 to vector<16xi32>
      %add3A_613 = arith.addi %iota3A, %add3A_612 : vector<16xi32>
      %rem3A_614 = arith.constant 26 : i32
      %rem3A_615 = vector.broadcast %rem3A_614 : i32 to vector<16xi32>
      %rem3A_616 = arith.remsi %add3A_613, %rem3A_615 : vector<16xi32>
      %sub3A_617 = arith.constant 6 : i32
      %sub3A_618 = vector.broadcast %sub3A_617 : i32 to vector<16xi32>
      %sub3A_619 = arith.subi %rem3A_616, %sub3A_618 : vector<16xi32>
      %shift_right_arithmetic3A_620 = arith.constant 31 : i32
      %shift_right_arithmetic3A_621 = vector.broadcast %shift_right_arithmetic3A_620 : i32 to vector<16xi32>
      %shift_right_arithmetic3A_622 = arith.shrsi %sub3A_619, %shift_right_arithmetic3A_621 : vector<16xi32>
      %add3A_623 = arith.constant 3 : i32
      %add3A_624 = vector.broadcast %add3A_623 : i32 to vector<16xi32>
      %add3A_625 = arith.addi %add3A_624, %shift_right_arithmetic3A_622 : vector<16xi32>
      %sub3A_626 = arith.constant 12 : i32
      %sub3A_627 = vector.broadcast %sub3A_626 : i32 to vector<16xi32>
      %sub3A_628 = arith.subi %rem3A_616, %sub3A_627 : vector<16xi32>
      %shift_right_arithmetic3A_629 = arith.constant 31 : i32
      %shift_right_arithmetic3A_630 = vector.broadcast %shift_right_arithmetic3A_629 : i32 to vector<16xi32>
      %shift_right_arithmetic3A_631 = arith.shrsi %sub3A_628, %shift_right_arithmetic3A_630 : vector<16xi32>
      %add3A_632 = arith.addi %add3A_625, %shift_right_arithmetic3A_631 : vector<16xi32>
      %sub3A_633 = arith.constant 18 : i32
      %sub3A_634 = vector.broadcast %sub3A_633 : i32 to vector<16xi32>
      %sub3A_635 = arith.subi %rem3A_616, %sub3A_634 : vector<16xi32>
      %shift_right_arithmetic3A_636 = arith.constant 31 : i32
      %shift_right_arithmetic3A_637 = vector.broadcast %shift_right_arithmetic3A_636 : i32 to vector<16xi32>
      %shift_right_arithmetic3A_638 = arith.shrsi %sub3A_635, %shift_right_arithmetic3A_637 : vector<16xi32>
      %add3A_639 = arith.addi %add3A_632, %shift_right_arithmetic3A_638 : vector<16xi32>
      %mul3A_640 = arith.constant 799994 : i32
      %mul3A_641 = vector.broadcast %mul3A_640 : i32 to vector<16xi32>
      %mul3A_642 = arith.muli %add3A_639, %mul3A_641 : vector<16xi32>
      %add3A_643 = arith.addi %mul3A_642, %rem3A_616 : vector<16xi32>
      %get3A_644 = arith.constant 1 : i32
      %get3A_645 = arith.index_cast %rem3A_65 : i32 to index
      %get3A_646 = arith.index_cast %get3A_644 : i32 to index
      %get3A_647 = arith.constant 32 : index
      %get3A_648 = tpu.vector_load %arg5[%get3A_645, %get3A_646, %get3A_647] {strides = array<i32>} : memref<2x4x128xi32, #tpu.memory_space<vmem>>, vector<1x1x16xi32>,
      %get3A_649 = vector.shape_cast %get3A_648 : vector<1x1x16xi32> to vector<16xi32>
      %mul3A_650 = arith.constant 8 : i32
      %mul3A_651 = vector.broadcast %mul3A_650 : i32 to vector<16xi32>
      %mul3A_652 = arith.muli %get3A_649, %mul3A_651 : vector<16xi32>
      %add3A_653 = arith.addi %mul3A_652, %add3A_643 : vector<16xi32>
      %swap3A_654 = arith.constant 1 : i32
      %swap3A_655 = arith.index_cast %rem3A_65 : i32 to index
      %swap3A_656 = arith.index_cast %swap3A_654 : i32 to index
      %swap3A_657 = arith.constant 32 : index
      %swap3A_658 = tpu.vector_load %arg5[%swap3A_655, %swap3A_656, %swap3A_657] {strides = array<i32>} : memref<2x4x128xi32, #tpu.memory_space<vmem>>, vector<1x1x16xi32>,
      %swap3A_659 = vector.shape_cast %swap3A_658 : vector<1x1x16xi32> to vector<16xi32>
      %swap3A_660 = vector.shape_cast %add3A_653 : vector<16xi32> to vector<1x1x16xi32>
      tpu.vector_store %arg5[%swap3A_655, %swap3A_656, %swap3A_657], %swap3A_660 {strides = array<i32>} : memref<2x4x128xi32, #tpu.memory_space<vmem>>, vector<1x1x16xi32>,
      %add3A_661 = arith.constant 48 : i32
      %add3A_662 = arith.addi %add3A_507, %add3A_661 : i32
      %add3A_663 = vector.broadcast %add3A_662 : i32 to vector<16xi32>
      %add3A_664 = arith.addi %iota3A, %add3A_663 : vector<16xi32>
      %rem3A_665 = arith.constant 26 : i32
      %rem3A_666 = vector.broadcast %rem3A_665 : i32 to vector<16xi32>
      %rem3A_667 = arith.remsi %add3A_664, %rem3A_666 : vector<16xi32>
      %sub3A_668 = arith.constant 6 : i32
      %sub3A_669 = vector.broadcast %sub3A_668 : i32 to vector<16xi32>
      %sub3A_670 = arith.subi %rem3A_667, %sub3A_669 : vector<16xi32>
      %shift_right_arithmetic3A_671 = arith.constant 31 : i32
      %shift_right_arithmetic3A_672 = vector.broadcast %shift_right_arithmetic3A_671 : i32 to vector<16xi32>
      %shift_right_arithmetic3A_673 = arith.shrsi %sub3A_670, %shift_right_arithmetic3A_672 : vector<16xi32>
      %add3A_674 = arith.constant 3 : i32
      %add3A_675 = vector.broadcast %add3A_674 : i32 to vector<16xi32>
      %add3A_676 = arith.addi %add3A_675, %shift_right_arithmetic3A_673 : vector<16xi32>
      %sub3A_677 = arith.constant 12 : i32
      %sub3A_678 = vector.broadcast %sub3A_677 : i32 to vector<16xi32>
      %sub3A_679 = arith.subi %rem3A_667, %sub3A_678 : vector<16xi32>
      %shift_right_arithmetic3A_680 = arith.constant 31 : i32
      %shift_right_arithmetic3A_681 = vector.broadcast %shift_right_arithmetic3A_680 : i32 to vector<16xi32>
      %shift_right_arithmetic3A_682 = arith.shrsi %sub3A_679, %shift_right_arithmetic3A_681 : vector<16xi32>
      %add3A_683 = arith.addi %add3A_676, %shift_right_arithmetic3A_682 : vector<16xi32>
      %sub3A_684 = arith.constant 18 : i32
      %sub3A_685 = vector.broadcast %sub3A_684 : i32 to vector<16xi32>
      %sub3A_686 = arith.subi %rem3A_667, %sub3A_685 : vector<16xi32>
      %shift_right_arithmetic3A_687 = arith.constant 31 : i32
      %shift_right_arithmetic3A_688 = vector.broadcast %shift_right_arithmetic3A_687 : i32 to vector<16xi32>
      %shift_right_arithmetic3A_689 = arith.shrsi %sub3A_686, %shift_right_arithmetic3A_688 : vector<16xi32>
      %add3A_690 = arith.addi %add3A_683, %shift_right_arithmetic3A_689 : vector<16xi32>
      %mul3A_691 = arith.constant 799994 : i32
      %mul3A_692 = vector.broadcast %mul3A_691 : i32 to vector<16xi32>
      %mul3A_693 = arith.muli %add3A_690, %mul3A_692 : vector<16xi32>
      %add3A_694 = arith.addi %mul3A_693, %rem3A_667 : vector<16xi32>
      %get3A_695 = arith.constant 1 : i32
      %get3A_696 = arith.index_cast %rem3A_65 : i32 to index
      %get3A_697 = arith.index_cast %get3A_695 : i32 to index
      %get3A_698 = arith.constant 48 : index
      %get3A_699 = tpu.vector_load %arg5[%get3A_696, %get3A_697, %get3A_698] {strides = array<i32>} : memref<2x4x128xi32, #tpu.memory_space<vmem>>, vector<1x1x16xi32>,
      %get3A_700 = vector.shape_cast %get3A_699 : vector<1x1x16xi32> to vector<16xi32>
      %mul3A_701 = arith.constant 8 : i32
      %mul3A_702 = vector.broadcast %mul3A_701 : i32 to vector<16xi32>
      %mul3A_703 = arith.muli %get3A_700, %mul3A_702 : vector<16xi32>
      %add3A_704 = arith.addi %mul3A_703, %add3A_694 : vector<16xi32>
      %swap3A_705 = arith.constant 1 : i32
      %swap3A_706 = arith.index_cast %rem3A_65 : i32 to index
      %swap3A_707 = arith.index_cast %swap3A_705 : i32 to index
      %swap3A_708 = arith.constant 48 : index
      %swap3A_709 = tpu.vector_load %arg5[%swap3A_706, %swap3A_707, %swap3A_708] {strides = array<i32>} : memref<2x4x128xi32, #tpu.memory_space<vmem>>, vector<1x1x16xi32>,
      %swap3A_710 = vector.shape_cast %swap3A_709 : vector<1x1x16xi32> to vector<16xi32>
      %swap3A_711 = vector.shape_cast %add3A_704 : vector<16xi32> to vector<1x1x16xi32>
      tpu.vector_store %arg5[%swap3A_706, %swap3A_707, %swap3A_708], %swap3A_711 {strides = array<i32>} : memref<2x4x128xi32, #tpu.memory_space<vmem>>, vector<1x1x16xi32>,
      %add3A_712 = arith.constant 64 : i32
      %add3A_713 = arith.addi %add3A_507, %add3A_712 : i32
      %add3A_714 = vector.broadcast %add3A_713 : i32 to vector<16xi32>
      %add3A_715 = arith.addi %iota3A, %add3A_714 : vector<16xi32>
      %rem3A_716 = arith.constant 26 : i32
      %rem3A_717 = vector.broadcast %rem3A_716 : i32 to vector<16xi32>
      %rem3A_718 = arith.remsi %add3A_715, %rem3A_717 : vector<16xi32>
      %sub3A_719 = arith.constant 6 : i32
      %sub3A_720 = vector.broadcast %sub3A_719 : i32 to vector<16xi32>
      %sub3A_721 = arith.subi %rem3A_718, %sub3A_720 : vector<16xi32>
      %shift_right_arithmetic3A_722 = arith.constant 31 : i32
      %shift_right_arithmetic3A_723 = vector.broadcast %shift_right_arithmetic3A_722 : i32 to vector<16xi32>
      %shift_right_arithmetic3A_724 = arith.shrsi %sub3A_721, %shift_right_arithmetic3A_723 : vector<16xi32>
      %add3A_725 = arith.constant 3 : i32
      %add3A_726 = vector.broadcast %add3A_725 : i32 to vector<16xi32>
      %add3A_727 = arith.addi %add3A_726, %shift_right_arithmetic3A_724 : vector<16xi32>
      %sub3A_728 = arith.constant 12 : i32
      %sub3A_729 = vector.broadcast %sub3A_728 : i32 to vector<16xi32>
      %sub3A_730 = arith.subi %rem3A_718, %sub3A_729 : vector<16xi32>
      %shift_right_arithmetic3A_731 = arith.constant 31 : i32
      %shift_right_arithmetic3A_732 = vector.broadcast %shift_right_arithmetic3A_731 : i32 to vector<16xi32>
      %shift_right_arithmetic3A_733 = arith.shrsi %sub3A_730, %shift_right_arithmetic3A_732 : vector<16xi32>
      %add3A_734 = arith.addi %add3A_727, %shift_right_arithmetic3A_733 : vector<16xi32>
      %sub3A_735 = arith.constant 18 : i32
      %sub3A_736 = vector.broadcast %sub3A_735 : i32 to vector<16xi32>
      %sub3A_737 = arith.subi %rem3A_718, %sub3A_736 : vector<16xi32>
      %shift_right_arithmetic3A_738 = arith.constant 31 : i32
      %shift_right_arithmetic3A_739 = vector.broadcast %shift_right_arithmetic3A_738 : i32 to vector<16xi32>
      %shift_right_arithmetic3A_740 = arith.shrsi %sub3A_737, %shift_right_arithmetic3A_739 : vector<16xi32>
      %add3A_741 = arith.addi %add3A_734, %shift_right_arithmetic3A_740 : vector<16xi32>
      %mul3A_742 = arith.constant 799994 : i32
      %mul3A_743 = vector.broadcast %mul3A_742 : i32 to vector<16xi32>
      %mul3A_744 = arith.muli %add3A_741, %mul3A_743 : vector<16xi32>
      %add3A_745 = arith.addi %mul3A_744, %rem3A_718 : vector<16xi32>
      %get3A_746 = arith.constant 1 : i32
      %get3A_747 = arith.index_cast %rem3A_65 : i32 to index
      %get3A_748 = arith.index_cast %get3A_746 : i32 to index
      %get3A_749 = arith.constant 64 : index
      %get3A_750 = tpu.vector_load %arg5[%get3A_747, %get3A_748, %get3A_749] {strides = array<i32>} : memref<2x4x128xi32, #tpu.memory_space<vmem>>, vector<1x1x16xi32>,
      %get3A_751 = vector.shape_cast %get3A_750 : vector<1x1x16xi32> to vector<16xi32>
      %mul3A_752 = arith.constant 8 : i32
      %mul3A_753 = vector.broadcast %mul3A_752 : i32 to vector<16xi32>
      %mul3A_754 = arith.muli %get3A_751, %mul3A_753 : vector<16xi32>
      %add3A_755 = arith.addi %mul3A_754, %add3A_745 : vector<16xi32>
      %swap3A_756 = arith.constant 1 : i32
      %swap3A_757 = arith.index_cast %rem3A_65 : i32 to index
      %swap3A_758 = arith.index_cast %swap3A_756 : i32 to index
      %swap3A_759 = arith.constant 64 : index
      %swap3A_760 = tpu.vector_load %arg5[%swap3A_757, %swap3A_758, %swap3A_759] {strides = array<i32>} : memref<2x4x128xi32, #tpu.memory_space<vmem>>, vector<1x1x16xi32>,
      %swap3A_761 = vector.shape_cast %swap3A_760 : vector<1x1x16xi32> to vector<16xi32>
      %swap3A_762 = vector.shape_cast %add3A_755 : vector<16xi32> to vector<1x1x16xi32>
      tpu.vector_store %arg5[%swap3A_757, %swap3A_758, %swap3A_759], %swap3A_762 {strides = array<i32>} : memref<2x4x128xi32, #tpu.memory_space<vmem>>, vector<1x1x16xi32>,
      %add3A_763 = arith.constant 80 : i32
      %add3A_764 = arith.addi %add3A_507, %add3A_763 : i32
      %add3A_765 = vector.broadcast %add3A_764 : i32 to vector<16xi32>
      %add3A_766 = arith.addi %iota3A, %add3A_765 : vector<16xi32>
      %rem3A_767 = arith.constant 26 : i32
      %rem3A_768 = vector.broadcast %rem3A_767 : i32 to vector<16xi32>
      %rem3A_769 = arith.remsi %add3A_766, %rem3A_768 : vector<16xi32>
      %sub3A_770 = arith.constant 6 : i32
      %sub3A_771 = vector.broadcast %sub3A_770 : i32 to vector<16xi32>
      %sub3A_772 = arith.subi %rem3A_769, %sub3A_771 : vector<16xi32>
      %shift_right_arithmetic3A_773 = arith.constant 31 : i32
      %shift_right_arithmetic3A_774 = vector.broadcast %shift_right_arithmetic3A_773 : i32 to vector<16xi32>
      %shift_right_arithmetic3A_775 = arith.shrsi %sub3A_772, %shift_right_arithmetic3A_774 : vector<16xi32>
      %add3A_776 = arith.constant 3 : i32
      %add3A_777 = vector.broadcast %add3A_776 : i32 to vector<16xi32>
      %add3A_778 = arith.addi %add3A_777, %shift_right_arithmetic3A_775 : vector<16xi32>
      %sub3A_779 = arith.constant 12 : i32
      %sub3A_780 = vector.broadcast %sub3A_779 : i32 to vector<16xi32>
      %sub3A_781 = arith.subi %rem3A_769, %sub3A_780 : vector<16xi32>
      %shift_right_arithmetic3A_782 = arith.constant 31 : i32
      %shift_right_arithmetic3A_783 = vector.broadcast %shift_right_arithmetic3A_782 : i32 to vector<16xi32>
      %shift_right_arithmetic3A_784 = arith.shrsi %sub3A_781, %shift_right_arithmetic3A_783 : vector<16xi32>
      %add3A_785 = arith.addi %add3A_778, %shift_right_arithmetic3A_784 : vector<16xi32>
      %sub3A_786 = arith.constant 18 : i32
      %sub3A_787 = vector.broadcast %sub3A_786 : i32 to vector<16xi32>
      %sub3A_788 = arith.subi %rem3A_769, %sub3A_787 : vector<16xi32>
      %shift_right_arithmetic3A_789 = arith.constant 31 : i32
      %shift_right_arithmetic3A_790 = vector.broadcast %shift_right_arithmetic3A_789 : i32 to vector<16xi32>
      %shift_right_arithmetic3A_791 = arith.shrsi %sub3A_788, %shift_right_arithmetic3A_790 : vector<16xi32>
      %add3A_792 = arith.addi %add3A_785, %shift_right_arithmetic3A_791 : vector<16xi32>
      %mul3A_793 = arith.constant 799994 : i32
      %mul3A_794 = vector.broadcast %mul3A_793 : i32 to vector<16xi32>
      %mul3A_795 = arith.muli %add3A_792, %mul3A_794 : vector<16xi32>
      %add3A_796 = arith.addi %mul3A_795, %rem3A_769 : vector<16xi32>
      %get3A_797 = arith.constant 1 : i32
      %get3A_798 = arith.index_cast %rem3A_65 : i32 to index
      %get3A_799 = arith.index_cast %get3A_797 : i32 to index
      %get3A_800 = arith.constant 80 : index
      %get3A_801 = tpu.vector_load %arg5[%get3A_798, %get3A_799, %get3A_800] {strides = array<i32>} : memref<2x4x128xi32, #tpu.memory_space<vmem>>, vector<1x1x16xi32>,
      %get3A_802 = vector.shape_cast %get3A_801 : vector<1x1x16xi32> to vector<16xi32>
      %mul3A_803 = arith.constant 8 : i32
      %mul3A_804 = vector.broadcast %mul3A_803 : i32 to vector<16xi32>
      %mul3A_805 = arith.muli %get3A_802, %mul3A_804 : vector<16xi32>
      %add3A_806 = arith.addi %mul3A_805, %add3A_796 : vector<16xi32>
      %swap3A_807 = arith.constant 1 : i32
      %swap3A_808 = arith.index_cast %rem3A_65 : i32 to index
      %swap3A_809 = arith.index_cast %swap3A_807 : i32 to index
      %swap3A_810 = arith.constant 80 : index
      %swap3A_811 = tpu.vector_load %arg5[%swap3A_808, %swap3A_809, %swap3A_810] {strides = array<i32>} : memref<2x4x128xi32, #tpu.memory_space<vmem>>, vector<1x1x16xi32>,
      %swap3A_812 = vector.shape_cast %swap3A_811 : vector<1x1x16xi32> to vector<16xi32>
      %swap3A_813 = vector.shape_cast %add3A_806 : vector<16xi32> to vector<1x1x16xi32>
      tpu.vector_store %arg5[%swap3A_808, %swap3A_809, %swap3A_810], %swap3A_813 {strides = array<i32>} : memref<2x4x128xi32, #tpu.memory_space<vmem>>, vector<1x1x16xi32>,
      %add3A_814 = arith.constant 96 : i32
      %add3A_815 = arith.addi %add3A_507, %add3A_814 : i32
      %add3A_816 = vector.broadcast %add3A_815 : i32 to vector<16xi32>
      %add3A_817 = arith.addi %iota3A, %add3A_816 : vector<16xi32>
      %rem3A_818 = arith.constant 26 : i32
      %rem3A_819 = vector.broadcast %rem3A_818 : i32 to vector<16xi32>
      %rem3A_820 = arith.remsi %add3A_817, %rem3A_819 : vector<16xi32>
      %sub3A_821 = arith.constant 6 : i32
      %sub3A_822 = vector.broadcast %sub3A_821 : i32 to vector<16xi32>
      %sub3A_823 = arith.subi %rem3A_820, %sub3A_822 : vector<16xi32>
      %shift_right_arithmetic3A_824 = arith.constant 31 : i32
      %shift_right_arithmetic3A_825 = vector.broadcast %shift_right_arithmetic3A_824 : i32 to vector<16xi32>
      %shift_right_arithmetic3A_826 = arith.shrsi %sub3A_823, %shift_right_arithmetic3A_825 : vector<16xi32>
      %add3A_827 = arith.constant 3 : i32
      %add3A_828 = vector.broadcast %add3A_827 : i32 to vector<16xi32>
      %add3A_829 = arith.addi %add3A_828, %shift_right_arithmetic3A_826 : vector<16xi32>
      %sub3A_830 = arith.constant 12 : i32
      %sub3A_831 = vector.broadcast %sub3A_830 : i32 to vector<16xi32>
      %sub3A_832 = arith.subi %rem3A_820, %sub3A_831 : vector<16xi32>
      %shift_right_arithmetic3A_833 = arith.constant 31 : i32
      %shift_right_arithmetic3A_834 = vector.broadcast %shift_right_arithmetic3A_833 : i32 to vector<16xi32>
      %shift_right_arithmetic3A_835 = arith.shrsi %sub3A_832, %shift_right_arithmetic3A_834 : vector<16xi32>
      %add3A_836 = arith.addi %add3A_829, %shift_right_arithmetic3A_835 : vector<16xi32>
      %sub3A_837 = arith.constant 18 : i32
      %sub3A_838 = vector.broadcast %sub3A_837 : i32 to vector<16xi32>
      %sub3A_839 = arith.subi %rem3A_820, %sub3A_838 : vector<16xi32>
      %shift_right_arithmetic3A_840 = arith.constant 31 : i32
      %shift_right_arithmetic3A_841 = vector.broadcast %shift_right_arithmetic3A_840 : i32 to vector<16xi32>
      %shift_right_arithmetic3A_842 = arith.shrsi %sub3A_839, %shift_right_arithmetic3A_841 : vector<16xi32>
      %add3A_843 = arith.addi %add3A_836, %shift_right_arithmetic3A_842 : vector<16xi32>
      %mul3A_844 = arith.constant 799994 : i32
      %mul3A_845 = vector.broadcast %mul3A_844 : i32 to vector<16xi32>
      %mul3A_846 = arith.muli %add3A_843, %mul3A_845 : vector<16xi32>
      %add3A_847 = arith.addi %mul3A_846, %rem3A_820 : vector<16xi32>
      %get3A_848 = arith.constant 1 : i32
      %get3A_849 = arith.index_cast %rem3A_65 : i32 to index
      %get3A_850 = arith.index_cast %get3A_848 : i32 to index
      %get3A_851 = arith.constant 96 : index
      %get3A_852 = tpu.vector_load %arg5[%get3A_849, %get3A_850, %get3A_851] {strides = array<i32>} : memref<2x4x128xi32, #tpu.memory_space<vmem>>, vector<1x1x16xi32>,
      %get3A_853 = vector.shape_cast %get3A_852 : vector<1x1x16xi32> to vector<16xi32>
      %mul3A_854 = arith.constant 8 : i32
      %mul3A_855 = vector.broadcast %mul3A_854 : i32 to vector<16xi32>
      %mul3A_856 = arith.muli %get3A_853, %mul3A_855 : vector<16xi32>
      %add3A_857 = arith.addi %mul3A_856, %add3A_847 : vector<16xi32>
      %swap3A_858 = arith.constant 1 : i32
      %swap3A_859 = arith.index_cast %rem3A_65 : i32 to index
      %swap3A_860 = arith.index_cast %swap3A_858 : i32 to index
      %swap3A_861 = arith.constant 96 : index
      %swap3A_862 = tpu.vector_load %arg5[%swap3A_859, %swap3A_860, %swap3A_861] {strides = array<i32>} : memref<2x4x128xi32, #tpu.memory_space<vmem>>, vector<1x1x16xi32>,
      %swap3A_863 = vector.shape_cast %swap3A_862 : vector<1x1x16xi32> to vector<16xi32>
      %swap3A_864 = vector.shape_cast %add3A_857 : vector<16xi32> to vector<1x1x16xi32>
      tpu.vector_store %arg5[%swap3A_859, %swap3A_860, %swap3A_861], %swap3A_864 {strides = array<i32>} : memref<2x4x128xi32, #tpu.memory_space<vmem>>, vector<1x1x16xi32>,
      %add3A_865 = arith.constant 112 : i32
      %add3A_866 = arith.addi %add3A_507, %add3A_865 : i32
      %add3A_867 = vector.broadcast %add3A_866 : i32 to vector<16xi32>
      %add3A_868 = arith.addi %iota3A, %add3A_867 : vector<16xi32>
      %rem3A_869 = arith.constant 26 : i32
      %rem3A_870 = vector.broadcast %rem3A_869 : i32 to vector<16xi32>
      %rem3A_871 = arith.remsi %add3A_868, %rem3A_870 : vector<16xi32>
      %sub3A_872 = arith.constant 6 : i32
      %sub3A_873 = vector.broadcast %sub3A_872 : i32 to vector<16xi32>
      %sub3A_874 = arith.subi %rem3A_871, %sub3A_873 : vector<16xi32>
      %shift_right_arithmetic3A_875 = arith.constant 31 : i32
      %shift_right_arithmetic3A_876 = vector.broadcast %shift_right_arithmetic3A_875 : i32 to vector<16xi32>
      %shift_right_arithmetic3A_877 = arith.shrsi %sub3A_874, %shift_right_arithmetic3A_876 : vector<16xi32>
      %add3A_878 = arith.constant 3 : i32
      %add3A_879 = vector.broadcast %add3A_878 : i32 to vector<16xi32>
      %add3A_880 = arith.addi %add3A_879, %shift_right_arithmetic3A_877 : vector<16xi32>
      %sub3A_881 = arith.constant 12 : i32
      %sub3A_882 = vector.broadcast %sub3A_881 : i32 to vector<16xi32>
      %sub3A_883 = arith.subi %rem3A_871, %sub3A_882 : vector<16xi32>
      %shift_right_arithmetic3A_884 = arith.constant 31 : i32
      %shift_right_arithmetic3A_885 = vector.broadcast %shift_right_arithmetic3A_884 : i32 to vector<16xi32>
      %shift_right_arithmetic3A_886 = arith.shrsi %sub3A_883, %shift_right_arithmetic3A_885 : vector<16xi32>
      %add3A_887 = arith.addi %add3A_880, %shift_right_arithmetic3A_886 : vector<16xi32>
      %sub3A_888 = arith.constant 18 : i32
      %sub3A_889 = vector.broadcast %sub3A_888 : i32 to vector<16xi32>
      %sub3A_890 = arith.subi %rem3A_871, %sub3A_889 : vector<16xi32>
      %shift_right_arithmetic3A_891 = arith.constant 31 : i32
      %shift_right_arithmetic3A_892 = vector.broadcast %shift_right_arithmetic3A_891 : i32 to vector<16xi32>
      %shift_right_arithmetic3A_893 = arith.shrsi %sub3A_890, %shift_right_arithmetic3A_892 : vector<16xi32>
      %add3A_894 = arith.addi %add3A_887, %shift_right_arithmetic3A_893 : vector<16xi32>
      %mul3A_895 = arith.constant 799994 : i32
      %mul3A_896 = vector.broadcast %mul3A_895 : i32 to vector<16xi32>
      %mul3A_897 = arith.muli %add3A_894, %mul3A_896 : vector<16xi32>
      %add3A_898 = arith.addi %mul3A_897, %rem3A_871 : vector<16xi32>
      %get3A_899 = arith.constant 1 : i32
      %get3A_900 = arith.index_cast %rem3A_65 : i32 to index
      %get3A_901 = arith.index_cast %get3A_899 : i32 to index
      %get3A_902 = arith.constant 112 : index
      %get3A_903 = tpu.vector_load %arg5[%get3A_900, %get3A_901, %get3A_902] {strides = array<i32>} : memref<2x4x128xi32, #tpu.memory_space<vmem>>, vector<1x1x16xi32>,
      %get3A_904 = vector.shape_cast %get3A_903 : vector<1x1x16xi32> to vector<16xi32>
      %mul3A_905 = arith.constant 8 : i32
      %mul3A_906 = vector.broadcast %mul3A_905 : i32 to vector<16xi32>
      %mul3A_907 = arith.muli %get3A_904, %mul3A_906 : vector<16xi32>
      %add3A_908 = arith.addi %mul3A_907, %add3A_898 : vector<16xi32>
      %swap3A_909 = arith.constant 1 : i32
      %swap3A_910 = arith.index_cast %rem3A_65 : i32 to index
      %swap3A_911 = arith.index_cast %swap3A_909 : i32 to index
      %swap3A_912 = arith.constant 112 : index
      %swap3A_913 = tpu.vector_load %arg5[%swap3A_910, %swap3A_911, %swap3A_912] {strides = array<i32>} : memref<2x4x128xi32, #tpu.memory_space<vmem>>, vector<1x1x16xi32>,
      %swap3A_914 = vector.shape_cast %swap3A_913 : vector<1x1x16xi32> to vector<16xi32>
      %swap3A_915 = vector.shape_cast %add3A_908 : vector<16xi32> to vector<1x1x16xi32>
      tpu.vector_store %arg5[%swap3A_910, %swap3A_911, %swap3A_912], %swap3A_915 {strides = array<i32>} : memref<2x4x128xi32, #tpu.memory_space<vmem>>, vector<1x1x16xi32>,
      %add3A_916 = arith.constant 2 : i32
      %add3A_917 = arith.addi %add3A_91, %add3A_916 : i32
      %mul3A_918 = arith.constant 128 : i32
      %mul3A_919 = arith.muli %add3A_917, %mul3A_918 : i32
      %add3A_920 = arith.constant 0 : i32
      %add3A_921 = arith.addi %add3A_920, %mul3A_919 : i32
      %add3A_922 = arith.constant 0 : i32
      %add3A_923 = arith.addi %add3A_921, %add3A_922 : i32
      %add3A_924 = vector.broadcast %add3A_923 : i32 to vector<16xi32>
      %add3A_925 = arith.addi %iota3A, %add3A_924 : vector<16xi32>
      %rem3A_926 = arith.constant 26 : i32
      %rem3A_927 = vector.broadcast %rem3A_926 : i32 to vector<16xi32>
      %rem3A_928 = arith.remsi %add3A_925, %rem3A_927 : vector<16xi32>
      %sub3A_929 = arith.constant 6 : i32
      %sub3A_930 = vector.broadcast %sub3A_929 : i32 to vector<16xi32>
      %sub3A_931 = arith.subi %rem3A_928, %sub3A_930 : vector<16xi32>
      %shift_right_arithmetic3A_932 = arith.constant 31 : i32
      %shift_right_arithmetic3A_933 = vector.broadcast %shift_right_arithmetic3A_932 : i32 to vector<16xi32>
      %shift_right_arithmetic3A_934 = arith.shrsi %sub3A_931, %shift_right_arithmetic3A_933 : vector<16xi32>
      %add3A_935 = arith.constant 3 : i32
      %add3A_936 = vector.broadcast %add3A_935 : i32 to vector<16xi32>
      %add3A_937 = arith.addi %add3A_936, %shift_right_arithmetic3A_934 : vector<16xi32>
      %sub3A_938 = arith.constant 12 : i32
      %sub3A_939 = vector.broadcast %sub3A_938 : i32 to vector<16xi32>
      %sub3A_940 = arith.subi %rem3A_928, %sub3A_939 : vector<16xi32>
      %shift_right_arithmetic3A_941 = arith.constant 31 : i32
      %shift_right_arithmetic3A_942 = vector.broadcast %shift_right_arithmetic3A_941 : i32 to vector<16xi32>
      %shift_right_arithmetic3A_943 = arith.shrsi %sub3A_940, %shift_right_arithmetic3A_942 : vector<16xi32>
      %add3A_944 = arith.addi %add3A_937, %shift_right_arithmetic3A_943 : vector<16xi32>
      %sub3A_945 = arith.constant 18 : i32
      %sub3A_946 = vector.broadcast %sub3A_945 : i32 to vector<16xi32>
      %sub3A_947 = arith.subi %rem3A_928, %sub3A_946 : vector<16xi32>
      %shift_right_arithmetic3A_948 = arith.constant 31 : i32
      %shift_right_arithmetic3A_949 = vector.broadcast %shift_right_arithmetic3A_948 : i32 to vector<16xi32>
      %shift_right_arithmetic3A_950 = arith.shrsi %sub3A_947, %shift_right_arithmetic3A_949 : vector<16xi32>
      %add3A_951 = arith.addi %add3A_944, %shift_right_arithmetic3A_950 : vector<16xi32>
      %mul3A_952 = arith.constant 799994 : i32
      %mul3A_953 = vector.broadcast %mul3A_952 : i32 to vector<16xi32>
      %mul3A_954 = arith.muli %add3A_951, %mul3A_953 : vector<16xi32>
      %add3A_955 = arith.addi %mul3A_954, %rem3A_928 : vector<16xi32>
      %get3A_956 = arith.constant 2 : i32
      %get3A_957 = arith.index_cast %rem3A_65 : i32 to index
      %get3A_958 = arith.index_cast %get3A_956 : i32 to index
      %get3A_959 = arith.constant 0 : index
      %get3A_960 = tpu.vector_load %arg5[%get3A_957, %get3A_958, %get3A_959] {strides = array<i32>} : memref<2x4x128xi32, #tpu.memory_space<vmem>>, vector<1x1x16xi32>,
      %get3A_961 = vector.shape_cast %get3A_960 : vector<1x1x16xi32> to vector<16xi32>
      %mul3A_962 = arith.constant 8 : i32
      %mul3A_963 = vector.broadcast %mul3A_962 : i32 to vector<16xi32>
      %mul3A_964 = arith.muli %get3A_961, %mul3A_963 : vector<16xi32>
      %add3A_965 = arith.addi %mul3A_964, %add3A_955 : vector<16xi32>
      %swap3A_966 = arith.constant 2 : i32
      %swap3A_967 = arith.index_cast %rem3A_65 : i32 to index
      %swap3A_968 = arith.index_cast %swap3A_966 : i32 to index
      %swap3A_969 = arith.constant 0 : index
      %swap3A_970 = tpu.vector_load %arg5[%swap3A_967, %swap3A_968, %swap3A_969] {strides = array<i32>} : memref<2x4x128xi32, #tpu.memory_space<vmem>>, vector<1x1x16xi32>,
      %swap3A_971 = vector.shape_cast %swap3A_970 : vector<1x1x16xi32> to vector<16xi32>
      %swap3A_972 = vector.shape_cast %add3A_965 : vector<16xi32> to vector<1x1x16xi32>
      tpu.vector_store %arg5[%swap3A_967, %swap3A_968, %swap3A_969], %swap3A_972 {strides = array<i32>} : memref<2x4x128xi32, #tpu.memory_space<vmem>>, vector<1x1x16xi32>,
      %add3A_973 = arith.constant 16 : i32
      %add3A_974 = arith.addi %add3A_921, %add3A_973 : i32
      %add3A_975 = vector.broadcast %add3A_974 : i32 to vector<16xi32>
      %add3A_976 = arith.addi %iota3A, %add3A_975 : vector<16xi32>
      %rem3A_977 = arith.constant 26 : i32
      %rem3A_978 = vector.broadcast %rem3A_977 : i32 to vector<16xi32>
      %rem3A_979 = arith.remsi %add3A_976, %rem3A_978 : vector<16xi32>
      %sub3A_980 = arith.constant 6 : i32
      %sub3A_981 = vector.broadcast %sub3A_980 : i32 to vector<16xi32>
      %sub3A_982 = arith.subi %rem3A_979, %sub3A_981 : vector<16xi32>
      %shift_right_arithmetic3A_983 = arith.constant 31 : i32
      %shift_right_arithmetic3A_984 = vector.broadcast %shift_right_arithmetic3A_983 : i32 to vector<16xi32>
      %shift_right_arithmetic3A_985 = arith.shrsi %sub3A_982, %shift_right_arithmetic3A_984 : vector<16xi32>
      %add3A_986 = arith.constant 3 : i32
      %add3A_987 = vector.broadcast %add3A_986 : i32 to vector<16xi32>
      %add3A_988 = arith.addi %add3A_987, %shift_right_arithmetic3A_985 : vector<16xi32>
      %sub3A_989 = arith.constant 12 : i32
      %sub3A_990 = vector.broadcast %sub3A_989 : i32 to vector<16xi32>
      %sub3A_991 = arith.subi %rem3A_979, %sub3A_990 : vector<16xi32>
      %shift_right_arithmetic3A_992 = arith.constant 31 : i32
      %shift_right_arithmetic3A_993 = vector.broadcast %shift_right_arithmetic3A_992 : i32 to vector<16xi32>
      %shift_right_arithmetic3A_994 = arith.shrsi %sub3A_991, %shift_right_arithmetic3A_993 : vector<16xi32>
      %add3A_995 = arith.addi %add3A_988, %shift_right_arithmetic3A_994 : vector<16xi32>
      %sub3A_996 = arith.constant 18 : i32
      %sub3A_997 = vector.broadcast %sub3A_996 : i32 to vector<16xi32>
      %sub3A_998 = arith.subi %rem3A_979, %sub3A_997 : vector<16xi32>
      %shift_right_arithmetic3A_999 = arith.constant 31 : i32
      %shift_right_arithmetic3A_1000 = vector.broadcast %shift_right_arithmetic3A_999 : i32 to vector<16xi32>
      %shift_right_arithmetic3A_1001 = arith.shrsi %sub3A_998, %shift_right_arithmetic3A_1000 : vector<16xi32>
      %add3A_1002 = arith.addi %add3A_995, %shift_right_arithmetic3A_1001 : vector<16xi32>
      %mul3A_1003 = arith.constant 799994 : i32
      %mul3A_1004 = vector.broadcast %mul3A_1003 : i32 to vector<16xi32>
      %mul3A_1005 = arith.muli %add3A_1002, %mul3A_1004 : vector<16xi32>
      %add3A_1006 = arith.addi %mul3A_1005, %rem3A_979 : vector<16xi32>
      %get3A_1007 = arith.constant 2 : i32
      %get3A_1008 = arith.index_cast %rem3A_65 : i32 to index
      %get3A_1009 = arith.index_cast %get3A_1007 : i32 to index
      %get3A_1010 = arith.constant 16 : index
      %get3A_1011 = tpu.vector_load %arg5[%get3A_1008, %get3A_1009, %get3A_1010] {strides = array<i32>} : memref<2x4x128xi32, #tpu.memory_space<vmem>>, vector<1x1x16xi32>,
      %get3A_1012 = vector.shape_cast %get3A_1011 : vector<1x1x16xi32> to vector<16xi32>
      %mul3A_1013 = arith.constant 8 : i32
      %mul3A_1014 = vector.broadcast %mul3A_1013 : i32 to vector<16xi32>
      %mul3A_1015 = arith.muli %get3A_1012, %mul3A_1014 : vector<16xi32>
      %add3A_1016 = arith.addi %mul3A_1015, %add3A_1006 : vector<16xi32>
      %swap3A_1017 = arith.constant 2 : i32
      %swap3A_1018 = arith.index_cast %rem3A_65 : i32 to index
      %swap3A_1019 = arith.index_cast %swap3A_1017 : i32 to index
      %swap3A_1020 = arith.constant 16 : index
      %swap3A_1021 = tpu.vector_load %arg5[%swap3A_1018, %swap3A_1019, %swap3A_1020] {strides = array<i32>} : memref<2x4x128xi32, #tpu.memory_space<vmem>>, vector<1x1x16xi32>,
      %swap3A_1022 = vector.shape_cast %swap3A_1021 : vector<1x1x16xi32> to vector<16xi32>
      %swap3A_1023 = vector.shape_cast %add3A_1016 : vector<16xi32> to vector<1x1x16xi32>
      tpu.vector_store %arg5[%swap3A_1018, %swap3A_1019, %swap3A_1020], %swap3A_1023 {strides = array<i32>} : memref<2x4x128xi32, #tpu.memory_space<vmem>>, vector<1x1x16xi32>,
      %add3A_1024 = arith.constant 32 : i32
      %add3A_1025 = arith.addi %add3A_921, %add3A_1024 : i32
      %add3A_1026 = vector.broadcast %add3A_1025 : i32 to vector<16xi32>
      %add3A_1027 = arith.addi %iota3A, %add3A_1026 : vector<16xi32>
      %rem3A_1028 = arith.constant 26 : i32
      %rem3A_1029 = vector.broadcast %rem3A_1028 : i32 to vector<16xi32>
      %rem3A_1030 = arith.remsi %add3A_1027, %rem3A_1029 : vector<16xi32>
      %sub3A_1031 = arith.constant 6 : i32
      %sub3A_1032 = vector.broadcast %sub3A_1031 : i32 to vector<16xi32>
      %sub3A_1033 = arith.subi %rem3A_1030, %sub3A_1032 : vector<16xi32>
      %shift_right_arithmetic3A_1034 = arith.constant 31 : i32
      %shift_right_arithmetic3A_1035 = vector.broadcast %shift_right_arithmetic3A_1034 : i32 to vector<16xi32>
      %shift_right_arithmetic3A_1036 = arith.shrsi %sub3A_1033, %shift_right_arithmetic3A_1035 : vector<16xi32>
      %add3A_1037 = arith.constant 3 : i32
      %add3A_1038 = vector.broadcast %add3A_1037 : i32 to vector<16xi32>
      %add3A_1039 = arith.addi %add3A_1038, %shift_right_arithmetic3A_1036 : vector<16xi32>
      %sub3A_1040 = arith.constant 12 : i32
      %sub3A_1041 = vector.broadcast %sub3A_1040 : i32 to vector<16xi32>
      %sub3A_1042 = arith.subi %rem3A_1030, %sub3A_1041 : vector<16xi32>
      %shift_right_arithmetic3A_1043 = arith.constant 31 : i32
      %shift_right_arithmetic3A_1044 = vector.broadcast %shift_right_arithmetic3A_1043 : i32 to vector<16xi32>
      %shift_right_arithmetic3A_1045 = arith.shrsi %sub3A_1042, %shift_right_arithmetic3A_1044 : vector<16xi32>
      %add3A_1046 = arith.addi %add3A_1039, %shift_right_arithmetic3A_1045 : vector<16xi32>
      %sub3A_1047 = arith.constant 18 : i32
      %sub3A_1048 = vector.broadcast %sub3A_1047 : i32 to vector<16xi32>
      %sub3A_1049 = arith.subi %rem3A_1030, %sub3A_1048 : vector<16xi32>
      %shift_right_arithmetic3A_1050 = arith.constant 31 : i32
      %shift_right_arithmetic3A_1051 = vector.broadcast %shift_right_arithmetic3A_1050 : i32 to vector<16xi32>
      %shift_right_arithmetic3A_1052 = arith.shrsi %sub3A_1049, %shift_right_arithmetic3A_1051 : vector<16xi32>
      %add3A_1053 = arith.addi %add3A_1046, %shift_right_arithmetic3A_1052 : vector<16xi32>
      %mul3A_1054 = arith.constant 799994 : i32
      %mul3A_1055 = vector.broadcast %mul3A_1054 : i32 to vector<16xi32>
      %mul3A_1056 = arith.muli %add3A_1053, %mul3A_1055 : vector<16xi32>
      %add3A_1057 = arith.addi %mul3A_1056, %rem3A_1030 : vector<16xi32>
      %get3A_1058 = arith.constant 2 : i32
      %get3A_1059 = arith.index_cast %rem3A_65 : i32 to index
      %get3A_1060 = arith.index_cast %get3A_1058 : i32 to index
      %get3A_1061 = arith.constant 32 : index
      %get3A_1062 = tpu.vector_load %arg5[%get3A_1059, %get3A_1060, %get3A_1061] {strides = array<i32>} : memref<2x4x128xi32, #tpu.memory_space<vmem>>, vector<1x1x16xi32>,
      %get3A_1063 = vector.shape_cast %get3A_1062 : vector<1x1x16xi32> to vector<16xi32>
      %mul3A_1064 = arith.constant 8 : i32
      %mul3A_1065 = vector.broadcast %mul3A_1064 : i32 to vector<16xi32>
      %mul3A_1066 = arith.muli %get3A_1063, %mul3A_1065 : vector<16xi32>
      %add3A_1067 = arith.addi %mul3A_1066, %add3A_1057 : vector<16xi32>
      %swap3A_1068 = arith.constant 2 : i32
      %swap3A_1069 = arith.index_cast %rem3A_65 : i32 to index
      %swap3A_1070 = arith.index_cast %swap3A_1068 : i32 to index
      %swap3A_1071 = arith.constant 32 : index
      %swap3A_1072 = tpu.vector_load %arg5[%swap3A_1069, %swap3A_1070, %swap3A_1071] {strides = array<i32>} : memref<2x4x128xi32, #tpu.memory_space<vmem>>, vector<1x1x16xi32>,
      %swap3A_1073 = vector.shape_cast %swap3A_1072 : vector<1x1x16xi32> to vector<16xi32>
      %swap3A_1074 = vector.shape_cast %add3A_1067 : vector<16xi32> to vector<1x1x16xi32>
      tpu.vector_store %arg5[%swap3A_1069, %swap3A_1070, %swap3A_1071], %swap3A_1074 {strides = array<i32>} : memref<2x4x128xi32, #tpu.memory_space<vmem>>, vector<1x1x16xi32>,
      %add3A_1075 = arith.constant 48 : i32
      %add3A_1076 = arith.addi %add3A_921, %add3A_1075 : i32
      %add3A_1077 = vector.broadcast %add3A_1076 : i32 to vector<16xi32>
      %add3A_1078 = arith.addi %iota3A, %add3A_1077 : vector<16xi32>
      %rem3A_1079 = arith.constant 26 : i32
      %rem3A_1080 = vector.broadcast %rem3A_1079 : i32 to vector<16xi32>
      %rem3A_1081 = arith.remsi %add3A_1078, %rem3A_1080 : vector<16xi32>
      %sub3A_1082 = arith.constant 6 : i32
      %sub3A_1083 = vector.broadcast %sub3A_1082 : i32 to vector<16xi32>
      %sub3A_1084 = arith.subi %rem3A_1081, %sub3A_1083 : vector<16xi32>
      %shift_right_arithmetic3A_1085 = arith.constant 31 : i32
      %shift_right_arithmetic3A_1086 = vector.broadcast %shift_right_arithmetic3A_1085 : i32 to vector<16xi32>
      %shift_right_arithmetic3A_1087 = arith.shrsi %sub3A_1084, %shift_right_arithmetic3A_1086 : vector<16xi32>
      %add3A_1088 = arith.constant 3 : i32
      %add3A_1089 = vector.broadcast %add3A_1088 : i32 to vector<16xi32>
      %add3A_1090 = arith.addi %add3A_1089, %shift_right_arithmetic3A_1087 : vector<16xi32>
      %sub3A_1091 = arith.constant 12 : i32
      %sub3A_1092 = vector.broadcast %sub3A_1091 : i32 to vector<16xi32>
      %sub3A_1093 = arith.subi %rem3A_1081, %sub3A_1092 : vector<16xi32>
      %shift_right_arithmetic3A_1094 = arith.constant 31 : i32
      %shift_right_arithmetic3A_1095 = vector.broadcast %shift_right_arithmetic3A_1094 : i32 to vector<16xi32>
      %shift_right_arithmetic3A_1096 = arith.shrsi %sub3A_1093, %shift_right_arithmetic3A_1095 : vector<16xi32>
      %add3A_1097 = arith.addi %add3A_1090, %shift_right_arithmetic3A_1096 : vector<16xi32>
      %sub3A_1098 = arith.constant 18 : i32
      %sub3A_1099 = vector.broadcast %sub3A_1098 : i32 to vector<16xi32>
      %sub3A_1100 = arith.subi %rem3A_1081, %sub3A_1099 : vector<16xi32>
      %shift_right_arithmetic3A_1101 = arith.constant 31 : i32
      %shift_right_arithmetic3A_1102 = vector.broadcast %shift_right_arithmetic3A_1101 : i32 to vector<16xi32>
      %shift_right_arithmetic3A_1103 = arith.shrsi %sub3A_1100, %shift_right_arithmetic3A_1102 : vector<16xi32>
      %add3A_1104 = arith.addi %add3A_1097, %shift_right_arithmetic3A_1103 : vector<16xi32>
      %mul3A_1105 = arith.constant 799994 : i32
      %mul3A_1106 = vector.broadcast %mul3A_1105 : i32 to vector<16xi32>
      %mul3A_1107 = arith.muli %add3A_1104, %mul3A_1106 : vector<16xi32>
      %add3A_1108 = arith.addi %mul3A_1107, %rem3A_1081 : vector<16xi32>
      %get3A_1109 = arith.constant 2 : i32
      %get3A_1110 = arith.index_cast %rem3A_65 : i32 to index
      %get3A_1111 = arith.index_cast %get3A_1109 : i32 to index
      %get3A_1112 = arith.constant 48 : index
      %get3A_1113 = tpu.vector_load %arg5[%get3A_1110, %get3A_1111, %get3A_1112] {strides = array<i32>} : memref<2x4x128xi32, #tpu.memory_space<vmem>>, vector<1x1x16xi32>,
      %get3A_1114 = vector.shape_cast %get3A_1113 : vector<1x1x16xi32> to vector<16xi32>
      %mul3A_1115 = arith.constant 8 : i32
      %mul3A_1116 = vector.broadcast %mul3A_1115 : i32 to vector<16xi32>
      %mul3A_1117 = arith.muli %get3A_1114, %mul3A_1116 : vector<16xi32>
      %add3A_1118 = arith.addi %mul3A_1117, %add3A_1108 : vector<16xi32>
      %swap3A_1119 = arith.constant 2 : i32
      %swap3A_1120 = arith.index_cast %rem3A_65 : i32 to index
      %swap3A_1121 = arith.index_cast %swap3A_1119 : i32 to index
      %swap3A_1122 = arith.constant 48 : index
      %swap3A_1123 = tpu.vector_load %arg5[%swap3A_1120, %swap3A_1121, %swap3A_1122] {strides = array<i32>} : memref<2x4x128xi32, #tpu.memory_space<vmem>>, vector<1x1x16xi32>,
      %swap3A_1124 = vector.shape_cast %swap3A_1123 : vector<1x1x16xi32> to vector<16xi32>
      %swap3A_1125 = vector.shape_cast %add3A_1118 : vector<16xi32> to vector<1x1x16xi32>
      tpu.vector_store %arg5[%swap3A_1120, %swap3A_1121, %swap3A_1122], %swap3A_1125 {strides = array<i32>} : memref<2x4x128xi32, #tpu.memory_space<vmem>>, vector<1x1x16xi32>,
      %add3A_1126 = arith.constant 64 : i32
      %add3A_1127 = arith.addi %add3A_921, %add3A_1126 : i32
      %add3A_1128 = vector.broadcast %add3A_1127 : i32 to vector<16xi32>
      %add3A_1129 = arith.addi %iota3A, %add3A_1128 : vector<16xi32>
      %rem3A_1130 = arith.constant 26 : i32
      %rem3A_1131 = vector.broadcast %rem3A_1130 : i32 to vector<16xi32>
      %rem3A_1132 = arith.remsi %add3A_1129, %rem3A_1131 : vector<16xi32>
      %sub3A_1133 = arith.constant 6 : i32
      %sub3A_1134 = vector.broadcast %sub3A_1133 : i32 to vector<16xi32>
      %sub3A_1135 = arith.subi %rem3A_1132, %sub3A_1134 : vector<16xi32>
      %shift_right_arithmetic3A_1136 = arith.constant 31 : i32
      %shift_right_arithmetic3A_1137 = vector.broadcast %shift_right_arithmetic3A_1136 : i32 to vector<16xi32>
      %shift_right_arithmetic3A_1138 = arith.shrsi %sub3A_1135, %shift_right_arithmetic3A_1137 : vector<16xi32>
      %add3A_1139 = arith.constant 3 : i32
      %add3A_1140 = vector.broadcast %add3A_1139 : i32 to vector<16xi32>
      %add3A_1141 = arith.addi %add3A_1140, %shift_right_arithmetic3A_1138 : vector<16xi32>
      %sub3A_1142 = arith.constant 12 : i32
      %sub3A_1143 = vector.broadcast %sub3A_1142 : i32 to vector<16xi32>
      %sub3A_1144 = arith.subi %rem3A_1132, %sub3A_1143 : vector<16xi32>
      %shift_right_arithmetic3A_1145 = arith.constant 31 : i32
      %shift_right_arithmetic3A_1146 = vector.broadcast %shift_right_arithmetic3A_1145 : i32 to vector<16xi32>
      %shift_right_arithmetic3A_1147 = arith.shrsi %sub3A_1144, %shift_right_arithmetic3A_1146 : vector<16xi32>
      %add3A_1148 = arith.addi %add3A_1141, %shift_right_arithmetic3A_1147 : vector<16xi32>
      %sub3A_1149 = arith.constant 18 : i32
      %sub3A_1150 = vector.broadcast %sub3A_1149 : i32 to vector<16xi32>
      %sub3A_1151 = arith.subi %rem3A_1132, %sub3A_1150 : vector<16xi32>
      %shift_right_arithmetic3A_1152 = arith.constant 31 : i32
      %shift_right_arithmetic3A_1153 = vector.broadcast %shift_right_arithmetic3A_1152 : i32 to vector<16xi32>
      %shift_right_arithmetic3A_1154 = arith.shrsi %sub3A_1151, %shift_right_arithmetic3A_1153 : vector<16xi32>
      %add3A_1155 = arith.addi %add3A_1148, %shift_right_arithmetic3A_1154 : vector<16xi32>
      %mul3A_1156 = arith.constant 799994 : i32
      %mul3A_1157 = vector.broadcast %mul3A_1156 : i32 to vector<16xi32>
      %mul3A_1158 = arith.muli %add3A_1155, %mul3A_1157 : vector<16xi32>
      %add3A_1159 = arith.addi %mul3A_1158, %rem3A_1132 : vector<16xi32>
      %get3A_1160 = arith.constant 2 : i32
      %get3A_1161 = arith.index_cast %rem3A_65 : i32 to index
      %get3A_1162 = arith.index_cast %get3A_1160 : i32 to index
      %get3A_1163 = arith.constant 64 : index
      %get3A_1164 = tpu.vector_load %arg5[%get3A_1161, %get3A_1162, %get3A_1163] {strides = array<i32>} : memref<2x4x128xi32, #tpu.memory_space<vmem>>, vector<1x1x16xi32>,
      %get3A_1165 = vector.shape_cast %get3A_1164 : vector<1x1x16xi32> to vector<16xi32>
      %mul3A_1166 = arith.constant 8 : i32
      %mul3A_1167 = vector.broadcast %mul3A_1166 : i32 to vector<16xi32>
      %mul3A_1168 = arith.muli %get3A_1165, %mul3A_1167 : vector<16xi32>
      %add3A_1169 = arith.addi %mul3A_1168, %add3A_1159 : vector<16xi32>
      %swap3A_1170 = arith.constant 2 : i32
      %swap3A_1171 = arith.index_cast %rem3A_65 : i32 to index
      %swap3A_1172 = arith.index_cast %swap3A_1170 : i32 to index
      %swap3A_1173 = arith.constant 64 : index
      %swap3A_1174 = tpu.vector_load %arg5[%swap3A_1171, %swap3A_1172, %swap3A_1173] {strides = array<i32>} : memref<2x4x128xi32, #tpu.memory_space<vmem>>, vector<1x1x16xi32>,
      %swap3A_1175 = vector.shape_cast %swap3A_1174 : vector<1x1x16xi32> to vector<16xi32>
      %swap3A_1176 = vector.shape_cast %add3A_1169 : vector<16xi32> to vector<1x1x16xi32>
      tpu.vector_store %arg5[%swap3A_1171, %swap3A_1172, %swap3A_1173], %swap3A_1176 {strides = array<i32>} : memref<2x4x128xi32, #tpu.memory_space<vmem>>, vector<1x1x16xi32>,
      %add3A_1177 = arith.constant 80 : i32
      %add3A_1178 = arith.addi %add3A_921, %add3A_1177 : i32
      %add3A_1179 = vector.broadcast %add3A_1178 : i32 to vector<16xi32>
      %add3A_1180 = arith.addi %iota3A, %add3A_1179 : vector<16xi32>
      %rem3A_1181 = arith.constant 26 : i32
      %rem3A_1182 = vector.broadcast %rem3A_1181 : i32 to vector<16xi32>
      %rem3A_1183 = arith.remsi %add3A_1180, %rem3A_1182 : vector<16xi32>
      %sub3A_1184 = arith.constant 6 : i32
      %sub3A_1185 = vector.broadcast %sub3A_1184 : i32 to vector<16xi32>
      %sub3A_1186 = arith.subi %rem3A_1183, %sub3A_1185 : vector<16xi32>
      %shift_right_arithmetic3A_1187 = arith.constant 31 : i32
      %shift_right_arithmetic3A_1188 = vector.broadcast %shift_right_arithmetic3A_1187 : i32 to vector<16xi32>
      %shift_right_arithmetic3A_1189 = arith.shrsi %sub3A_1186, %shift_right_arithmetic3A_1188 : vector<16xi32>
      %add3A_1190 = arith.constant 3 : i32
      %add3A_1191 = vector.broadcast %add3A_1190 : i32 to vector<16xi32>
      %add3A_1192 = arith.addi %add3A_1191, %shift_right_arithmetic3A_1189 : vector<16xi32>
      %sub3A_1193 = arith.constant 12 : i32
      %sub3A_1194 = vector.broadcast %sub3A_1193 : i32 to vector<16xi32>
      %sub3A_1195 = arith.subi %rem3A_1183, %sub3A_1194 : vector<16xi32>
      %shift_right_arithmetic3A_1196 = arith.constant 31 : i32
      %shift_right_arithmetic3A_1197 = vector.broadcast %shift_right_arithmetic3A_1196 : i32 to vector<16xi32>
      %shift_right_arithmetic3A_1198 = arith.shrsi %sub3A_1195, %shift_right_arithmetic3A_1197 : vector<16xi32>
      %add3A_1199 = arith.addi %add3A_1192, %shift_right_arithmetic3A_1198 : vector<16xi32>
      %sub3A_1200 = arith.constant 18 : i32
      %sub3A_1201 = vector.broadcast %sub3A_1200 : i32 to vector<16xi32>
      %sub3A_1202 = arith.subi %rem3A_1183, %sub3A_1201 : vector<16xi32>
      %shift_right_arithmetic3A_1203 = arith.constant 31 : i32
      %shift_right_arithmetic3A_1204 = vector.broadcast %shift_right_arithmetic3A_1203 : i32 to vector<16xi32>
      %shift_right_arithmetic3A_1205 = arith.shrsi %sub3A_1202, %shift_right_arithmetic3A_1204 : vector<16xi32>
      %add3A_1206 = arith.addi %add3A_1199, %shift_right_arithmetic3A_1205 : vector<16xi32>
      %mul3A_1207 = arith.constant 799994 : i32
      %mul3A_1208 = vector.broadcast %mul3A_1207 : i32 to vector<16xi32>
      %mul3A_1209 = arith.muli %add3A_1206, %mul3A_1208 : vector<16xi32>
      %add3A_1210 = arith.addi %mul3A_1209, %rem3A_1183 : vector<16xi32>
      %get3A_1211 = arith.constant 2 : i32
      %get3A_1212 = arith.index_cast %rem3A_65 : i32 to index
      %get3A_1213 = arith.index_cast %get3A_1211 : i32 to index
      %get3A_1214 = arith.constant 80 : index
      %get3A_1215 = tpu.vector_load %arg5[%get3A_1212, %get3A_1213, %get3A_1214] {strides = array<i32>} : memref<2x4x128xi32, #tpu.memory_space<vmem>>, vector<1x1x16xi32>,
      %get3A_1216 = vector.shape_cast %get3A_1215 : vector<1x1x16xi32> to vector<16xi32>
      %mul3A_1217 = arith.constant 8 : i32
      %mul3A_1218 = vector.broadcast %mul3A_1217 : i32 to vector<16xi32>
      %mul3A_1219 = arith.muli %get3A_1216, %mul3A_1218 : vector<16xi32>
      %add3A_1220 = arith.addi %mul3A_1219, %add3A_1210 : vector<16xi32>
      %swap3A_1221 = arith.constant 2 : i32
      %swap3A_1222 = arith.index_cast %rem3A_65 : i32 to index
      %swap3A_1223 = arith.index_cast %swap3A_1221 : i32 to index
      %swap3A_1224 = arith.constant 80 : index
      %swap3A_1225 = tpu.vector_load %arg5[%swap3A_1222, %swap3A_1223, %swap3A_1224] {strides = array<i32>} : memref<2x4x128xi32, #tpu.memory_space<vmem>>, vector<1x1x16xi32>,
      %swap3A_1226 = vector.shape_cast %swap3A_1225 : vector<1x1x16xi32> to vector<16xi32>
      %swap3A_1227 = vector.shape_cast %add3A_1220 : vector<16xi32> to vector<1x1x16xi32>
      tpu.vector_store %arg5[%swap3A_1222, %swap3A_1223, %swap3A_1224], %swap3A_1227 {strides = array<i32>} : memref<2x4x128xi32, #tpu.memory_space<vmem>>, vector<1x1x16xi32>,
      %add3A_1228 = arith.constant 96 : i32
      %add3A_1229 = arith.addi %add3A_921, %add3A_1228 : i32
      %add3A_1230 = vector.broadcast %add3A_1229 : i32 to vector<16xi32>
      %add3A_1231 = arith.addi %iota3A, %add3A_1230 : vector<16xi32>
      %rem3A_1232 = arith.constant 26 : i32
      %rem3A_1233 = vector.broadcast %rem3A_1232 : i32 to vector<16xi32>
      %rem3A_1234 = arith.remsi %add3A_1231, %rem3A_1233 : vector<16xi32>
      %sub3A_1235 = arith.constant 6 : i32
      %sub3A_1236 = vector.broadcast %sub3A_1235 : i32 to vector<16xi32>
      %sub3A_1237 = arith.subi %rem3A_1234, %sub3A_1236 : vector<16xi32>
      %shift_right_arithmetic3A_1238 = arith.constant 31 : i32
      %shift_right_arithmetic3A_1239 = vector.broadcast %shift_right_arithmetic3A_1238 : i32 to vector<16xi32>
      %shift_right_arithmetic3A_1240 = arith.shrsi %sub3A_1237, %shift_right_arithmetic3A_1239 : vector<16xi32>
      %add3A_1241 = arith.constant 3 : i32
      %add3A_1242 = vector.broadcast %add3A_1241 : i32 to vector<16xi32>
      %add3A_1243 = arith.addi %add3A_1242, %shift_right_arithmetic3A_1240 : vector<16xi32>
      %sub3A_1244 = arith.constant 12 : i32
      %sub3A_1245 = vector.broadcast %sub3A_1244 : i32 to vector<16xi32>
      %sub3A_1246 = arith.subi %rem3A_1234, %sub3A_1245 : vector<16xi32>
      %shift_right_arithmetic3A_1247 = arith.constant 31 : i32
      %shift_right_arithmetic3A_1248 = vector.broadcast %shift_right_arithmetic3A_1247 : i32 to vector<16xi32>
      %shift_right_arithmetic3A_1249 = arith.shrsi %sub3A_1246, %shift_right_arithmetic3A_1248 : vector<16xi32>
      %add3A_1250 = arith.addi %add3A_1243, %shift_right_arithmetic3A_1249 : vector<16xi32>
      %sub3A_1251 = arith.constant 18 : i32
      %sub3A_1252 = vector.broadcast %sub3A_1251 : i32 to vector<16xi32>
      %sub3A_1253 = arith.subi %rem3A_1234, %sub3A_1252 : vector<16xi32>
      %shift_right_arithmetic3A_1254 = arith.constant 31 : i32
      %shift_right_arithmetic3A_1255 = vector.broadcast %shift_right_arithmetic3A_1254 : i32 to vector<16xi32>
      %shift_right_arithmetic3A_1256 = arith.shrsi %sub3A_1253, %shift_right_arithmetic3A_1255 : vector<16xi32>
      %add3A_1257 = arith.addi %add3A_1250, %shift_right_arithmetic3A_1256 : vector<16xi32>
      %mul3A_1258 = arith.constant 799994 : i32
      %mul3A_1259 = vector.broadcast %mul3A_1258 : i32 to vector<16xi32>
      %mul3A_1260 = arith.muli %add3A_1257, %mul3A_1259 : vector<16xi32>
      %add3A_1261 = arith.addi %mul3A_1260, %rem3A_1234 : vector<16xi32>
      %get3A_1262 = arith.constant 2 : i32
      %get3A_1263 = arith.index_cast %rem3A_65 : i32 to index
      %get3A_1264 = arith.index_cast %get3A_1262 : i32 to index
      %get3A_1265 = arith.constant 96 : index
      %get3A_1266 = tpu.vector_load %arg5[%get3A_1263, %get3A_1264, %get3A_1265] {strides = array<i32>} : memref<2x4x128xi32, #tpu.memory_space<vmem>>, vector<1x1x16xi32>,
      %get3A_1267 = vector.shape_cast %get3A_1266 : vector<1x1x16xi32> to vector<16xi32>
      %mul3A_1268 = arith.constant 8 : i32
      %mul3A_1269 = vector.broadcast %mul3A_1268 : i32 to vector<16xi32>
      %mul3A_1270 = arith.muli %get3A_1267, %mul3A_1269 : vector<16xi32>
      %add3A_1271 = arith.addi %mul3A_1270, %add3A_1261 : vector<16xi32>
      %swap3A_1272 = arith.constant 2 : i32
      %swap3A_1273 = arith.index_cast %rem3A_65 : i32 to index
      %swap3A_1274 = arith.index_cast %swap3A_1272 : i32 to index
      %swap3A_1275 = arith.constant 96 : index
      %swap3A_1276 = tpu.vector_load %arg5[%swap3A_1273, %swap3A_1274, %swap3A_1275] {strides = array<i32>} : memref<2x4x128xi32, #tpu.memory_space<vmem>>, vector<1x1x16xi32>,
      %swap3A_1277 = vector.shape_cast %swap3A_1276 : vector<1x1x16xi32> to vector<16xi32>
      %swap3A_1278 = vector.shape_cast %add3A_1271 : vector<16xi32> to vector<1x1x16xi32>
      tpu.vector_store %arg5[%swap3A_1273, %swap3A_1274, %swap3A_1275], %swap3A_1278 {strides = array<i32>} : memref<2x4x128xi32, #tpu.memory_space<vmem>>, vector<1x1x16xi32>,
      %add3A_1279 = arith.constant 112 : i32
      %add3A_1280 = arith.addi %add3A_921, %add3A_1279 : i32
      %add3A_1281 = vector.broadcast %add3A_1280 : i32 to vector<16xi32>
      %add3A_1282 = arith.addi %iota3A, %add3A_1281 : vector<16xi32>
      %rem3A_1283 = arith.constant 26 : i32
      %rem3A_1284 = vector.broadcast %rem3A_1283 : i32 to vector<16xi32>
      %rem3A_1285 = arith.remsi %add3A_1282, %rem3A_1284 : vector<16xi32>
      %sub3A_1286 = arith.constant 6 : i32
      %sub3A_1287 = vector.broadcast %sub3A_1286 : i32 to vector<16xi32>
      %sub3A_1288 = arith.subi %rem3A_1285, %sub3A_1287 : vector<16xi32>
      %shift_right_arithmetic3A_1289 = arith.constant 31 : i32
      %shift_right_arithmetic3A_1290 = vector.broadcast %shift_right_arithmetic3A_1289 : i32 to vector<16xi32>
      %shift_right_arithmetic3A_1291 = arith.shrsi %sub3A_1288, %shift_right_arithmetic3A_1290 : vector<16xi32>
      %add3A_1292 = arith.constant 3 : i32
      %add3A_1293 = vector.broadcast %add3A_1292 : i32 to vector<16xi32>
      %add3A_1294 = arith.addi %add3A_1293, %shift_right_arithmetic3A_1291 : vector<16xi32>
      %sub3A_1295 = arith.constant 12 : i32
      %sub3A_1296 = vector.broadcast %sub3A_1295 : i32 to vector<16xi32>
      %sub3A_1297 = arith.subi %rem3A_1285, %sub3A_1296 : vector<16xi32>
      %shift_right_arithmetic3A_1298 = arith.constant 31 : i32
      %shift_right_arithmetic3A_1299 = vector.broadcast %shift_right_arithmetic3A_1298 : i32 to vector<16xi32>
      %shift_right_arithmetic3A_1300 = arith.shrsi %sub3A_1297, %shift_right_arithmetic3A_1299 : vector<16xi32>
      %add3A_1301 = arith.addi %add3A_1294, %shift_right_arithmetic3A_1300 : vector<16xi32>
      %sub3A_1302 = arith.constant 18 : i32
      %sub3A_1303 = vector.broadcast %sub3A_1302 : i32 to vector<16xi32>
      %sub3A_1304 = arith.subi %rem3A_1285, %sub3A_1303 : vector<16xi32>
      %shift_right_arithmetic3A_1305 = arith.constant 31 : i32
      %shift_right_arithmetic3A_1306 = vector.broadcast %shift_right_arithmetic3A_1305 : i32 to vector<16xi32>
      %shift_right_arithmetic3A_1307 = arith.shrsi %sub3A_1304, %shift_right_arithmetic3A_1306 : vector<16xi32>
      %add3A_1308 = arith.addi %add3A_1301, %shift_right_arithmetic3A_1307 : vector<16xi32>
      %mul3A_1309 = arith.constant 799994 : i32
      %mul3A_1310 = vector.broadcast %mul3A_1309 : i32 to vector<16xi32>
      %mul3A_1311 = arith.muli %add3A_1308, %mul3A_1310 : vector<16xi32>
      %add3A_1312 = arith.addi %mul3A_1311, %rem3A_1285 : vector<16xi32>
      %get3A_1313 = arith.constant 2 : i32
      %get3A_1314 = arith.index_cast %rem3A_65 : i32 to index
      %get3A_1315 = arith.index_cast %get3A_1313 : i32 to index
      %get3A_1316 = arith.constant 112 : index
      %get3A_1317 = tpu.vector_load %arg5[%get3A_1314, %get3A_1315, %get3A_1316] {strides = array<i32>} : memref<2x4x128xi32, #tpu.memory_space<vmem>>, vector<1x1x16xi32>,
      %get3A_1318 = vector.shape_cast %get3A_1317 : vector<1x1x16xi32> to vector<16xi32>
      %mul3A_1319 = arith.constant 8 : i32
      %mul3A_1320 = vector.broadcast %mul3A_1319 : i32 to vector<16xi32>
      %mul3A_1321 = arith.muli %get3A_1318, %mul3A_1320 : vector<16xi32>
      %add3A_1322 = arith.addi %mul3A_1321, %add3A_1312 : vector<16xi32>
      %swap3A_1323 = arith.constant 2 : i32
      %swap3A_1324 = arith.index_cast %rem3A_65 : i32 to index
      %swap3A_1325 = arith.index_cast %swap3A_1323 : i32 to index
      %swap3A_1326 = arith.constant 112 : index
      %swap3A_1327 = tpu.vector_load %arg5[%swap3A_1324, %swap3A_1325, %swap3A_1326] {strides = array<i32>} : memref<2x4x128xi32, #tpu.memory_space<vmem>>, vector<1x1x16xi32>,
      %swap3A_1328 = vector.shape_cast %swap3A_1327 : vector<1x1x16xi32> to vector<16xi32>
      %swap3A_1329 = vector.shape_cast %add3A_1322 : vector<16xi32> to vector<1x1x16xi32>
      tpu.vector_store %arg5[%swap3A_1324, %swap3A_1325, %swap3A_1326], %swap3A_1329 {strides = array<i32>} : memref<2x4x128xi32, #tpu.memory_space<vmem>>, vector<1x1x16xi32>,
      %add3A_1330 = arith.constant 3 : i32
      %add3A_1331 = arith.addi %add3A_91, %add3A_1330 : i32
      %mul3A_1332 = arith.constant 128 : i32
      %mul3A_1333 = arith.muli %add3A_1331, %mul3A_1332 : i32
      %add3A_1334 = arith.constant 0 : i32
      %add3A_1335 = arith.addi %add3A_1334, %mul3A_1333 : i32
      %add3A_1336 = arith.constant 0 : i32
      %add3A_1337 = arith.addi %add3A_1335, %add3A_1336 : i32
      %add3A_1338 = vector.broadcast %add3A_1337 : i32 to vector<16xi32>
      %add3A_1339 = arith.addi %iota3A, %add3A_1338 : vector<16xi32>
      %rem3A_1340 = arith.constant 26 : i32
      %rem3A_1341 = vector.broadcast %rem3A_1340 : i32 to vector<16xi32>
      %rem3A_1342 = arith.remsi %add3A_1339, %rem3A_1341 : vector<16xi32>
      %sub3A_1343 = arith.constant 6 : i32
      %sub3A_1344 = vector.broadcast %sub3A_1343 : i32 to vector<16xi32>
      %sub3A_1345 = arith.subi %rem3A_1342, %sub3A_1344 : vector<16xi32>
      %shift_right_arithmetic3A_1346 = arith.constant 31 : i32
      %shift_right_arithmetic3A_1347 = vector.broadcast %shift_right_arithmetic3A_1346 : i32 to vector<16xi32>
      %shift_right_arithmetic3A_1348 = arith.shrsi %sub3A_1345, %shift_right_arithmetic3A_1347 : vector<16xi32>
      %add3A_1349 = arith.constant 3 : i32
      %add3A_1350 = vector.broadcast %add3A_1349 : i32 to vector<16xi32>
      %add3A_1351 = arith.addi %add3A_1350, %shift_right_arithmetic3A_1348 : vector<16xi32>
      %sub3A_1352 = arith.constant 12 : i32
      %sub3A_1353 = vector.broadcast %sub3A_1352 : i32 to vector<16xi32>
      %sub3A_1354 = arith.subi %rem3A_1342, %sub3A_1353 : vector<16xi32>
      %shift_right_arithmetic3A_1355 = arith.constant 31 : i32
      %shift_right_arithmetic3A_1356 = vector.broadcast %shift_right_arithmetic3A_1355 : i32 to vector<16xi32>
      %shift_right_arithmetic3A_1357 = arith.shrsi %sub3A_1354, %shift_right_arithmetic3A_1356 : vector<16xi32>
      %add3A_1358 = arith.addi %add3A_1351, %shift_right_arithmetic3A_1357 : vector<16xi32>
      %sub3A_1359 = arith.constant 18 : i32
      %sub3A_1360 = vector.broadcast %sub3A_1359 : i32 to vector<16xi32>
      %sub3A_1361 = arith.subi %rem3A_1342, %sub3A_1360 : vector<16xi32>
      %shift_right_arithmetic3A_1362 = arith.constant 31 : i32
      %shift_right_arithmetic3A_1363 = vector.broadcast %shift_right_arithmetic3A_1362 : i32 to vector<16xi32>
      %shift_right_arithmetic3A_1364 = arith.shrsi %sub3A_1361, %shift_right_arithmetic3A_1363 : vector<16xi32>
      %add3A_1365 = arith.addi %add3A_1358, %shift_right_arithmetic3A_1364 : vector<16xi32>
      %mul3A_1366 = arith.constant 799994 : i32
      %mul3A_1367 = vector.broadcast %mul3A_1366 : i32 to vector<16xi32>
      %mul3A_1368 = arith.muli %add3A_1365, %mul3A_1367 : vector<16xi32>
      %add3A_1369 = arith.addi %mul3A_1368, %rem3A_1342 : vector<16xi32>
      %get3A_1370 = arith.constant 3 : i32
      %get3A_1371 = arith.index_cast %rem3A_65 : i32 to index
      %get3A_1372 = arith.index_cast %get3A_1370 : i32 to index
      %get3A_1373 = arith.constant 0 : index
      %get3A_1374 = tpu.vector_load %arg5[%get3A_1371, %get3A_1372, %get3A_1373] {strides = array<i32>} : memref<2x4x128xi32, #tpu.memory_space<vmem>>, vector<1x1x16xi32>,
      %get3A_1375 = vector.shape_cast %get3A_1374 : vector<1x1x16xi32> to vector<16xi32>
      %mul3A_1376 = arith.constant 8 : i32
      %mul3A_1377 = vector.broadcast %mul3A_1376 : i32 to vector<16xi32>
      %mul3A_1378 = arith.muli %get3A_1375, %mul3A_1377 : vector<16xi32>
      %add3A_1379 = arith.addi %mul3A_1378, %add3A_1369 : vector<16xi32>
      %swap3A_1380 = arith.constant 3 : i32
      %swap3A_1381 = arith.index_cast %rem3A_65 : i32 to index
      %swap3A_1382 = arith.index_cast %swap3A_1380 : i32 to index
      %swap3A_1383 = arith.constant 0 : index
      %swap3A_1384 = tpu.vector_load %arg5[%swap3A_1381, %swap3A_1382, %swap3A_1383] {strides = array<i32>} : memref<2x4x128xi32, #tpu.memory_space<vmem>>, vector<1x1x16xi32>,
      %swap3A_1385 = vector.shape_cast %swap3A_1384 : vector<1x1x16xi32> to vector<16xi32>
      %swap3A_1386 = vector.shape_cast %add3A_1379 : vector<16xi32> to vector<1x1x16xi32>
      tpu.vector_store %arg5[%swap3A_1381, %swap3A_1382, %swap3A_1383], %swap3A_1386 {strides = array<i32>} : memref<2x4x128xi32, #tpu.memory_space<vmem>>, vector<1x1x16xi32>,
      %add3A_1387 = arith.constant 16 : i32
      %add3A_1388 = arith.addi %add3A_1335, %add3A_1387 : i32
      %add3A_1389 = vector.broadcast %add3A_1388 : i32 to vector<16xi32>
      %add3A_1390 = arith.addi %iota3A, %add3A_1389 : vector<16xi32>
      %rem3A_1391 = arith.constant 26 : i32
      %rem3A_1392 = vector.broadcast %rem3A_1391 : i32 to vector<16xi32>
      %rem3A_1393 = arith.remsi %add3A_1390, %rem3A_1392 : vector<16xi32>
      %sub3A_1394 = arith.constant 6 : i32
      %sub3A_1395 = vector.broadcast %sub3A_1394 : i32 to vector<16xi32>
      %sub3A_1396 = arith.subi %rem3A_1393, %sub3A_1395 : vector<16xi32>
      %shift_right_arithmetic3A_1397 = arith.constant 31 : i32
      %shift_right_arithmetic3A_1398 = vector.broadcast %shift_right_arithmetic3A_1397 : i32 to vector<16xi32>
      %shift_right_arithmetic3A_1399 = arith.shrsi %sub3A_1396, %shift_right_arithmetic3A_1398 : vector<16xi32>
      %add3A_1400 = arith.constant 3 : i32
      %add3A_1401 = vector.broadcast %add3A_1400 : i32 to vector<16xi32>
      %add3A_1402 = arith.addi %add3A_1401, %shift_right_arithmetic3A_1399 : vector<16xi32>
      %sub3A_1403 = arith.constant 12 : i32
      %sub3A_1404 = vector.broadcast %sub3A_1403 : i32 to vector<16xi32>
      %sub3A_1405 = arith.subi %rem3A_1393, %sub3A_1404 : vector<16xi32>
      %shift_right_arithmetic3A_1406 = arith.constant 31 : i32
      %shift_right_arithmetic3A_1407 = vector.broadcast %shift_right_arithmetic3A_1406 : i32 to vector<16xi32>
      %shift_right_arithmetic3A_1408 = arith.shrsi %sub3A_1405, %shift_right_arithmetic3A_1407 : vector<16xi32>
      %add3A_1409 = arith.addi %add3A_1402, %shift_right_arithmetic3A_1408 : vector<16xi32>
      %sub3A_1410 = arith.constant 18 : i32
      %sub3A_1411 = vector.broadcast %sub3A_1410 : i32 to vector<16xi32>
      %sub3A_1412 = arith.subi %rem3A_1393, %sub3A_1411 : vector<16xi32>
      %shift_right_arithmetic3A_1413 = arith.constant 31 : i32
      %shift_right_arithmetic3A_1414 = vector.broadcast %shift_right_arithmetic3A_1413 : i32 to vector<16xi32>
      %shift_right_arithmetic3A_1415 = arith.shrsi %sub3A_1412, %shift_right_arithmetic3A_1414 : vector<16xi32>
      %add3A_1416 = arith.addi %add3A_1409, %shift_right_arithmetic3A_1415 : vector<16xi32>
      %mul3A_1417 = arith.constant 799994 : i32
      %mul3A_1418 = vector.broadcast %mul3A_1417 : i32 to vector<16xi32>
      %mul3A_1419 = arith.muli %add3A_1416, %mul3A_1418 : vector<16xi32>
      %add3A_1420 = arith.addi %mul3A_1419, %rem3A_1393 : vector<16xi32>
      %get3A_1421 = arith.constant 3 : i32
      %get3A_1422 = arith.index_cast %rem3A_65 : i32 to index
      %get3A_1423 = arith.index_cast %get3A_1421 : i32 to index
      %get3A_1424 = arith.constant 16 : index
      %get3A_1425 = tpu.vector_load %arg5[%get3A_1422, %get3A_1423, %get3A_1424] {strides = array<i32>} : memref<2x4x128xi32, #tpu.memory_space<vmem>>, vector<1x1x16xi32>,
      %get3A_1426 = vector.shape_cast %get3A_1425 : vector<1x1x16xi32> to vector<16xi32>
      %mul3A_1427 = arith.constant 8 : i32
      %mul3A_1428 = vector.broadcast %mul3A_1427 : i32 to vector<16xi32>
      %mul3A_1429 = arith.muli %get3A_1426, %mul3A_1428 : vector<16xi32>
      %add3A_1430 = arith.addi %mul3A_1429, %add3A_1420 : vector<16xi32>
      %swap3A_1431 = arith.constant 3 : i32
      %swap3A_1432 = arith.index_cast %rem3A_65 : i32 to index
      %swap3A_1433 = arith.index_cast %swap3A_1431 : i32 to index
      %swap3A_1434 = arith.constant 16 : index
      %swap3A_1435 = tpu.vector_load %arg5[%swap3A_1432, %swap3A_1433, %swap3A_1434] {strides = array<i32>} : memref<2x4x128xi32, #tpu.memory_space<vmem>>, vector<1x1x16xi32>,
      %swap3A_1436 = vector.shape_cast %swap3A_1435 : vector<1x1x16xi32> to vector<16xi32>
      %swap3A_1437 = vector.shape_cast %add3A_1430 : vector<16xi32> to vector<1x1x16xi32>
      tpu.vector_store %arg5[%swap3A_1432, %swap3A_1433, %swap3A_1434], %swap3A_1437 {strides = array<i32>} : memref<2x4x128xi32, #tpu.memory_space<vmem>>, vector<1x1x16xi32>,
      %add3A_1438 = arith.constant 32 : i32
      %add3A_1439 = arith.addi %add3A_1335, %add3A_1438 : i32
      %add3A_1440 = vector.broadcast %add3A_1439 : i32 to vector<16xi32>
      %add3A_1441 = arith.addi %iota3A, %add3A_1440 : vector<16xi32>
      %rem3A_1442 = arith.constant 26 : i32
      %rem3A_1443 = vector.broadcast %rem3A_1442 : i32 to vector<16xi32>
      %rem3A_1444 = arith.remsi %add3A_1441, %rem3A_1443 : vector<16xi32>
      %sub3A_1445 = arith.constant 6 : i32
      %sub3A_1446 = vector.broadcast %sub3A_1445 : i32 to vector<16xi32>
      %sub3A_1447 = arith.subi %rem3A_1444, %sub3A_1446 : vector<16xi32>
      %shift_right_arithmetic3A_1448 = arith.constant 31 : i32
      %shift_right_arithmetic3A_1449 = vector.broadcast %shift_right_arithmetic3A_1448 : i32 to vector<16xi32>
      %shift_right_arithmetic3A_1450 = arith.shrsi %sub3A_1447, %shift_right_arithmetic3A_1449 : vector<16xi32>
      %add3A_1451 = arith.constant 3 : i32
      %add3A_1452 = vector.broadcast %add3A_1451 : i32 to vector<16xi32>
      %add3A_1453 = arith.addi %add3A_1452, %shift_right_arithmetic3A_1450 : vector<16xi32>
      %sub3A_1454 = arith.constant 12 : i32
      %sub3A_1455 = vector.broadcast %sub3A_1454 : i32 to vector<16xi32>
      %sub3A_1456 = arith.subi %rem3A_1444, %sub3A_1455 : vector<16xi32>
      %shift_right_arithmetic3A_1457 = arith.constant 31 : i32
      %shift_right_arithmetic3A_1458 = vector.broadcast %shift_right_arithmetic3A_1457 : i32 to vector<16xi32>
      %shift_right_arithmetic3A_1459 = arith.shrsi %sub3A_1456, %shift_right_arithmetic3A_1458 : vector<16xi32>
      %add3A_1460 = arith.addi %add3A_1453, %shift_right_arithmetic3A_1459 : vector<16xi32>
      %sub3A_1461 = arith.constant 18 : i32
      %sub3A_1462 = vector.broadcast %sub3A_1461 : i32 to vector<16xi32>
      %sub3A_1463 = arith.subi %rem3A_1444, %sub3A_1462 : vector<16xi32>
      %shift_right_arithmetic3A_1464 = arith.constant 31 : i32
      %shift_right_arithmetic3A_1465 = vector.broadcast %shift_right_arithmetic3A_1464 : i32 to vector<16xi32>
      %shift_right_arithmetic3A_1466 = arith.shrsi %sub3A_1463, %shift_right_arithmetic3A_1465 : vector<16xi32>
      %add3A_1467 = arith.addi %add3A_1460, %shift_right_arithmetic3A_1466 : vector<16xi32>
      %mul3A_1468 = arith.constant 799994 : i32
      %mul3A_1469 = vector.broadcast %mul3A_1468 : i32 to vector<16xi32>
      %mul3A_1470 = arith.muli %add3A_1467, %mul3A_1469 : vector<16xi32>
      %add3A_1471 = arith.addi %mul3A_1470, %rem3A_1444 : vector<16xi32>
      %get3A_1472 = arith.constant 3 : i32
      %get3A_1473 = arith.index_cast %rem3A_65 : i32 to index
      %get3A_1474 = arith.index_cast %get3A_1472 : i32 to index
      %get3A_1475 = arith.constant 32 : index
      %get3A_1476 = tpu.vector_load %arg5[%get3A_1473, %get3A_1474, %get3A_1475] {strides = array<i32>} : memref<2x4x128xi32, #tpu.memory_space<vmem>>, vector<1x1x16xi32>,
      %get3A_1477 = vector.shape_cast %get3A_1476 : vector<1x1x16xi32> to vector<16xi32>
      %mul3A_1478 = arith.constant 8 : i32
      %mul3A_1479 = vector.broadcast %mul3A_1478 : i32 to vector<16xi32>
      %mul3A_1480 = arith.muli %get3A_1477, %mul3A_1479 : vector<16xi32>
      %add3A_1481 = arith.addi %mul3A_1480, %add3A_1471 : vector<16xi32>
      %swap3A_1482 = arith.constant 3 : i32
      %swap3A_1483 = arith.index_cast %rem3A_65 : i32 to index
      %swap3A_1484 = arith.index_cast %swap3A_1482 : i32 to index
      %swap3A_1485 = arith.constant 32 : index
      %swap3A_1486 = tpu.vector_load %arg5[%swap3A_1483, %swap3A_1484, %swap3A_1485] {strides = array<i32>} : memref<2x4x128xi32, #tpu.memory_space<vmem>>, vector<1x1x16xi32>,
      %swap3A_1487 = vector.shape_cast %swap3A_1486 : vector<1x1x16xi32> to vector<16xi32>
      %swap3A_1488 = vector.shape_cast %add3A_1481 : vector<16xi32> to vector<1x1x16xi32>
      tpu.vector_store %arg5[%swap3A_1483, %swap3A_1484, %swap3A_1485], %swap3A_1488 {strides = array<i32>} : memref<2x4x128xi32, #tpu.memory_space<vmem>>, vector<1x1x16xi32>,
      %add3A_1489 = arith.constant 48 : i32
      %add3A_1490 = arith.addi %add3A_1335, %add3A_1489 : i32
      %add3A_1491 = vector.broadcast %add3A_1490 : i32 to vector<16xi32>
      %add3A_1492 = arith.addi %iota3A, %add3A_1491 : vector<16xi32>
      %rem3A_1493 = arith.constant 26 : i32
      %rem3A_1494 = vector.broadcast %rem3A_1493 : i32 to vector<16xi32>
      %rem3A_1495 = arith.remsi %add3A_1492, %rem3A_1494 : vector<16xi32>
      %sub3A_1496 = arith.constant 6 : i32
      %sub3A_1497 = vector.broadcast %sub3A_1496 : i32 to vector<16xi32>
      %sub3A_1498 = arith.subi %rem3A_1495, %sub3A_1497 : vector<16xi32>
      %shift_right_arithmetic3A_1499 = arith.constant 31 : i32
      %shift_right_arithmetic3A_1500 = vector.broadcast %shift_right_arithmetic3A_1499 : i32 to vector<16xi32>
      %shift_right_arithmetic3A_1501 = arith.shrsi %sub3A_1498, %shift_right_arithmetic3A_1500 : vector<16xi32>
      %add3A_1502 = arith.constant 3 : i32
      %add3A_1503 = vector.broadcast %add3A_1502 : i32 to vector<16xi32>
      %add3A_1504 = arith.addi %add3A_1503, %shift_right_arithmetic3A_1501 : vector<16xi32>
      %sub3A_1505 = arith.constant 12 : i32
      %sub3A_1506 = vector.broadcast %sub3A_1505 : i32 to vector<16xi32>
      %sub3A_1507 = arith.subi %rem3A_1495, %sub3A_1506 : vector<16xi32>
      %shift_right_arithmetic3A_1508 = arith.constant 31 : i32
      %shift_right_arithmetic3A_1509 = vector.broadcast %shift_right_arithmetic3A_1508 : i32 to vector<16xi32>
      %shift_right_arithmetic3A_1510 = arith.shrsi %sub3A_1507, %shift_right_arithmetic3A_1509 : vector<16xi32>
      %add3A_1511 = arith.addi %add3A_1504, %shift_right_arithmetic3A_1510 : vector<16xi32>
      %sub3A_1512 = arith.constant 18 : i32
      %sub3A_1513 = vector.broadcast %sub3A_1512 : i32 to vector<16xi32>
      %sub3A_1514 = arith.subi %rem3A_1495, %sub3A_1513 : vector<16xi32>
      %shift_right_arithmetic3A_1515 = arith.constant 31 : i32
      %shift_right_arithmetic3A_1516 = vector.broadcast %shift_right_arithmetic3A_1515 : i32 to vector<16xi32>
      %shift_right_arithmetic3A_1517 = arith.shrsi %sub3A_1514, %shift_right_arithmetic3A_1516 : vector<16xi32>
      %add3A_1518 = arith.addi %add3A_1511, %shift_right_arithmetic3A_1517 : vector<16xi32>
      %mul3A_1519 = arith.constant 799994 : i32
      %mul3A_1520 = vector.broadcast %mul3A_1519 : i32 to vector<16xi32>
      %mul3A_1521 = arith.muli %add3A_1518, %mul3A_1520 : vector<16xi32>
      %add3A_1522 = arith.addi %mul3A_1521, %rem3A_1495 : vector<16xi32>
      %get3A_1523 = arith.constant 3 : i32
      %get3A_1524 = arith.index_cast %rem3A_65 : i32 to index
      %get3A_1525 = arith.index_cast %get3A_1523 : i32 to index
      %get3A_1526 = arith.constant 48 : index
      %get3A_1527 = tpu.vector_load %arg5[%get3A_1524, %get3A_1525, %get3A_1526] {strides = array<i32>} : memref<2x4x128xi32, #tpu.memory_space<vmem>>, vector<1x1x16xi32>,
      %get3A_1528 = vector.shape_cast %get3A_1527 : vector<1x1x16xi32> to vector<16xi32>
      %mul3A_1529 = arith.constant 8 : i32
      %mul3A_1530 = vector.broadcast %mul3A_1529 : i32 to vector<16xi32>
      %mul3A_1531 = arith.muli %get3A_1528, %mul3A_1530 : vector<16xi32>
      %add3A_1532 = arith.addi %mul3A_1531, %add3A_1522 : vector<16xi32>
      %swap3A_1533 = arith.constant 3 : i32
      %swap3A_1534 = arith.index_cast %rem3A_65 : i32 to index
      %swap3A_1535 = arith.index_cast %swap3A_1533 : i32 to index
      %swap3A_1536 = arith.constant 48 : index
      %swap3A_1537 = tpu.vector_load %arg5[%swap3A_1534, %swap3A_1535, %swap3A_1536] {strides = array<i32>} : memref<2x4x128xi32, #tpu.memory_space<vmem>>, vector<1x1x16xi32>,
      %swap3A_1538 = vector.shape_cast %swap3A_1537 : vector<1x1x16xi32> to vector<16xi32>
      %swap3A_1539 = vector.shape_cast %add3A_1532 : vector<16xi32> to vector<1x1x16xi32>
      tpu.vector_store %arg5[%swap3A_1534, %swap3A_1535, %swap3A_1536], %swap3A_1539 {strides = array<i32>} : memref<2x4x128xi32, #tpu.memory_space<vmem>>, vector<1x1x16xi32>,
      %add3A_1540 = arith.constant 64 : i32
      %add3A_1541 = arith.addi %add3A_1335, %add3A_1540 : i32
      %add3A_1542 = vector.broadcast %add3A_1541 : i32 to vector<16xi32>
      %add3A_1543 = arith.addi %iota3A, %add3A_1542 : vector<16xi32>
      %rem3A_1544 = arith.constant 26 : i32
      %rem3A_1545 = vector.broadcast %rem3A_1544 : i32 to vector<16xi32>
      %rem3A_1546 = arith.remsi %add3A_1543, %rem3A_1545 : vector<16xi32>
      %sub3A_1547 = arith.constant 6 : i32
      %sub3A_1548 = vector.broadcast %sub3A_1547 : i32 to vector<16xi32>
      %sub3A_1549 = arith.subi %rem3A_1546, %sub3A_1548 : vector<16xi32>
      %shift_right_arithmetic3A_1550 = arith.constant 31 : i32
      %shift_right_arithmetic3A_1551 = vector.broadcast %shift_right_arithmetic3A_1550 : i32 to vector<16xi32>
      %shift_right_arithmetic3A_1552 = arith.shrsi %sub3A_1549, %shift_right_arithmetic3A_1551 : vector<16xi32>
      %add3A_1553 = arith.constant 3 : i32
      %add3A_1554 = vector.broadcast %add3A_1553 : i32 to vector<16xi32>
      %add3A_1555 = arith.addi %add3A_1554, %shift_right_arithmetic3A_1552 : vector<16xi32>
      %sub3A_1556 = arith.constant 12 : i32
      %sub3A_1557 = vector.broadcast %sub3A_1556 : i32 to vector<16xi32>
      %sub3A_1558 = arith.subi %rem3A_1546, %sub3A_1557 : vector<16xi32>
      %shift_right_arithmetic3A_1559 = arith.constant 31 : i32
      %shift_right_arithmetic3A_1560 = vector.broadcast %shift_right_arithmetic3A_1559 : i32 to vector<16xi32>
      %shift_right_arithmetic3A_1561 = arith.shrsi %sub3A_1558, %shift_right_arithmetic3A_1560 : vector<16xi32>
      %add3A_1562 = arith.addi %add3A_1555, %shift_right_arithmetic3A_1561 : vector<16xi32>
      %sub3A_1563 = arith.constant 18 : i32
      %sub3A_1564 = vector.broadcast %sub3A_1563 : i32 to vector<16xi32>
      %sub3A_1565 = arith.subi %rem3A_1546, %sub3A_1564 : vector<16xi32>
      %shift_right_arithmetic3A_1566 = arith.constant 31 : i32
      %shift_right_arithmetic3A_1567 = vector.broadcast %shift_right_arithmetic3A_1566 : i32 to vector<16xi32>
      %shift_right_arithmetic3A_1568 = arith.shrsi %sub3A_1565, %shift_right_arithmetic3A_1567 : vector<16xi32>
      %add3A_1569 = arith.addi %add3A_1562, %shift_right_arithmetic3A_1568 : vector<16xi32>
      %mul3A_1570 = arith.constant 799994 : i32
      %mul3A_1571 = vector.broadcast %mul3A_1570 : i32 to vector<16xi32>
      %mul3A_1572 = arith.muli %add3A_1569, %mul3A_1571 : vector<16xi32>
      %add3A_1573 = arith.addi %mul3A_1572, %rem3A_1546 : vector<16xi32>
      %get3A_1574 = arith.constant 3 : i32
      %get3A_1575 = arith.index_cast %rem3A_65 : i32 to index
      %get3A_1576 = arith.index_cast %get3A_1574 : i32 to index
      %get3A_1577 = arith.constant 64 : index
      %get3A_1578 = tpu.vector_load %arg5[%get3A_1575, %get3A_1576, %get3A_1577] {strides = array<i32>} : memref<2x4x128xi32, #tpu.memory_space<vmem>>, vector<1x1x16xi32>,
      %get3A_1579 = vector.shape_cast %get3A_1578 : vector<1x1x16xi32> to vector<16xi32>
      %mul3A_1580 = arith.constant 8 : i32
      %mul3A_1581 = vector.broadcast %mul3A_1580 : i32 to vector<16xi32>
      %mul3A_1582 = arith.muli %get3A_1579, %mul3A_1581 : vector<16xi32>
      %add3A_1583 = arith.addi %mul3A_1582, %add3A_1573 : vector<16xi32>
      %swap3A_1584 = arith.constant 3 : i32
      %swap3A_1585 = arith.index_cast %rem3A_65 : i32 to index
      %swap3A_1586 = arith.index_cast %swap3A_1584 : i32 to index
      %swap3A_1587 = arith.constant 64 : index
      %swap3A_1588 = tpu.vector_load %arg5[%swap3A_1585, %swap3A_1586, %swap3A_1587] {strides = array<i32>} : memref<2x4x128xi32, #tpu.memory_space<vmem>>, vector<1x1x16xi32>,
      %swap3A_1589 = vector.shape_cast %swap3A_1588 : vector<1x1x16xi32> to vector<16xi32>
      %swap3A_1590 = vector.shape_cast %add3A_1583 : vector<16xi32> to vector<1x1x16xi32>
      tpu.vector_store %arg5[%swap3A_1585, %swap3A_1586, %swap3A_1587], %swap3A_1590 {strides = array<i32>} : memref<2x4x128xi32, #tpu.memory_space<vmem>>, vector<1x1x16xi32>,
      %add3A_1591 = arith.constant 80 : i32
      %add3A_1592 = arith.addi %add3A_1335, %add3A_1591 : i32
      %add3A_1593 = vector.broadcast %add3A_1592 : i32 to vector<16xi32>
      %add3A_1594 = arith.addi %iota3A, %add3A_1593 : vector<16xi32>
      %rem3A_1595 = arith.constant 26 : i32
      %rem3A_1596 = vector.broadcast %rem3A_1595 : i32 to vector<16xi32>
      %rem3A_1597 = arith.remsi %add3A_1594, %rem3A_1596 : vector<16xi32>
      %sub3A_1598 = arith.constant 6 : i32
      %sub3A_1599 = vector.broadcast %sub3A_1598 : i32 to vector<16xi32>
      %sub3A_1600 = arith.subi %rem3A_1597, %sub3A_1599 : vector<16xi32>
      %shift_right_arithmetic3A_1601 = arith.constant 31 : i32
      %shift_right_arithmetic3A_1602 = vector.broadcast %shift_right_arithmetic3A_1601 : i32 to vector<16xi32>
      %shift_right_arithmetic3A_1603 = arith.shrsi %sub3A_1600, %shift_right_arithmetic3A_1602 : vector<16xi32>
      %add3A_1604 = arith.constant 3 : i32
      %add3A_1605 = vector.broadcast %add3A_1604 : i32 to vector<16xi32>
      %add3A_1606 = arith.addi %add3A_1605, %shift_right_arithmetic3A_1603 : vector<16xi32>
      %sub3A_1607 = arith.constant 12 : i32
      %sub3A_1608 = vector.broadcast %sub3A_1607 : i32 to vector<16xi32>
      %sub3A_1609 = arith.subi %rem3A_1597, %sub3A_1608 : vector<16xi32>
      %shift_right_arithmetic3A_1610 = arith.constant 31 : i32
      %shift_right_arithmetic3A_1611 = vector.broadcast %shift_right_arithmetic3A_1610 : i32 to vector<16xi32>
      %shift_right_arithmetic3A_1612 = arith.shrsi %sub3A_1609, %shift_right_arithmetic3A_1611 : vector<16xi32>
      %add3A_1613 = arith.addi %add3A_1606, %shift_right_arithmetic3A_1612 : vector<16xi32>
      %sub3A_1614 = arith.constant 18 : i32
      %sub3A_1615 = vector.broadcast %sub3A_1614 : i32 to vector<16xi32>
      %sub3A_1616 = arith.subi %rem3A_1597, %sub3A_1615 : vector<16xi32>
      %shift_right_arithmetic3A_1617 = arith.constant 31 : i32
      %shift_right_arithmetic3A_1618 = vector.broadcast %shift_right_arithmetic3A_1617 : i32 to vector<16xi32>
      %shift_right_arithmetic3A_1619 = arith.shrsi %sub3A_1616, %shift_right_arithmetic3A_1618 : vector<16xi32>
      %add3A_1620 = arith.addi %add3A_1613, %shift_right_arithmetic3A_1619 : vector<16xi32>
      %mul3A_1621 = arith.constant 799994 : i32
      %mul3A_1622 = vector.broadcast %mul3A_1621 : i32 to vector<16xi32>
      %mul3A_1623 = arith.muli %add3A_1620, %mul3A_1622 : vector<16xi32>
      %add3A_1624 = arith.addi %mul3A_1623, %rem3A_1597 : vector<16xi32>
      %get3A_1625 = arith.constant 3 : i32
      %get3A_1626 = arith.index_cast %rem3A_65 : i32 to index
      %get3A_1627 = arith.index_cast %get3A_1625 : i32 to index
      %get3A_1628 = arith.constant 80 : index
      %get3A_1629 = tpu.vector_load %arg5[%get3A_1626, %get3A_1627, %get3A_1628] {strides = array<i32>} : memref<2x4x128xi32, #tpu.memory_space<vmem>>, vector<1x1x16xi32>,
      %get3A_1630 = vector.shape_cast %get3A_1629 : vector<1x1x16xi32> to vector<16xi32>
      %mul3A_1631 = arith.constant 8 : i32
      %mul3A_1632 = vector.broadcast %mul3A_1631 : i32 to vector<16xi32>
      %mul3A_1633 = arith.muli %get3A_1630, %mul3A_1632 : vector<16xi32>
      %add3A_1634 = arith.addi %mul3A_1633, %add3A_1624 : vector<16xi32>
      %swap3A_1635 = arith.constant 3 : i32
      %swap3A_1636 = arith.index_cast %rem3A_65 : i32 to index
      %swap3A_1637 = arith.index_cast %swap3A_1635 : i32 to index
      %swap3A_1638 = arith.constant 80 : index
      %swap3A_1639 = tpu.vector_load %arg5[%swap3A_1636, %swap3A_1637, %swap3A_1638] {strides = array<i32>} : memref<2x4x128xi32, #tpu.memory_space<vmem>>, vector<1x1x16xi32>,
      %swap3A_1640 = vector.shape_cast %swap3A_1639 : vector<1x1x16xi32> to vector<16xi32>
      %swap3A_1641 = vector.shape_cast %add3A_1634 : vector<16xi32> to vector<1x1x16xi32>
      tpu.vector_store %arg5[%swap3A_1636, %swap3A_1637, %swap3A_1638], %swap3A_1641 {strides = array<i32>} : memref<2x4x128xi32, #tpu.memory_space<vmem>>, vector<1x1x16xi32>,
      %add3A_1642 = arith.constant 96 : i32
      %add3A_1643 = arith.addi %add3A_1335, %add3A_1642 : i32
      %add3A_1644 = vector.broadcast %add3A_1643 : i32 to vector<16xi32>
      %add3A_1645 = arith.addi %iota3A, %add3A_1644 : vector<16xi32>
      %rem3A_1646 = arith.constant 26 : i32
      %rem3A_1647 = vector.broadcast %rem3A_1646 : i32 to vector<16xi32>
      %rem3A_1648 = arith.remsi %add3A_1645, %rem3A_1647 : vector<16xi32>
      %sub3A_1649 = arith.constant 6 : i32
      %sub3A_1650 = vector.broadcast %sub3A_1649 : i32 to vector<16xi32>
      %sub3A_1651 = arith.subi %rem3A_1648, %sub3A_1650 : vector<16xi32>
      %shift_right_arithmetic3A_1652 = arith.constant 31 : i32
      %shift_right_arithmetic3A_1653 = vector.broadcast %shift_right_arithmetic3A_1652 : i32 to vector<16xi32>
      %shift_right_arithmetic3A_1654 = arith.shrsi %sub3A_1651, %shift_right_arithmetic3A_1653 : vector<16xi32>
      %add3A_1655 = arith.constant 3 : i32
      %add3A_1656 = vector.broadcast %add3A_1655 : i32 to vector<16xi32>
      %add3A_1657 = arith.addi %add3A_1656, %shift_right_arithmetic3A_1654 : vector<16xi32>
      %sub3A_1658 = arith.constant 12 : i32
      %sub3A_1659 = vector.broadcast %sub3A_1658 : i32 to vector<16xi32>
      %sub3A_1660 = arith.subi %rem3A_1648, %sub3A_1659 : vector<16xi32>
      %shift_right_arithmetic3A_1661 = arith.constant 31 : i32
      %shift_right_arithmetic3A_1662 = vector.broadcast %shift_right_arithmetic3A_1661 : i32 to vector<16xi32>
      %shift_right_arithmetic3A_1663 = arith.shrsi %sub3A_1660, %shift_right_arithmetic3A_1662 : vector<16xi32>
      %add3A_1664 = arith.addi %add3A_1657, %shift_right_arithmetic3A_1663 : vector<16xi32>
      %sub3A_1665 = arith.constant 18 : i32
      %sub3A_1666 = vector.broadcast %sub3A_1665 : i32 to vector<16xi32>
      %sub3A_1667 = arith.subi %rem3A_1648, %sub3A_1666 : vector<16xi32>
      %shift_right_arithmetic3A_1668 = arith.constant 31 : i32
      %shift_right_arithmetic3A_1669 = vector.broadcast %shift_right_arithmetic3A_1668 : i32 to vector<16xi32>
      %shift_right_arithmetic3A_1670 = arith.shrsi %sub3A_1667, %shift_right_arithmetic3A_1669 : vector<16xi32>
      %add3A_1671 = arith.addi %add3A_1664, %shift_right_arithmetic3A_1670 : vector<16xi32>
      %mul3A_1672 = arith.constant 799994 : i32
      %mul3A_1673 = vector.broadcast %mul3A_1672 : i32 to vector<16xi32>
      %mul3A_1674 = arith.muli %add3A_1671, %mul3A_1673 : vector<16xi32>
      %add3A_1675 = arith.addi %mul3A_1674, %rem3A_1648 : vector<16xi32>
      %get3A_1676 = arith.constant 3 : i32
      %get3A_1677 = arith.index_cast %rem3A_65 : i32 to index
      %get3A_1678 = arith.index_cast %get3A_1676 : i32 to index
      %get3A_1679 = arith.constant 96 : index
      %get3A_1680 = tpu.vector_load %arg5[%get3A_1677, %get3A_1678, %get3A_1679] {strides = array<i32>} : memref<2x4x128xi32, #tpu.memory_space<vmem>>, vector<1x1x16xi32>,
      %get3A_1681 = vector.shape_cast %get3A_1680 : vector<1x1x16xi32> to vector<16xi32>
      %mul3A_1682 = arith.constant 8 : i32
      %mul3A_1683 = vector.broadcast %mul3A_1682 : i32 to vector<16xi32>
      %mul3A_1684 = arith.muli %get3A_1681, %mul3A_1683 : vector<16xi32>
      %add3A_1685 = arith.addi %mul3A_1684, %add3A_1675 : vector<16xi32>
      %swap3A_1686 = arith.constant 3 : i32
      %swap3A_1687 = arith.index_cast %rem3A_65 : i32 to index
      %swap3A_1688 = arith.index_cast %swap3A_1686 : i32 to index
      %swap3A_1689 = arith.constant 96 : index
      %swap3A_1690 = tpu.vector_load %arg5[%swap3A_1687, %swap3A_1688, %swap3A_1689] {strides = array<i32>} : memref<2x4x128xi32, #tpu.memory_space<vmem>>, vector<1x1x16xi32>,
      %swap3A_1691 = vector.shape_cast %swap3A_1690 : vector<1x1x16xi32> to vector<16xi32>
      %swap3A_1692 = vector.shape_cast %add3A_1685 : vector<16xi32> to vector<1x1x16xi32>
      tpu.vector_store %arg5[%swap3A_1687, %swap3A_1688, %swap3A_1689], %swap3A_1692 {strides = array<i32>} : memref<2x4x128xi32, #tpu.memory_space<vmem>>, vector<1x1x16xi32>,
      %add3A_1693 = arith.constant 112 : i32
      %add3A_1694 = arith.addi %add3A_1335, %add3A_1693 : i32
      %add3A_1695 = vector.broadcast %add3A_1694 : i32 to vector<16xi32>
      %add3A_1696 = arith.addi %iota3A, %add3A_1695 : vector<16xi32>
      %rem3A_1697 = arith.constant 26 : i32
      %rem3A_1698 = vector.broadcast %rem3A_1697 : i32 to vector<16xi32>
      %rem3A_1699 = arith.remsi %add3A_1696, %rem3A_1698 : vector<16xi32>
      %sub3A_1700 = arith.constant 6 : i32
      %sub3A_1701 = vector.broadcast %sub3A_1700 : i32 to vector<16xi32>
      %sub3A_1702 = arith.subi %rem3A_1699, %sub3A_1701 : vector<16xi32>
      %shift_right_arithmetic3A_1703 = arith.constant 31 : i32
      %shift_right_arithmetic3A_1704 = vector.broadcast %shift_right_arithmetic3A_1703 : i32 to vector<16xi32>
      %shift_right_arithmetic3A_1705 = arith.shrsi %sub3A_1702, %shift_right_arithmetic3A_1704 : vector<16xi32>
      %add3A_1706 = arith.constant 3 : i32
      %add3A_1707 = vector.broadcast %add3A_1706 : i32 to vector<16xi32>
      %add3A_1708 = arith.addi %add3A_1707, %shift_right_arithmetic3A_1705 : vector<16xi32>
      %sub3A_1709 = arith.constant 12 : i32
      %sub3A_1710 = vector.broadcast %sub3A_1709 : i32 to vector<16xi32>
      %sub3A_1711 = arith.subi %rem3A_1699, %sub3A_1710 : vector<16xi32>
      %shift_right_arithmetic3A_1712 = arith.constant 31 : i32
      %shift_right_arithmetic3A_1713 = vector.broadcast %shift_right_arithmetic3A_1712 : i32 to vector<16xi32>
      %shift_right_arithmetic3A_1714 = arith.shrsi %sub3A_1711, %shift_right_arithmetic3A_1713 : vector<16xi32>
      %add3A_1715 = arith.addi %add3A_1708, %shift_right_arithmetic3A_1714 : vector<16xi32>
      %sub3A_1716 = arith.constant 18 : i32
      %sub3A_1717 = vector.broadcast %sub3A_1716 : i32 to vector<16xi32>
      %sub3A_1718 = arith.subi %rem3A_1699, %sub3A_1717 : vector<16xi32>
      %shift_right_arithmetic3A_1719 = arith.constant 31 : i32
      %shift_right_arithmetic3A_1720 = vector.broadcast %shift_right_arithmetic3A_1719 : i32 to vector<16xi32>
      %shift_right_arithmetic3A_1721 = arith.shrsi %sub3A_1718, %shift_right_arithmetic3A_1720 : vector<16xi32>
      %add3A_1722 = arith.addi %add3A_1715, %shift_right_arithmetic3A_1721 : vector<16xi32>
      %mul3A_1723 = arith.constant 799994 : i32
      %mul3A_1724 = vector.broadcast %mul3A_1723 : i32 to vector<16xi32>
      %mul3A_1725 = arith.muli %add3A_1722, %mul3A_1724 : vector<16xi32>
      %add3A_1726 = arith.addi %mul3A_1725, %rem3A_1699 : vector<16xi32>
      %get3A_1727 = arith.constant 3 : i32
      %get3A_1728 = arith.index_cast %rem3A_65 : i32 to index
      %get3A_1729 = arith.index_cast %get3A_1727 : i32 to index
      %get3A_1730 = arith.constant 112 : index
      %get3A_1731 = tpu.vector_load %arg5[%get3A_1728, %get3A_1729, %get3A_1730] {strides = array<i32>} : memref<2x4x128xi32, #tpu.memory_space<vmem>>, vector<1x1x16xi32>,
      %get3A_1732 = vector.shape_cast %get3A_1731 : vector<1x1x16xi32> to vector<16xi32>
      %mul3A_1733 = arith.constant 8 : i32
      %mul3A_1734 = vector.broadcast %mul3A_1733 : i32 to vector<16xi32>
      %mul3A_1735 = arith.muli %get3A_1732, %mul3A_1734 : vector<16xi32>
      %add3A_1736 = arith.addi %mul3A_1735, %add3A_1726 : vector<16xi32>
      %swap3A_1737 = arith.constant 3 : i32
      %swap3A_1738 = arith.index_cast %rem3A_65 : i32 to index
      %swap3A_1739 = arith.index_cast %swap3A_1737 : i32 to index
      %swap3A_1740 = arith.constant 112 : index
      %swap3A_1741 = tpu.vector_load %arg5[%swap3A_1738, %swap3A_1739, %swap3A_1740] {strides = array<i32>} : memref<2x4x128xi32, #tpu.memory_space<vmem>>, vector<1x1x16xi32>,
      %swap3A_1742 = vector.shape_cast %swap3A_1741 : vector<1x1x16xi32> to vector<16xi32>
      %swap3A_1743 = vector.shape_cast %add3A_1736 : vector<16xi32> to vector<1x1x16xi32>
      tpu.vector_store %arg5[%swap3A_1738, %swap3A_1739, %swap3A_1740], %swap3A_1743 {strides = array<i32>} : memref<2x4x128xi32, #tpu.memory_space<vmem>>, vector<1x1x16xi32>,
      %ge3A = arith.constant 2 : i32
      %ge3A_1744 = arith.cmpi sge, %scan3A_64, %ge3A : i32
      %convert_element_type3A_1745 = arith.extui %ge3A_1744 : i1 to i32
      %cond3A_1746 = arith.constant 0 : i32
      %cond3A_1747 = arith.cmpi ne, %convert_element_type3A_1745, %cond3A_1746 : i32
      scf.if %cond3A_1747 {
        %sub3A_1927 = arith.constant 2 : i32
        %sub3A_1928 = arith.subi %scan3A_64, %sub3A_1927 : i32
        %mul3A_1929 = arith.constant 4 : i32
        %mul3A_1930 = arith.muli %sub3A_1928, %mul3A_1929 : i32
        %add3A_1931 = arith.addi %mul3A_2, %mul3A_1930 : i32
        %mul3A_1932 = arith.constant 128 : i32
        %mul3A_1933 = arith.muli %add3A_1931, %mul3A_1932 : i32
        %dma_wait3A_1934 = arith.constant 0 : i32
        %dma_wait3A_1935 = arith.constant 0 : i32
        %dma_wait3A_1936 = tpu.memref_slice %arg6[%rem3A_65, %dma_wait3A_1934, %dma_wait3A_1935] : memref<2x512x16xf32, #tpu.memory_space<vmem>> -> memref<1x512x16xf32, #tpu.memory_space<vmem>>
        %dma_wait3A_1937 = tpu.memref_squeeze %dma_wait3A_1936 : memref<1x512x16xf32, #tpu.memory_space<vmem>> -> memref<512x16xf32, #tpu.memory_space<vmem>>
        %dma_wait3A_1938 = arith.constant 0 : i32
        %dma_wait3A_1939 = tpu.memref_slice %arg4[%mul3A_1933, %dma_wait3A_1938] : memref<212992x16xf32, #tpu.memory_space<hbm>> -> memref<512x16xf32, #tpu.memory_space<hbm>>
        %dma_wait3A_1940 = tpu.memref_slice %arg9[%rem3A_65] : memref<2x!tpu.dma_semaphore, #tpu.memory_space<semaphore_mem>> -> memref<1x!tpu.dma_semaphore, #tpu.memory_space<semaphore_mem>>
        %dma_wait3A_1941 = tpu.memref_squeeze %dma_wait3A_1940 : memref<1x!tpu.dma_semaphore, #tpu.memory_space<semaphore_mem>> -> memref<!tpu.dma_semaphore, #tpu.memory_space<semaphore_mem>>
        %dma_wait3A_1942 = arith.constant 0 : i32
        %dma_wait3A_1943 = tpu.memref_slice %arg4[%mul3A_1933, %dma_wait3A_1942] : memref<212992x16xf32, #tpu.memory_space<hbm>> -> memref<512x16xf32, #tpu.memory_space<hbm>>
        %dma_wait3A_1944 = arith.constant 0 : i32
        %dma_wait3A_1945 = arith.constant 0 : i32
        %dma_wait3A_1946 = tpu.memref_slice %arg6[%rem3A_65, %dma_wait3A_1944, %dma_wait3A_1945] : memref<2x512x16xf32, #tpu.memory_space<vmem>> -> memref<1x512x16xf32, #tpu.memory_space<vmem>>
        %dma_wait3A_1947 = tpu.memref_squeeze %dma_wait3A_1946 : memref<1x512x16xf32, #tpu.memory_space<vmem>> -> memref<512x16xf32, #tpu.memory_space<vmem>>
        tpu.wait_dma2 semaphore(%dma_wait3A_1941 : memref<!tpu.dma_semaphore, #tpu.memory_space<semaphore_mem>>) src(%dma_wait3A_1947 : memref<512x16xf32, #tpu.memory_space<vmem>>) dst(%dma_wait3A_1943 : memref<512x16xf32, #tpu.memory_space<hbm>>)
      } else {
      }
      %dma_start3A_1748 = arith.constant 0 : i32
      %dma_start3A_1749 = arith.constant 0 : i32
      %dma_start3A_1750 = arith.constant 0 : i32
      %dma_start3A_1751 = tpu.memref_slice %arg6[%rem3A_65, %dma_start3A_1749, %dma_start3A_1750] : memref<2x512x16xf32, #tpu.memory_space<vmem>> -> memref<1x512x16xf32, #tpu.memory_space<vmem>>
      %dma_start3A_1752 = tpu.memref_squeeze %dma_start3A_1751 : memref<1x512x16xf32, #tpu.memory_space<vmem>> -> memref<512x16xf32, #tpu.memory_space<vmem>>
      %dma_start3A_1753 = arith.constant 0 : i32
      %dma_start3A_1754 = arith.constant 0 : i32
      %dma_start3A_1755 = tpu.memref_slice %dma_start3A_1752[%dma_start3A_1753, %dma_start3A_1754] : memref<512x16xf32, #tpu.memory_space<vmem>> -> memref<128x16xf32, #tpu.memory_space<vmem>>
      %dma_start3A_1756 = arith.constant 0 : i32
      %dma_start3A_1757 = arith.constant 0 : i32
      %dma_start3A_1758 = tpu.memref_slice %arg5[%rem3A_65, %dma_start3A_1756, %dma_start3A_1757] : memref<2x4x128xi32, #tpu.memory_space<vmem>> -> memref<1x4x128xi32, #tpu.memory_space<vmem>>
      %dma_start3A_1759 = tpu.memref_squeeze %dma_start3A_1758 : memref<1x4x128xi32, #tpu.memory_space<vmem>> -> memref<4x128xi32, #tpu.memory_space<vmem>>
      %dma_start3A_1760 = arith.constant 0 : i32
      %dma_start3A_1761 = tpu.memref_slice %dma_start3A_1759[%dma_start3A_1748, %dma_start3A_1760] : memref<4x128xi32, #tpu.memory_space<vmem>> -> memref<1x128xi32, #tpu.memory_space<vmem>>
      %dma_start3A_1762 = tpu.memref_squeeze %dma_start3A_1761 : memref<1x128xi32, #tpu.memory_space<vmem>> -> memref<128xi32, #tpu.memory_space<vmem>>
      %dma_start3A_1763 = arith.constant 0 : i32
      %dma_start3A_1764 = arith.constant 0 : i32
      %dma_start3A_1765 = tpu.memref_slice %arg3[%dma_start3A_1763, %dma_start3A_1764] : memref<3200000x16xf32, #tpu.memory_space<hbm>> -> memref<3200000x16xf32, #tpu.memory_space<hbm>>
      %dma_start3A_1766 = tpu.memref_slice %arg8[%rem3A_65] : memref<2x!tpu.dma_semaphore, #tpu.memory_space<semaphore_mem>> -> memref<1x!tpu.dma_semaphore, #tpu.memory_space<semaphore_mem>>
      %dma_start3A_1767 = tpu.memref_squeeze %dma_start3A_1766 : memref<1x!tpu.dma_semaphore, #tpu.memory_space<semaphore_mem>> -> memref<!tpu.dma_semaphore, #tpu.memory_space<semaphore_mem>>
      tpu.enqueue_indirect_dma source(%dma_start3A_1765 : memref<3200000x16xf32, #tpu.memory_space<hbm>>) target(%dma_start3A_1755 : memref<128x16xf32, #tpu.memory_space<vmem>>) offsets(%dma_start3A_1762 : memref<128xi32, #tpu.memory_space<vmem>>) semaphore(%dma_start3A_1767 : memref<!tpu.dma_semaphore, #tpu.memory_space<semaphore_mem>>)
      %dma_start3A_1768 = arith.constant 1 : i32
      %dma_start3A_1769 = arith.constant 0 : i32
      %dma_start3A_1770 = arith.constant 0 : i32
      %dma_start3A_1771 = tpu.memref_slice %arg6[%rem3A_65, %dma_start3A_1769, %dma_start3A_1770] : memref<2x512x16xf32, #tpu.memory_space<vmem>> -> memref<1x512x16xf32, #tpu.memory_space<vmem>>
      %dma_start3A_1772 = tpu.memref_squeeze %dma_start3A_1771 : memref<1x512x16xf32, #tpu.memory_space<vmem>> -> memref<512x16xf32, #tpu.memory_space<vmem>>
      %dma_start3A_1773 = arith.constant 128 : i32
      %dma_start3A_1774 = arith.constant 0 : i32
      %dma_start3A_1775 = tpu.memref_slice %dma_start3A_1772[%dma_start3A_1773, %dma_start3A_1774] : memref<512x16xf32, #tpu.memory_space<vmem>> -> memref<128x16xf32, #tpu.memory_space<vmem>>
      %dma_start3A_1776 = arith.constant 0 : i32
      %dma_start3A_1777 = arith.constant 0 : i32
      %dma_start3A_1778 = tpu.memref_slice %arg5[%rem3A_65, %dma_start3A_1776, %dma_start3A_1777] : memref<2x4x128xi32, #tpu.memory_space<vmem>> -> memref<1x4x128xi32, #tpu.memory_space<vmem>>
      %dma_start3A_1779 = tpu.memref_squeeze %dma_start3A_1778 : memref<1x4x128xi32, #tpu.memory_space<vmem>> -> memref<4x128xi32, #tpu.memory_space<vmem>>
      %dma_start3A_1780 = arith.constant 0 : i32
      %dma_start3A_1781 = tpu.memref_slice %dma_start3A_1779[%dma_start3A_1768, %dma_start3A_1780] : memref<4x128xi32, #tpu.memory_space<vmem>> -> memref<1x128xi32, #tpu.memory_space<vmem>>
      %dma_start3A_1782 = tpu.memref_squeeze %dma_start3A_1781 : memref<1x128xi32, #tpu.memory_space<vmem>> -> memref<128xi32, #tpu.memory_space<vmem>>
      %dma_start3A_1783 = arith.constant 0 : i32
      %dma_start3A_1784 = arith.constant 0 : i32
      %dma_start3A_1785 = tpu.memref_slice %arg3[%dma_start3A_1783, %dma_start3A_1784] : memref<3200000x16xf32, #tpu.memory_space<hbm>> -> memref<3200000x16xf32, #tpu.memory_space<hbm>>
      %dma_start3A_1786 = tpu.memref_slice %arg8[%rem3A_65] : memref<2x!tpu.dma_semaphore, #tpu.memory_space<semaphore_mem>> -> memref<1x!tpu.dma_semaphore, #tpu.memory_space<semaphore_mem>>
      %dma_start3A_1787 = tpu.memref_squeeze %dma_start3A_1786 : memref<1x!tpu.dma_semaphore, #tpu.memory_space<semaphore_mem>> -> memref<!tpu.dma_semaphore, #tpu.memory_space<semaphore_mem>>
      tpu.enqueue_indirect_dma source(%dma_start3A_1785 : memref<3200000x16xf32, #tpu.memory_space<hbm>>) target(%dma_start3A_1775 : memref<128x16xf32, #tpu.memory_space<vmem>>) offsets(%dma_start3A_1782 : memref<128xi32, #tpu.memory_space<vmem>>) semaphore(%dma_start3A_1787 : memref<!tpu.dma_semaphore, #tpu.memory_space<semaphore_mem>>)
      %dma_start3A_1788 = arith.constant 2 : i32
      %dma_start3A_1789 = arith.constant 0 : i32
      %dma_start3A_1790 = arith.constant 0 : i32
      %dma_start3A_1791 = tpu.memref_slice %arg6[%rem3A_65, %dma_start3A_1789, %dma_start3A_1790] : memref<2x512x16xf32, #tpu.memory_space<vmem>> -> memref<1x512x16xf32, #tpu.memory_space<vmem>>
      %dma_start3A_1792 = tpu.memref_squeeze %dma_start3A_1791 : memref<1x512x16xf32, #tpu.memory_space<vmem>> -> memref<512x16xf32, #tpu.memory_space<vmem>>
      %dma_start3A_1793 = arith.constant 256 : i32
      %dma_start3A_1794 = arith.constant 0 : i32
      %dma_start3A_1795 = tpu.memref_slice %dma_start3A_1792[%dma_start3A_1793, %dma_start3A_1794] : memref<512x16xf32, #tpu.memory_space<vmem>> -> memref<128x16xf32, #tpu.memory_space<vmem>>
      %dma_start3A_1796 = arith.constant 0 : i32
      %dma_start3A_1797 = arith.constant 0 : i32
      %dma_start3A_1798 = tpu.memref_slice %arg5[%rem3A_65, %dma_start3A_1796, %dma_start3A_1797] : memref<2x4x128xi32, #tpu.memory_space<vmem>> -> memref<1x4x128xi32, #tpu.memory_space<vmem>>
      %dma_start3A_1799 = tpu.memref_squeeze %dma_start3A_1798 : memref<1x4x128xi32, #tpu.memory_space<vmem>> -> memref<4x128xi32, #tpu.memory_space<vmem>>
      %dma_start3A_1800 = arith.constant 0 : i32
      %dma_start3A_1801 = tpu.memref_slice %dma_start3A_1799[%dma_start3A_1788, %dma_start3A_1800] : memref<4x128xi32, #tpu.memory_space<vmem>> -> memref<1x128xi32, #tpu.memory_space<vmem>>
      %dma_start3A_1802 = tpu.memref_squeeze %dma_start3A_1801 : memref<1x128xi32, #tpu.memory_space<vmem>> -> memref<128xi32, #tpu.memory_space<vmem>>
      %dma_start3A_1803 = arith.constant 0 : i32
      %dma_start3A_1804 = arith.constant 0 : i32
      %dma_start3A_1805 = tpu.memref_slice %arg3[%dma_start3A_1803, %dma_start3A_1804] : memref<3200000x16xf32, #tpu.memory_space<hbm>> -> memref<3200000x16xf32, #tpu.memory_space<hbm>>
      %dma_start3A_1806 = tpu.memref_slice %arg8[%rem3A_65] : memref<2x!tpu.dma_semaphore, #tpu.memory_space<semaphore_mem>> -> memref<1x!tpu.dma_semaphore, #tpu.memory_space<semaphore_mem>>
      %dma_start3A_1807 = tpu.memref_squeeze %dma_start3A_1806 : memref<1x!tpu.dma_semaphore, #tpu.memory_space<semaphore_mem>> -> memref<!tpu.dma_semaphore, #tpu.memory_space<semaphore_mem>>
      tpu.enqueue_indirect_dma source(%dma_start3A_1805 : memref<3200000x16xf32, #tpu.memory_space<hbm>>) target(%dma_start3A_1795 : memref<128x16xf32, #tpu.memory_space<vmem>>) offsets(%dma_start3A_1802 : memref<128xi32, #tpu.memory_space<vmem>>) semaphore(%dma_start3A_1807 : memref<!tpu.dma_semaphore, #tpu.memory_space<semaphore_mem>>)
      %dma_start3A_1808 = arith.constant 3 : i32
      %dma_start3A_1809 = arith.constant 0 : i32
      %dma_start3A_1810 = arith.constant 0 : i32
      %dma_start3A_1811 = tpu.memref_slice %arg6[%rem3A_65, %dma_start3A_1809, %dma_start3A_1810] : memref<2x512x16xf32, #tpu.memory_space<vmem>> -> memref<1x512x16xf32, #tpu.memory_space<vmem>>
      %dma_start3A_1812 = tpu.memref_squeeze %dma_start3A_1811 : memref<1x512x16xf32, #tpu.memory_space<vmem>> -> memref<512x16xf32, #tpu.memory_space<vmem>>
      %dma_start3A_1813 = arith.constant 384 : i32
      %dma_start3A_1814 = arith.constant 0 : i32
      %dma_start3A_1815 = tpu.memref_slice %dma_start3A_1812[%dma_start3A_1813, %dma_start3A_1814] : memref<512x16xf32, #tpu.memory_space<vmem>> -> memref<128x16xf32, #tpu.memory_space<vmem>>
      %dma_start3A_1816 = arith.constant 0 : i32
      %dma_start3A_1817 = arith.constant 0 : i32
      %dma_start3A_1818 = tpu.memref_slice %arg5[%rem3A_65, %dma_start3A_1816, %dma_start3A_1817] : memref<2x4x128xi32, #tpu.memory_space<vmem>> -> memref<1x4x128xi32, #tpu.memory_space<vmem>>
      %dma_start3A_1819 = tpu.memref_squeeze %dma_start3A_1818 : memref<1x4x128xi32, #tpu.memory_space<vmem>> -> memref<4x128xi32, #tpu.memory_space<vmem>>
      %dma_start3A_1820 = arith.constant 0 : i32
      %dma_start3A_1821 = tpu.memref_slice %dma_start3A_1819[%dma_start3A_1808, %dma_start3A_1820] : memref<4x128xi32, #tpu.memory_space<vmem>> -> memref<1x128xi32, #tpu.memory_space<vmem>>
      %dma_start3A_1822 = tpu.memref_squeeze %dma_start3A_1821 : memref<1x128xi32, #tpu.memory_space<vmem>> -> memref<128xi32, #tpu.memory_space<vmem>>
      %dma_start3A_1823 = arith.constant 0 : i32
      %dma_start3A_1824 = arith.constant 0 : i32
      %dma_start3A_1825 = tpu.memref_slice %arg3[%dma_start3A_1823, %dma_start3A_1824] : memref<3200000x16xf32, #tpu.memory_space<hbm>> -> memref<3200000x16xf32, #tpu.memory_space<hbm>>
      %dma_start3A_1826 = tpu.memref_slice %arg8[%rem3A_65] : memref<2x!tpu.dma_semaphore, #tpu.memory_space<semaphore_mem>> -> memref<1x!tpu.dma_semaphore, #tpu.memory_space<semaphore_mem>>
      %dma_start3A_1827 = tpu.memref_squeeze %dma_start3A_1826 : memref<1x!tpu.dma_semaphore, #tpu.memory_space<semaphore_mem>> -> memref<!tpu.dma_semaphore, #tpu.memory_space<semaphore_mem>>
      tpu.enqueue_indirect_dma source(%dma_start3A_1825 : memref<3200000x16xf32, #tpu.memory_space<hbm>>) target(%dma_start3A_1815 : memref<128x16xf32, #tpu.memory_space<vmem>>) offsets(%dma_start3A_1822 : memref<128xi32, #tpu.memory_space<vmem>>) semaphore(%dma_start3A_1827 : memref<!tpu.dma_semaphore, #tpu.memory_space<semaphore_mem>>)
      %dma_wait3A_1828 = arith.constant 0 : i32
      %dma_wait3A_1829 = arith.constant 0 : i32
      %dma_wait3A_1830 = arith.constant 0 : i32
      %dma_wait3A_1831 = tpu.memref_slice %arg6[%rem3A_65, %dma_wait3A_1829, %dma_wait3A_1830] : memref<2x512x16xf32, #tpu.memory_space<vmem>> -> memref<1x512x16xf32, #tpu.memory_space<vmem>>
      %dma_wait3A_1832 = tpu.memref_squeeze %dma_wait3A_1831 : memref<1x512x16xf32, #tpu.memory_space<vmem>> -> memref<512x16xf32, #tpu.memory_space<vmem>>
      %dma_wait3A_1833 = arith.constant 0 : i32
      %dma_wait3A_1834 = arith.constant 0 : i32
      %dma_wait3A_1835 = tpu.memref_slice %dma_wait3A_1832[%dma_wait3A_1833, %dma_wait3A_1834] : memref<512x16xf32, #tpu.memory_space<vmem>> -> memref<128x16xf32, #tpu.memory_space<vmem>>
      %dma_wait3A_1836 = arith.constant 0 : i32
      %dma_wait3A_1837 = arith.constant 0 : i32
      %dma_wait3A_1838 = tpu.memref_slice %arg5[%rem3A_65, %dma_wait3A_1836, %dma_wait3A_1837] : memref<2x4x128xi32, #tpu.memory_space<vmem>> -> memref<1x4x128xi32, #tpu.memory_space<vmem>>
      %dma_wait3A_1839 = tpu.memref_squeeze %dma_wait3A_1838 : memref<1x4x128xi32, #tpu.memory_space<vmem>> -> memref<4x128xi32, #tpu.memory_space<vmem>>
      %dma_wait3A_1840 = arith.constant 0 : i32
      %dma_wait3A_1841 = tpu.memref_slice %dma_wait3A_1839[%dma_wait3A_1828, %dma_wait3A_1840] : memref<4x128xi32, #tpu.memory_space<vmem>> -> memref<1x128xi32, #tpu.memory_space<vmem>>
      %dma_wait3A_1842 = tpu.memref_squeeze %dma_wait3A_1841 : memref<1x128xi32, #tpu.memory_space<vmem>> -> memref<128xi32, #tpu.memory_space<vmem>>
      %dma_wait3A_1843 = arith.constant 0 : i32
      %dma_wait3A_1844 = arith.constant 0 : i32
      %dma_wait3A_1845 = tpu.memref_slice %arg3[%dma_wait3A_1843, %dma_wait3A_1844] : memref<3200000x16xf32, #tpu.memory_space<hbm>> -> memref<3200000x16xf32, #tpu.memory_space<hbm>>
      %dma_wait3A_1846 = tpu.memref_slice %arg8[%rem3A_65] : memref<2x!tpu.dma_semaphore, #tpu.memory_space<semaphore_mem>> -> memref<1x!tpu.dma_semaphore, #tpu.memory_space<semaphore_mem>>
      %dma_wait3A_1847 = tpu.memref_squeeze %dma_wait3A_1846 : memref<1x!tpu.dma_semaphore, #tpu.memory_space<semaphore_mem>> -> memref<!tpu.dma_semaphore, #tpu.memory_space<semaphore_mem>>
      tpu.wait_indirect_dma semaphore(%dma_wait3A_1847 : memref<!tpu.dma_semaphore, #tpu.memory_space<semaphore_mem>>) src(%dma_wait3A_1845 : memref<3200000x16xf32, #tpu.memory_space<hbm>>) dst(%dma_wait3A_1835 : memref<128x16xf32, #tpu.memory_space<vmem>>)
      %dma_wait3A_1848 = arith.constant 1 : i32
      %dma_wait3A_1849 = arith.constant 0 : i32
      %dma_wait3A_1850 = arith.constant 0 : i32
      %dma_wait3A_1851 = tpu.memref_slice %arg6[%rem3A_65, %dma_wait3A_1849, %dma_wait3A_1850] : memref<2x512x16xf32, #tpu.memory_space<vmem>> -> memref<1x512x16xf32, #tpu.memory_space<vmem>>
      %dma_wait3A_1852 = tpu.memref_squeeze %dma_wait3A_1851 : memref<1x512x16xf32, #tpu.memory_space<vmem>> -> memref<512x16xf32, #tpu.memory_space<vmem>>
      %dma_wait3A_1853 = arith.constant 128 : i32
      %dma_wait3A_1854 = arith.constant 0 : i32
      %dma_wait3A_1855 = tpu.memref_slice %dma_wait3A_1852[%dma_wait3A_1853, %dma_wait3A_1854] : memref<512x16xf32, #tpu.memory_space<vmem>> -> memref<128x16xf32, #tpu.memory_space<vmem>>
      %dma_wait3A_1856 = arith.constant 0 : i32
      %dma_wait3A_1857 = arith.constant 0 : i32
      %dma_wait3A_1858 = tpu.memref_slice %arg5[%rem3A_65, %dma_wait3A_1856, %dma_wait3A_1857] : memref<2x4x128xi32, #tpu.memory_space<vmem>> -> memref<1x4x128xi32, #tpu.memory_space<vmem>>
      %dma_wait3A_1859 = tpu.memref_squeeze %dma_wait3A_1858 : memref<1x4x128xi32, #tpu.memory_space<vmem>> -> memref<4x128xi32, #tpu.memory_space<vmem>>
      %dma_wait3A_1860 = arith.constant 0 : i32
      %dma_wait3A_1861 = tpu.memref_slice %dma_wait3A_1859[%dma_wait3A_1848, %dma_wait3A_1860] : memref<4x128xi32, #tpu.memory_space<vmem>> -> memref<1x128xi32, #tpu.memory_space<vmem>>
      %dma_wait3A_1862 = tpu.memref_squeeze %dma_wait3A_1861 : memref<1x128xi32, #tpu.memory_space<vmem>> -> memref<128xi32, #tpu.memory_space<vmem>>
      %dma_wait3A_1863 = arith.constant 0 : i32
      %dma_wait3A_1864 = arith.constant 0 : i32
      %dma_wait3A_1865 = tpu.memref_slice %arg3[%dma_wait3A_1863, %dma_wait3A_1864] : memref<3200000x16xf32, #tpu.memory_space<hbm>> -> memref<3200000x16xf32, #tpu.memory_space<hbm>>
      %dma_wait3A_1866 = tpu.memref_slice %arg8[%rem3A_65] : memref<2x!tpu.dma_semaphore, #tpu.memory_space<semaphore_mem>> -> memref<1x!tpu.dma_semaphore, #tpu.memory_space<semaphore_mem>>
      %dma_wait3A_1867 = tpu.memref_squeeze %dma_wait3A_1866 : memref<1x!tpu.dma_semaphore, #tpu.memory_space<semaphore_mem>> -> memref<!tpu.dma_semaphore, #tpu.memory_space<semaphore_mem>>
      tpu.wait_indirect_dma semaphore(%dma_wait3A_1867 : memref<!tpu.dma_semaphore, #tpu.memory_space<semaphore_mem>>) src(%dma_wait3A_1865 : memref<3200000x16xf32, #tpu.memory_space<hbm>>) dst(%dma_wait3A_1855 : memref<128x16xf32, #tpu.memory_space<vmem>>)
      %dma_wait3A_1868 = arith.constant 2 : i32
      %dma_wait3A_1869 = arith.constant 0 : i32
      %dma_wait3A_1870 = arith.constant 0 : i32
      %dma_wait3A_1871 = tpu.memref_slice %arg6[%rem3A_65, %dma_wait3A_1869, %dma_wait3A_1870] : memref<2x512x16xf32, #tpu.memory_space<vmem>> -> memref<1x512x16xf32, #tpu.memory_space<vmem>>
      %dma_wait3A_1872 = tpu.memref_squeeze %dma_wait3A_1871 : memref<1x512x16xf32, #tpu.memory_space<vmem>> -> memref<512x16xf32, #tpu.memory_space<vmem>>
      %dma_wait3A_1873 = arith.constant 256 : i32
      %dma_wait3A_1874 = arith.constant 0 : i32
      %dma_wait3A_1875 = tpu.memref_slice %dma_wait3A_1872[%dma_wait3A_1873, %dma_wait3A_1874] : memref<512x16xf32, #tpu.memory_space<vmem>> -> memref<128x16xf32, #tpu.memory_space<vmem>>
      %dma_wait3A_1876 = arith.constant 0 : i32
      %dma_wait3A_1877 = arith.constant 0 : i32
      %dma_wait3A_1878 = tpu.memref_slice %arg5[%rem3A_65, %dma_wait3A_1876, %dma_wait3A_1877] : memref<2x4x128xi32, #tpu.memory_space<vmem>> -> memref<1x4x128xi32, #tpu.memory_space<vmem>>
      %dma_wait3A_1879 = tpu.memref_squeeze %dma_wait3A_1878 : memref<1x4x128xi32, #tpu.memory_space<vmem>> -> memref<4x128xi32, #tpu.memory_space<vmem>>
      %dma_wait3A_1880 = arith.constant 0 : i32
      %dma_wait3A_1881 = tpu.memref_slice %dma_wait3A_1879[%dma_wait3A_1868, %dma_wait3A_1880] : memref<4x128xi32, #tpu.memory_space<vmem>> -> memref<1x128xi32, #tpu.memory_space<vmem>>
      %dma_wait3A_1882 = tpu.memref_squeeze %dma_wait3A_1881 : memref<1x128xi32, #tpu.memory_space<vmem>> -> memref<128xi32, #tpu.memory_space<vmem>>
      %dma_wait3A_1883 = arith.constant 0 : i32
      %dma_wait3A_1884 = arith.constant 0 : i32
      %dma_wait3A_1885 = tpu.memref_slice %arg3[%dma_wait3A_1883, %dma_wait3A_1884] : memref<3200000x16xf32, #tpu.memory_space<hbm>> -> memref<3200000x16xf32, #tpu.memory_space<hbm>>
      %dma_wait3A_1886 = tpu.memref_slice %arg8[%rem3A_65] : memref<2x!tpu.dma_semaphore, #tpu.memory_space<semaphore_mem>> -> memref<1x!tpu.dma_semaphore, #tpu.memory_space<semaphore_mem>>
      %dma_wait3A_1887 = tpu.memref_squeeze %dma_wait3A_1886 : memref<1x!tpu.dma_semaphore, #tpu.memory_space<semaphore_mem>> -> memref<!tpu.dma_semaphore, #tpu.memory_space<semaphore_mem>>
      tpu.wait_indirect_dma semaphore(%dma_wait3A_1887 : memref<!tpu.dma_semaphore, #tpu.memory_space<semaphore_mem>>) src(%dma_wait3A_1885 : memref<3200000x16xf32, #tpu.memory_space<hbm>>) dst(%dma_wait3A_1875 : memref<128x16xf32, #tpu.memory_space<vmem>>)
      %dma_wait3A_1888 = arith.constant 3 : i32
      %dma_wait3A_1889 = arith.constant 0 : i32
      %dma_wait3A_1890 = arith.constant 0 : i32
      %dma_wait3A_1891 = tpu.memref_slice %arg6[%rem3A_65, %dma_wait3A_1889, %dma_wait3A_1890] : memref<2x512x16xf32, #tpu.memory_space<vmem>> -> memref<1x512x16xf32, #tpu.memory_space<vmem>>
      %dma_wait3A_1892 = tpu.memref_squeeze %dma_wait3A_1891 : memref<1x512x16xf32, #tpu.memory_space<vmem>> -> memref<512x16xf32, #tpu.memory_space<vmem>>
      %dma_wait3A_1893 = arith.constant 384 : i32
      %dma_wait3A_1894 = arith.constant 0 : i32
      %dma_wait3A_1895 = tpu.memref_slice %dma_wait3A_1892[%dma_wait3A_1893, %dma_wait3A_1894] : memref<512x16xf32, #tpu.memory_space<vmem>> -> memref<128x16xf32, #tpu.memory_space<vmem>>
      %dma_wait3A_1896 = arith.constant 0 : i32
      %dma_wait3A_1897 = arith.constant 0 : i32
      %dma_wait3A_1898 = tpu.memref_slice %arg5[%rem3A_65, %dma_wait3A_1896, %dma_wait3A_1897] : memref<2x4x128xi32, #tpu.memory_space<vmem>> -> memref<1x4x128xi32, #tpu.memory_space<vmem>>
      %dma_wait3A_1899 = tpu.memref_squeeze %dma_wait3A_1898 : memref<1x4x128xi32, #tpu.memory_space<vmem>> -> memref<4x128xi32, #tpu.memory_space<vmem>>
      %dma_wait3A_1900 = arith.constant 0 : i32
      %dma_wait3A_1901 = tpu.memref_slice %dma_wait3A_1899[%dma_wait3A_1888, %dma_wait3A_1900] : memref<4x128xi32, #tpu.memory_space<vmem>> -> memref<1x128xi32, #tpu.memory_space<vmem>>
      %dma_wait3A_1902 = tpu.memref_squeeze %dma_wait3A_1901 : memref<1x128xi32, #tpu.memory_space<vmem>> -> memref<128xi32, #tpu.memory_space<vmem>>
      %dma_wait3A_1903 = arith.constant 0 : i32
      %dma_wait3A_1904 = arith.constant 0 : i32
      %dma_wait3A_1905 = tpu.memref_slice %arg3[%dma_wait3A_1903, %dma_wait3A_1904] : memref<3200000x16xf32, #tpu.memory_space<hbm>> -> memref<3200000x16xf32, #tpu.memory_space<hbm>>
      %dma_wait3A_1906 = tpu.memref_slice %arg8[%rem3A_65] : memref<2x!tpu.dma_semaphore, #tpu.memory_space<semaphore_mem>> -> memref<1x!tpu.dma_semaphore, #tpu.memory_space<semaphore_mem>>
      %dma_wait3A_1907 = tpu.memref_squeeze %dma_wait3A_1906 : memref<1x!tpu.dma_semaphore, #tpu.memory_space<semaphore_mem>> -> memref<!tpu.dma_semaphore, #tpu.memory_space<semaphore_mem>>
      tpu.wait_indirect_dma semaphore(%dma_wait3A_1907 : memref<!tpu.dma_semaphore, #tpu.memory_space<semaphore_mem>>) src(%dma_wait3A_1905 : memref<3200000x16xf32, #tpu.memory_space<hbm>>) dst(%dma_wait3A_1895 : memref<128x16xf32, #tpu.memory_space<vmem>>)
      %mul3A_1908 = arith.constant 4 : i32
      %mul3A_1909 = arith.muli %scan3A_64, %mul3A_1908 : i32
      %add3A_1910 = arith.addi %mul3A_2, %mul3A_1909 : i32
      %mul3A_1911 = arith.constant 128 : i32
      %mul3A_1912 = arith.muli %add3A_1910, %mul3A_1911 : i32
      %dma_start3A_1913 = arith.constant 0 : i32
      %dma_start3A_1914 = arith.constant 0 : i32
      %dma_start3A_1915 = tpu.memref_slice %arg6[%rem3A_65, %dma_start3A_1913, %dma_start3A_1914] : memref<2x512x16xf32, #tpu.memory_space<vmem>> -> memref<1x512x16xf32, #tpu.memory_space<vmem>>
      %dma_start3A_1916 = tpu.memref_squeeze %dma_start3A_1915 : memref<1x512x16xf32, #tpu.memory_space<vmem>> -> memref<512x16xf32, #tpu.memory_space<vmem>>
      %dma_start3A_1917 = arith.constant 0 : i32
      %dma_start3A_1918 = tpu.memref_slice %arg4[%mul3A_1912, %dma_start3A_1917] : memref<212992x16xf32, #tpu.memory_space<hbm>> -> memref<512x16xf32, #tpu.memory_space<hbm>>
      %dma_start3A_1919 = tpu.memref_slice %arg9[%rem3A_65] : memref<2x!tpu.dma_semaphore, #tpu.memory_space<semaphore_mem>> -> memref<1x!tpu.dma_semaphore, #tpu.memory_space<semaphore_mem>>
      %dma_start3A_1920 = tpu.memref_squeeze %dma_start3A_1919 : memref<1x!tpu.dma_semaphore, #tpu.memory_space<semaphore_mem>> -> memref<!tpu.dma_semaphore, #tpu.memory_space<semaphore_mem>>
      %dma_start3A_1921 = arith.constant 0 : i32
      %dma_start3A_1922 = tpu.memref_slice %arg4[%mul3A_1912, %dma_start3A_1921] : memref<212992x16xf32, #tpu.memory_space<hbm>> -> memref<512x16xf32, #tpu.memory_space<hbm>>
      %dma_start3A_1923 = arith.constant 0 : i32
      %dma_start3A_1924 = arith.constant 0 : i32
      %dma_start3A_1925 = tpu.memref_slice %arg6[%rem3A_65, %dma_start3A_1923, %dma_start3A_1924] : memref<2x512x16xf32, #tpu.memory_space<vmem>> -> memref<1x512x16xf32, #tpu.memory_space<vmem>>
      %dma_start3A_1926 = tpu.memref_squeeze %dma_start3A_1925 : memref<1x512x16xf32, #tpu.memory_space<vmem>> -> memref<512x16xf32, #tpu.memory_space<vmem>>
      tpu.enqueue_dma source(%dma_start3A_1926 : memref<512x16xf32, #tpu.memory_space<vmem>>) target(%dma_start3A_1922 : memref<512x16xf32, #tpu.memory_space<hbm>>) target_semaphore(%dma_start3A_1920 : memref<!tpu.dma_semaphore, #tpu.memory_space<semaphore_mem>>)
    }
    %scan3A_24 = arith.constant 13 : i32
    %add3A_25 = arith.constant 44 : i32
    %add3A_26 = arith.addi %mul3A_2, %add3A_25 : i32
    %mul3A_27 = arith.constant 128 : i32
    %mul3A_28 = arith.muli %add3A_26, %mul3A_27 : i32
    %dma_wait3A = arith.constant 1 : i32
    %dma_wait3A_29 = arith.constant 1 : i32
    %dma_wait3A_30 = arith.constant 0 : i32
    %dma_wait3A_31 = arith.constant 0 : i32
    %dma_wait3A_32 = tpu.memref_slice %arg6[%dma_wait3A, %dma_wait3A_30, %dma_wait3A_31] : memref<2x512x16xf32, #tpu.memory_space<vmem>> -> memref<1x512x16xf32, #tpu.memory_space<vmem>>
    %dma_wait3A_33 = tpu.memref_squeeze %dma_wait3A_32 : memref<1x512x16xf32, #tpu.memory_space<vmem>> -> memref<512x16xf32, #tpu.memory_space<vmem>>
    %dma_wait3A_34 = arith.constant 0 : i32
    %dma_wait3A_35 = tpu.memref_slice %arg4[%mul3A_28, %dma_wait3A_34] : memref<212992x16xf32, #tpu.memory_space<hbm>> -> memref<512x16xf32, #tpu.memory_space<hbm>>
    %dma_wait3A_36 = tpu.memref_slice %arg9[%dma_wait3A_29] : memref<2x!tpu.dma_semaphore, #tpu.memory_space<semaphore_mem>> -> memref<1x!tpu.dma_semaphore, #tpu.memory_space<semaphore_mem>>
    %dma_wait3A_37 = tpu.memref_squeeze %dma_wait3A_36 : memref<1x!tpu.dma_semaphore, #tpu.memory_space<semaphore_mem>> -> memref<!tpu.dma_semaphore, #tpu.memory_space<semaphore_mem>>
    %dma_wait3A_38 = arith.constant 0 : i32
    %dma_wait3A_39 = tpu.memref_slice %arg4[%mul3A_28, %dma_wait3A_38] : memref<212992x16xf32, #tpu.memory_space<hbm>> -> memref<512x16xf32, #tpu.memory_space<hbm>>
    %dma_wait3A_40 = arith.constant 0 : i32
    %dma_wait3A_41 = arith.constant 0 : i32
    %dma_wait3A_42 = tpu.memref_slice %arg6[%dma_wait3A, %dma_wait3A_40, %dma_wait3A_41] : memref<2x512x16xf32, #tpu.memory_space<vmem>> -> memref<1x512x16xf32, #tpu.memory_space<vmem>>
    %dma_wait3A_43 = tpu.memref_squeeze %dma_wait3A_42 : memref<1x512x16xf32, #tpu.memory_space<vmem>> -> memref<512x16xf32, #tpu.memory_space<vmem>>
    tpu.wait_dma2 semaphore(%dma_wait3A_37 : memref<!tpu.dma_semaphore, #tpu.memory_space<semaphore_mem>>) src(%dma_wait3A_43 : memref<512x16xf32, #tpu.memory_space<vmem>>) dst(%dma_wait3A_39 : memref<512x16xf32, #tpu.memory_space<hbm>>)
    %add3A_44 = arith.constant 48 : i32
    %add3A_45 = arith.addi %mul3A_2, %add3A_44 : i32
    %mul3A_46 = arith.constant 128 : i32
    %mul3A_47 = arith.muli %add3A_45, %mul3A_46 : i32
    %dma_wait3A_48 = arith.constant 0 : i32
    %dma_wait3A_49 = arith.constant 0 : i32
    %dma_wait3A_50 = arith.constant 0 : i32
    %dma_wait3A_51 = arith.constant 0 : i32
    %dma_wait3A_52 = tpu.memref_slice %arg6[%dma_wait3A_48, %dma_wait3A_50, %dma_wait3A_51] : memref<2x512x16xf32, #tpu.memory_space<vmem>> -> memref<1x512x16xf32, #tpu.memory_space<vmem>>
    %dma_wait3A_53 = tpu.memref_squeeze %dma_wait3A_52 : memref<1x512x16xf32, #tpu.memory_space<vmem>> -> memref<512x16xf32, #tpu.memory_space<vmem>>
    %dma_wait3A_54 = arith.constant 0 : i32
    %dma_wait3A_55 = tpu.memref_slice %arg4[%mul3A_47, %dma_wait3A_54] : memref<212992x16xf32, #tpu.memory_space<hbm>> -> memref<512x16xf32, #tpu.memory_space<hbm>>
    %dma_wait3A_56 = tpu.memref_slice %arg9[%dma_wait3A_49] : memref<2x!tpu.dma_semaphore, #tpu.memory_space<semaphore_mem>> -> memref<1x!tpu.dma_semaphore, #tpu.memory_space<semaphore_mem>>
    %dma_wait3A_57 = tpu.memref_squeeze %dma_wait3A_56 : memref<1x!tpu.dma_semaphore, #tpu.memory_space<semaphore_mem>> -> memref<!tpu.dma_semaphore, #tpu.memory_space<semaphore_mem>>
    %dma_wait3A_58 = arith.constant 0 : i32
    %dma_wait3A_59 = tpu.memref_slice %arg4[%mul3A_47, %dma_wait3A_58] : memref<212992x16xf32, #tpu.memory_space<hbm>> -> memref<512x16xf32, #tpu.memory_space<hbm>>
    %dma_wait3A_60 = arith.constant 0 : i32
    %dma_wait3A_61 = arith.constant 0 : i32
    %dma_wait3A_62 = tpu.memref_slice %arg6[%dma_wait3A_48, %dma_wait3A_60, %dma_wait3A_61] : memref<2x512x16xf32, #tpu.memory_space<vmem>> -> memref<1x512x16xf32, #tpu.memory_space<vmem>>
    %dma_wait3A_63 = tpu.memref_squeeze %dma_wait3A_62 : memref<1x512x16xf32, #tpu.memory_space<vmem>> -> memref<512x16xf32, #tpu.memory_space<vmem>>
    tpu.wait_dma2 semaphore(%dma_wait3A_57 : memref<!tpu.dma_semaphore, #tpu.memory_space<semaphore_mem>>) src(%dma_wait3A_63 : memref<512x16xf32, #tpu.memory_space<vmem>>) dst(%dma_wait3A_59 : memref<512x16xf32, #tpu.memory_space<hbm>>)
    return
  }
}

#map = affine_map<(d0, d1) -> (0, 0)>
module attributes {stable_mosaic.version = 14 : i64} {
  func.func @k(%arg0: i32, %arg1: i32, %arg2: memref<1664x128xi32, #tpu.memory_space<hbm>>, %arg3: memref<3200000x16xf32, #tpu.memory_space<hbm>>, %arg4: memref<212992x16xf32, #tpu.memory_space<hbm>>, %arg5: memref<2x4x128xi32, #tpu.memory_space<vmem>>, %arg6: memref<2x512x16xf32, #tpu.memory_space<vmem>>, %arg7: memref<2x!tpu.dma_semaphore, #tpu.memory_space<semaphore_mem>>, %arg8: memref<2x!tpu.dma_semaphore, #tpu.memory_space<semaphore_mem>>, %arg9: memref<2x!tpu.dma_semaphore, #tpu.memory_space<semaphore_mem>>) attributes {dimension_semantics = [#tpu.dimension_semantics<core_parallel>, #tpu.dimension_semantics<subcore_parallel>], iteration_bounds = array<i64: 2, 16>, scalar_prefetch = 0 : i64, scratch_operands = 5 : i64, tpu.core_type = #tpu.core_type<sc_vector_subcore>, window_params = [{transform_indices = #map}, {transform_indices = #map}, {transform_indices = #map}]} {
    %mul3A = arith.constant 2 : i32
    %mul3A_0 = arith.muli %arg1, %mul3A : i32
    %add3A = arith.addi %mul3A_0, %arg0 : i32
    %mul3A_1 = arith.constant 52 : i32
    %mul3A_2 = arith.muli %add3A, %mul3A_1 : i32
    %iota3A = tpu.iota {dimensions = array<i32: 0>} : vector<16xi32>
    %add3A_3 = arith.constant 0 : i32
    %add3A_4 = arith.addi %mul3A_2, %add3A_3 : i32
    %dma_start3A = arith.constant 0 : i32
    %dma_start3A_5 = arith.constant 0 : i32
    %dma_start3A_6 = arith.constant 0 : i32
    %dma_start3A_7 = arith.constant 0 : i32
    %dma_start3A_8 = tpu.memref_slice %arg5[%dma_start3A, %dma_start3A_6, %dma_start3A_7] : memref<2x4x128xi32, #tpu.memory_space<vmem>> -> memref<1x4x128xi32, #tpu.memory_space<vmem>>
    %dma_start3A_9 = tpu.memref_squeeze %dma_start3A_8 : memref<1x4x128xi32, #tpu.memory_space<vmem>> -> memref<4x128xi32, #tpu.memory_space<vmem>>
    %dma_start3A_10 = arith.constant 0 : i32
    %dma_start3A_11 = tpu.memref_slice %arg2[%add3A_4, %dma_start3A_10] : memref<1664x128xi32, #tpu.memory_space<hbm>> -> memref<4x128xi32, #tpu.memory_space<hbm>>
    %dma_start3A_12 = tpu.memref_slice %arg7[%dma_start3A_5] : memref<2x!tpu.dma_semaphore, #tpu.memory_space<semaphore_mem>> -> memref<1x!tpu.dma_semaphore, #tpu.memory_space<semaphore_mem>>
    %dma_start3A_13 = tpu.memref_squeeze %dma_start3A_12 : memref<1x!tpu.dma_semaphore, #tpu.memory_space<semaphore_mem>> -> memref<!tpu.dma_semaphore, #tpu.memory_space<semaphore_mem>>
    %dma_start3A_14 = arith.constant 0 : i32
    %dma_start3A_15 = arith.constant 0 : i32
    %dma_start3A_16 = tpu.memref_slice %arg5[%dma_start3A, %dma_start3A_14, %dma_start3A_15] : memref<2x4x128xi32, #tpu.memory_space<vmem>> -> memref<1x4x128xi32, #tpu.memory_space<vmem>>
    %dma_start3A_17 = tpu.memref_squeeze %dma_start3A_16 : memref<1x4x128xi32, #tpu.memory_space<vmem>> -> memref<4x128xi32, #tpu.memory_space<vmem>>
    %dma_start3A_18 = arith.constant 0 : i32
    %dma_start3A_19 = tpu.memref_slice %arg2[%add3A_4, %dma_start3A_18] : memref<1664x128xi32, #tpu.memory_space<hbm>> -> memref<4x128xi32, #tpu.memory_space<hbm>>
    tpu.enqueue_dma source(%dma_start3A_19 : memref<4x128xi32, #tpu.memory_space<hbm>>) target(%dma_start3A_17 : memref<4x128xi32, #tpu.memory_space<vmem>>) target_semaphore(%dma_start3A_13 : memref<!tpu.dma_semaphore, #tpu.memory_space<semaphore_mem>>)
    %scan3A = arith.constant 0 : i32
    %scan3A_20 = arith.constant 0 : i32
    %scan3A_21 = arith.constant 13 : i32
    %scan3A_22 = arith.addi %scan3A_20, %scan3A_21 : i32
    %scan3A_23 = arith.constant 1 : i32
    scf.for %scan3A_64 = %scan3A_20 to %scan3A_22 step %scan3A_23  : i32 {
      %rem3A = arith.constant 2 : i32
      %rem3A_65 = arith.remsi %scan3A_64, %rem3A : i32
      %add3A_66 = arith.constant 1 : i32
      %add3A_67 = arith.addi %scan3A_64, %add3A_66 : i32
      %rem3A_68 = arith.constant 2 : i32
      %rem3A_69 = arith.remsi %add3A_67, %rem3A_68 : i32
      %lt3A = arith.constant 12 : i32
      %lt3A_70 = arith.cmpi slt, %scan3A_64, %lt3A : i32
      %convert_element_type3A = arith.extui %lt3A_70 : i1 to i32
      %cond3A = arith.constant 0 : i32
      %cond3A_71 = arith.cmpi ne, %convert_element_type3A, %cond3A : i32
      scf.if %cond3A_71 {
        %add3A_1927 = arith.constant 1 : i32
        %add3A_1928 = arith.addi %scan3A_64, %add3A_1927 : i32
        %mul3A_1929 = arith.constant 4 : i32
        %mul3A_1930 = arith.muli %add3A_1928, %mul3A_1929 : i32
        %add3A_1931 = arith.addi %mul3A_2, %mul3A_1930 : i32
        %dma_start3A_1932 = arith.constant 0 : i32
        %dma_start3A_1933 = arith.constant 0 : i32
        %dma_start3A_1934 = tpu.memref_slice %arg5[%rem3A_69, %dma_start3A_1932, %dma_start3A_1933] : memref<2x4x128xi32, #tpu.memory_space<vmem>> -> memref<1x4x128xi32, #tpu.memory_space<vmem>>
        %dma_start3A_1935 = tpu.memref_squeeze %dma_start3A_1934 : memref<1x4x128xi32, #tpu.memory_space<vmem>> -> memref<4x128xi32, #tpu.memory_space<vmem>>
        %dma_start3A_1936 = arith.constant 0 : i32
        %dma_start3A_1937 = tpu.memref_slice %arg2[%add3A_1931, %dma_start3A_1936] : memref<1664x128xi32, #tpu.memory_space<hbm>> -> memref<4x128xi32, #tpu.memory_space<hbm>>
        %dma_start3A_1938 = tpu.memref_slice %arg7[%rem3A_69] : memref<2x!tpu.dma_semaphore, #tpu.memory_space<semaphore_mem>> -> memref<1x!tpu.dma_semaphore, #tpu.memory_space<semaphore_mem>>
        %dma_start3A_1939 = tpu.memref_squeeze %dma_start3A_1938 : memref<1x!tpu.dma_semaphore, #tpu.memory_space<semaphore_mem>> -> memref<!tpu.dma_semaphore, #tpu.memory_space<semaphore_mem>>
        %dma_start3A_1940 = arith.constant 0 : i32
        %dma_start3A_1941 = arith.constant 0 : i32
        %dma_start3A_1942 = tpu.memref_slice %arg5[%rem3A_69, %dma_start3A_1940, %dma_start3A_1941] : memref<2x4x128xi32, #tpu.memory_space<vmem>> -> memref<1x4x128xi32, #tpu.memory_space<vmem>>
        %dma_start3A_1943 = tpu.memref_squeeze %dma_start3A_1942 : memref<1x4x128xi32, #tpu.memory_space<vmem>> -> memref<4x128xi32, #tpu.memory_space<vmem>>
        %dma_start3A_1944 = arith.constant 0 : i32
        %dma_start3A_1945 = tpu.memref_slice %arg2[%add3A_1931, %dma_start3A_1944] : memref<1664x128xi32, #tpu.memory_space<hbm>> -> memref<4x128xi32, #tpu.memory_space<hbm>>
        tpu.enqueue_dma source(%dma_start3A_1945 : memref<4x128xi32, #tpu.memory_space<hbm>>) target(%dma_start3A_1943 : memref<4x128xi32, #tpu.memory_space<vmem>>) target_semaphore(%dma_start3A_1939 : memref<!tpu.dma_semaphore, #tpu.memory_space<semaphore_mem>>)
      } else {
      }
      %mul3A_72 = arith.constant 4 : i32
      %mul3A_73 = arith.muli %scan3A_64, %mul3A_72 : i32
      %add3A_74 = arith.addi %mul3A_2, %mul3A_73 : i32
      %dma_wait3A_75 = arith.constant 0 : i32
      %dma_wait3A_76 = arith.constant 0 : i32
      %dma_wait3A_77 = tpu.memref_slice %arg5[%rem3A_65, %dma_wait3A_75, %dma_wait3A_76] : memref<2x4x128xi32, #tpu.memory_space<vmem>> -> memref<1x4x128xi32, #tpu.memory_space<vmem>>
      %dma_wait3A_78 = tpu.memref_squeeze %dma_wait3A_77 : memref<1x4x128xi32, #tpu.memory_space<vmem>> -> memref<4x128xi32, #tpu.memory_space<vmem>>
      %dma_wait3A_79 = arith.constant 0 : i32
      %dma_wait3A_80 = tpu.memref_slice %arg2[%add3A_74, %dma_wait3A_79] : memref<1664x128xi32, #tpu.memory_space<hbm>> -> memref<4x128xi32, #tpu.memory_space<hbm>>
      %dma_wait3A_81 = tpu.memref_slice %arg7[%rem3A_65] : memref<2x!tpu.dma_semaphore, #tpu.memory_space<semaphore_mem>> -> memref<1x!tpu.dma_semaphore, #tpu.memory_space<semaphore_mem>>
      %dma_wait3A_82 = tpu.memref_squeeze %dma_wait3A_81 : memref<1x!tpu.dma_semaphore, #tpu.memory_space<semaphore_mem>> -> memref<!tpu.dma_semaphore, #tpu.memory_space<semaphore_mem>>
      %dma_wait3A_83 = arith.constant 0 : i32
      %dma_wait3A_84 = arith.constant 0 : i32
      %dma_wait3A_85 = tpu.memref_slice %arg5[%rem3A_65, %dma_wait3A_83, %dma_wait3A_84] : memref<2x4x128xi32, #tpu.memory_space<vmem>> -> memref<1x4x128xi32, #tpu.memory_space<vmem>>
      %dma_wait3A_86 = tpu.memref_squeeze %dma_wait3A_85 : memref<1x4x128xi32, #tpu.memory_space<vmem>> -> memref<4x128xi32, #tpu.memory_space<vmem>>
      %dma_wait3A_87 = arith.constant 0 : i32
      %dma_wait3A_88 = tpu.memref_slice %arg2[%add3A_74, %dma_wait3A_87] : memref<1664x128xi32, #tpu.memory_space<hbm>> -> memref<4x128xi32, #tpu.memory_space<hbm>>
      tpu.wait_dma2 semaphore(%dma_wait3A_82 : memref<!tpu.dma_semaphore, #tpu.memory_space<semaphore_mem>>) src(%dma_wait3A_88 : memref<4x128xi32, #tpu.memory_space<hbm>>) dst(%dma_wait3A_86 : memref<4x128xi32, #tpu.memory_space<vmem>>)
      %mul3A_89 = arith.constant 4 : i32
      %mul3A_90 = arith.muli %scan3A_64, %mul3A_89 : i32
      %add3A_91 = arith.addi %mul3A_2, %mul3A_90 : i32
      %add3A_92 = arith.constant 0 : i32
      %add3A_93 = arith.addi %add3A_91, %add3A_92 : i32
      %mul3A_94 = arith.constant 128 : i32
      %mul3A_95 = arith.muli %add3A_93, %mul3A_94 : i32
      %add3A_96 = arith.constant 212992 : i32
      %add3A_97 = arith.addi %add3A_96, %mul3A_95 : i32
      %add3A_98 = arith.constant 0 : i32
      %add3A_99 = arith.addi %add3A_97, %add3A_98 : i32
      %add3A_100 = vector.broadcast %add3A_99 : i32 to vector<16xi32>
      %add3A_101 = arith.addi %iota3A, %add3A_100 : vector<16xi32>
      %rem3A_102 = arith.constant 26 : i32
      %rem3A_103 = vector.broadcast %rem3A_102 : i32 to vector<16xi32>
      %rem3A_104 = arith.remsi %add3A_101, %rem3A_103 : vector<16xi32>
      %sub3A = arith.constant 6 : i32
      %sub3A_105 = vector.broadcast %sub3A : i32 to vector<16xi32>
      %sub3A_106 = arith.subi %rem3A_104, %sub3A_105 : vector<16xi32>
      %shift_right_arithmetic3A = arith.constant 31 : i32
      %shift_right_arithmetic3A_107 = vector.broadcast %shift_right_arithmetic3A : i32 to vector<16xi32>
      %shift_right_arithmetic3A_108 = arith.shrsi %sub3A_106, %shift_right_arithmetic3A_107 : vector<16xi32>
      %add3A_109 = arith.constant 3 : i32
      %add3A_110 = vector.broadcast %add3A_109 : i32 to vector<16xi32>
      %add3A_111 = arith.addi %add3A_110, %shift_right_arithmetic3A_108 : vector<16xi32>
      %sub3A_112 = arith.constant 12 : i32
      %sub3A_113 = vector.broadcast %sub3A_112 : i32 to vector<16xi32>
      %sub3A_114 = arith.subi %rem3A_104, %sub3A_113 : vector<16xi32>
      %shift_right_arithmetic3A_115 = arith.constant 31 : i32
      %shift_right_arithmetic3A_116 = vector.broadcast %shift_right_arithmetic3A_115 : i32 to vector<16xi32>
      %shift_right_arithmetic3A_117 = arith.shrsi %sub3A_114, %shift_right_arithmetic3A_116 : vector<16xi32>
      %add3A_118 = arith.addi %add3A_111, %shift_right_arithmetic3A_117 : vector<16xi32>
      %sub3A_119 = arith.constant 18 : i32
      %sub3A_120 = vector.broadcast %sub3A_119 : i32 to vector<16xi32>
      %sub3A_121 = arith.subi %rem3A_104, %sub3A_120 : vector<16xi32>
      %shift_right_arithmetic3A_122 = arith.constant 31 : i32
      %shift_right_arithmetic3A_123 = vector.broadcast %shift_right_arithmetic3A_122 : i32 to vector<16xi32>
      %shift_right_arithmetic3A_124 = arith.shrsi %sub3A_121, %shift_right_arithmetic3A_123 : vector<16xi32>
      %add3A_125 = arith.addi %add3A_118, %shift_right_arithmetic3A_124 : vector<16xi32>
      %mul3A_126 = arith.constant 799994 : i32
      %mul3A_127 = vector.broadcast %mul3A_126 : i32 to vector<16xi32>
      %mul3A_128 = arith.muli %add3A_125, %mul3A_127 : vector<16xi32>
      %add3A_129 = arith.addi %mul3A_128, %rem3A_104 : vector<16xi32>
      %get3A = arith.constant 0 : i32
      %get3A_130 = arith.index_cast %rem3A_65 : i32 to index
      %get3A_131 = arith.index_cast %get3A : i32 to index
      %get3A_132 = arith.constant 0 : index
      %get3A_133 = tpu.vector_load %arg5[%get3A_130, %get3A_131, %get3A_132] {strides = array<i32>} : memref<2x4x128xi32, #tpu.memory_space<vmem>>, vector<1x1x16xi32>,
      %get3A_134 = vector.shape_cast %get3A_133 : vector<1x1x16xi32> to vector<16xi32>
      %mul3A_135 = arith.constant 8 : i32
      %mul3A_136 = vector.broadcast %mul3A_135 : i32 to vector<16xi32>
      %mul3A_137 = arith.muli %get3A_134, %mul3A_136 : vector<16xi32>
      %add3A_138 = arith.addi %mul3A_137, %add3A_129 : vector<16xi32>
      %swap3A = arith.constant 0 : i32
      %swap3A_139 = arith.index_cast %rem3A_65 : i32 to index
      %swap3A_140 = arith.index_cast %swap3A : i32 to index
      %swap3A_141 = arith.constant 0 : index
      %swap3A_142 = tpu.vector_load %arg5[%swap3A_139, %swap3A_140, %swap3A_141] {strides = array<i32>} : memref<2x4x128xi32, #tpu.memory_space<vmem>>, vector<1x1x16xi32>,
      %swap3A_143 = vector.shape_cast %swap3A_142 : vector<1x1x16xi32> to vector<16xi32>
      %swap3A_144 = vector.shape_cast %add3A_138 : vector<16xi32> to vector<1x1x16xi32>
      tpu.vector_store %arg5[%swap3A_139, %swap3A_140, %swap3A_141], %swap3A_144 {strides = array<i32>} : memref<2x4x128xi32, #tpu.memory_space<vmem>>, vector<1x1x16xi32>,
      %add3A_145 = arith.constant 16 : i32
      %add3A_146 = arith.addi %add3A_97, %add3A_145 : i32
      %add3A_147 = vector.broadcast %add3A_146 : i32 to vector<16xi32>
      %add3A_148 = arith.addi %iota3A, %add3A_147 : vector<16xi32>
      %rem3A_149 = arith.constant 26 : i32
      %rem3A_150 = vector.broadcast %rem3A_149 : i32 to vector<16xi32>
      %rem3A_151 = arith.remsi %add3A_148, %rem3A_150 : vector<16xi32>
      %sub3A_152 = arith.constant 6 : i32
      %sub3A_153 = vector.broadcast %sub3A_152 : i32 to vector<16xi32>
      %sub3A_154 = arith.subi %rem3A_151, %sub3A_153 : vector<16xi32>
      %shift_right_arithmetic3A_155 = arith.constant 31 : i32
      %shift_right_arithmetic3A_156 = vector.broadcast %shift_right_arithmetic3A_155 : i32 to vector<16xi32>
      %shift_right_arithmetic3A_157 = arith.shrsi %sub3A_154, %shift_right_arithmetic3A_156 : vector<16xi32>
      %add3A_158 = arith.constant 3 : i32
      %add3A_159 = vector.broadcast %add3A_158 : i32 to vector<16xi32>
      %add3A_160 = arith.addi %add3A_159, %shift_right_arithmetic3A_157 : vector<16xi32>
      %sub3A_161 = arith.constant 12 : i32
      %sub3A_162 = vector.broadcast %sub3A_161 : i32 to vector<16xi32>
      %sub3A_163 = arith.subi %rem3A_151, %sub3A_162 : vector<16xi32>
      %shift_right_arithmetic3A_164 = arith.constant 31 : i32
      %shift_right_arithmetic3A_165 = vector.broadcast %shift_right_arithmetic3A_164 : i32 to vector<16xi32>
      %shift_right_arithmetic3A_166 = arith.shrsi %sub3A_163, %shift_right_arithmetic3A_165 : vector<16xi32>
      %add3A_167 = arith.addi %add3A_160, %shift_right_arithmetic3A_166 : vector<16xi32>
      %sub3A_168 = arith.constant 18 : i32
      %sub3A_169 = vector.broadcast %sub3A_168 : i32 to vector<16xi32>
      %sub3A_170 = arith.subi %rem3A_151, %sub3A_169 : vector<16xi32>
      %shift_right_arithmetic3A_171 = arith.constant 31 : i32
      %shift_right_arithmetic3A_172 = vector.broadcast %shift_right_arithmetic3A_171 : i32 to vector<16xi32>
      %shift_right_arithmetic3A_173 = arith.shrsi %sub3A_170, %shift_right_arithmetic3A_172 : vector<16xi32>
      %add3A_174 = arith.addi %add3A_167, %shift_right_arithmetic3A_173 : vector<16xi32>
      %mul3A_175 = arith.constant 799994 : i32
      %mul3A_176 = vector.broadcast %mul3A_175 : i32 to vector<16xi32>
      %mul3A_177 = arith.muli %add3A_174, %mul3A_176 : vector<16xi32>
      %add3A_178 = arith.addi %mul3A_177, %rem3A_151 : vector<16xi32>
      %get3A_179 = arith.constant 0 : i32
      %get3A_180 = arith.index_cast %rem3A_65 : i32 to index
      %get3A_181 = arith.index_cast %get3A_179 : i32 to index
      %get3A_182 = arith.constant 16 : index
      %get3A_183 = tpu.vector_load %arg5[%get3A_180, %get3A_181, %get3A_182] {strides = array<i32>} : memref<2x4x128xi32, #tpu.memory_space<vmem>>, vector<1x1x16xi32>,
      %get3A_184 = vector.shape_cast %get3A_183 : vector<1x1x16xi32> to vector<16xi32>
      %mul3A_185 = arith.constant 8 : i32
      %mul3A_186 = vector.broadcast %mul3A_185 : i32 to vector<16xi32>
      %mul3A_187 = arith.muli %get3A_184, %mul3A_186 : vector<16xi32>
      %add3A_188 = arith.addi %mul3A_187, %add3A_178 : vector<16xi32>
      %swap3A_189 = arith.constant 0 : i32
      %swap3A_190 = arith.index_cast %rem3A_65 : i32 to index
      %swap3A_191 = arith.index_cast %swap3A_189 : i32 to index
      %swap3A_192 = arith.constant 16 : index
      %swap3A_193 = tpu.vector_load %arg5[%swap3A_190, %swap3A_191, %swap3A_192] {strides = array<i32>} : memref<2x4x128xi32, #tpu.memory_space<vmem>>, vector<1x1x16xi32>,
      %swap3A_194 = vector.shape_cast %swap3A_193 : vector<1x1x16xi32> to vector<16xi32>
      %swap3A_195 = vector.shape_cast %add3A_188 : vector<16xi32> to vector<1x1x16xi32>
      tpu.vector_store %arg5[%swap3A_190, %swap3A_191, %swap3A_192], %swap3A_195 {strides = array<i32>} : memref<2x4x128xi32, #tpu.memory_space<vmem>>, vector<1x1x16xi32>,
      %add3A_196 = arith.constant 32 : i32
      %add3A_197 = arith.addi %add3A_97, %add3A_196 : i32
      %add3A_198 = vector.broadcast %add3A_197 : i32 to vector<16xi32>
      %add3A_199 = arith.addi %iota3A, %add3A_198 : vector<16xi32>
      %rem3A_200 = arith.constant 26 : i32
      %rem3A_201 = vector.broadcast %rem3A_200 : i32 to vector<16xi32>
      %rem3A_202 = arith.remsi %add3A_199, %rem3A_201 : vector<16xi32>
      %sub3A_203 = arith.constant 6 : i32
      %sub3A_204 = vector.broadcast %sub3A_203 : i32 to vector<16xi32>
      %sub3A_205 = arith.subi %rem3A_202, %sub3A_204 : vector<16xi32>
      %shift_right_arithmetic3A_206 = arith.constant 31 : i32
      %shift_right_arithmetic3A_207 = vector.broadcast %shift_right_arithmetic3A_206 : i32 to vector<16xi32>
      %shift_right_arithmetic3A_208 = arith.shrsi %sub3A_205, %shift_right_arithmetic3A_207 : vector<16xi32>
      %add3A_209 = arith.constant 3 : i32
      %add3A_210 = vector.broadcast %add3A_209 : i32 to vector<16xi32>
      %add3A_211 = arith.addi %add3A_210, %shift_right_arithmetic3A_208 : vector<16xi32>
      %sub3A_212 = arith.constant 12 : i32
      %sub3A_213 = vector.broadcast %sub3A_212 : i32 to vector<16xi32>
      %sub3A_214 = arith.subi %rem3A_202, %sub3A_213 : vector<16xi32>
      %shift_right_arithmetic3A_215 = arith.constant 31 : i32
      %shift_right_arithmetic3A_216 = vector.broadcast %shift_right_arithmetic3A_215 : i32 to vector<16xi32>
      %shift_right_arithmetic3A_217 = arith.shrsi %sub3A_214, %shift_right_arithmetic3A_216 : vector<16xi32>
      %add3A_218 = arith.addi %add3A_211, %shift_right_arithmetic3A_217 : vector<16xi32>
      %sub3A_219 = arith.constant 18 : i32
      %sub3A_220 = vector.broadcast %sub3A_219 : i32 to vector<16xi32>
      %sub3A_221 = arith.subi %rem3A_202, %sub3A_220 : vector<16xi32>
      %shift_right_arithmetic3A_222 = arith.constant 31 : i32
      %shift_right_arithmetic3A_223 = vector.broadcast %shift_right_arithmetic3A_222 : i32 to vector<16xi32>
      %shift_right_arithmetic3A_224 = arith.shrsi %sub3A_221, %shift_right_arithmetic3A_223 : vector<16xi32>
      %add3A_225 = arith.addi %add3A_218, %shift_right_arithmetic3A_224 : vector<16xi32>
      %mul3A_226 = arith.constant 799994 : i32
      %mul3A_227 = vector.broadcast %mul3A_226 : i32 to vector<16xi32>
      %mul3A_228 = arith.muli %add3A_225, %mul3A_227 : vector<16xi32>
      %add3A_229 = arith.addi %mul3A_228, %rem3A_202 : vector<16xi32>
      %get3A_230 = arith.constant 0 : i32
      %get3A_231 = arith.index_cast %rem3A_65 : i32 to index
      %get3A_232 = arith.index_cast %get3A_230 : i32 to index
      %get3A_233 = arith.constant 32 : index
      %get3A_234 = tpu.vector_load %arg5[%get3A_231, %get3A_232, %get3A_233] {strides = array<i32>} : memref<2x4x128xi32, #tpu.memory_space<vmem>>, vector<1x1x16xi32>,
      %get3A_235 = vector.shape_cast %get3A_234 : vector<1x1x16xi32> to vector<16xi32>
      %mul3A_236 = arith.constant 8 : i32
      %mul3A_237 = vector.broadcast %mul3A_236 : i32 to vector<16xi32>
      %mul3A_238 = arith.muli %get3A_235, %mul3A_237 : vector<16xi32>
      %add3A_239 = arith.addi %mul3A_238, %add3A_229 : vector<16xi32>
      %swap3A_240 = arith.constant 0 : i32
      %swap3A_241 = arith.index_cast %rem3A_65 : i32 to index
      %swap3A_242 = arith.index_cast %swap3A_240 : i32 to index
      %swap3A_243 = arith.constant 32 : index
      %swap3A_244 = tpu.vector_load %arg5[%swap3A_241, %swap3A_242, %swap3A_243] {strides = array<i32>} : memref<2x4x128xi32, #tpu.memory_space<vmem>>, vector<1x1x16xi32>,
      %swap3A_245 = vector.shape_cast %swap3A_244 : vector<1x1x16xi32> to vector<16xi32>
      %swap3A_246 = vector.shape_cast %add3A_239 : vector<16xi32> to vector<1x1x16xi32>
      tpu.vector_store %arg5[%swap3A_241, %swap3A_242, %swap3A_243], %swap3A_246 {strides = array<i32>} : memref<2x4x128xi32, #tpu.memory_space<vmem>>, vector<1x1x16xi32>,
      %add3A_247 = arith.constant 48 : i32
      %add3A_248 = arith.addi %add3A_97, %add3A_247 : i32
      %add3A_249 = vector.broadcast %add3A_248 : i32 to vector<16xi32>
      %add3A_250 = arith.addi %iota3A, %add3A_249 : vector<16xi32>
      %rem3A_251 = arith.constant 26 : i32
      %rem3A_252 = vector.broadcast %rem3A_251 : i32 to vector<16xi32>
      %rem3A_253 = arith.remsi %add3A_250, %rem3A_252 : vector<16xi32>
      %sub3A_254 = arith.constant 6 : i32
      %sub3A_255 = vector.broadcast %sub3A_254 : i32 to vector<16xi32>
      %sub3A_256 = arith.subi %rem3A_253, %sub3A_255 : vector<16xi32>
      %shift_right_arithmetic3A_257 = arith.constant 31 : i32
      %shift_right_arithmetic3A_258 = vector.broadcast %shift_right_arithmetic3A_257 : i32 to vector<16xi32>
      %shift_right_arithmetic3A_259 = arith.shrsi %sub3A_256, %shift_right_arithmetic3A_258 : vector<16xi32>
      %add3A_260 = arith.constant 3 : i32
      %add3A_261 = vector.broadcast %add3A_260 : i32 to vector<16xi32>
      %add3A_262 = arith.addi %add3A_261, %shift_right_arithmetic3A_259 : vector<16xi32>
      %sub3A_263 = arith.constant 12 : i32
      %sub3A_264 = vector.broadcast %sub3A_263 : i32 to vector<16xi32>
      %sub3A_265 = arith.subi %rem3A_253, %sub3A_264 : vector<16xi32>
      %shift_right_arithmetic3A_266 = arith.constant 31 : i32
      %shift_right_arithmetic3A_267 = vector.broadcast %shift_right_arithmetic3A_266 : i32 to vector<16xi32>
      %shift_right_arithmetic3A_268 = arith.shrsi %sub3A_265, %shift_right_arithmetic3A_267 : vector<16xi32>
      %add3A_269 = arith.addi %add3A_262, %shift_right_arithmetic3A_268 : vector<16xi32>
      %sub3A_270 = arith.constant 18 : i32
      %sub3A_271 = vector.broadcast %sub3A_270 : i32 to vector<16xi32>
      %sub3A_272 = arith.subi %rem3A_253, %sub3A_271 : vector<16xi32>
      %shift_right_arithmetic3A_273 = arith.constant 31 : i32
      %shift_right_arithmetic3A_274 = vector.broadcast %shift_right_arithmetic3A_273 : i32 to vector<16xi32>
      %shift_right_arithmetic3A_275 = arith.shrsi %sub3A_272, %shift_right_arithmetic3A_274 : vector<16xi32>
      %add3A_276 = arith.addi %add3A_269, %shift_right_arithmetic3A_275 : vector<16xi32>
      %mul3A_277 = arith.constant 799994 : i32
      %mul3A_278 = vector.broadcast %mul3A_277 : i32 to vector<16xi32>
      %mul3A_279 = arith.muli %add3A_276, %mul3A_278 : vector<16xi32>
      %add3A_280 = arith.addi %mul3A_279, %rem3A_253 : vector<16xi32>
      %get3A_281 = arith.constant 0 : i32
      %get3A_282 = arith.index_cast %rem3A_65 : i32 to index
      %get3A_283 = arith.index_cast %get3A_281 : i32 to index
      %get3A_284 = arith.constant 48 : index
      %get3A_285 = tpu.vector_load %arg5[%get3A_282, %get3A_283, %get3A_284] {strides = array<i32>} : memref<2x4x128xi32, #tpu.memory_space<vmem>>, vector<1x1x16xi32>,
      %get3A_286 = vector.shape_cast %get3A_285 : vector<1x1x16xi32> to vector<16xi32>
      %mul3A_287 = arith.constant 8 : i32
      %mul3A_288 = vector.broadcast %mul3A_287 : i32 to vector<16xi32>
      %mul3A_289 = arith.muli %get3A_286, %mul3A_288 : vector<16xi32>
      %add3A_290 = arith.addi %mul3A_289, %add3A_280 : vector<16xi32>
      %swap3A_291 = arith.constant 0 : i32
      %swap3A_292 = arith.index_cast %rem3A_65 : i32 to index
      %swap3A_293 = arith.index_cast %swap3A_291 : i32 to index
      %swap3A_294 = arith.constant 48 : index
      %swap3A_295 = tpu.vector_load %arg5[%swap3A_292, %swap3A_293, %swap3A_294] {strides = array<i32>} : memref<2x4x128xi32, #tpu.memory_space<vmem>>, vector<1x1x16xi32>,
      %swap3A_296 = vector.shape_cast %swap3A_295 : vector<1x1x16xi32> to vector<16xi32>
      %swap3A_297 = vector.shape_cast %add3A_290 : vector<16xi32> to vector<1x1x16xi32>
      tpu.vector_store %arg5[%swap3A_292, %swap3A_293, %swap3A_294], %swap3A_297 {strides = array<i32>} : memref<2x4x128xi32, #tpu.memory_space<vmem>>, vector<1x1x16xi32>,
      %add3A_298 = arith.constant 64 : i32
      %add3A_299 = arith.addi %add3A_97, %add3A_298 : i32
      %add3A_300 = vector.broadcast %add3A_299 : i32 to vector<16xi32>
      %add3A_301 = arith.addi %iota3A, %add3A_300 : vector<16xi32>
      %rem3A_302 = arith.constant 26 : i32
      %rem3A_303 = vector.broadcast %rem3A_302 : i32 to vector<16xi32>
      %rem3A_304 = arith.remsi %add3A_301, %rem3A_303 : vector<16xi32>
      %sub3A_305 = arith.constant 6 : i32
      %sub3A_306 = vector.broadcast %sub3A_305 : i32 to vector<16xi32>
      %sub3A_307 = arith.subi %rem3A_304, %sub3A_306 : vector<16xi32>
      %shift_right_arithmetic3A_308 = arith.constant 31 : i32
      %shift_right_arithmetic3A_309 = vector.broadcast %shift_right_arithmetic3A_308 : i32 to vector<16xi32>
      %shift_right_arithmetic3A_310 = arith.shrsi %sub3A_307, %shift_right_arithmetic3A_309 : vector<16xi32>
      %add3A_311 = arith.constant 3 : i32
      %add3A_312 = vector.broadcast %add3A_311 : i32 to vector<16xi32>
      %add3A_313 = arith.addi %add3A_312, %shift_right_arithmetic3A_310 : vector<16xi32>
      %sub3A_314 = arith.constant 12 : i32
      %sub3A_315 = vector.broadcast %sub3A_314 : i32 to vector<16xi32>
      %sub3A_316 = arith.subi %rem3A_304, %sub3A_315 : vector<16xi32>
      %shift_right_arithmetic3A_317 = arith.constant 31 : i32
      %shift_right_arithmetic3A_318 = vector.broadcast %shift_right_arithmetic3A_317 : i32 to vector<16xi32>
      %shift_right_arithmetic3A_319 = arith.shrsi %sub3A_316, %shift_right_arithmetic3A_318 : vector<16xi32>
      %add3A_320 = arith.addi %add3A_313, %shift_right_arithmetic3A_319 : vector<16xi32>
      %sub3A_321 = arith.constant 18 : i32
      %sub3A_322 = vector.broadcast %sub3A_321 : i32 to vector<16xi32>
      %sub3A_323 = arith.subi %rem3A_304, %sub3A_322 : vector<16xi32>
      %shift_right_arithmetic3A_324 = arith.constant 31 : i32
      %shift_right_arithmetic3A_325 = vector.broadcast %shift_right_arithmetic3A_324 : i32 to vector<16xi32>
      %shift_right_arithmetic3A_326 = arith.shrsi %sub3A_323, %shift_right_arithmetic3A_325 : vector<16xi32>
      %add3A_327 = arith.addi %add3A_320, %shift_right_arithmetic3A_326 : vector<16xi32>
      %mul3A_328 = arith.constant 799994 : i32
      %mul3A_329 = vector.broadcast %mul3A_328 : i32 to vector<16xi32>
      %mul3A_330 = arith.muli %add3A_327, %mul3A_329 : vector<16xi32>
      %add3A_331 = arith.addi %mul3A_330, %rem3A_304 : vector<16xi32>
      %get3A_332 = arith.constant 0 : i32
      %get3A_333 = arith.index_cast %rem3A_65 : i32 to index
      %get3A_334 = arith.index_cast %get3A_332 : i32 to index
      %get3A_335 = arith.constant 64 : index
      %get3A_336 = tpu.vector_load %arg5[%get3A_333, %get3A_334, %get3A_335] {strides = array<i32>} : memref<2x4x128xi32, #tpu.memory_space<vmem>>, vector<1x1x16xi32>,
      %get3A_337 = vector.shape_cast %get3A_336 : vector<1x1x16xi32> to vector<16xi32>
      %mul3A_338 = arith.constant 8 : i32
      %mul3A_339 = vector.broadcast %mul3A_338 : i32 to vector<16xi32>
      %mul3A_340 = arith.muli %get3A_337, %mul3A_339 : vector<16xi32>
      %add3A_341 = arith.addi %mul3A_340, %add3A_331 : vector<16xi32>
      %swap3A_342 = arith.constant 0 : i32
      %swap3A_343 = arith.index_cast %rem3A_65 : i32 to index
      %swap3A_344 = arith.index_cast %swap3A_342 : i32 to index
      %swap3A_345 = arith.constant 64 : index
      %swap3A_346 = tpu.vector_load %arg5[%swap3A_343, %swap3A_344, %swap3A_345] {strides = array<i32>} : memref<2x4x128xi32, #tpu.memory_space<vmem>>, vector<1x1x16xi32>,
      %swap3A_347 = vector.shape_cast %swap3A_346 : vector<1x1x16xi32> to vector<16xi32>
      %swap3A_348 = vector.shape_cast %add3A_341 : vector<16xi32> to vector<1x1x16xi32>
      tpu.vector_store %arg5[%swap3A_343, %swap3A_344, %swap3A_345], %swap3A_348 {strides = array<i32>} : memref<2x4x128xi32, #tpu.memory_space<vmem>>, vector<1x1x16xi32>,
      %add3A_349 = arith.constant 80 : i32
      %add3A_350 = arith.addi %add3A_97, %add3A_349 : i32
      %add3A_351 = vector.broadcast %add3A_350 : i32 to vector<16xi32>
      %add3A_352 = arith.addi %iota3A, %add3A_351 : vector<16xi32>
      %rem3A_353 = arith.constant 26 : i32
      %rem3A_354 = vector.broadcast %rem3A_353 : i32 to vector<16xi32>
      %rem3A_355 = arith.remsi %add3A_352, %rem3A_354 : vector<16xi32>
      %sub3A_356 = arith.constant 6 : i32
      %sub3A_357 = vector.broadcast %sub3A_356 : i32 to vector<16xi32>
      %sub3A_358 = arith.subi %rem3A_355, %sub3A_357 : vector<16xi32>
      %shift_right_arithmetic3A_359 = arith.constant 31 : i32
      %shift_right_arithmetic3A_360 = vector.broadcast %shift_right_arithmetic3A_359 : i32 to vector<16xi32>
      %shift_right_arithmetic3A_361 = arith.shrsi %sub3A_358, %shift_right_arithmetic3A_360 : vector<16xi32>
      %add3A_362 = arith.constant 3 : i32
      %add3A_363 = vector.broadcast %add3A_362 : i32 to vector<16xi32>
      %add3A_364 = arith.addi %add3A_363, %shift_right_arithmetic3A_361 : vector<16xi32>
      %sub3A_365 = arith.constant 12 : i32
      %sub3A_366 = vector.broadcast %sub3A_365 : i32 to vector<16xi32>
      %sub3A_367 = arith.subi %rem3A_355, %sub3A_366 : vector<16xi32>
      %shift_right_arithmetic3A_368 = arith.constant 31 : i32
      %shift_right_arithmetic3A_369 = vector.broadcast %shift_right_arithmetic3A_368 : i32 to vector<16xi32>
      %shift_right_arithmetic3A_370 = arith.shrsi %sub3A_367, %shift_right_arithmetic3A_369 : vector<16xi32>
      %add3A_371 = arith.addi %add3A_364, %shift_right_arithmetic3A_370 : vector<16xi32>
      %sub3A_372 = arith.constant 18 : i32
      %sub3A_373 = vector.broadcast %sub3A_372 : i32 to vector<16xi32>
      %sub3A_374 = arith.subi %rem3A_355, %sub3A_373 : vector<16xi32>
      %shift_right_arithmetic3A_375 = arith.constant 31 : i32
      %shift_right_arithmetic3A_376 = vector.broadcast %shift_right_arithmetic3A_375 : i32 to vector<16xi32>
      %shift_right_arithmetic3A_377 = arith.shrsi %sub3A_374, %shift_right_arithmetic3A_376 : vector<16xi32>
      %add3A_378 = arith.addi %add3A_371, %shift_right_arithmetic3A_377 : vector<16xi32>
      %mul3A_379 = arith.constant 799994 : i32
      %mul3A_380 = vector.broadcast %mul3A_379 : i32 to vector<16xi32>
      %mul3A_381 = arith.muli %add3A_378, %mul3A_380 : vector<16xi32>
      %add3A_382 = arith.addi %mul3A_381, %rem3A_355 : vector<16xi32>
      %get3A_383 = arith.constant 0 : i32
      %get3A_384 = arith.index_cast %rem3A_65 : i32 to index
      %get3A_385 = arith.index_cast %get3A_383 : i32 to index
      %get3A_386 = arith.constant 80 : index
      %get3A_387 = tpu.vector_load %arg5[%get3A_384, %get3A_385, %get3A_386] {strides = array<i32>} : memref<2x4x128xi32, #tpu.memory_space<vmem>>, vector<1x1x16xi32>,
      %get3A_388 = vector.shape_cast %get3A_387 : vector<1x1x16xi32> to vector<16xi32>
      %mul3A_389 = arith.constant 8 : i32
      %mul3A_390 = vector.broadcast %mul3A_389 : i32 to vector<16xi32>
      %mul3A_391 = arith.muli %get3A_388, %mul3A_390 : vector<16xi32>
      %add3A_392 = arith.addi %mul3A_391, %add3A_382 : vector<16xi32>
      %swap3A_393 = arith.constant 0 : i32
      %swap3A_394 = arith.index_cast %rem3A_65 : i32 to index
      %swap3A_395 = arith.index_cast %swap3A_393 : i32 to index
      %swap3A_396 = arith.constant 80 : index
      %swap3A_397 = tpu.vector_load %arg5[%swap3A_394, %swap3A_395, %swap3A_396] {strides = array<i32>} : memref<2x4x128xi32, #tpu.memory_space<vmem>>, vector<1x1x16xi32>,
      %swap3A_398 = vector.shape_cast %swap3A_397 : vector<1x1x16xi32> to vector<16xi32>
      %swap3A_399 = vector.shape_cast %add3A_392 : vector<16xi32> to vector<1x1x16xi32>
      tpu.vector_store %arg5[%swap3A_394, %swap3A_395, %swap3A_396], %swap3A_399 {strides = array<i32>} : memref<2x4x128xi32, #tpu.memory_space<vmem>>, vector<1x1x16xi32>,
      %add3A_400 = arith.constant 96 : i32
      %add3A_401 = arith.addi %add3A_97, %add3A_400 : i32
      %add3A_402 = vector.broadcast %add3A_401 : i32 to vector<16xi32>
      %add3A_403 = arith.addi %iota3A, %add3A_402 : vector<16xi32>
      %rem3A_404 = arith.constant 26 : i32
      %rem3A_405 = vector.broadcast %rem3A_404 : i32 to vector<16xi32>
      %rem3A_406 = arith.remsi %add3A_403, %rem3A_405 : vector<16xi32>
      %sub3A_407 = arith.constant 6 : i32
      %sub3A_408 = vector.broadcast %sub3A_407 : i32 to vector<16xi32>
      %sub3A_409 = arith.subi %rem3A_406, %sub3A_408 : vector<16xi32>
      %shift_right_arithmetic3A_410 = arith.constant 31 : i32
      %shift_right_arithmetic3A_411 = vector.broadcast %shift_right_arithmetic3A_410 : i32 to vector<16xi32>
      %shift_right_arithmetic3A_412 = arith.shrsi %sub3A_409, %shift_right_arithmetic3A_411 : vector<16xi32>
      %add3A_413 = arith.constant 3 : i32
      %add3A_414 = vector.broadcast %add3A_413 : i32 to vector<16xi32>
      %add3A_415 = arith.addi %add3A_414, %shift_right_arithmetic3A_412 : vector<16xi32>
      %sub3A_416 = arith.constant 12 : i32
      %sub3A_417 = vector.broadcast %sub3A_416 : i32 to vector<16xi32>
      %sub3A_418 = arith.subi %rem3A_406, %sub3A_417 : vector<16xi32>
      %shift_right_arithmetic3A_419 = arith.constant 31 : i32
      %shift_right_arithmetic3A_420 = vector.broadcast %shift_right_arithmetic3A_419 : i32 to vector<16xi32>
      %shift_right_arithmetic3A_421 = arith.shrsi %sub3A_418, %shift_right_arithmetic3A_420 : vector<16xi32>
      %add3A_422 = arith.addi %add3A_415, %shift_right_arithmetic3A_421 : vector<16xi32>
      %sub3A_423 = arith.constant 18 : i32
      %sub3A_424 = vector.broadcast %sub3A_423 : i32 to vector<16xi32>
      %sub3A_425 = arith.subi %rem3A_406, %sub3A_424 : vector<16xi32>
      %shift_right_arithmetic3A_426 = arith.constant 31 : i32
      %shift_right_arithmetic3A_427 = vector.broadcast %shift_right_arithmetic3A_426 : i32 to vector<16xi32>
      %shift_right_arithmetic3A_428 = arith.shrsi %sub3A_425, %shift_right_arithmetic3A_427 : vector<16xi32>
      %add3A_429 = arith.addi %add3A_422, %shift_right_arithmetic3A_428 : vector<16xi32>
      %mul3A_430 = arith.constant 799994 : i32
      %mul3A_431 = vector.broadcast %mul3A_430 : i32 to vector<16xi32>
      %mul3A_432 = arith.muli %add3A_429, %mul3A_431 : vector<16xi32>
      %add3A_433 = arith.addi %mul3A_432, %rem3A_406 : vector<16xi32>
      %get3A_434 = arith.constant 0 : i32
      %get3A_435 = arith.index_cast %rem3A_65 : i32 to index
      %get3A_436 = arith.index_cast %get3A_434 : i32 to index
      %get3A_437 = arith.constant 96 : index
      %get3A_438 = tpu.vector_load %arg5[%get3A_435, %get3A_436, %get3A_437] {strides = array<i32>} : memref<2x4x128xi32, #tpu.memory_space<vmem>>, vector<1x1x16xi32>,
      %get3A_439 = vector.shape_cast %get3A_438 : vector<1x1x16xi32> to vector<16xi32>
      %mul3A_440 = arith.constant 8 : i32
      %mul3A_441 = vector.broadcast %mul3A_440 : i32 to vector<16xi32>
      %mul3A_442 = arith.muli %get3A_439, %mul3A_441 : vector<16xi32>
      %add3A_443 = arith.addi %mul3A_442, %add3A_433 : vector<16xi32>
      %swap3A_444 = arith.constant 0 : i32
      %swap3A_445 = arith.index_cast %rem3A_65 : i32 to index
      %swap3A_446 = arith.index_cast %swap3A_444 : i32 to index
      %swap3A_447 = arith.constant 96 : index
      %swap3A_448 = tpu.vector_load %arg5[%swap3A_445, %swap3A_446, %swap3A_447] {strides = array<i32>} : memref<2x4x128xi32, #tpu.memory_space<vmem>>, vector<1x1x16xi32>,
      %swap3A_449 = vector.shape_cast %swap3A_448 : vector<1x1x16xi32> to vector<16xi32>
      %swap3A_450 = vector.shape_cast %add3A_443 : vector<16xi32> to vector<1x1x16xi32>
      tpu.vector_store %arg5[%swap3A_445, %swap3A_446, %swap3A_447], %swap3A_450 {strides = array<i32>} : memref<2x4x128xi32, #tpu.memory_space<vmem>>, vector<1x1x16xi32>,
      %add3A_451 = arith.constant 112 : i32
      %add3A_452 = arith.addi %add3A_97, %add3A_451 : i32
      %add3A_453 = vector.broadcast %add3A_452 : i32 to vector<16xi32>
      %add3A_454 = arith.addi %iota3A, %add3A_453 : vector<16xi32>
      %rem3A_455 = arith.constant 26 : i32
      %rem3A_456 = vector.broadcast %rem3A_455 : i32 to vector<16xi32>
      %rem3A_457 = arith.remsi %add3A_454, %rem3A_456 : vector<16xi32>
      %sub3A_458 = arith.constant 6 : i32
      %sub3A_459 = vector.broadcast %sub3A_458 : i32 to vector<16xi32>
      %sub3A_460 = arith.subi %rem3A_457, %sub3A_459 : vector<16xi32>
      %shift_right_arithmetic3A_461 = arith.constant 31 : i32
      %shift_right_arithmetic3A_462 = vector.broadcast %shift_right_arithmetic3A_461 : i32 to vector<16xi32>
      %shift_right_arithmetic3A_463 = arith.shrsi %sub3A_460, %shift_right_arithmetic3A_462 : vector<16xi32>
      %add3A_464 = arith.constant 3 : i32
      %add3A_465 = vector.broadcast %add3A_464 : i32 to vector<16xi32>
      %add3A_466 = arith.addi %add3A_465, %shift_right_arithmetic3A_463 : vector<16xi32>
      %sub3A_467 = arith.constant 12 : i32
      %sub3A_468 = vector.broadcast %sub3A_467 : i32 to vector<16xi32>
      %sub3A_469 = arith.subi %rem3A_457, %sub3A_468 : vector<16xi32>
      %shift_right_arithmetic3A_470 = arith.constant 31 : i32
      %shift_right_arithmetic3A_471 = vector.broadcast %shift_right_arithmetic3A_470 : i32 to vector<16xi32>
      %shift_right_arithmetic3A_472 = arith.shrsi %sub3A_469, %shift_right_arithmetic3A_471 : vector<16xi32>
      %add3A_473 = arith.addi %add3A_466, %shift_right_arithmetic3A_472 : vector<16xi32>
      %sub3A_474 = arith.constant 18 : i32
      %sub3A_475 = vector.broadcast %sub3A_474 : i32 to vector<16xi32>
      %sub3A_476 = arith.subi %rem3A_457, %sub3A_475 : vector<16xi32>
      %shift_right_arithmetic3A_477 = arith.constant 31 : i32
      %shift_right_arithmetic3A_478 = vector.broadcast %shift_right_arithmetic3A_477 : i32 to vector<16xi32>
      %shift_right_arithmetic3A_479 = arith.shrsi %sub3A_476, %shift_right_arithmetic3A_478 : vector<16xi32>
      %add3A_480 = arith.addi %add3A_473, %shift_right_arithmetic3A_479 : vector<16xi32>
      %mul3A_481 = arith.constant 799994 : i32
      %mul3A_482 = vector.broadcast %mul3A_481 : i32 to vector<16xi32>
      %mul3A_483 = arith.muli %add3A_480, %mul3A_482 : vector<16xi32>
      %add3A_484 = arith.addi %mul3A_483, %rem3A_457 : vector<16xi32>
      %get3A_485 = arith.constant 0 : i32
      %get3A_486 = arith.index_cast %rem3A_65 : i32 to index
      %get3A_487 = arith.index_cast %get3A_485 : i32 to index
      %get3A_488 = arith.constant 112 : index
      %get3A_489 = tpu.vector_load %arg5[%get3A_486, %get3A_487, %get3A_488] {strides = array<i32>} : memref<2x4x128xi32, #tpu.memory_space<vmem>>, vector<1x1x16xi32>,
      %get3A_490 = vector.shape_cast %get3A_489 : vector<1x1x16xi32> to vector<16xi32>
      %mul3A_491 = arith.constant 8 : i32
      %mul3A_492 = vector.broadcast %mul3A_491 : i32 to vector<16xi32>
      %mul3A_493 = arith.muli %get3A_490, %mul3A_492 : vector<16xi32>
      %add3A_494 = arith.addi %mul3A_493, %add3A_484 : vector<16xi32>
      %swap3A_495 = arith.constant 0 : i32
      %swap3A_496 = arith.index_cast %rem3A_65 : i32 to index
      %swap3A_497 = arith.index_cast %swap3A_495 : i32 to index
      %swap3A_498 = arith.constant 112 : index
      %swap3A_499 = tpu.vector_load %arg5[%swap3A_496, %swap3A_497, %swap3A_498] {strides = array<i32>} : memref<2x4x128xi32, #tpu.memory_space<vmem>>, vector<1x1x16xi32>,
      %swap3A_500 = vector.shape_cast %swap3A_499 : vector<1x1x16xi32> to vector<16xi32>
      %swap3A_501 = vector.shape_cast %add3A_494 : vector<16xi32> to vector<1x1x16xi32>
      tpu.vector_store %arg5[%swap3A_496, %swap3A_497, %swap3A_498], %swap3A_501 {strides = array<i32>} : memref<2x4x128xi32, #tpu.memory_space<vmem>>, vector<1x1x16xi32>,
      %add3A_502 = arith.constant 1 : i32
      %add3A_503 = arith.addi %add3A_91, %add3A_502 : i32
      %mul3A_504 = arith.constant 128 : i32
      %mul3A_505 = arith.muli %add3A_503, %mul3A_504 : i32
      %add3A_506 = arith.constant 212992 : i32
      %add3A_507 = arith.addi %add3A_506, %mul3A_505 : i32
      %add3A_508 = arith.constant 0 : i32
      %add3A_509 = arith.addi %add3A_507, %add3A_508 : i32
      %add3A_510 = vector.broadcast %add3A_509 : i32 to vector<16xi32>
      %add3A_511 = arith.addi %iota3A, %add3A_510 : vector<16xi32>
      %rem3A_512 = arith.constant 26 : i32
      %rem3A_513 = vector.broadcast %rem3A_512 : i32 to vector<16xi32>
      %rem3A_514 = arith.remsi %add3A_511, %rem3A_513 : vector<16xi32>
      %sub3A_515 = arith.constant 6 : i32
      %sub3A_516 = vector.broadcast %sub3A_515 : i32 to vector<16xi32>
      %sub3A_517 = arith.subi %rem3A_514, %sub3A_516 : vector<16xi32>
      %shift_right_arithmetic3A_518 = arith.constant 31 : i32
      %shift_right_arithmetic3A_519 = vector.broadcast %shift_right_arithmetic3A_518 : i32 to vector<16xi32>
      %shift_right_arithmetic3A_520 = arith.shrsi %sub3A_517, %shift_right_arithmetic3A_519 : vector<16xi32>
      %add3A_521 = arith.constant 3 : i32
      %add3A_522 = vector.broadcast %add3A_521 : i32 to vector<16xi32>
      %add3A_523 = arith.addi %add3A_522, %shift_right_arithmetic3A_520 : vector<16xi32>
      %sub3A_524 = arith.constant 12 : i32
      %sub3A_525 = vector.broadcast %sub3A_524 : i32 to vector<16xi32>
      %sub3A_526 = arith.subi %rem3A_514, %sub3A_525 : vector<16xi32>
      %shift_right_arithmetic3A_527 = arith.constant 31 : i32
      %shift_right_arithmetic3A_528 = vector.broadcast %shift_right_arithmetic3A_527 : i32 to vector<16xi32>
      %shift_right_arithmetic3A_529 = arith.shrsi %sub3A_526, %shift_right_arithmetic3A_528 : vector<16xi32>
      %add3A_530 = arith.addi %add3A_523, %shift_right_arithmetic3A_529 : vector<16xi32>
      %sub3A_531 = arith.constant 18 : i32
      %sub3A_532 = vector.broadcast %sub3A_531 : i32 to vector<16xi32>
      %sub3A_533 = arith.subi %rem3A_514, %sub3A_532 : vector<16xi32>
      %shift_right_arithmetic3A_534 = arith.constant 31 : i32
      %shift_right_arithmetic3A_535 = vector.broadcast %shift_right_arithmetic3A_534 : i32 to vector<16xi32>
      %shift_right_arithmetic3A_536 = arith.shrsi %sub3A_533, %shift_right_arithmetic3A_535 : vector<16xi32>
      %add3A_537 = arith.addi %add3A_530, %shift_right_arithmetic3A_536 : vector<16xi32>
      %mul3A_538 = arith.constant 799994 : i32
      %mul3A_539 = vector.broadcast %mul3A_538 : i32 to vector<16xi32>
      %mul3A_540 = arith.muli %add3A_537, %mul3A_539 : vector<16xi32>
      %add3A_541 = arith.addi %mul3A_540, %rem3A_514 : vector<16xi32>
      %get3A_542 = arith.constant 1 : i32
      %get3A_543 = arith.index_cast %rem3A_65 : i32 to index
      %get3A_544 = arith.index_cast %get3A_542 : i32 to index
      %get3A_545 = arith.constant 0 : index
      %get3A_546 = tpu.vector_load %arg5[%get3A_543, %get3A_544, %get3A_545] {strides = array<i32>} : memref<2x4x128xi32, #tpu.memory_space<vmem>>, vector<1x1x16xi32>,
      %get3A_547 = vector.shape_cast %get3A_546 : vector<1x1x16xi32> to vector<16xi32>
      %mul3A_548 = arith.constant 8 : i32
      %mul3A_549 = vector.broadcast %mul3A_548 : i32 to vector<16xi32>
      %mul3A_550 = arith.muli %get3A_547, %mul3A_549 : vector<16xi32>
      %add3A_551 = arith.addi %mul3A_550, %add3A_541 : vector<16xi32>
      %swap3A_552 = arith.constant 1 : i32
      %swap3A_553 = arith.index_cast %rem3A_65 : i32 to index
      %swap3A_554 = arith.index_cast %swap3A_552 : i32 to index
      %swap3A_555 = arith.constant 0 : index
      %swap3A_556 = tpu.vector_load %arg5[%swap3A_553, %swap3A_554, %swap3A_555] {strides = array<i32>} : memref<2x4x128xi32, #tpu.memory_space<vmem>>, vector<1x1x16xi32>,
      %swap3A_557 = vector.shape_cast %swap3A_556 : vector<1x1x16xi32> to vector<16xi32>
      %swap3A_558 = vector.shape_cast %add3A_551 : vector<16xi32> to vector<1x1x16xi32>
      tpu.vector_store %arg5[%swap3A_553, %swap3A_554, %swap3A_555], %swap3A_558 {strides = array<i32>} : memref<2x4x128xi32, #tpu.memory_space<vmem>>, vector<1x1x16xi32>,
      %add3A_559 = arith.constant 16 : i32
      %add3A_560 = arith.addi %add3A_507, %add3A_559 : i32
      %add3A_561 = vector.broadcast %add3A_560 : i32 to vector<16xi32>
      %add3A_562 = arith.addi %iota3A, %add3A_561 : vector<16xi32>
      %rem3A_563 = arith.constant 26 : i32
      %rem3A_564 = vector.broadcast %rem3A_563 : i32 to vector<16xi32>
      %rem3A_565 = arith.remsi %add3A_562, %rem3A_564 : vector<16xi32>
      %sub3A_566 = arith.constant 6 : i32
      %sub3A_567 = vector.broadcast %sub3A_566 : i32 to vector<16xi32>
      %sub3A_568 = arith.subi %rem3A_565, %sub3A_567 : vector<16xi32>
      %shift_right_arithmetic3A_569 = arith.constant 31 : i32
      %shift_right_arithmetic3A_570 = vector.broadcast %shift_right_arithmetic3A_569 : i32 to vector<16xi32>
      %shift_right_arithmetic3A_571 = arith.shrsi %sub3A_568, %shift_right_arithmetic3A_570 : vector<16xi32>
      %add3A_572 = arith.constant 3 : i32
      %add3A_573 = vector.broadcast %add3A_572 : i32 to vector<16xi32>
      %add3A_574 = arith.addi %add3A_573, %shift_right_arithmetic3A_571 : vector<16xi32>
      %sub3A_575 = arith.constant 12 : i32
      %sub3A_576 = vector.broadcast %sub3A_575 : i32 to vector<16xi32>
      %sub3A_577 = arith.subi %rem3A_565, %sub3A_576 : vector<16xi32>
      %shift_right_arithmetic3A_578 = arith.constant 31 : i32
      %shift_right_arithmetic3A_579 = vector.broadcast %shift_right_arithmetic3A_578 : i32 to vector<16xi32>
      %shift_right_arithmetic3A_580 = arith.shrsi %sub3A_577, %shift_right_arithmetic3A_579 : vector<16xi32>
      %add3A_581 = arith.addi %add3A_574, %shift_right_arithmetic3A_580 : vector<16xi32>
      %sub3A_582 = arith.constant 18 : i32
      %sub3A_583 = vector.broadcast %sub3A_582 : i32 to vector<16xi32>
      %sub3A_584 = arith.subi %rem3A_565, %sub3A_583 : vector<16xi32>
      %shift_right_arithmetic3A_585 = arith.constant 31 : i32
      %shift_right_arithmetic3A_586 = vector.broadcast %shift_right_arithmetic3A_585 : i32 to vector<16xi32>
      %shift_right_arithmetic3A_587 = arith.shrsi %sub3A_584, %shift_right_arithmetic3A_586 : vector<16xi32>
      %add3A_588 = arith.addi %add3A_581, %shift_right_arithmetic3A_587 : vector<16xi32>
      %mul3A_589 = arith.constant 799994 : i32
      %mul3A_590 = vector.broadcast %mul3A_589 : i32 to vector<16xi32>
      %mul3A_591 = arith.muli %add3A_588, %mul3A_590 : vector<16xi32>
      %add3A_592 = arith.addi %mul3A_591, %rem3A_565 : vector<16xi32>
      %get3A_593 = arith.constant 1 : i32
      %get3A_594 = arith.index_cast %rem3A_65 : i32 to index
      %get3A_595 = arith.index_cast %get3A_593 : i32 to index
      %get3A_596 = arith.constant 16 : index
      %get3A_597 = tpu.vector_load %arg5[%get3A_594, %get3A_595, %get3A_596] {strides = array<i32>} : memref<2x4x128xi32, #tpu.memory_space<vmem>>, vector<1x1x16xi32>,
      %get3A_598 = vector.shape_cast %get3A_597 : vector<1x1x16xi32> to vector<16xi32>
      %mul3A_599 = arith.constant 8 : i32
      %mul3A_600 = vector.broadcast %mul3A_599 : i32 to vector<16xi32>
      %mul3A_601 = arith.muli %get3A_598, %mul3A_600 : vector<16xi32>
      %add3A_602 = arith.addi %mul3A_601, %add3A_592 : vector<16xi32>
      %swap3A_603 = arith.constant 1 : i32
      %swap3A_604 = arith.index_cast %rem3A_65 : i32 to index
      %swap3A_605 = arith.index_cast %swap3A_603 : i32 to index
      %swap3A_606 = arith.constant 16 : index
      %swap3A_607 = tpu.vector_load %arg5[%swap3A_604, %swap3A_605, %swap3A_606] {strides = array<i32>} : memref<2x4x128xi32, #tpu.memory_space<vmem>>, vector<1x1x16xi32>,
      %swap3A_608 = vector.shape_cast %swap3A_607 : vector<1x1x16xi32> to vector<16xi32>
      %swap3A_609 = vector.shape_cast %add3A_602 : vector<16xi32> to vector<1x1x16xi32>
      tpu.vector_store %arg5[%swap3A_604, %swap3A_605, %swap3A_606], %swap3A_609 {strides = array<i32>} : memref<2x4x128xi32, #tpu.memory_space<vmem>>, vector<1x1x16xi32>,
      %add3A_610 = arith.constant 32 : i32
      %add3A_611 = arith.addi %add3A_507, %add3A_610 : i32
      %add3A_612 = vector.broadcast %add3A_611 : i32 to vector<16xi32>
      %add3A_613 = arith.addi %iota3A, %add3A_612 : vector<16xi32>
      %rem3A_614 = arith.constant 26 : i32
      %rem3A_615 = vector.broadcast %rem3A_614 : i32 to vector<16xi32>
      %rem3A_616 = arith.remsi %add3A_613, %rem3A_615 : vector<16xi32>
      %sub3A_617 = arith.constant 6 : i32
      %sub3A_618 = vector.broadcast %sub3A_617 : i32 to vector<16xi32>
      %sub3A_619 = arith.subi %rem3A_616, %sub3A_618 : vector<16xi32>
      %shift_right_arithmetic3A_620 = arith.constant 31 : i32
      %shift_right_arithmetic3A_621 = vector.broadcast %shift_right_arithmetic3A_620 : i32 to vector<16xi32>
      %shift_right_arithmetic3A_622 = arith.shrsi %sub3A_619, %shift_right_arithmetic3A_621 : vector<16xi32>
      %add3A_623 = arith.constant 3 : i32
      %add3A_624 = vector.broadcast %add3A_623 : i32 to vector<16xi32>
      %add3A_625 = arith.addi %add3A_624, %shift_right_arithmetic3A_622 : vector<16xi32>
      %sub3A_626 = arith.constant 12 : i32
      %sub3A_627 = vector.broadcast %sub3A_626 : i32 to vector<16xi32>
      %sub3A_628 = arith.subi %rem3A_616, %sub3A_627 : vector<16xi32>
      %shift_right_arithmetic3A_629 = arith.constant 31 : i32
      %shift_right_arithmetic3A_630 = vector.broadcast %shift_right_arithmetic3A_629 : i32 to vector<16xi32>
      %shift_right_arithmetic3A_631 = arith.shrsi %sub3A_628, %shift_right_arithmetic3A_630 : vector<16xi32>
      %add3A_632 = arith.addi %add3A_625, %shift_right_arithmetic3A_631 : vector<16xi32>
      %sub3A_633 = arith.constant 18 : i32
      %sub3A_634 = vector.broadcast %sub3A_633 : i32 to vector<16xi32>
      %sub3A_635 = arith.subi %rem3A_616, %sub3A_634 : vector<16xi32>
      %shift_right_arithmetic3A_636 = arith.constant 31 : i32
      %shift_right_arithmetic3A_637 = vector.broadcast %shift_right_arithmetic3A_636 : i32 to vector<16xi32>
      %shift_right_arithmetic3A_638 = arith.shrsi %sub3A_635, %shift_right_arithmetic3A_637 : vector<16xi32>
      %add3A_639 = arith.addi %add3A_632, %shift_right_arithmetic3A_638 : vector<16xi32>
      %mul3A_640 = arith.constant 799994 : i32
      %mul3A_641 = vector.broadcast %mul3A_640 : i32 to vector<16xi32>
      %mul3A_642 = arith.muli %add3A_639, %mul3A_641 : vector<16xi32>
      %add3A_643 = arith.addi %mul3A_642, %rem3A_616 : vector<16xi32>
      %get3A_644 = arith.constant 1 : i32
      %get3A_645 = arith.index_cast %rem3A_65 : i32 to index
      %get3A_646 = arith.index_cast %get3A_644 : i32 to index
      %get3A_647 = arith.constant 32 : index
      %get3A_648 = tpu.vector_load %arg5[%get3A_645, %get3A_646, %get3A_647] {strides = array<i32>} : memref<2x4x128xi32, #tpu.memory_space<vmem>>, vector<1x1x16xi32>,
      %get3A_649 = vector.shape_cast %get3A_648 : vector<1x1x16xi32> to vector<16xi32>
      %mul3A_650 = arith.constant 8 : i32
      %mul3A_651 = vector.broadcast %mul3A_650 : i32 to vector<16xi32>
      %mul3A_652 = arith.muli %get3A_649, %mul3A_651 : vector<16xi32>
      %add3A_653 = arith.addi %mul3A_652, %add3A_643 : vector<16xi32>
      %swap3A_654 = arith.constant 1 : i32
      %swap3A_655 = arith.index_cast %rem3A_65 : i32 to index
      %swap3A_656 = arith.index_cast %swap3A_654 : i32 to index
      %swap3A_657 = arith.constant 32 : index
      %swap3A_658 = tpu.vector_load %arg5[%swap3A_655, %swap3A_656, %swap3A_657] {strides = array<i32>} : memref<2x4x128xi32, #tpu.memory_space<vmem>>, vector<1x1x16xi32>,
      %swap3A_659 = vector.shape_cast %swap3A_658 : vector<1x1x16xi32> to vector<16xi32>
      %swap3A_660 = vector.shape_cast %add3A_653 : vector<16xi32> to vector<1x1x16xi32>
      tpu.vector_store %arg5[%swap3A_655, %swap3A_656, %swap3A_657], %swap3A_660 {strides = array<i32>} : memref<2x4x128xi32, #tpu.memory_space<vmem>>, vector<1x1x16xi32>,
      %add3A_661 = arith.constant 48 : i32
      %add3A_662 = arith.addi %add3A_507, %add3A_661 : i32
      %add3A_663 = vector.broadcast %add3A_662 : i32 to vector<16xi32>
      %add3A_664 = arith.addi %iota3A, %add3A_663 : vector<16xi32>
      %rem3A_665 = arith.constant 26 : i32
      %rem3A_666 = vector.broadcast %rem3A_665 : i32 to vector<16xi32>
      %rem3A_667 = arith.remsi %add3A_664, %rem3A_666 : vector<16xi32>
      %sub3A_668 = arith.constant 6 : i32
      %sub3A_669 = vector.broadcast %sub3A_668 : i32 to vector<16xi32>
      %sub3A_670 = arith.subi %rem3A_667, %sub3A_669 : vector<16xi32>
      %shift_right_arithmetic3A_671 = arith.constant 31 : i32
      %shift_right_arithmetic3A_672 = vector.broadcast %shift_right_arithmetic3A_671 : i32 to vector<16xi32>
      %shift_right_arithmetic3A_673 = arith.shrsi %sub3A_670, %shift_right_arithmetic3A_672 : vector<16xi32>
      %add3A_674 = arith.constant 3 : i32
      %add3A_675 = vector.broadcast %add3A_674 : i32 to vector<16xi32>
      %add3A_676 = arith.addi %add3A_675, %shift_right_arithmetic3A_673 : vector<16xi32>
      %sub3A_677 = arith.constant 12 : i32
      %sub3A_678 = vector.broadcast %sub3A_677 : i32 to vector<16xi32>
      %sub3A_679 = arith.subi %rem3A_667, %sub3A_678 : vector<16xi32>
      %shift_right_arithmetic3A_680 = arith.constant 31 : i32
      %shift_right_arithmetic3A_681 = vector.broadcast %shift_right_arithmetic3A_680 : i32 to vector<16xi32>
      %shift_right_arithmetic3A_682 = arith.shrsi %sub3A_679, %shift_right_arithmetic3A_681 : vector<16xi32>
      %add3A_683 = arith.addi %add3A_676, %shift_right_arithmetic3A_682 : vector<16xi32>
      %sub3A_684 = arith.constant 18 : i32
      %sub3A_685 = vector.broadcast %sub3A_684 : i32 to vector<16xi32>
      %sub3A_686 = arith.subi %rem3A_667, %sub3A_685 : vector<16xi32>
      %shift_right_arithmetic3A_687 = arith.constant 31 : i32
      %shift_right_arithmetic3A_688 = vector.broadcast %shift_right_arithmetic3A_687 : i32 to vector<16xi32>
      %shift_right_arithmetic3A_689 = arith.shrsi %sub3A_686, %shift_right_arithmetic3A_688 : vector<16xi32>
      %add3A_690 = arith.addi %add3A_683, %shift_right_arithmetic3A_689 : vector<16xi32>
      %mul3A_691 = arith.constant 799994 : i32
      %mul3A_692 = vector.broadcast %mul3A_691 : i32 to vector<16xi32>
      %mul3A_693 = arith.muli %add3A_690, %mul3A_692 : vector<16xi32>
      %add3A_694 = arith.addi %mul3A_693, %rem3A_667 : vector<16xi32>
      %get3A_695 = arith.constant 1 : i32
      %get3A_696 = arith.index_cast %rem3A_65 : i32 to index
      %get3A_697 = arith.index_cast %get3A_695 : i32 to index
      %get3A_698 = arith.constant 48 : index
      %get3A_699 = tpu.vector_load %arg5[%get3A_696, %get3A_697, %get3A_698] {strides = array<i32>} : memref<2x4x128xi32, #tpu.memory_space<vmem>>, vector<1x1x16xi32>,
      %get3A_700 = vector.shape_cast %get3A_699 : vector<1x1x16xi32> to vector<16xi32>
      %mul3A_701 = arith.constant 8 : i32
      %mul3A_702 = vector.broadcast %mul3A_701 : i32 to vector<16xi32>
      %mul3A_703 = arith.muli %get3A_700, %mul3A_702 : vector<16xi32>
      %add3A_704 = arith.addi %mul3A_703, %add3A_694 : vector<16xi32>
      %swap3A_705 = arith.constant 1 : i32
      %swap3A_706 = arith.index_cast %rem3A_65 : i32 to index
      %swap3A_707 = arith.index_cast %swap3A_705 : i32 to index
      %swap3A_708 = arith.constant 48 : index
      %swap3A_709 = tpu.vector_load %arg5[%swap3A_706, %swap3A_707, %swap3A_708] {strides = array<i32>} : memref<2x4x128xi32, #tpu.memory_space<vmem>>, vector<1x1x16xi32>,
      %swap3A_710 = vector.shape_cast %swap3A_709 : vector<1x1x16xi32> to vector<16xi32>
      %swap3A_711 = vector.shape_cast %add3A_704 : vector<16xi32> to vector<1x1x16xi32>
      tpu.vector_store %arg5[%swap3A_706, %swap3A_707, %swap3A_708], %swap3A_711 {strides = array<i32>} : memref<2x4x128xi32, #tpu.memory_space<vmem>>, vector<1x1x16xi32>,
      %add3A_712 = arith.constant 64 : i32
      %add3A_713 = arith.addi %add3A_507, %add3A_712 : i32
      %add3A_714 = vector.broadcast %add3A_713 : i32 to vector<16xi32>
      %add3A_715 = arith.addi %iota3A, %add3A_714 : vector<16xi32>
      %rem3A_716 = arith.constant 26 : i32
      %rem3A_717 = vector.broadcast %rem3A_716 : i32 to vector<16xi32>
      %rem3A_718 = arith.remsi %add3A_715, %rem3A_717 : vector<16xi32>
      %sub3A_719 = arith.constant 6 : i32
      %sub3A_720 = vector.broadcast %sub3A_719 : i32 to vector<16xi32>
      %sub3A_721 = arith.subi %rem3A_718, %sub3A_720 : vector<16xi32>
      %shift_right_arithmetic3A_722 = arith.constant 31 : i32
      %shift_right_arithmetic3A_723 = vector.broadcast %shift_right_arithmetic3A_722 : i32 to vector<16xi32>
      %shift_right_arithmetic3A_724 = arith.shrsi %sub3A_721, %shift_right_arithmetic3A_723 : vector<16xi32>
      %add3A_725 = arith.constant 3 : i32
      %add3A_726 = vector.broadcast %add3A_725 : i32 to vector<16xi32>
      %add3A_727 = arith.addi %add3A_726, %shift_right_arithmetic3A_724 : vector<16xi32>
      %sub3A_728 = arith.constant 12 : i32
      %sub3A_729 = vector.broadcast %sub3A_728 : i32 to vector<16xi32>
      %sub3A_730 = arith.subi %rem3A_718, %sub3A_729 : vector<16xi32>
      %shift_right_arithmetic3A_731 = arith.constant 31 : i32
      %shift_right_arithmetic3A_732 = vector.broadcast %shift_right_arithmetic3A_731 : i32 to vector<16xi32>
      %shift_right_arithmetic3A_733 = arith.shrsi %sub3A_730, %shift_right_arithmetic3A_732 : vector<16xi32>
      %add3A_734 = arith.addi %add3A_727, %shift_right_arithmetic3A_733 : vector<16xi32>
      %sub3A_735 = arith.constant 18 : i32
      %sub3A_736 = vector.broadcast %sub3A_735 : i32 to vector<16xi32>
      %sub3A_737 = arith.subi %rem3A_718, %sub3A_736 : vector<16xi32>
      %shift_right_arithmetic3A_738 = arith.constant 31 : i32
      %shift_right_arithmetic3A_739 = vector.broadcast %shift_right_arithmetic3A_738 : i32 to vector<16xi32>
      %shift_right_arithmetic3A_740 = arith.shrsi %sub3A_737, %shift_right_arithmetic3A_739 : vector<16xi32>
      %add3A_741 = arith.addi %add3A_734, %shift_right_arithmetic3A_740 : vector<16xi32>
      %mul3A_742 = arith.constant 799994 : i32
      %mul3A_743 = vector.broadcast %mul3A_742 : i32 to vector<16xi32>
      %mul3A_744 = arith.muli %add3A_741, %mul3A_743 : vector<16xi32>
      %add3A_745 = arith.addi %mul3A_744, %rem3A_718 : vector<16xi32>
      %get3A_746 = arith.constant 1 : i32
      %get3A_747 = arith.index_cast %rem3A_65 : i32 to index
      %get3A_748 = arith.index_cast %get3A_746 : i32 to index
      %get3A_749 = arith.constant 64 : index
      %get3A_750 = tpu.vector_load %arg5[%get3A_747, %get3A_748, %get3A_749] {strides = array<i32>} : memref<2x4x128xi32, #tpu.memory_space<vmem>>, vector<1x1x16xi32>,
      %get3A_751 = vector.shape_cast %get3A_750 : vector<1x1x16xi32> to vector<16xi32>
      %mul3A_752 = arith.constant 8 : i32
      %mul3A_753 = vector.broadcast %mul3A_752 : i32 to vector<16xi32>
      %mul3A_754 = arith.muli %get3A_751, %mul3A_753 : vector<16xi32>
      %add3A_755 = arith.addi %mul3A_754, %add3A_745 : vector<16xi32>
      %swap3A_756 = arith.constant 1 : i32
      %swap3A_757 = arith.index_cast %rem3A_65 : i32 to index
      %swap3A_758 = arith.index_cast %swap3A_756 : i32 to index
      %swap3A_759 = arith.constant 64 : index
      %swap3A_760 = tpu.vector_load %arg5[%swap3A_757, %swap3A_758, %swap3A_759] {strides = array<i32>} : memref<2x4x128xi32, #tpu.memory_space<vmem>>, vector<1x1x16xi32>,
      %swap3A_761 = vector.shape_cast %swap3A_760 : vector<1x1x16xi32> to vector<16xi32>
      %swap3A_762 = vector.shape_cast %add3A_755 : vector<16xi32> to vector<1x1x16xi32>
      tpu.vector_store %arg5[%swap3A_757, %swap3A_758, %swap3A_759], %swap3A_762 {strides = array<i32>} : memref<2x4x128xi32, #tpu.memory_space<vmem>>, vector<1x1x16xi32>,
      %add3A_763 = arith.constant 80 : i32
      %add3A_764 = arith.addi %add3A_507, %add3A_763 : i32
      %add3A_765 = vector.broadcast %add3A_764 : i32 to vector<16xi32>
      %add3A_766 = arith.addi %iota3A, %add3A_765 : vector<16xi32>
      %rem3A_767 = arith.constant 26 : i32
      %rem3A_768 = vector.broadcast %rem3A_767 : i32 to vector<16xi32>
      %rem3A_769 = arith.remsi %add3A_766, %rem3A_768 : vector<16xi32>
      %sub3A_770 = arith.constant 6 : i32
      %sub3A_771 = vector.broadcast %sub3A_770 : i32 to vector<16xi32>
      %sub3A_772 = arith.subi %rem3A_769, %sub3A_771 : vector<16xi32>
      %shift_right_arithmetic3A_773 = arith.constant 31 : i32
      %shift_right_arithmetic3A_774 = vector.broadcast %shift_right_arithmetic3A_773 : i32 to vector<16xi32>
      %shift_right_arithmetic3A_775 = arith.shrsi %sub3A_772, %shift_right_arithmetic3A_774 : vector<16xi32>
      %add3A_776 = arith.constant 3 : i32
      %add3A_777 = vector.broadcast %add3A_776 : i32 to vector<16xi32>
      %add3A_778 = arith.addi %add3A_777, %shift_right_arithmetic3A_775 : vector<16xi32>
      %sub3A_779 = arith.constant 12 : i32
      %sub3A_780 = vector.broadcast %sub3A_779 : i32 to vector<16xi32>
      %sub3A_781 = arith.subi %rem3A_769, %sub3A_780 : vector<16xi32>
      %shift_right_arithmetic3A_782 = arith.constant 31 : i32
      %shift_right_arithmetic3A_783 = vector.broadcast %shift_right_arithmetic3A_782 : i32 to vector<16xi32>
      %shift_right_arithmetic3A_784 = arith.shrsi %sub3A_781, %shift_right_arithmetic3A_783 : vector<16xi32>
      %add3A_785 = arith.addi %add3A_778, %shift_right_arithmetic3A_784 : vector<16xi32>
      %sub3A_786 = arith.constant 18 : i32
      %sub3A_787 = vector.broadcast %sub3A_786 : i32 to vector<16xi32>
      %sub3A_788 = arith.subi %rem3A_769, %sub3A_787 : vector<16xi32>
      %shift_right_arithmetic3A_789 = arith.constant 31 : i32
      %shift_right_arithmetic3A_790 = vector.broadcast %shift_right_arithmetic3A_789 : i32 to vector<16xi32>
      %shift_right_arithmetic3A_791 = arith.shrsi %sub3A_788, %shift_right_arithmetic3A_790 : vector<16xi32>
      %add3A_792 = arith.addi %add3A_785, %shift_right_arithmetic3A_791 : vector<16xi32>
      %mul3A_793 = arith.constant 799994 : i32
      %mul3A_794 = vector.broadcast %mul3A_793 : i32 to vector<16xi32>
      %mul3A_795 = arith.muli %add3A_792, %mul3A_794 : vector<16xi32>
      %add3A_796 = arith.addi %mul3A_795, %rem3A_769 : vector<16xi32>
      %get3A_797 = arith.constant 1 : i32
      %get3A_798 = arith.index_cast %rem3A_65 : i32 to index
      %get3A_799 = arith.index_cast %get3A_797 : i32 to index
      %get3A_800 = arith.constant 80 : index
      %get3A_801 = tpu.vector_load %arg5[%get3A_798, %get3A_799, %get3A_800] {strides = array<i32>} : memref<2x4x128xi32, #tpu.memory_space<vmem>>, vector<1x1x16xi32>,
      %get3A_802 = vector.shape_cast %get3A_801 : vector<1x1x16xi32> to vector<16xi32>
      %mul3A_803 = arith.constant 8 : i32
      %mul3A_804 = vector.broadcast %mul3A_803 : i32 to vector<16xi32>
      %mul3A_805 = arith.muli %get3A_802, %mul3A_804 : vector<16xi32>
      %add3A_806 = arith.addi %mul3A_805, %add3A_796 : vector<16xi32>
      %swap3A_807 = arith.constant 1 : i32
      %swap3A_808 = arith.index_cast %rem3A_65 : i32 to index
      %swap3A_809 = arith.index_cast %swap3A_807 : i32 to index
      %swap3A_810 = arith.constant 80 : index
      %swap3A_811 = tpu.vector_load %arg5[%swap3A_808, %swap3A_809, %swap3A_810] {strides = array<i32>} : memref<2x4x128xi32, #tpu.memory_space<vmem>>, vector<1x1x16xi32>,
      %swap3A_812 = vector.shape_cast %swap3A_811 : vector<1x1x16xi32> to vector<16xi32>
      %swap3A_813 = vector.shape_cast %add3A_806 : vector<16xi32> to vector<1x1x16xi32>
      tpu.vector_store %arg5[%swap3A_808, %swap3A_809, %swap3A_810], %swap3A_813 {strides = array<i32>} : memref<2x4x128xi32, #tpu.memory_space<vmem>>, vector<1x1x16xi32>,
      %add3A_814 = arith.constant 96 : i32
      %add3A_815 = arith.addi %add3A_507, %add3A_814 : i32
      %add3A_816 = vector.broadcast %add3A_815 : i32 to vector<16xi32>
      %add3A_817 = arith.addi %iota3A, %add3A_816 : vector<16xi32>
      %rem3A_818 = arith.constant 26 : i32
      %rem3A_819 = vector.broadcast %rem3A_818 : i32 to vector<16xi32>
      %rem3A_820 = arith.remsi %add3A_817, %rem3A_819 : vector<16xi32>
      %sub3A_821 = arith.constant 6 : i32
      %sub3A_822 = vector.broadcast %sub3A_821 : i32 to vector<16xi32>
      %sub3A_823 = arith.subi %rem3A_820, %sub3A_822 : vector<16xi32>
      %shift_right_arithmetic3A_824 = arith.constant 31 : i32
      %shift_right_arithmetic3A_825 = vector.broadcast %shift_right_arithmetic3A_824 : i32 to vector<16xi32>
      %shift_right_arithmetic3A_826 = arith.shrsi %sub3A_823, %shift_right_arithmetic3A_825 : vector<16xi32>
      %add3A_827 = arith.constant 3 : i32
      %add3A_828 = vector.broadcast %add3A_827 : i32 to vector<16xi32>
      %add3A_829 = arith.addi %add3A_828, %shift_right_arithmetic3A_826 : vector<16xi32>
      %sub3A_830 = arith.constant 12 : i32
      %sub3A_831 = vector.broadcast %sub3A_830 : i32 to vector<16xi32>
      %sub3A_832 = arith.subi %rem3A_820, %sub3A_831 : vector<16xi32>
      %shift_right_arithmetic3A_833 = arith.constant 31 : i32
      %shift_right_arithmetic3A_834 = vector.broadcast %shift_right_arithmetic3A_833 : i32 to vector<16xi32>
      %shift_right_arithmetic3A_835 = arith.shrsi %sub3A_832, %shift_right_arithmetic3A_834 : vector<16xi32>
      %add3A_836 = arith.addi %add3A_829, %shift_right_arithmetic3A_835 : vector<16xi32>
      %sub3A_837 = arith.constant 18 : i32
      %sub3A_838 = vector.broadcast %sub3A_837 : i32 to vector<16xi32>
      %sub3A_839 = arith.subi %rem3A_820, %sub3A_838 : vector<16xi32>
      %shift_right_arithmetic3A_840 = arith.constant 31 : i32
      %shift_right_arithmetic3A_841 = vector.broadcast %shift_right_arithmetic3A_840 : i32 to vector<16xi32>
      %shift_right_arithmetic3A_842 = arith.shrsi %sub3A_839, %shift_right_arithmetic3A_841 : vector<16xi32>
      %add3A_843 = arith.addi %add3A_836, %shift_right_arithmetic3A_842 : vector<16xi32>
      %mul3A_844 = arith.constant 799994 : i32
      %mul3A_845 = vector.broadcast %mul3A_844 : i32 to vector<16xi32>
      %mul3A_846 = arith.muli %add3A_843, %mul3A_845 : vector<16xi32>
      %add3A_847 = arith.addi %mul3A_846, %rem3A_820 : vector<16xi32>
      %get3A_848 = arith.constant 1 : i32
      %get3A_849 = arith.index_cast %rem3A_65 : i32 to index
      %get3A_850 = arith.index_cast %get3A_848 : i32 to index
      %get3A_851 = arith.constant 96 : index
      %get3A_852 = tpu.vector_load %arg5[%get3A_849, %get3A_850, %get3A_851] {strides = array<i32>} : memref<2x4x128xi32, #tpu.memory_space<vmem>>, vector<1x1x16xi32>,
      %get3A_853 = vector.shape_cast %get3A_852 : vector<1x1x16xi32> to vector<16xi32>
      %mul3A_854 = arith.constant 8 : i32
      %mul3A_855 = vector.broadcast %mul3A_854 : i32 to vector<16xi32>
      %mul3A_856 = arith.muli %get3A_853, %mul3A_855 : vector<16xi32>
      %add3A_857 = arith.addi %mul3A_856, %add3A_847 : vector<16xi32>
      %swap3A_858 = arith.constant 1 : i32
      %swap3A_859 = arith.index_cast %rem3A_65 : i32 to index
      %swap3A_860 = arith.index_cast %swap3A_858 : i32 to index
      %swap3A_861 = arith.constant 96 : index
      %swap3A_862 = tpu.vector_load %arg5[%swap3A_859, %swap3A_860, %swap3A_861] {strides = array<i32>} : memref<2x4x128xi32, #tpu.memory_space<vmem>>, vector<1x1x16xi32>,
      %swap3A_863 = vector.shape_cast %swap3A_862 : vector<1x1x16xi32> to vector<16xi32>
      %swap3A_864 = vector.shape_cast %add3A_857 : vector<16xi32> to vector<1x1x16xi32>
      tpu.vector_store %arg5[%swap3A_859, %swap3A_860, %swap3A_861], %swap3A_864 {strides = array<i32>} : memref<2x4x128xi32, #tpu.memory_space<vmem>>, vector<1x1x16xi32>,
      %add3A_865 = arith.constant 112 : i32
      %add3A_866 = arith.addi %add3A_507, %add3A_865 : i32
      %add3A_867 = vector.broadcast %add3A_866 : i32 to vector<16xi32>
      %add3A_868 = arith.addi %iota3A, %add3A_867 : vector<16xi32>
      %rem3A_869 = arith.constant 26 : i32
      %rem3A_870 = vector.broadcast %rem3A_869 : i32 to vector<16xi32>
      %rem3A_871 = arith.remsi %add3A_868, %rem3A_870 : vector<16xi32>
      %sub3A_872 = arith.constant 6 : i32
      %sub3A_873 = vector.broadcast %sub3A_872 : i32 to vector<16xi32>
      %sub3A_874 = arith.subi %rem3A_871, %sub3A_873 : vector<16xi32>
      %shift_right_arithmetic3A_875 = arith.constant 31 : i32
      %shift_right_arithmetic3A_876 = vector.broadcast %shift_right_arithmetic3A_875 : i32 to vector<16xi32>
      %shift_right_arithmetic3A_877 = arith.shrsi %sub3A_874, %shift_right_arithmetic3A_876 : vector<16xi32>
      %add3A_878 = arith.constant 3 : i32
      %add3A_879 = vector.broadcast %add3A_878 : i32 to vector<16xi32>
      %add3A_880 = arith.addi %add3A_879, %shift_right_arithmetic3A_877 : vector<16xi32>
      %sub3A_881 = arith.constant 12 : i32
      %sub3A_882 = vector.broadcast %sub3A_881 : i32 to vector<16xi32>
      %sub3A_883 = arith.subi %rem3A_871, %sub3A_882 : vector<16xi32>
      %shift_right_arithmetic3A_884 = arith.constant 31 : i32
      %shift_right_arithmetic3A_885 = vector.broadcast %shift_right_arithmetic3A_884 : i32 to vector<16xi32>
      %shift_right_arithmetic3A_886 = arith.shrsi %sub3A_883, %shift_right_arithmetic3A_885 : vector<16xi32>
      %add3A_887 = arith.addi %add3A_880, %shift_right_arithmetic3A_886 : vector<16xi32>
      %sub3A_888 = arith.constant 18 : i32
      %sub3A_889 = vector.broadcast %sub3A_888 : i32 to vector<16xi32>
      %sub3A_890 = arith.subi %rem3A_871, %sub3A_889 : vector<16xi32>
      %shift_right_arithmetic3A_891 = arith.constant 31 : i32
      %shift_right_arithmetic3A_892 = vector.broadcast %shift_right_arithmetic3A_891 : i32 to vector<16xi32>
      %shift_right_arithmetic3A_893 = arith.shrsi %sub3A_890, %shift_right_arithmetic3A_892 : vector<16xi32>
      %add3A_894 = arith.addi %add3A_887, %shift_right_arithmetic3A_893 : vector<16xi32>
      %mul3A_895 = arith.constant 799994 : i32
      %mul3A_896 = vector.broadcast %mul3A_895 : i32 to vector<16xi32>
      %mul3A_897 = arith.muli %add3A_894, %mul3A_896 : vector<16xi32>
      %add3A_898 = arith.addi %mul3A_897, %rem3A_871 : vector<16xi32>
      %get3A_899 = arith.constant 1 : i32
      %get3A_900 = arith.index_cast %rem3A_65 : i32 to index
      %get3A_901 = arith.index_cast %get3A_899 : i32 to index
      %get3A_902 = arith.constant 112 : index
      %get3A_903 = tpu.vector_load %arg5[%get3A_900, %get3A_901, %get3A_902] {strides = array<i32>} : memref<2x4x128xi32, #tpu.memory_space<vmem>>, vector<1x1x16xi32>,
      %get3A_904 = vector.shape_cast %get3A_903 : vector<1x1x16xi32> to vector<16xi32>
      %mul3A_905 = arith.constant 8 : i32
      %mul3A_906 = vector.broadcast %mul3A_905 : i32 to vector<16xi32>
      %mul3A_907 = arith.muli %get3A_904, %mul3A_906 : vector<16xi32>
      %add3A_908 = arith.addi %mul3A_907, %add3A_898 : vector<16xi32>
      %swap3A_909 = arith.constant 1 : i32
      %swap3A_910 = arith.index_cast %rem3A_65 : i32 to index
      %swap3A_911 = arith.index_cast %swap3A_909 : i32 to index
      %swap3A_912 = arith.constant 112 : index
      %swap3A_913 = tpu.vector_load %arg5[%swap3A_910, %swap3A_911, %swap3A_912] {strides = array<i32>} : memref<2x4x128xi32, #tpu.memory_space<vmem>>, vector<1x1x16xi32>,
      %swap3A_914 = vector.shape_cast %swap3A_913 : vector<1x1x16xi32> to vector<16xi32>
      %swap3A_915 = vector.shape_cast %add3A_908 : vector<16xi32> to vector<1x1x16xi32>
      tpu.vector_store %arg5[%swap3A_910, %swap3A_911, %swap3A_912], %swap3A_915 {strides = array<i32>} : memref<2x4x128xi32, #tpu.memory_space<vmem>>, vector<1x1x16xi32>,
      %add3A_916 = arith.constant 2 : i32
      %add3A_917 = arith.addi %add3A_91, %add3A_916 : i32
      %mul3A_918 = arith.constant 128 : i32
      %mul3A_919 = arith.muli %add3A_917, %mul3A_918 : i32
      %add3A_920 = arith.constant 212992 : i32
      %add3A_921 = arith.addi %add3A_920, %mul3A_919 : i32
      %add3A_922 = arith.constant 0 : i32
      %add3A_923 = arith.addi %add3A_921, %add3A_922 : i32
      %add3A_924 = vector.broadcast %add3A_923 : i32 to vector<16xi32>
      %add3A_925 = arith.addi %iota3A, %add3A_924 : vector<16xi32>
      %rem3A_926 = arith.constant 26 : i32
      %rem3A_927 = vector.broadcast %rem3A_926 : i32 to vector<16xi32>
      %rem3A_928 = arith.remsi %add3A_925, %rem3A_927 : vector<16xi32>
      %sub3A_929 = arith.constant 6 : i32
      %sub3A_930 = vector.broadcast %sub3A_929 : i32 to vector<16xi32>
      %sub3A_931 = arith.subi %rem3A_928, %sub3A_930 : vector<16xi32>
      %shift_right_arithmetic3A_932 = arith.constant 31 : i32
      %shift_right_arithmetic3A_933 = vector.broadcast %shift_right_arithmetic3A_932 : i32 to vector<16xi32>
      %shift_right_arithmetic3A_934 = arith.shrsi %sub3A_931, %shift_right_arithmetic3A_933 : vector<16xi32>
      %add3A_935 = arith.constant 3 : i32
      %add3A_936 = vector.broadcast %add3A_935 : i32 to vector<16xi32>
      %add3A_937 = arith.addi %add3A_936, %shift_right_arithmetic3A_934 : vector<16xi32>
      %sub3A_938 = arith.constant 12 : i32
      %sub3A_939 = vector.broadcast %sub3A_938 : i32 to vector<16xi32>
      %sub3A_940 = arith.subi %rem3A_928, %sub3A_939 : vector<16xi32>
      %shift_right_arithmetic3A_941 = arith.constant 31 : i32
      %shift_right_arithmetic3A_942 = vector.broadcast %shift_right_arithmetic3A_941 : i32 to vector<16xi32>
      %shift_right_arithmetic3A_943 = arith.shrsi %sub3A_940, %shift_right_arithmetic3A_942 : vector<16xi32>
      %add3A_944 = arith.addi %add3A_937, %shift_right_arithmetic3A_943 : vector<16xi32>
      %sub3A_945 = arith.constant 18 : i32
      %sub3A_946 = vector.broadcast %sub3A_945 : i32 to vector<16xi32>
      %sub3A_947 = arith.subi %rem3A_928, %sub3A_946 : vector<16xi32>
      %shift_right_arithmetic3A_948 = arith.constant 31 : i32
      %shift_right_arithmetic3A_949 = vector.broadcast %shift_right_arithmetic3A_948 : i32 to vector<16xi32>
      %shift_right_arithmetic3A_950 = arith.shrsi %sub3A_947, %shift_right_arithmetic3A_949 : vector<16xi32>
      %add3A_951 = arith.addi %add3A_944, %shift_right_arithmetic3A_950 : vector<16xi32>
      %mul3A_952 = arith.constant 799994 : i32
      %mul3A_953 = vector.broadcast %mul3A_952 : i32 to vector<16xi32>
      %mul3A_954 = arith.muli %add3A_951, %mul3A_953 : vector<16xi32>
      %add3A_955 = arith.addi %mul3A_954, %rem3A_928 : vector<16xi32>
      %get3A_956 = arith.constant 2 : i32
      %get3A_957 = arith.index_cast %rem3A_65 : i32 to index
      %get3A_958 = arith.index_cast %get3A_956 : i32 to index
      %get3A_959 = arith.constant 0 : index
      %get3A_960 = tpu.vector_load %arg5[%get3A_957, %get3A_958, %get3A_959] {strides = array<i32>} : memref<2x4x128xi32, #tpu.memory_space<vmem>>, vector<1x1x16xi32>,
      %get3A_961 = vector.shape_cast %get3A_960 : vector<1x1x16xi32> to vector<16xi32>
      %mul3A_962 = arith.constant 8 : i32
      %mul3A_963 = vector.broadcast %mul3A_962 : i32 to vector<16xi32>
      %mul3A_964 = arith.muli %get3A_961, %mul3A_963 : vector<16xi32>
      %add3A_965 = arith.addi %mul3A_964, %add3A_955 : vector<16xi32>
      %swap3A_966 = arith.constant 2 : i32
      %swap3A_967 = arith.index_cast %rem3A_65 : i32 to index
      %swap3A_968 = arith.index_cast %swap3A_966 : i32 to index
      %swap3A_969 = arith.constant 0 : index
      %swap3A_970 = tpu.vector_load %arg5[%swap3A_967, %swap3A_968, %swap3A_969] {strides = array<i32>} : memref<2x4x128xi32, #tpu.memory_space<vmem>>, vector<1x1x16xi32>,
      %swap3A_971 = vector.shape_cast %swap3A_970 : vector<1x1x16xi32> to vector<16xi32>
      %swap3A_972 = vector.shape_cast %add3A_965 : vector<16xi32> to vector<1x1x16xi32>
      tpu.vector_store %arg5[%swap3A_967, %swap3A_968, %swap3A_969], %swap3A_972 {strides = array<i32>} : memref<2x4x128xi32, #tpu.memory_space<vmem>>, vector<1x1x16xi32>,
      %add3A_973 = arith.constant 16 : i32
      %add3A_974 = arith.addi %add3A_921, %add3A_973 : i32
      %add3A_975 = vector.broadcast %add3A_974 : i32 to vector<16xi32>
      %add3A_976 = arith.addi %iota3A, %add3A_975 : vector<16xi32>
      %rem3A_977 = arith.constant 26 : i32
      %rem3A_978 = vector.broadcast %rem3A_977 : i32 to vector<16xi32>
      %rem3A_979 = arith.remsi %add3A_976, %rem3A_978 : vector<16xi32>
      %sub3A_980 = arith.constant 6 : i32
      %sub3A_981 = vector.broadcast %sub3A_980 : i32 to vector<16xi32>
      %sub3A_982 = arith.subi %rem3A_979, %sub3A_981 : vector<16xi32>
      %shift_right_arithmetic3A_983 = arith.constant 31 : i32
      %shift_right_arithmetic3A_984 = vector.broadcast %shift_right_arithmetic3A_983 : i32 to vector<16xi32>
      %shift_right_arithmetic3A_985 = arith.shrsi %sub3A_982, %shift_right_arithmetic3A_984 : vector<16xi32>
      %add3A_986 = arith.constant 3 : i32
      %add3A_987 = vector.broadcast %add3A_986 : i32 to vector<16xi32>
      %add3A_988 = arith.addi %add3A_987, %shift_right_arithmetic3A_985 : vector<16xi32>
      %sub3A_989 = arith.constant 12 : i32
      %sub3A_990 = vector.broadcast %sub3A_989 : i32 to vector<16xi32>
      %sub3A_991 = arith.subi %rem3A_979, %sub3A_990 : vector<16xi32>
      %shift_right_arithmetic3A_992 = arith.constant 31 : i32
      %shift_right_arithmetic3A_993 = vector.broadcast %shift_right_arithmetic3A_992 : i32 to vector<16xi32>
      %shift_right_arithmetic3A_994 = arith.shrsi %sub3A_991, %shift_right_arithmetic3A_993 : vector<16xi32>
      %add3A_995 = arith.addi %add3A_988, %shift_right_arithmetic3A_994 : vector<16xi32>
      %sub3A_996 = arith.constant 18 : i32
      %sub3A_997 = vector.broadcast %sub3A_996 : i32 to vector<16xi32>
      %sub3A_998 = arith.subi %rem3A_979, %sub3A_997 : vector<16xi32>
      %shift_right_arithmetic3A_999 = arith.constant 31 : i32
      %shift_right_arithmetic3A_1000 = vector.broadcast %shift_right_arithmetic3A_999 : i32 to vector<16xi32>
      %shift_right_arithmetic3A_1001 = arith.shrsi %sub3A_998, %shift_right_arithmetic3A_1000 : vector<16xi32>
      %add3A_1002 = arith.addi %add3A_995, %shift_right_arithmetic3A_1001 : vector<16xi32>
      %mul3A_1003 = arith.constant 799994 : i32
      %mul3A_1004 = vector.broadcast %mul3A_1003 : i32 to vector<16xi32>
      %mul3A_1005 = arith.muli %add3A_1002, %mul3A_1004 : vector<16xi32>
      %add3A_1006 = arith.addi %mul3A_1005, %rem3A_979 : vector<16xi32>
      %get3A_1007 = arith.constant 2 : i32
      %get3A_1008 = arith.index_cast %rem3A_65 : i32 to index
      %get3A_1009 = arith.index_cast %get3A_1007 : i32 to index
      %get3A_1010 = arith.constant 16 : index
      %get3A_1011 = tpu.vector_load %arg5[%get3A_1008, %get3A_1009, %get3A_1010] {strides = array<i32>} : memref<2x4x128xi32, #tpu.memory_space<vmem>>, vector<1x1x16xi32>,
      %get3A_1012 = vector.shape_cast %get3A_1011 : vector<1x1x16xi32> to vector<16xi32>
      %mul3A_1013 = arith.constant 8 : i32
      %mul3A_1014 = vector.broadcast %mul3A_1013 : i32 to vector<16xi32>
      %mul3A_1015 = arith.muli %get3A_1012, %mul3A_1014 : vector<16xi32>
      %add3A_1016 = arith.addi %mul3A_1015, %add3A_1006 : vector<16xi32>
      %swap3A_1017 = arith.constant 2 : i32
      %swap3A_1018 = arith.index_cast %rem3A_65 : i32 to index
      %swap3A_1019 = arith.index_cast %swap3A_1017 : i32 to index
      %swap3A_1020 = arith.constant 16 : index
      %swap3A_1021 = tpu.vector_load %arg5[%swap3A_1018, %swap3A_1019, %swap3A_1020] {strides = array<i32>} : memref<2x4x128xi32, #tpu.memory_space<vmem>>, vector<1x1x16xi32>,
      %swap3A_1022 = vector.shape_cast %swap3A_1021 : vector<1x1x16xi32> to vector<16xi32>
      %swap3A_1023 = vector.shape_cast %add3A_1016 : vector<16xi32> to vector<1x1x16xi32>
      tpu.vector_store %arg5[%swap3A_1018, %swap3A_1019, %swap3A_1020], %swap3A_1023 {strides = array<i32>} : memref<2x4x128xi32, #tpu.memory_space<vmem>>, vector<1x1x16xi32>,
      %add3A_1024 = arith.constant 32 : i32
      %add3A_1025 = arith.addi %add3A_921, %add3A_1024 : i32
      %add3A_1026 = vector.broadcast %add3A_1025 : i32 to vector<16xi32>
      %add3A_1027 = arith.addi %iota3A, %add3A_1026 : vector<16xi32>
      %rem3A_1028 = arith.constant 26 : i32
      %rem3A_1029 = vector.broadcast %rem3A_1028 : i32 to vector<16xi32>
      %rem3A_1030 = arith.remsi %add3A_1027, %rem3A_1029 : vector<16xi32>
      %sub3A_1031 = arith.constant 6 : i32
      %sub3A_1032 = vector.broadcast %sub3A_1031 : i32 to vector<16xi32>
      %sub3A_1033 = arith.subi %rem3A_1030, %sub3A_1032 : vector<16xi32>
      %shift_right_arithmetic3A_1034 = arith.constant 31 : i32
      %shift_right_arithmetic3A_1035 = vector.broadcast %shift_right_arithmetic3A_1034 : i32 to vector<16xi32>
      %shift_right_arithmetic3A_1036 = arith.shrsi %sub3A_1033, %shift_right_arithmetic3A_1035 : vector<16xi32>
      %add3A_1037 = arith.constant 3 : i32
      %add3A_1038 = vector.broadcast %add3A_1037 : i32 to vector<16xi32>
      %add3A_1039 = arith.addi %add3A_1038, %shift_right_arithmetic3A_1036 : vector<16xi32>
      %sub3A_1040 = arith.constant 12 : i32
      %sub3A_1041 = vector.broadcast %sub3A_1040 : i32 to vector<16xi32>
      %sub3A_1042 = arith.subi %rem3A_1030, %sub3A_1041 : vector<16xi32>
      %shift_right_arithmetic3A_1043 = arith.constant 31 : i32
      %shift_right_arithmetic3A_1044 = vector.broadcast %shift_right_arithmetic3A_1043 : i32 to vector<16xi32>
      %shift_right_arithmetic3A_1045 = arith.shrsi %sub3A_1042, %shift_right_arithmetic3A_1044 : vector<16xi32>
      %add3A_1046 = arith.addi %add3A_1039, %shift_right_arithmetic3A_1045 : vector<16xi32>
      %sub3A_1047 = arith.constant 18 : i32
      %sub3A_1048 = vector.broadcast %sub3A_1047 : i32 to vector<16xi32>
      %sub3A_1049 = arith.subi %rem3A_1030, %sub3A_1048 : vector<16xi32>
      %shift_right_arithmetic3A_1050 = arith.constant 31 : i32
      %shift_right_arithmetic3A_1051 = vector.broadcast %shift_right_arithmetic3A_1050 : i32 to vector<16xi32>
      %shift_right_arithmetic3A_1052 = arith.shrsi %sub3A_1049, %shift_right_arithmetic3A_1051 : vector<16xi32>
      %add3A_1053 = arith.addi %add3A_1046, %shift_right_arithmetic3A_1052 : vector<16xi32>
      %mul3A_1054 = arith.constant 799994 : i32
      %mul3A_1055 = vector.broadcast %mul3A_1054 : i32 to vector<16xi32>
      %mul3A_1056 = arith.muli %add3A_1053, %mul3A_1055 : vector<16xi32>
      %add3A_1057 = arith.addi %mul3A_1056, %rem3A_1030 : vector<16xi32>
      %get3A_1058 = arith.constant 2 : i32
      %get3A_1059 = arith.index_cast %rem3A_65 : i32 to index
      %get3A_1060 = arith.index_cast %get3A_1058 : i32 to index
      %get3A_1061 = arith.constant 32 : index
      %get3A_1062 = tpu.vector_load %arg5[%get3A_1059, %get3A_1060, %get3A_1061] {strides = array<i32>} : memref<2x4x128xi32, #tpu.memory_space<vmem>>, vector<1x1x16xi32>,
      %get3A_1063 = vector.shape_cast %get3A_1062 : vector<1x1x16xi32> to vector<16xi32>
      %mul3A_1064 = arith.constant 8 : i32
      %mul3A_1065 = vector.broadcast %mul3A_1064 : i32 to vector<16xi32>
      %mul3A_1066 = arith.muli %get3A_1063, %mul3A_1065 : vector<16xi32>
      %add3A_1067 = arith.addi %mul3A_1066, %add3A_1057 : vector<16xi32>
      %swap3A_1068 = arith.constant 2 : i32
      %swap3A_1069 = arith.index_cast %rem3A_65 : i32 to index
      %swap3A_1070 = arith.index_cast %swap3A_1068 : i32 to index
      %swap3A_1071 = arith.constant 32 : index
      %swap3A_1072 = tpu.vector_load %arg5[%swap3A_1069, %swap3A_1070, %swap3A_1071] {strides = array<i32>} : memref<2x4x128xi32, #tpu.memory_space<vmem>>, vector<1x1x16xi32>,
      %swap3A_1073 = vector.shape_cast %swap3A_1072 : vector<1x1x16xi32> to vector<16xi32>
      %swap3A_1074 = vector.shape_cast %add3A_1067 : vector<16xi32> to vector<1x1x16xi32>
      tpu.vector_store %arg5[%swap3A_1069, %swap3A_1070, %swap3A_1071], %swap3A_1074 {strides = array<i32>} : memref<2x4x128xi32, #tpu.memory_space<vmem>>, vector<1x1x16xi32>,
      %add3A_1075 = arith.constant 48 : i32
      %add3A_1076 = arith.addi %add3A_921, %add3A_1075 : i32
      %add3A_1077 = vector.broadcast %add3A_1076 : i32 to vector<16xi32>
      %add3A_1078 = arith.addi %iota3A, %add3A_1077 : vector<16xi32>
      %rem3A_1079 = arith.constant 26 : i32
      %rem3A_1080 = vector.broadcast %rem3A_1079 : i32 to vector<16xi32>
      %rem3A_1081 = arith.remsi %add3A_1078, %rem3A_1080 : vector<16xi32>
      %sub3A_1082 = arith.constant 6 : i32
      %sub3A_1083 = vector.broadcast %sub3A_1082 : i32 to vector<16xi32>
      %sub3A_1084 = arith.subi %rem3A_1081, %sub3A_1083 : vector<16xi32>
      %shift_right_arithmetic3A_1085 = arith.constant 31 : i32
      %shift_right_arithmetic3A_1086 = vector.broadcast %shift_right_arithmetic3A_1085 : i32 to vector<16xi32>
      %shift_right_arithmetic3A_1087 = arith.shrsi %sub3A_1084, %shift_right_arithmetic3A_1086 : vector<16xi32>
      %add3A_1088 = arith.constant 3 : i32
      %add3A_1089 = vector.broadcast %add3A_1088 : i32 to vector<16xi32>
      %add3A_1090 = arith.addi %add3A_1089, %shift_right_arithmetic3A_1087 : vector<16xi32>
      %sub3A_1091 = arith.constant 12 : i32
      %sub3A_1092 = vector.broadcast %sub3A_1091 : i32 to vector<16xi32>
      %sub3A_1093 = arith.subi %rem3A_1081, %sub3A_1092 : vector<16xi32>
      %shift_right_arithmetic3A_1094 = arith.constant 31 : i32
      %shift_right_arithmetic3A_1095 = vector.broadcast %shift_right_arithmetic3A_1094 : i32 to vector<16xi32>
      %shift_right_arithmetic3A_1096 = arith.shrsi %sub3A_1093, %shift_right_arithmetic3A_1095 : vector<16xi32>
      %add3A_1097 = arith.addi %add3A_1090, %shift_right_arithmetic3A_1096 : vector<16xi32>
      %sub3A_1098 = arith.constant 18 : i32
      %sub3A_1099 = vector.broadcast %sub3A_1098 : i32 to vector<16xi32>
      %sub3A_1100 = arith.subi %rem3A_1081, %sub3A_1099 : vector<16xi32>
      %shift_right_arithmetic3A_1101 = arith.constant 31 : i32
      %shift_right_arithmetic3A_1102 = vector.broadcast %shift_right_arithmetic3A_1101 : i32 to vector<16xi32>
      %shift_right_arithmetic3A_1103 = arith.shrsi %sub3A_1100, %shift_right_arithmetic3A_1102 : vector<16xi32>
      %add3A_1104 = arith.addi %add3A_1097, %shift_right_arithmetic3A_1103 : vector<16xi32>
      %mul3A_1105 = arith.constant 799994 : i32
      %mul3A_1106 = vector.broadcast %mul3A_1105 : i32 to vector<16xi32>
      %mul3A_1107 = arith.muli %add3A_1104, %mul3A_1106 : vector<16xi32>
      %add3A_1108 = arith.addi %mul3A_1107, %rem3A_1081 : vector<16xi32>
      %get3A_1109 = arith.constant 2 : i32
      %get3A_1110 = arith.index_cast %rem3A_65 : i32 to index
      %get3A_1111 = arith.index_cast %get3A_1109 : i32 to index
      %get3A_1112 = arith.constant 48 : index
      %get3A_1113 = tpu.vector_load %arg5[%get3A_1110, %get3A_1111, %get3A_1112] {strides = array<i32>} : memref<2x4x128xi32, #tpu.memory_space<vmem>>, vector<1x1x16xi32>,
      %get3A_1114 = vector.shape_cast %get3A_1113 : vector<1x1x16xi32> to vector<16xi32>
      %mul3A_1115 = arith.constant 8 : i32
      %mul3A_1116 = vector.broadcast %mul3A_1115 : i32 to vector<16xi32>
      %mul3A_1117 = arith.muli %get3A_1114, %mul3A_1116 : vector<16xi32>
      %add3A_1118 = arith.addi %mul3A_1117, %add3A_1108 : vector<16xi32>
      %swap3A_1119 = arith.constant 2 : i32
      %swap3A_1120 = arith.index_cast %rem3A_65 : i32 to index
      %swap3A_1121 = arith.index_cast %swap3A_1119 : i32 to index
      %swap3A_1122 = arith.constant 48 : index
      %swap3A_1123 = tpu.vector_load %arg5[%swap3A_1120, %swap3A_1121, %swap3A_1122] {strides = array<i32>} : memref<2x4x128xi32, #tpu.memory_space<vmem>>, vector<1x1x16xi32>,
      %swap3A_1124 = vector.shape_cast %swap3A_1123 : vector<1x1x16xi32> to vector<16xi32>
      %swap3A_1125 = vector.shape_cast %add3A_1118 : vector<16xi32> to vector<1x1x16xi32>
      tpu.vector_store %arg5[%swap3A_1120, %swap3A_1121, %swap3A_1122], %swap3A_1125 {strides = array<i32>} : memref<2x4x128xi32, #tpu.memory_space<vmem>>, vector<1x1x16xi32>,
      %add3A_1126 = arith.constant 64 : i32
      %add3A_1127 = arith.addi %add3A_921, %add3A_1126 : i32
      %add3A_1128 = vector.broadcast %add3A_1127 : i32 to vector<16xi32>
      %add3A_1129 = arith.addi %iota3A, %add3A_1128 : vector<16xi32>
      %rem3A_1130 = arith.constant 26 : i32
      %rem3A_1131 = vector.broadcast %rem3A_1130 : i32 to vector<16xi32>
      %rem3A_1132 = arith.remsi %add3A_1129, %rem3A_1131 : vector<16xi32>
      %sub3A_1133 = arith.constant 6 : i32
      %sub3A_1134 = vector.broadcast %sub3A_1133 : i32 to vector<16xi32>
      %sub3A_1135 = arith.subi %rem3A_1132, %sub3A_1134 : vector<16xi32>
      %shift_right_arithmetic3A_1136 = arith.constant 31 : i32
      %shift_right_arithmetic3A_1137 = vector.broadcast %shift_right_arithmetic3A_1136 : i32 to vector<16xi32>
      %shift_right_arithmetic3A_1138 = arith.shrsi %sub3A_1135, %shift_right_arithmetic3A_1137 : vector<16xi32>
      %add3A_1139 = arith.constant 3 : i32
      %add3A_1140 = vector.broadcast %add3A_1139 : i32 to vector<16xi32>
      %add3A_1141 = arith.addi %add3A_1140, %shift_right_arithmetic3A_1138 : vector<16xi32>
      %sub3A_1142 = arith.constant 12 : i32
      %sub3A_1143 = vector.broadcast %sub3A_1142 : i32 to vector<16xi32>
      %sub3A_1144 = arith.subi %rem3A_1132, %sub3A_1143 : vector<16xi32>
      %shift_right_arithmetic3A_1145 = arith.constant 31 : i32
      %shift_right_arithmetic3A_1146 = vector.broadcast %shift_right_arithmetic3A_1145 : i32 to vector<16xi32>
      %shift_right_arithmetic3A_1147 = arith.shrsi %sub3A_1144, %shift_right_arithmetic3A_1146 : vector<16xi32>
      %add3A_1148 = arith.addi %add3A_1141, %shift_right_arithmetic3A_1147 : vector<16xi32>
      %sub3A_1149 = arith.constant 18 : i32
      %sub3A_1150 = vector.broadcast %sub3A_1149 : i32 to vector<16xi32>
      %sub3A_1151 = arith.subi %rem3A_1132, %sub3A_1150 : vector<16xi32>
      %shift_right_arithmetic3A_1152 = arith.constant 31 : i32
      %shift_right_arithmetic3A_1153 = vector.broadcast %shift_right_arithmetic3A_1152 : i32 to vector<16xi32>
      %shift_right_arithmetic3A_1154 = arith.shrsi %sub3A_1151, %shift_right_arithmetic3A_1153 : vector<16xi32>
      %add3A_1155 = arith.addi %add3A_1148, %shift_right_arithmetic3A_1154 : vector<16xi32>
      %mul3A_1156 = arith.constant 799994 : i32
      %mul3A_1157 = vector.broadcast %mul3A_1156 : i32 to vector<16xi32>
      %mul3A_1158 = arith.muli %add3A_1155, %mul3A_1157 : vector<16xi32>
      %add3A_1159 = arith.addi %mul3A_1158, %rem3A_1132 : vector<16xi32>
      %get3A_1160 = arith.constant 2 : i32
      %get3A_1161 = arith.index_cast %rem3A_65 : i32 to index
      %get3A_1162 = arith.index_cast %get3A_1160 : i32 to index
      %get3A_1163 = arith.constant 64 : index
      %get3A_1164 = tpu.vector_load %arg5[%get3A_1161, %get3A_1162, %get3A_1163] {strides = array<i32>} : memref<2x4x128xi32, #tpu.memory_space<vmem>>, vector<1x1x16xi32>,
      %get3A_1165 = vector.shape_cast %get3A_1164 : vector<1x1x16xi32> to vector<16xi32>
      %mul3A_1166 = arith.constant 8 : i32
      %mul3A_1167 = vector.broadcast %mul3A_1166 : i32 to vector<16xi32>
      %mul3A_1168 = arith.muli %get3A_1165, %mul3A_1167 : vector<16xi32>
      %add3A_1169 = arith.addi %mul3A_1168, %add3A_1159 : vector<16xi32>
      %swap3A_1170 = arith.constant 2 : i32
      %swap3A_1171 = arith.index_cast %rem3A_65 : i32 to index
      %swap3A_1172 = arith.index_cast %swap3A_1170 : i32 to index
      %swap3A_1173 = arith.constant 64 : index
      %swap3A_1174 = tpu.vector_load %arg5[%swap3A_1171, %swap3A_1172, %swap3A_1173] {strides = array<i32>} : memref<2x4x128xi32, #tpu.memory_space<vmem>>, vector<1x1x16xi32>,
      %swap3A_1175 = vector.shape_cast %swap3A_1174 : vector<1x1x16xi32> to vector<16xi32>
      %swap3A_1176 = vector.shape_cast %add3A_1169 : vector<16xi32> to vector<1x1x16xi32>
      tpu.vector_store %arg5[%swap3A_1171, %swap3A_1172, %swap3A_1173], %swap3A_1176 {strides = array<i32>} : memref<2x4x128xi32, #tpu.memory_space<vmem>>, vector<1x1x16xi32>,
      %add3A_1177 = arith.constant 80 : i32
      %add3A_1178 = arith.addi %add3A_921, %add3A_1177 : i32
      %add3A_1179 = vector.broadcast %add3A_1178 : i32 to vector<16xi32>
      %add3A_1180 = arith.addi %iota3A, %add3A_1179 : vector<16xi32>
      %rem3A_1181 = arith.constant 26 : i32
      %rem3A_1182 = vector.broadcast %rem3A_1181 : i32 to vector<16xi32>
      %rem3A_1183 = arith.remsi %add3A_1180, %rem3A_1182 : vector<16xi32>
      %sub3A_1184 = arith.constant 6 : i32
      %sub3A_1185 = vector.broadcast %sub3A_1184 : i32 to vector<16xi32>
      %sub3A_1186 = arith.subi %rem3A_1183, %sub3A_1185 : vector<16xi32>
      %shift_right_arithmetic3A_1187 = arith.constant 31 : i32
      %shift_right_arithmetic3A_1188 = vector.broadcast %shift_right_arithmetic3A_1187 : i32 to vector<16xi32>
      %shift_right_arithmetic3A_1189 = arith.shrsi %sub3A_1186, %shift_right_arithmetic3A_1188 : vector<16xi32>
      %add3A_1190 = arith.constant 3 : i32
      %add3A_1191 = vector.broadcast %add3A_1190 : i32 to vector<16xi32>
      %add3A_1192 = arith.addi %add3A_1191, %shift_right_arithmetic3A_1189 : vector<16xi32>
      %sub3A_1193 = arith.constant 12 : i32
      %sub3A_1194 = vector.broadcast %sub3A_1193 : i32 to vector<16xi32>
      %sub3A_1195 = arith.subi %rem3A_1183, %sub3A_1194 : vector<16xi32>
      %shift_right_arithmetic3A_1196 = arith.constant 31 : i32
      %shift_right_arithmetic3A_1197 = vector.broadcast %shift_right_arithmetic3A_1196 : i32 to vector<16xi32>
      %shift_right_arithmetic3A_1198 = arith.shrsi %sub3A_1195, %shift_right_arithmetic3A_1197 : vector<16xi32>
      %add3A_1199 = arith.addi %add3A_1192, %shift_right_arithmetic3A_1198 : vector<16xi32>
      %sub3A_1200 = arith.constant 18 : i32
      %sub3A_1201 = vector.broadcast %sub3A_1200 : i32 to vector<16xi32>
      %sub3A_1202 = arith.subi %rem3A_1183, %sub3A_1201 : vector<16xi32>
      %shift_right_arithmetic3A_1203 = arith.constant 31 : i32
      %shift_right_arithmetic3A_1204 = vector.broadcast %shift_right_arithmetic3A_1203 : i32 to vector<16xi32>
      %shift_right_arithmetic3A_1205 = arith.shrsi %sub3A_1202, %shift_right_arithmetic3A_1204 : vector<16xi32>
      %add3A_1206 = arith.addi %add3A_1199, %shift_right_arithmetic3A_1205 : vector<16xi32>
      %mul3A_1207 = arith.constant 799994 : i32
      %mul3A_1208 = vector.broadcast %mul3A_1207 : i32 to vector<16xi32>
      %mul3A_1209 = arith.muli %add3A_1206, %mul3A_1208 : vector<16xi32>
      %add3A_1210 = arith.addi %mul3A_1209, %rem3A_1183 : vector<16xi32>
      %get3A_1211 = arith.constant 2 : i32
      %get3A_1212 = arith.index_cast %rem3A_65 : i32 to index
      %get3A_1213 = arith.index_cast %get3A_1211 : i32 to index
      %get3A_1214 = arith.constant 80 : index
      %get3A_1215 = tpu.vector_load %arg5[%get3A_1212, %get3A_1213, %get3A_1214] {strides = array<i32>} : memref<2x4x128xi32, #tpu.memory_space<vmem>>, vector<1x1x16xi32>,
      %get3A_1216 = vector.shape_cast %get3A_1215 : vector<1x1x16xi32> to vector<16xi32>
      %mul3A_1217 = arith.constant 8 : i32
      %mul3A_1218 = vector.broadcast %mul3A_1217 : i32 to vector<16xi32>
      %mul3A_1219 = arith.muli %get3A_1216, %mul3A_1218 : vector<16xi32>
      %add3A_1220 = arith.addi %mul3A_1219, %add3A_1210 : vector<16xi32>
      %swap3A_1221 = arith.constant 2 : i32
      %swap3A_1222 = arith.index_cast %rem3A_65 : i32 to index
      %swap3A_1223 = arith.index_cast %swap3A_1221 : i32 to index
      %swap3A_1224 = arith.constant 80 : index
      %swap3A_1225 = tpu.vector_load %arg5[%swap3A_1222, %swap3A_1223, %swap3A_1224] {strides = array<i32>} : memref<2x4x128xi32, #tpu.memory_space<vmem>>, vector<1x1x16xi32>,
      %swap3A_1226 = vector.shape_cast %swap3A_1225 : vector<1x1x16xi32> to vector<16xi32>
      %swap3A_1227 = vector.shape_cast %add3A_1220 : vector<16xi32> to vector<1x1x16xi32>
      tpu.vector_store %arg5[%swap3A_1222, %swap3A_1223, %swap3A_1224], %swap3A_1227 {strides = array<i32>} : memref<2x4x128xi32, #tpu.memory_space<vmem>>, vector<1x1x16xi32>,
      %add3A_1228 = arith.constant 96 : i32
      %add3A_1229 = arith.addi %add3A_921, %add3A_1228 : i32
      %add3A_1230 = vector.broadcast %add3A_1229 : i32 to vector<16xi32>
      %add3A_1231 = arith.addi %iota3A, %add3A_1230 : vector<16xi32>
      %rem3A_1232 = arith.constant 26 : i32
      %rem3A_1233 = vector.broadcast %rem3A_1232 : i32 to vector<16xi32>
      %rem3A_1234 = arith.remsi %add3A_1231, %rem3A_1233 : vector<16xi32>
      %sub3A_1235 = arith.constant 6 : i32
      %sub3A_1236 = vector.broadcast %sub3A_1235 : i32 to vector<16xi32>
      %sub3A_1237 = arith.subi %rem3A_1234, %sub3A_1236 : vector<16xi32>
      %shift_right_arithmetic3A_1238 = arith.constant 31 : i32
      %shift_right_arithmetic3A_1239 = vector.broadcast %shift_right_arithmetic3A_1238 : i32 to vector<16xi32>
      %shift_right_arithmetic3A_1240 = arith.shrsi %sub3A_1237, %shift_right_arithmetic3A_1239 : vector<16xi32>
      %add3A_1241 = arith.constant 3 : i32
      %add3A_1242 = vector.broadcast %add3A_1241 : i32 to vector<16xi32>
      %add3A_1243 = arith.addi %add3A_1242, %shift_right_arithmetic3A_1240 : vector<16xi32>
      %sub3A_1244 = arith.constant 12 : i32
      %sub3A_1245 = vector.broadcast %sub3A_1244 : i32 to vector<16xi32>
      %sub3A_1246 = arith.subi %rem3A_1234, %sub3A_1245 : vector<16xi32>
      %shift_right_arithmetic3A_1247 = arith.constant 31 : i32
      %shift_right_arithmetic3A_1248 = vector.broadcast %shift_right_arithmetic3A_1247 : i32 to vector<16xi32>
      %shift_right_arithmetic3A_1249 = arith.shrsi %sub3A_1246, %shift_right_arithmetic3A_1248 : vector<16xi32>
      %add3A_1250 = arith.addi %add3A_1243, %shift_right_arithmetic3A_1249 : vector<16xi32>
      %sub3A_1251 = arith.constant 18 : i32
      %sub3A_1252 = vector.broadcast %sub3A_1251 : i32 to vector<16xi32>
      %sub3A_1253 = arith.subi %rem3A_1234, %sub3A_1252 : vector<16xi32>
      %shift_right_arithmetic3A_1254 = arith.constant 31 : i32
      %shift_right_arithmetic3A_1255 = vector.broadcast %shift_right_arithmetic3A_1254 : i32 to vector<16xi32>
      %shift_right_arithmetic3A_1256 = arith.shrsi %sub3A_1253, %shift_right_arithmetic3A_1255 : vector<16xi32>
      %add3A_1257 = arith.addi %add3A_1250, %shift_right_arithmetic3A_1256 : vector<16xi32>
      %mul3A_1258 = arith.constant 799994 : i32
      %mul3A_1259 = vector.broadcast %mul3A_1258 : i32 to vector<16xi32>
      %mul3A_1260 = arith.muli %add3A_1257, %mul3A_1259 : vector<16xi32>
      %add3A_1261 = arith.addi %mul3A_1260, %rem3A_1234 : vector<16xi32>
      %get3A_1262 = arith.constant 2 : i32
      %get3A_1263 = arith.index_cast %rem3A_65 : i32 to index
      %get3A_1264 = arith.index_cast %get3A_1262 : i32 to index
      %get3A_1265 = arith.constant 96 : index
      %get3A_1266 = tpu.vector_load %arg5[%get3A_1263, %get3A_1264, %get3A_1265] {strides = array<i32>} : memref<2x4x128xi32, #tpu.memory_space<vmem>>, vector<1x1x16xi32>,
      %get3A_1267 = vector.shape_cast %get3A_1266 : vector<1x1x16xi32> to vector<16xi32>
      %mul3A_1268 = arith.constant 8 : i32
      %mul3A_1269 = vector.broadcast %mul3A_1268 : i32 to vector<16xi32>
      %mul3A_1270 = arith.muli %get3A_1267, %mul3A_1269 : vector<16xi32>
      %add3A_1271 = arith.addi %mul3A_1270, %add3A_1261 : vector<16xi32>
      %swap3A_1272 = arith.constant 2 : i32
      %swap3A_1273 = arith.index_cast %rem3A_65 : i32 to index
      %swap3A_1274 = arith.index_cast %swap3A_1272 : i32 to index
      %swap3A_1275 = arith.constant 96 : index
      %swap3A_1276 = tpu.vector_load %arg5[%swap3A_1273, %swap3A_1274, %swap3A_1275] {strides = array<i32>} : memref<2x4x128xi32, #tpu.memory_space<vmem>>, vector<1x1x16xi32>,
      %swap3A_1277 = vector.shape_cast %swap3A_1276 : vector<1x1x16xi32> to vector<16xi32>
      %swap3A_1278 = vector.shape_cast %add3A_1271 : vector<16xi32> to vector<1x1x16xi32>
      tpu.vector_store %arg5[%swap3A_1273, %swap3A_1274, %swap3A_1275], %swap3A_1278 {strides = array<i32>} : memref<2x4x128xi32, #tpu.memory_space<vmem>>, vector<1x1x16xi32>,
      %add3A_1279 = arith.constant 112 : i32
      %add3A_1280 = arith.addi %add3A_921, %add3A_1279 : i32
      %add3A_1281 = vector.broadcast %add3A_1280 : i32 to vector<16xi32>
      %add3A_1282 = arith.addi %iota3A, %add3A_1281 : vector<16xi32>
      %rem3A_1283 = arith.constant 26 : i32
      %rem3A_1284 = vector.broadcast %rem3A_1283 : i32 to vector<16xi32>
      %rem3A_1285 = arith.remsi %add3A_1282, %rem3A_1284 : vector<16xi32>
      %sub3A_1286 = arith.constant 6 : i32
      %sub3A_1287 = vector.broadcast %sub3A_1286 : i32 to vector<16xi32>
      %sub3A_1288 = arith.subi %rem3A_1285, %sub3A_1287 : vector<16xi32>
      %shift_right_arithmetic3A_1289 = arith.constant 31 : i32
      %shift_right_arithmetic3A_1290 = vector.broadcast %shift_right_arithmetic3A_1289 : i32 to vector<16xi32>
      %shift_right_arithmetic3A_1291 = arith.shrsi %sub3A_1288, %shift_right_arithmetic3A_1290 : vector<16xi32>
      %add3A_1292 = arith.constant 3 : i32
      %add3A_1293 = vector.broadcast %add3A_1292 : i32 to vector<16xi32>
      %add3A_1294 = arith.addi %add3A_1293, %shift_right_arithmetic3A_1291 : vector<16xi32>
      %sub3A_1295 = arith.constant 12 : i32
      %sub3A_1296 = vector.broadcast %sub3A_1295 : i32 to vector<16xi32>
      %sub3A_1297 = arith.subi %rem3A_1285, %sub3A_1296 : vector<16xi32>
      %shift_right_arithmetic3A_1298 = arith.constant 31 : i32
      %shift_right_arithmetic3A_1299 = vector.broadcast %shift_right_arithmetic3A_1298 : i32 to vector<16xi32>
      %shift_right_arithmetic3A_1300 = arith.shrsi %sub3A_1297, %shift_right_arithmetic3A_1299 : vector<16xi32>
      %add3A_1301 = arith.addi %add3A_1294, %shift_right_arithmetic3A_1300 : vector<16xi32>
      %sub3A_1302 = arith.constant 18 : i32
      %sub3A_1303 = vector.broadcast %sub3A_1302 : i32 to vector<16xi32>
      %sub3A_1304 = arith.subi %rem3A_1285, %sub3A_1303 : vector<16xi32>
      %shift_right_arithmetic3A_1305 = arith.constant 31 : i32
      %shift_right_arithmetic3A_1306 = vector.broadcast %shift_right_arithmetic3A_1305 : i32 to vector<16xi32>
      %shift_right_arithmetic3A_1307 = arith.shrsi %sub3A_1304, %shift_right_arithmetic3A_1306 : vector<16xi32>
      %add3A_1308 = arith.addi %add3A_1301, %shift_right_arithmetic3A_1307 : vector<16xi32>
      %mul3A_1309 = arith.constant 799994 : i32
      %mul3A_1310 = vector.broadcast %mul3A_1309 : i32 to vector<16xi32>
      %mul3A_1311 = arith.muli %add3A_1308, %mul3A_1310 : vector<16xi32>
      %add3A_1312 = arith.addi %mul3A_1311, %rem3A_1285 : vector<16xi32>
      %get3A_1313 = arith.constant 2 : i32
      %get3A_1314 = arith.index_cast %rem3A_65 : i32 to index
      %get3A_1315 = arith.index_cast %get3A_1313 : i32 to index
      %get3A_1316 = arith.constant 112 : index
      %get3A_1317 = tpu.vector_load %arg5[%get3A_1314, %get3A_1315, %get3A_1316] {strides = array<i32>} : memref<2x4x128xi32, #tpu.memory_space<vmem>>, vector<1x1x16xi32>,
      %get3A_1318 = vector.shape_cast %get3A_1317 : vector<1x1x16xi32> to vector<16xi32>
      %mul3A_1319 = arith.constant 8 : i32
      %mul3A_1320 = vector.broadcast %mul3A_1319 : i32 to vector<16xi32>
      %mul3A_1321 = arith.muli %get3A_1318, %mul3A_1320 : vector<16xi32>
      %add3A_1322 = arith.addi %mul3A_1321, %add3A_1312 : vector<16xi32>
      %swap3A_1323 = arith.constant 2 : i32
      %swap3A_1324 = arith.index_cast %rem3A_65 : i32 to index
      %swap3A_1325 = arith.index_cast %swap3A_1323 : i32 to index
      %swap3A_1326 = arith.constant 112 : index
      %swap3A_1327 = tpu.vector_load %arg5[%swap3A_1324, %swap3A_1325, %swap3A_1326] {strides = array<i32>} : memref<2x4x128xi32, #tpu.memory_space<vmem>>, vector<1x1x16xi32>,
      %swap3A_1328 = vector.shape_cast %swap3A_1327 : vector<1x1x16xi32> to vector<16xi32>
      %swap3A_1329 = vector.shape_cast %add3A_1322 : vector<16xi32> to vector<1x1x16xi32>
      tpu.vector_store %arg5[%swap3A_1324, %swap3A_1325, %swap3A_1326], %swap3A_1329 {strides = array<i32>} : memref<2x4x128xi32, #tpu.memory_space<vmem>>, vector<1x1x16xi32>,
      %add3A_1330 = arith.constant 3 : i32
      %add3A_1331 = arith.addi %add3A_91, %add3A_1330 : i32
      %mul3A_1332 = arith.constant 128 : i32
      %mul3A_1333 = arith.muli %add3A_1331, %mul3A_1332 : i32
      %add3A_1334 = arith.constant 212992 : i32
      %add3A_1335 = arith.addi %add3A_1334, %mul3A_1333 : i32
      %add3A_1336 = arith.constant 0 : i32
      %add3A_1337 = arith.addi %add3A_1335, %add3A_1336 : i32
      %add3A_1338 = vector.broadcast %add3A_1337 : i32 to vector<16xi32>
      %add3A_1339 = arith.addi %iota3A, %add3A_1338 : vector<16xi32>
      %rem3A_1340 = arith.constant 26 : i32
      %rem3A_1341 = vector.broadcast %rem3A_1340 : i32 to vector<16xi32>
      %rem3A_1342 = arith.remsi %add3A_1339, %rem3A_1341 : vector<16xi32>
      %sub3A_1343 = arith.constant 6 : i32
      %sub3A_1344 = vector.broadcast %sub3A_1343 : i32 to vector<16xi32>
      %sub3A_1345 = arith.subi %rem3A_1342, %sub3A_1344 : vector<16xi32>
      %shift_right_arithmetic3A_1346 = arith.constant 31 : i32
      %shift_right_arithmetic3A_1347 = vector.broadcast %shift_right_arithmetic3A_1346 : i32 to vector<16xi32>
      %shift_right_arithmetic3A_1348 = arith.shrsi %sub3A_1345, %shift_right_arithmetic3A_1347 : vector<16xi32>
      %add3A_1349 = arith.constant 3 : i32
      %add3A_1350 = vector.broadcast %add3A_1349 : i32 to vector<16xi32>
      %add3A_1351 = arith.addi %add3A_1350, %shift_right_arithmetic3A_1348 : vector<16xi32>
      %sub3A_1352 = arith.constant 12 : i32
      %sub3A_1353 = vector.broadcast %sub3A_1352 : i32 to vector<16xi32>
      %sub3A_1354 = arith.subi %rem3A_1342, %sub3A_1353 : vector<16xi32>
      %shift_right_arithmetic3A_1355 = arith.constant 31 : i32
      %shift_right_arithmetic3A_1356 = vector.broadcast %shift_right_arithmetic3A_1355 : i32 to vector<16xi32>
      %shift_right_arithmetic3A_1357 = arith.shrsi %sub3A_1354, %shift_right_arithmetic3A_1356 : vector<16xi32>
      %add3A_1358 = arith.addi %add3A_1351, %shift_right_arithmetic3A_1357 : vector<16xi32>
      %sub3A_1359 = arith.constant 18 : i32
      %sub3A_1360 = vector.broadcast %sub3A_1359 : i32 to vector<16xi32>
      %sub3A_1361 = arith.subi %rem3A_1342, %sub3A_1360 : vector<16xi32>
      %shift_right_arithmetic3A_1362 = arith.constant 31 : i32
      %shift_right_arithmetic3A_1363 = vector.broadcast %shift_right_arithmetic3A_1362 : i32 to vector<16xi32>
      %shift_right_arithmetic3A_1364 = arith.shrsi %sub3A_1361, %shift_right_arithmetic3A_1363 : vector<16xi32>
      %add3A_1365 = arith.addi %add3A_1358, %shift_right_arithmetic3A_1364 : vector<16xi32>
      %mul3A_1366 = arith.constant 799994 : i32
      %mul3A_1367 = vector.broadcast %mul3A_1366 : i32 to vector<16xi32>
      %mul3A_1368 = arith.muli %add3A_1365, %mul3A_1367 : vector<16xi32>
      %add3A_1369 = arith.addi %mul3A_1368, %rem3A_1342 : vector<16xi32>
      %get3A_1370 = arith.constant 3 : i32
      %get3A_1371 = arith.index_cast %rem3A_65 : i32 to index
      %get3A_1372 = arith.index_cast %get3A_1370 : i32 to index
      %get3A_1373 = arith.constant 0 : index
      %get3A_1374 = tpu.vector_load %arg5[%get3A_1371, %get3A_1372, %get3A_1373] {strides = array<i32>} : memref<2x4x128xi32, #tpu.memory_space<vmem>>, vector<1x1x16xi32>,
      %get3A_1375 = vector.shape_cast %get3A_1374 : vector<1x1x16xi32> to vector<16xi32>
      %mul3A_1376 = arith.constant 8 : i32
      %mul3A_1377 = vector.broadcast %mul3A_1376 : i32 to vector<16xi32>
      %mul3A_1378 = arith.muli %get3A_1375, %mul3A_1377 : vector<16xi32>
      %add3A_1379 = arith.addi %mul3A_1378, %add3A_1369 : vector<16xi32>
      %swap3A_1380 = arith.constant 3 : i32
      %swap3A_1381 = arith.index_cast %rem3A_65 : i32 to index
      %swap3A_1382 = arith.index_cast %swap3A_1380 : i32 to index
      %swap3A_1383 = arith.constant 0 : index
      %swap3A_1384 = tpu.vector_load %arg5[%swap3A_1381, %swap3A_1382, %swap3A_1383] {strides = array<i32>} : memref<2x4x128xi32, #tpu.memory_space<vmem>>, vector<1x1x16xi32>,
      %swap3A_1385 = vector.shape_cast %swap3A_1384 : vector<1x1x16xi32> to vector<16xi32>
      %swap3A_1386 = vector.shape_cast %add3A_1379 : vector<16xi32> to vector<1x1x16xi32>
      tpu.vector_store %arg5[%swap3A_1381, %swap3A_1382, %swap3A_1383], %swap3A_1386 {strides = array<i32>} : memref<2x4x128xi32, #tpu.memory_space<vmem>>, vector<1x1x16xi32>,
      %add3A_1387 = arith.constant 16 : i32
      %add3A_1388 = arith.addi %add3A_1335, %add3A_1387 : i32
      %add3A_1389 = vector.broadcast %add3A_1388 : i32 to vector<16xi32>
      %add3A_1390 = arith.addi %iota3A, %add3A_1389 : vector<16xi32>
      %rem3A_1391 = arith.constant 26 : i32
      %rem3A_1392 = vector.broadcast %rem3A_1391 : i32 to vector<16xi32>
      %rem3A_1393 = arith.remsi %add3A_1390, %rem3A_1392 : vector<16xi32>
      %sub3A_1394 = arith.constant 6 : i32
      %sub3A_1395 = vector.broadcast %sub3A_1394 : i32 to vector<16xi32>
      %sub3A_1396 = arith.subi %rem3A_1393, %sub3A_1395 : vector<16xi32>
      %shift_right_arithmetic3A_1397 = arith.constant 31 : i32
      %shift_right_arithmetic3A_1398 = vector.broadcast %shift_right_arithmetic3A_1397 : i32 to vector<16xi32>
      %shift_right_arithmetic3A_1399 = arith.shrsi %sub3A_1396, %shift_right_arithmetic3A_1398 : vector<16xi32>
      %add3A_1400 = arith.constant 3 : i32
      %add3A_1401 = vector.broadcast %add3A_1400 : i32 to vector<16xi32>
      %add3A_1402 = arith.addi %add3A_1401, %shift_right_arithmetic3A_1399 : vector<16xi32>
      %sub3A_1403 = arith.constant 12 : i32
      %sub3A_1404 = vector.broadcast %sub3A_1403 : i32 to vector<16xi32>
      %sub3A_1405 = arith.subi %rem3A_1393, %sub3A_1404 : vector<16xi32>
      %shift_right_arithmetic3A_1406 = arith.constant 31 : i32
      %shift_right_arithmetic3A_1407 = vector.broadcast %shift_right_arithmetic3A_1406 : i32 to vector<16xi32>
      %shift_right_arithmetic3A_1408 = arith.shrsi %sub3A_1405, %shift_right_arithmetic3A_1407 : vector<16xi32>
      %add3A_1409 = arith.addi %add3A_1402, %shift_right_arithmetic3A_1408 : vector<16xi32>
      %sub3A_1410 = arith.constant 18 : i32
      %sub3A_1411 = vector.broadcast %sub3A_1410 : i32 to vector<16xi32>
      %sub3A_1412 = arith.subi %rem3A_1393, %sub3A_1411 : vector<16xi32>
      %shift_right_arithmetic3A_1413 = arith.constant 31 : i32
      %shift_right_arithmetic3A_1414 = vector.broadcast %shift_right_arithmetic3A_1413 : i32 to vector<16xi32>
      %shift_right_arithmetic3A_1415 = arith.shrsi %sub3A_1412, %shift_right_arithmetic3A_1414 : vector<16xi32>
      %add3A_1416 = arith.addi %add3A_1409, %shift_right_arithmetic3A_1415 : vector<16xi32>
      %mul3A_1417 = arith.constant 799994 : i32
      %mul3A_1418 = vector.broadcast %mul3A_1417 : i32 to vector<16xi32>
      %mul3A_1419 = arith.muli %add3A_1416, %mul3A_1418 : vector<16xi32>
      %add3A_1420 = arith.addi %mul3A_1419, %rem3A_1393 : vector<16xi32>
      %get3A_1421 = arith.constant 3 : i32
      %get3A_1422 = arith.index_cast %rem3A_65 : i32 to index
      %get3A_1423 = arith.index_cast %get3A_1421 : i32 to index
      %get3A_1424 = arith.constant 16 : index
      %get3A_1425 = tpu.vector_load %arg5[%get3A_1422, %get3A_1423, %get3A_1424] {strides = array<i32>} : memref<2x4x128xi32, #tpu.memory_space<vmem>>, vector<1x1x16xi32>,
      %get3A_1426 = vector.shape_cast %get3A_1425 : vector<1x1x16xi32> to vector<16xi32>
      %mul3A_1427 = arith.constant 8 : i32
      %mul3A_1428 = vector.broadcast %mul3A_1427 : i32 to vector<16xi32>
      %mul3A_1429 = arith.muli %get3A_1426, %mul3A_1428 : vector<16xi32>
      %add3A_1430 = arith.addi %mul3A_1429, %add3A_1420 : vector<16xi32>
      %swap3A_1431 = arith.constant 3 : i32
      %swap3A_1432 = arith.index_cast %rem3A_65 : i32 to index
      %swap3A_1433 = arith.index_cast %swap3A_1431 : i32 to index
      %swap3A_1434 = arith.constant 16 : index
      %swap3A_1435 = tpu.vector_load %arg5[%swap3A_1432, %swap3A_1433, %swap3A_1434] {strides = array<i32>} : memref<2x4x128xi32, #tpu.memory_space<vmem>>, vector<1x1x16xi32>,
      %swap3A_1436 = vector.shape_cast %swap3A_1435 : vector<1x1x16xi32> to vector<16xi32>
      %swap3A_1437 = vector.shape_cast %add3A_1430 : vector<16xi32> to vector<1x1x16xi32>
      tpu.vector_store %arg5[%swap3A_1432, %swap3A_1433, %swap3A_1434], %swap3A_1437 {strides = array<i32>} : memref<2x4x128xi32, #tpu.memory_space<vmem>>, vector<1x1x16xi32>,
      %add3A_1438 = arith.constant 32 : i32
      %add3A_1439 = arith.addi %add3A_1335, %add3A_1438 : i32
      %add3A_1440 = vector.broadcast %add3A_1439 : i32 to vector<16xi32>
      %add3A_1441 = arith.addi %iota3A, %add3A_1440 : vector<16xi32>
      %rem3A_1442 = arith.constant 26 : i32
      %rem3A_1443 = vector.broadcast %rem3A_1442 : i32 to vector<16xi32>
      %rem3A_1444 = arith.remsi %add3A_1441, %rem3A_1443 : vector<16xi32>
      %sub3A_1445 = arith.constant 6 : i32
      %sub3A_1446 = vector.broadcast %sub3A_1445 : i32 to vector<16xi32>
      %sub3A_1447 = arith.subi %rem3A_1444, %sub3A_1446 : vector<16xi32>
      %shift_right_arithmetic3A_1448 = arith.constant 31 : i32
      %shift_right_arithmetic3A_1449 = vector.broadcast %shift_right_arithmetic3A_1448 : i32 to vector<16xi32>
      %shift_right_arithmetic3A_1450 = arith.shrsi %sub3A_1447, %shift_right_arithmetic3A_1449 : vector<16xi32>
      %add3A_1451 = arith.constant 3 : i32
      %add3A_1452 = vector.broadcast %add3A_1451 : i32 to vector<16xi32>
      %add3A_1453 = arith.addi %add3A_1452, %shift_right_arithmetic3A_1450 : vector<16xi32>
      %sub3A_1454 = arith.constant 12 : i32
      %sub3A_1455 = vector.broadcast %sub3A_1454 : i32 to vector<16xi32>
      %sub3A_1456 = arith.subi %rem3A_1444, %sub3A_1455 : vector<16xi32>
      %shift_right_arithmetic3A_1457 = arith.constant 31 : i32
      %shift_right_arithmetic3A_1458 = vector.broadcast %shift_right_arithmetic3A_1457 : i32 to vector<16xi32>
      %shift_right_arithmetic3A_1459 = arith.shrsi %sub3A_1456, %shift_right_arithmetic3A_1458 : vector<16xi32>
      %add3A_1460 = arith.addi %add3A_1453, %shift_right_arithmetic3A_1459 : vector<16xi32>
      %sub3A_1461 = arith.constant 18 : i32
      %sub3A_1462 = vector.broadcast %sub3A_1461 : i32 to vector<16xi32>
      %sub3A_1463 = arith.subi %rem3A_1444, %sub3A_1462 : vector<16xi32>
      %shift_right_arithmetic3A_1464 = arith.constant 31 : i32
      %shift_right_arithmetic3A_1465 = vector.broadcast %shift_right_arithmetic3A_1464 : i32 to vector<16xi32>
      %shift_right_arithmetic3A_1466 = arith.shrsi %sub3A_1463, %shift_right_arithmetic3A_1465 : vector<16xi32>
      %add3A_1467 = arith.addi %add3A_1460, %shift_right_arithmetic3A_1466 : vector<16xi32>
      %mul3A_1468 = arith.constant 799994 : i32
      %mul3A_1469 = vector.broadcast %mul3A_1468 : i32 to vector<16xi32>
      %mul3A_1470 = arith.muli %add3A_1467, %mul3A_1469 : vector<16xi32>
      %add3A_1471 = arith.addi %mul3A_1470, %rem3A_1444 : vector<16xi32>
      %get3A_1472 = arith.constant 3 : i32
      %get3A_1473 = arith.index_cast %rem3A_65 : i32 to index
      %get3A_1474 = arith.index_cast %get3A_1472 : i32 to index
      %get3A_1475 = arith.constant 32 : index
      %get3A_1476 = tpu.vector_load %arg5[%get3A_1473, %get3A_1474, %get3A_1475] {strides = array<i32>} : memref<2x4x128xi32, #tpu.memory_space<vmem>>, vector<1x1x16xi32>,
      %get3A_1477 = vector.shape_cast %get3A_1476 : vector<1x1x16xi32> to vector<16xi32>
      %mul3A_1478 = arith.constant 8 : i32
      %mul3A_1479 = vector.broadcast %mul3A_1478 : i32 to vector<16xi32>
      %mul3A_1480 = arith.muli %get3A_1477, %mul3A_1479 : vector<16xi32>
      %add3A_1481 = arith.addi %mul3A_1480, %add3A_1471 : vector<16xi32>
      %swap3A_1482 = arith.constant 3 : i32
      %swap3A_1483 = arith.index_cast %rem3A_65 : i32 to index
      %swap3A_1484 = arith.index_cast %swap3A_1482 : i32 to index
      %swap3A_1485 = arith.constant 32 : index
      %swap3A_1486 = tpu.vector_load %arg5[%swap3A_1483, %swap3A_1484, %swap3A_1485] {strides = array<i32>} : memref<2x4x128xi32, #tpu.memory_space<vmem>>, vector<1x1x16xi32>,
      %swap3A_1487 = vector.shape_cast %swap3A_1486 : vector<1x1x16xi32> to vector<16xi32>
      %swap3A_1488 = vector.shape_cast %add3A_1481 : vector<16xi32> to vector<1x1x16xi32>
      tpu.vector_store %arg5[%swap3A_1483, %swap3A_1484, %swap3A_1485], %swap3A_1488 {strides = array<i32>} : memref<2x4x128xi32, #tpu.memory_space<vmem>>, vector<1x1x16xi32>,
      %add3A_1489 = arith.constant 48 : i32
      %add3A_1490 = arith.addi %add3A_1335, %add3A_1489 : i32
      %add3A_1491 = vector.broadcast %add3A_1490 : i32 to vector<16xi32>
      %add3A_1492 = arith.addi %iota3A, %add3A_1491 : vector<16xi32>
      %rem3A_1493 = arith.constant 26 : i32
      %rem3A_1494 = vector.broadcast %rem3A_1493 : i32 to vector<16xi32>
      %rem3A_1495 = arith.remsi %add3A_1492, %rem3A_1494 : vector<16xi32>
      %sub3A_1496 = arith.constant 6 : i32
      %sub3A_1497 = vector.broadcast %sub3A_1496 : i32 to vector<16xi32>
      %sub3A_1498 = arith.subi %rem3A_1495, %sub3A_1497 : vector<16xi32>
      %shift_right_arithmetic3A_1499 = arith.constant 31 : i32
      %shift_right_arithmetic3A_1500 = vector.broadcast %shift_right_arithmetic3A_1499 : i32 to vector<16xi32>
      %shift_right_arithmetic3A_1501 = arith.shrsi %sub3A_1498, %shift_right_arithmetic3A_1500 : vector<16xi32>
      %add3A_1502 = arith.constant 3 : i32
      %add3A_1503 = vector.broadcast %add3A_1502 : i32 to vector<16xi32>
      %add3A_1504 = arith.addi %add3A_1503, %shift_right_arithmetic3A_1501 : vector<16xi32>
      %sub3A_1505 = arith.constant 12 : i32
      %sub3A_1506 = vector.broadcast %sub3A_1505 : i32 to vector<16xi32>
      %sub3A_1507 = arith.subi %rem3A_1495, %sub3A_1506 : vector<16xi32>
      %shift_right_arithmetic3A_1508 = arith.constant 31 : i32
      %shift_right_arithmetic3A_1509 = vector.broadcast %shift_right_arithmetic3A_1508 : i32 to vector<16xi32>
      %shift_right_arithmetic3A_1510 = arith.shrsi %sub3A_1507, %shift_right_arithmetic3A_1509 : vector<16xi32>
      %add3A_1511 = arith.addi %add3A_1504, %shift_right_arithmetic3A_1510 : vector<16xi32>
      %sub3A_1512 = arith.constant 18 : i32
      %sub3A_1513 = vector.broadcast %sub3A_1512 : i32 to vector<16xi32>
      %sub3A_1514 = arith.subi %rem3A_1495, %sub3A_1513 : vector<16xi32>
      %shift_right_arithmetic3A_1515 = arith.constant 31 : i32
      %shift_right_arithmetic3A_1516 = vector.broadcast %shift_right_arithmetic3A_1515 : i32 to vector<16xi32>
      %shift_right_arithmetic3A_1517 = arith.shrsi %sub3A_1514, %shift_right_arithmetic3A_1516 : vector<16xi32>
      %add3A_1518 = arith.addi %add3A_1511, %shift_right_arithmetic3A_1517 : vector<16xi32>
      %mul3A_1519 = arith.constant 799994 : i32
      %mul3A_1520 = vector.broadcast %mul3A_1519 : i32 to vector<16xi32>
      %mul3A_1521 = arith.muli %add3A_1518, %mul3A_1520 : vector<16xi32>
      %add3A_1522 = arith.addi %mul3A_1521, %rem3A_1495 : vector<16xi32>
      %get3A_1523 = arith.constant 3 : i32
      %get3A_1524 = arith.index_cast %rem3A_65 : i32 to index
      %get3A_1525 = arith.index_cast %get3A_1523 : i32 to index
      %get3A_1526 = arith.constant 48 : index
      %get3A_1527 = tpu.vector_load %arg5[%get3A_1524, %get3A_1525, %get3A_1526] {strides = array<i32>} : memref<2x4x128xi32, #tpu.memory_space<vmem>>, vector<1x1x16xi32>,
      %get3A_1528 = vector.shape_cast %get3A_1527 : vector<1x1x16xi32> to vector<16xi32>
      %mul3A_1529 = arith.constant 8 : i32
      %mul3A_1530 = vector.broadcast %mul3A_1529 : i32 to vector<16xi32>
      %mul3A_1531 = arith.muli %get3A_1528, %mul3A_1530 : vector<16xi32>
      %add3A_1532 = arith.addi %mul3A_1531, %add3A_1522 : vector<16xi32>
      %swap3A_1533 = arith.constant 3 : i32
      %swap3A_1534 = arith.index_cast %rem3A_65 : i32 to index
      %swap3A_1535 = arith.index_cast %swap3A_1533 : i32 to index
      %swap3A_1536 = arith.constant 48 : index
      %swap3A_1537 = tpu.vector_load %arg5[%swap3A_1534, %swap3A_1535, %swap3A_1536] {strides = array<i32>} : memref<2x4x128xi32, #tpu.memory_space<vmem>>, vector<1x1x16xi32>,
      %swap3A_1538 = vector.shape_cast %swap3A_1537 : vector<1x1x16xi32> to vector<16xi32>
      %swap3A_1539 = vector.shape_cast %add3A_1532 : vector<16xi32> to vector<1x1x16xi32>
      tpu.vector_store %arg5[%swap3A_1534, %swap3A_1535, %swap3A_1536], %swap3A_1539 {strides = array<i32>} : memref<2x4x128xi32, #tpu.memory_space<vmem>>, vector<1x1x16xi32>,
      %add3A_1540 = arith.constant 64 : i32
      %add3A_1541 = arith.addi %add3A_1335, %add3A_1540 : i32
      %add3A_1542 = vector.broadcast %add3A_1541 : i32 to vector<16xi32>
      %add3A_1543 = arith.addi %iota3A, %add3A_1542 : vector<16xi32>
      %rem3A_1544 = arith.constant 26 : i32
      %rem3A_1545 = vector.broadcast %rem3A_1544 : i32 to vector<16xi32>
      %rem3A_1546 = arith.remsi %add3A_1543, %rem3A_1545 : vector<16xi32>
      %sub3A_1547 = arith.constant 6 : i32
      %sub3A_1548 = vector.broadcast %sub3A_1547 : i32 to vector<16xi32>
      %sub3A_1549 = arith.subi %rem3A_1546, %sub3A_1548 : vector<16xi32>
      %shift_right_arithmetic3A_1550 = arith.constant 31 : i32
      %shift_right_arithmetic3A_1551 = vector.broadcast %shift_right_arithmetic3A_1550 : i32 to vector<16xi32>
      %shift_right_arithmetic3A_1552 = arith.shrsi %sub3A_1549, %shift_right_arithmetic3A_1551 : vector<16xi32>
      %add3A_1553 = arith.constant 3 : i32
      %add3A_1554 = vector.broadcast %add3A_1553 : i32 to vector<16xi32>
      %add3A_1555 = arith.addi %add3A_1554, %shift_right_arithmetic3A_1552 : vector<16xi32>
      %sub3A_1556 = arith.constant 12 : i32
      %sub3A_1557 = vector.broadcast %sub3A_1556 : i32 to vector<16xi32>
      %sub3A_1558 = arith.subi %rem3A_1546, %sub3A_1557 : vector<16xi32>
      %shift_right_arithmetic3A_1559 = arith.constant 31 : i32
      %shift_right_arithmetic3A_1560 = vector.broadcast %shift_right_arithmetic3A_1559 : i32 to vector<16xi32>
      %shift_right_arithmetic3A_1561 = arith.shrsi %sub3A_1558, %shift_right_arithmetic3A_1560 : vector<16xi32>
      %add3A_1562 = arith.addi %add3A_1555, %shift_right_arithmetic3A_1561 : vector<16xi32>
      %sub3A_1563 = arith.constant 18 : i32
      %sub3A_1564 = vector.broadcast %sub3A_1563 : i32 to vector<16xi32>
      %sub3A_1565 = arith.subi %rem3A_1546, %sub3A_1564 : vector<16xi32>
      %shift_right_arithmetic3A_1566 = arith.constant 31 : i32
      %shift_right_arithmetic3A_1567 = vector.broadcast %shift_right_arithmetic3A_1566 : i32 to vector<16xi32>
      %shift_right_arithmetic3A_1568 = arith.shrsi %sub3A_1565, %shift_right_arithmetic3A_1567 : vector<16xi32>
      %add3A_1569 = arith.addi %add3A_1562, %shift_right_arithmetic3A_1568 : vector<16xi32>
      %mul3A_1570 = arith.constant 799994 : i32
      %mul3A_1571 = vector.broadcast %mul3A_1570 : i32 to vector<16xi32>
      %mul3A_1572 = arith.muli %add3A_1569, %mul3A_1571 : vector<16xi32>
      %add3A_1573 = arith.addi %mul3A_1572, %rem3A_1546 : vector<16xi32>
      %get3A_1574 = arith.constant 3 : i32
      %get3A_1575 = arith.index_cast %rem3A_65 : i32 to index
      %get3A_1576 = arith.index_cast %get3A_1574 : i32 to index
      %get3A_1577 = arith.constant 64 : index
      %get3A_1578 = tpu.vector_load %arg5[%get3A_1575, %get3A_1576, %get3A_1577] {strides = array<i32>} : memref<2x4x128xi32, #tpu.memory_space<vmem>>, vector<1x1x16xi32>,
      %get3A_1579 = vector.shape_cast %get3A_1578 : vector<1x1x16xi32> to vector<16xi32>
      %mul3A_1580 = arith.constant 8 : i32
      %mul3A_1581 = vector.broadcast %mul3A_1580 : i32 to vector<16xi32>
      %mul3A_1582 = arith.muli %get3A_1579, %mul3A_1581 : vector<16xi32>
      %add3A_1583 = arith.addi %mul3A_1582, %add3A_1573 : vector<16xi32>
      %swap3A_1584 = arith.constant 3 : i32
      %swap3A_1585 = arith.index_cast %rem3A_65 : i32 to index
      %swap3A_1586 = arith.index_cast %swap3A_1584 : i32 to index
      %swap3A_1587 = arith.constant 64 : index
      %swap3A_1588 = tpu.vector_load %arg5[%swap3A_1585, %swap3A_1586, %swap3A_1587] {strides = array<i32>} : memref<2x4x128xi32, #tpu.memory_space<vmem>>, vector<1x1x16xi32>,
      %swap3A_1589 = vector.shape_cast %swap3A_1588 : vector<1x1x16xi32> to vector<16xi32>
      %swap3A_1590 = vector.shape_cast %add3A_1583 : vector<16xi32> to vector<1x1x16xi32>
      tpu.vector_store %arg5[%swap3A_1585, %swap3A_1586, %swap3A_1587], %swap3A_1590 {strides = array<i32>} : memref<2x4x128xi32, #tpu.memory_space<vmem>>, vector<1x1x16xi32>,
      %add3A_1591 = arith.constant 80 : i32
      %add3A_1592 = arith.addi %add3A_1335, %add3A_1591 : i32
      %add3A_1593 = vector.broadcast %add3A_1592 : i32 to vector<16xi32>
      %add3A_1594 = arith.addi %iota3A, %add3A_1593 : vector<16xi32>
      %rem3A_1595 = arith.constant 26 : i32
      %rem3A_1596 = vector.broadcast %rem3A_1595 : i32 to vector<16xi32>
      %rem3A_1597 = arith.remsi %add3A_1594, %rem3A_1596 : vector<16xi32>
      %sub3A_1598 = arith.constant 6 : i32
      %sub3A_1599 = vector.broadcast %sub3A_1598 : i32 to vector<16xi32>
      %sub3A_1600 = arith.subi %rem3A_1597, %sub3A_1599 : vector<16xi32>
      %shift_right_arithmetic3A_1601 = arith.constant 31 : i32
      %shift_right_arithmetic3A_1602 = vector.broadcast %shift_right_arithmetic3A_1601 : i32 to vector<16xi32>
      %shift_right_arithmetic3A_1603 = arith.shrsi %sub3A_1600, %shift_right_arithmetic3A_1602 : vector<16xi32>
      %add3A_1604 = arith.constant 3 : i32
      %add3A_1605 = vector.broadcast %add3A_1604 : i32 to vector<16xi32>
      %add3A_1606 = arith.addi %add3A_1605, %shift_right_arithmetic3A_1603 : vector<16xi32>
      %sub3A_1607 = arith.constant 12 : i32
      %sub3A_1608 = vector.broadcast %sub3A_1607 : i32 to vector<16xi32>
      %sub3A_1609 = arith.subi %rem3A_1597, %sub3A_1608 : vector<16xi32>
      %shift_right_arithmetic3A_1610 = arith.constant 31 : i32
      %shift_right_arithmetic3A_1611 = vector.broadcast %shift_right_arithmetic3A_1610 : i32 to vector<16xi32>
      %shift_right_arithmetic3A_1612 = arith.shrsi %sub3A_1609, %shift_right_arithmetic3A_1611 : vector<16xi32>
      %add3A_1613 = arith.addi %add3A_1606, %shift_right_arithmetic3A_1612 : vector<16xi32>
      %sub3A_1614 = arith.constant 18 : i32
      %sub3A_1615 = vector.broadcast %sub3A_1614 : i32 to vector<16xi32>
      %sub3A_1616 = arith.subi %rem3A_1597, %sub3A_1615 : vector<16xi32>
      %shift_right_arithmetic3A_1617 = arith.constant 31 : i32
      %shift_right_arithmetic3A_1618 = vector.broadcast %shift_right_arithmetic3A_1617 : i32 to vector<16xi32>
      %shift_right_arithmetic3A_1619 = arith.shrsi %sub3A_1616, %shift_right_arithmetic3A_1618 : vector<16xi32>
      %add3A_1620 = arith.addi %add3A_1613, %shift_right_arithmetic3A_1619 : vector<16xi32>
      %mul3A_1621 = arith.constant 799994 : i32
      %mul3A_1622 = vector.broadcast %mul3A_1621 : i32 to vector<16xi32>
      %mul3A_1623 = arith.muli %add3A_1620, %mul3A_1622 : vector<16xi32>
      %add3A_1624 = arith.addi %mul3A_1623, %rem3A_1597 : vector<16xi32>
      %get3A_1625 = arith.constant 3 : i32
      %get3A_1626 = arith.index_cast %rem3A_65 : i32 to index
      %get3A_1627 = arith.index_cast %get3A_1625 : i32 to index
      %get3A_1628 = arith.constant 80 : index
      %get3A_1629 = tpu.vector_load %arg5[%get3A_1626, %get3A_1627, %get3A_1628] {strides = array<i32>} : memref<2x4x128xi32, #tpu.memory_space<vmem>>, vector<1x1x16xi32>,
      %get3A_1630 = vector.shape_cast %get3A_1629 : vector<1x1x16xi32> to vector<16xi32>
      %mul3A_1631 = arith.constant 8 : i32
      %mul3A_1632 = vector.broadcast %mul3A_1631 : i32 to vector<16xi32>
      %mul3A_1633 = arith.muli %get3A_1630, %mul3A_1632 : vector<16xi32>
      %add3A_1634 = arith.addi %mul3A_1633, %add3A_1624 : vector<16xi32>
      %swap3A_1635 = arith.constant 3 : i32
      %swap3A_1636 = arith.index_cast %rem3A_65 : i32 to index
      %swap3A_1637 = arith.index_cast %swap3A_1635 : i32 to index
      %swap3A_1638 = arith.constant 80 : index
      %swap3A_1639 = tpu.vector_load %arg5[%swap3A_1636, %swap3A_1637, %swap3A_1638] {strides = array<i32>} : memref<2x4x128xi32, #tpu.memory_space<vmem>>, vector<1x1x16xi32>,
      %swap3A_1640 = vector.shape_cast %swap3A_1639 : vector<1x1x16xi32> to vector<16xi32>
      %swap3A_1641 = vector.shape_cast %add3A_1634 : vector<16xi32> to vector<1x1x16xi32>
      tpu.vector_store %arg5[%swap3A_1636, %swap3A_1637, %swap3A_1638], %swap3A_1641 {strides = array<i32>} : memref<2x4x128xi32, #tpu.memory_space<vmem>>, vector<1x1x16xi32>,
      %add3A_1642 = arith.constant 96 : i32
      %add3A_1643 = arith.addi %add3A_1335, %add3A_1642 : i32
      %add3A_1644 = vector.broadcast %add3A_1643 : i32 to vector<16xi32>
      %add3A_1645 = arith.addi %iota3A, %add3A_1644 : vector<16xi32>
      %rem3A_1646 = arith.constant 26 : i32
      %rem3A_1647 = vector.broadcast %rem3A_1646 : i32 to vector<16xi32>
      %rem3A_1648 = arith.remsi %add3A_1645, %rem3A_1647 : vector<16xi32>
      %sub3A_1649 = arith.constant 6 : i32
      %sub3A_1650 = vector.broadcast %sub3A_1649 : i32 to vector<16xi32>
      %sub3A_1651 = arith.subi %rem3A_1648, %sub3A_1650 : vector<16xi32>
      %shift_right_arithmetic3A_1652 = arith.constant 31 : i32
      %shift_right_arithmetic3A_1653 = vector.broadcast %shift_right_arithmetic3A_1652 : i32 to vector<16xi32>
      %shift_right_arithmetic3A_1654 = arith.shrsi %sub3A_1651, %shift_right_arithmetic3A_1653 : vector<16xi32>
      %add3A_1655 = arith.constant 3 : i32
      %add3A_1656 = vector.broadcast %add3A_1655 : i32 to vector<16xi32>
      %add3A_1657 = arith.addi %add3A_1656, %shift_right_arithmetic3A_1654 : vector<16xi32>
      %sub3A_1658 = arith.constant 12 : i32
      %sub3A_1659 = vector.broadcast %sub3A_1658 : i32 to vector<16xi32>
      %sub3A_1660 = arith.subi %rem3A_1648, %sub3A_1659 : vector<16xi32>
      %shift_right_arithmetic3A_1661 = arith.constant 31 : i32
      %shift_right_arithmetic3A_1662 = vector.broadcast %shift_right_arithmetic3A_1661 : i32 to vector<16xi32>
      %shift_right_arithmetic3A_1663 = arith.shrsi %sub3A_1660, %shift_right_arithmetic3A_1662 : vector<16xi32>
      %add3A_1664 = arith.addi %add3A_1657, %shift_right_arithmetic3A_1663 : vector<16xi32>
      %sub3A_1665 = arith.constant 18 : i32
      %sub3A_1666 = vector.broadcast %sub3A_1665 : i32 to vector<16xi32>
      %sub3A_1667 = arith.subi %rem3A_1648, %sub3A_1666 : vector<16xi32>
      %shift_right_arithmetic3A_1668 = arith.constant 31 : i32
      %shift_right_arithmetic3A_1669 = vector.broadcast %shift_right_arithmetic3A_1668 : i32 to vector<16xi32>
      %shift_right_arithmetic3A_1670 = arith.shrsi %sub3A_1667, %shift_right_arithmetic3A_1669 : vector<16xi32>
      %add3A_1671 = arith.addi %add3A_1664, %shift_right_arithmetic3A_1670 : vector<16xi32>
      %mul3A_1672 = arith.constant 799994 : i32
      %mul3A_1673 = vector.broadcast %mul3A_1672 : i32 to vector<16xi32>
      %mul3A_1674 = arith.muli %add3A_1671, %mul3A_1673 : vector<16xi32>
      %add3A_1675 = arith.addi %mul3A_1674, %rem3A_1648 : vector<16xi32>
      %get3A_1676 = arith.constant 3 : i32
      %get3A_1677 = arith.index_cast %rem3A_65 : i32 to index
      %get3A_1678 = arith.index_cast %get3A_1676 : i32 to index
      %get3A_1679 = arith.constant 96 : index
      %get3A_1680 = tpu.vector_load %arg5[%get3A_1677, %get3A_1678, %get3A_1679] {strides = array<i32>} : memref<2x4x128xi32, #tpu.memory_space<vmem>>, vector<1x1x16xi32>,
      %get3A_1681 = vector.shape_cast %get3A_1680 : vector<1x1x16xi32> to vector<16xi32>
      %mul3A_1682 = arith.constant 8 : i32
      %mul3A_1683 = vector.broadcast %mul3A_1682 : i32 to vector<16xi32>
      %mul3A_1684 = arith.muli %get3A_1681, %mul3A_1683 : vector<16xi32>
      %add3A_1685 = arith.addi %mul3A_1684, %add3A_1675 : vector<16xi32>
      %swap3A_1686 = arith.constant 3 : i32
      %swap3A_1687 = arith.index_cast %rem3A_65 : i32 to index
      %swap3A_1688 = arith.index_cast %swap3A_1686 : i32 to index
      %swap3A_1689 = arith.constant 96 : index
      %swap3A_1690 = tpu.vector_load %arg5[%swap3A_1687, %swap3A_1688, %swap3A_1689] {strides = array<i32>} : memref<2x4x128xi32, #tpu.memory_space<vmem>>, vector<1x1x16xi32>,
      %swap3A_1691 = vector.shape_cast %swap3A_1690 : vector<1x1x16xi32> to vector<16xi32>
      %swap3A_1692 = vector.shape_cast %add3A_1685 : vector<16xi32> to vector<1x1x16xi32>
      tpu.vector_store %arg5[%swap3A_1687, %swap3A_1688, %swap3A_1689], %swap3A_1692 {strides = array<i32>} : memref<2x4x128xi32, #tpu.memory_space<vmem>>, vector<1x1x16xi32>,
      %add3A_1693 = arith.constant 112 : i32
      %add3A_1694 = arith.addi %add3A_1335, %add3A_1693 : i32
      %add3A_1695 = vector.broadcast %add3A_1694 : i32 to vector<16xi32>
      %add3A_1696 = arith.addi %iota3A, %add3A_1695 : vector<16xi32>
      %rem3A_1697 = arith.constant 26 : i32
      %rem3A_1698 = vector.broadcast %rem3A_1697 : i32 to vector<16xi32>
      %rem3A_1699 = arith.remsi %add3A_1696, %rem3A_1698 : vector<16xi32>
      %sub3A_1700 = arith.constant 6 : i32
      %sub3A_1701 = vector.broadcast %sub3A_1700 : i32 to vector<16xi32>
      %sub3A_1702 = arith.subi %rem3A_1699, %sub3A_1701 : vector<16xi32>
      %shift_right_arithmetic3A_1703 = arith.constant 31 : i32
      %shift_right_arithmetic3A_1704 = vector.broadcast %shift_right_arithmetic3A_1703 : i32 to vector<16xi32>
      %shift_right_arithmetic3A_1705 = arith.shrsi %sub3A_1702, %shift_right_arithmetic3A_1704 : vector<16xi32>
      %add3A_1706 = arith.constant 3 : i32
      %add3A_1707 = vector.broadcast %add3A_1706 : i32 to vector<16xi32>
      %add3A_1708 = arith.addi %add3A_1707, %shift_right_arithmetic3A_1705 : vector<16xi32>
      %sub3A_1709 = arith.constant 12 : i32
      %sub3A_1710 = vector.broadcast %sub3A_1709 : i32 to vector<16xi32>
      %sub3A_1711 = arith.subi %rem3A_1699, %sub3A_1710 : vector<16xi32>
      %shift_right_arithmetic3A_1712 = arith.constant 31 : i32
      %shift_right_arithmetic3A_1713 = vector.broadcast %shift_right_arithmetic3A_1712 : i32 to vector<16xi32>
      %shift_right_arithmetic3A_1714 = arith.shrsi %sub3A_1711, %shift_right_arithmetic3A_1713 : vector<16xi32>
      %add3A_1715 = arith.addi %add3A_1708, %shift_right_arithmetic3A_1714 : vector<16xi32>
      %sub3A_1716 = arith.constant 18 : i32
      %sub3A_1717 = vector.broadcast %sub3A_1716 : i32 to vector<16xi32>
      %sub3A_1718 = arith.subi %rem3A_1699, %sub3A_1717 : vector<16xi32>
      %shift_right_arithmetic3A_1719 = arith.constant 31 : i32
      %shift_right_arithmetic3A_1720 = vector.broadcast %shift_right_arithmetic3A_1719 : i32 to vector<16xi32>
      %shift_right_arithmetic3A_1721 = arith.shrsi %sub3A_1718, %shift_right_arithmetic3A_1720 : vector<16xi32>
      %add3A_1722 = arith.addi %add3A_1715, %shift_right_arithmetic3A_1721 : vector<16xi32>
      %mul3A_1723 = arith.constant 799994 : i32
      %mul3A_1724 = vector.broadcast %mul3A_1723 : i32 to vector<16xi32>
      %mul3A_1725 = arith.muli %add3A_1722, %mul3A_1724 : vector<16xi32>
      %add3A_1726 = arith.addi %mul3A_1725, %rem3A_1699 : vector<16xi32>
      %get3A_1727 = arith.constant 3 : i32
      %get3A_1728 = arith.index_cast %rem3A_65 : i32 to index
      %get3A_1729 = arith.index_cast %get3A_1727 : i32 to index
      %get3A_1730 = arith.constant 112 : index
      %get3A_1731 = tpu.vector_load %arg5[%get3A_1728, %get3A_1729, %get3A_1730] {strides = array<i32>} : memref<2x4x128xi32, #tpu.memory_space<vmem>>, vector<1x1x16xi32>,
      %get3A_1732 = vector.shape_cast %get3A_1731 : vector<1x1x16xi32> to vector<16xi32>
      %mul3A_1733 = arith.constant 8 : i32
      %mul3A_1734 = vector.broadcast %mul3A_1733 : i32 to vector<16xi32>
      %mul3A_1735 = arith.muli %get3A_1732, %mul3A_1734 : vector<16xi32>
      %add3A_1736 = arith.addi %mul3A_1735, %add3A_1726 : vector<16xi32>
      %swap3A_1737 = arith.constant 3 : i32
      %swap3A_1738 = arith.index_cast %rem3A_65 : i32 to index
      %swap3A_1739 = arith.index_cast %swap3A_1737 : i32 to index
      %swap3A_1740 = arith.constant 112 : index
      %swap3A_1741 = tpu.vector_load %arg5[%swap3A_1738, %swap3A_1739, %swap3A_1740] {strides = array<i32>} : memref<2x4x128xi32, #tpu.memory_space<vmem>>, vector<1x1x16xi32>,
      %swap3A_1742 = vector.shape_cast %swap3A_1741 : vector<1x1x16xi32> to vector<16xi32>
      %swap3A_1743 = vector.shape_cast %add3A_1736 : vector<16xi32> to vector<1x1x16xi32>
      tpu.vector_store %arg5[%swap3A_1738, %swap3A_1739, %swap3A_1740], %swap3A_1743 {strides = array<i32>} : memref<2x4x128xi32, #tpu.memory_space<vmem>>, vector<1x1x16xi32>,
      %ge3A = arith.constant 2 : i32
      %ge3A_1744 = arith.cmpi sge, %scan3A_64, %ge3A : i32
      %convert_element_type3A_1745 = arith.extui %ge3A_1744 : i1 to i32
      %cond3A_1746 = arith.constant 0 : i32
      %cond3A_1747 = arith.cmpi ne, %convert_element_type3A_1745, %cond3A_1746 : i32
      scf.if %cond3A_1747 {
        %sub3A_1927 = arith.constant 2 : i32
        %sub3A_1928 = arith.subi %scan3A_64, %sub3A_1927 : i32
        %mul3A_1929 = arith.constant 4 : i32
        %mul3A_1930 = arith.muli %sub3A_1928, %mul3A_1929 : i32
        %add3A_1931 = arith.addi %mul3A_2, %mul3A_1930 : i32
        %mul3A_1932 = arith.constant 128 : i32
        %mul3A_1933 = arith.muli %add3A_1931, %mul3A_1932 : i32
        %dma_wait3A_1934 = arith.constant 0 : i32
        %dma_wait3A_1935 = arith.constant 0 : i32
        %dma_wait3A_1936 = tpu.memref_slice %arg6[%rem3A_65, %dma_wait3A_1934, %dma_wait3A_1935] : memref<2x512x16xf32, #tpu.memory_space<vmem>> -> memref<1x512x16xf32, #tpu.memory_space<vmem>>
        %dma_wait3A_1937 = tpu.memref_squeeze %dma_wait3A_1936 : memref<1x512x16xf32, #tpu.memory_space<vmem>> -> memref<512x16xf32, #tpu.memory_space<vmem>>
        %dma_wait3A_1938 = arith.constant 0 : i32
        %dma_wait3A_1939 = tpu.memref_slice %arg4[%mul3A_1933, %dma_wait3A_1938] : memref<212992x16xf32, #tpu.memory_space<hbm>> -> memref<512x16xf32, #tpu.memory_space<hbm>>
        %dma_wait3A_1940 = tpu.memref_slice %arg9[%rem3A_65] : memref<2x!tpu.dma_semaphore, #tpu.memory_space<semaphore_mem>> -> memref<1x!tpu.dma_semaphore, #tpu.memory_space<semaphore_mem>>
        %dma_wait3A_1941 = tpu.memref_squeeze %dma_wait3A_1940 : memref<1x!tpu.dma_semaphore, #tpu.memory_space<semaphore_mem>> -> memref<!tpu.dma_semaphore, #tpu.memory_space<semaphore_mem>>
        %dma_wait3A_1942 = arith.constant 0 : i32
        %dma_wait3A_1943 = tpu.memref_slice %arg4[%mul3A_1933, %dma_wait3A_1942] : memref<212992x16xf32, #tpu.memory_space<hbm>> -> memref<512x16xf32, #tpu.memory_space<hbm>>
        %dma_wait3A_1944 = arith.constant 0 : i32
        %dma_wait3A_1945 = arith.constant 0 : i32
        %dma_wait3A_1946 = tpu.memref_slice %arg6[%rem3A_65, %dma_wait3A_1944, %dma_wait3A_1945] : memref<2x512x16xf32, #tpu.memory_space<vmem>> -> memref<1x512x16xf32, #tpu.memory_space<vmem>>
        %dma_wait3A_1947 = tpu.memref_squeeze %dma_wait3A_1946 : memref<1x512x16xf32, #tpu.memory_space<vmem>> -> memref<512x16xf32, #tpu.memory_space<vmem>>
        tpu.wait_dma2 semaphore(%dma_wait3A_1941 : memref<!tpu.dma_semaphore, #tpu.memory_space<semaphore_mem>>) src(%dma_wait3A_1947 : memref<512x16xf32, #tpu.memory_space<vmem>>) dst(%dma_wait3A_1943 : memref<512x16xf32, #tpu.memory_space<hbm>>)
      } else {
      }
      %dma_start3A_1748 = arith.constant 0 : i32
      %dma_start3A_1749 = arith.constant 0 : i32
      %dma_start3A_1750 = arith.constant 0 : i32
      %dma_start3A_1751 = tpu.memref_slice %arg6[%rem3A_65, %dma_start3A_1749, %dma_start3A_1750] : memref<2x512x16xf32, #tpu.memory_space<vmem>> -> memref<1x512x16xf32, #tpu.memory_space<vmem>>
      %dma_start3A_1752 = tpu.memref_squeeze %dma_start3A_1751 : memref<1x512x16xf32, #tpu.memory_space<vmem>> -> memref<512x16xf32, #tpu.memory_space<vmem>>
      %dma_start3A_1753 = arith.constant 0 : i32
      %dma_start3A_1754 = arith.constant 0 : i32
      %dma_start3A_1755 = tpu.memref_slice %dma_start3A_1752[%dma_start3A_1753, %dma_start3A_1754] : memref<512x16xf32, #tpu.memory_space<vmem>> -> memref<128x16xf32, #tpu.memory_space<vmem>>
      %dma_start3A_1756 = arith.constant 0 : i32
      %dma_start3A_1757 = arith.constant 0 : i32
      %dma_start3A_1758 = tpu.memref_slice %arg5[%rem3A_65, %dma_start3A_1756, %dma_start3A_1757] : memref<2x4x128xi32, #tpu.memory_space<vmem>> -> memref<1x4x128xi32, #tpu.memory_space<vmem>>
      %dma_start3A_1759 = tpu.memref_squeeze %dma_start3A_1758 : memref<1x4x128xi32, #tpu.memory_space<vmem>> -> memref<4x128xi32, #tpu.memory_space<vmem>>
      %dma_start3A_1760 = arith.constant 0 : i32
      %dma_start3A_1761 = tpu.memref_slice %dma_start3A_1759[%dma_start3A_1748, %dma_start3A_1760] : memref<4x128xi32, #tpu.memory_space<vmem>> -> memref<1x128xi32, #tpu.memory_space<vmem>>
      %dma_start3A_1762 = tpu.memref_squeeze %dma_start3A_1761 : memref<1x128xi32, #tpu.memory_space<vmem>> -> memref<128xi32, #tpu.memory_space<vmem>>
      %dma_start3A_1763 = arith.constant 0 : i32
      %dma_start3A_1764 = arith.constant 0 : i32
      %dma_start3A_1765 = tpu.memref_slice %arg3[%dma_start3A_1763, %dma_start3A_1764] : memref<3200000x16xf32, #tpu.memory_space<hbm>> -> memref<3200000x16xf32, #tpu.memory_space<hbm>>
      %dma_start3A_1766 = tpu.memref_slice %arg8[%rem3A_65] : memref<2x!tpu.dma_semaphore, #tpu.memory_space<semaphore_mem>> -> memref<1x!tpu.dma_semaphore, #tpu.memory_space<semaphore_mem>>
      %dma_start3A_1767 = tpu.memref_squeeze %dma_start3A_1766 : memref<1x!tpu.dma_semaphore, #tpu.memory_space<semaphore_mem>> -> memref<!tpu.dma_semaphore, #tpu.memory_space<semaphore_mem>>
      tpu.enqueue_indirect_dma source(%dma_start3A_1765 : memref<3200000x16xf32, #tpu.memory_space<hbm>>) target(%dma_start3A_1755 : memref<128x16xf32, #tpu.memory_space<vmem>>) offsets(%dma_start3A_1762 : memref<128xi32, #tpu.memory_space<vmem>>) semaphore(%dma_start3A_1767 : memref<!tpu.dma_semaphore, #tpu.memory_space<semaphore_mem>>)
      %dma_start3A_1768 = arith.constant 1 : i32
      %dma_start3A_1769 = arith.constant 0 : i32
      %dma_start3A_1770 = arith.constant 0 : i32
      %dma_start3A_1771 = tpu.memref_slice %arg6[%rem3A_65, %dma_start3A_1769, %dma_start3A_1770] : memref<2x512x16xf32, #tpu.memory_space<vmem>> -> memref<1x512x16xf32, #tpu.memory_space<vmem>>
      %dma_start3A_1772 = tpu.memref_squeeze %dma_start3A_1771 : memref<1x512x16xf32, #tpu.memory_space<vmem>> -> memref<512x16xf32, #tpu.memory_space<vmem>>
      %dma_start3A_1773 = arith.constant 128 : i32
      %dma_start3A_1774 = arith.constant 0 : i32
      %dma_start3A_1775 = tpu.memref_slice %dma_start3A_1772[%dma_start3A_1773, %dma_start3A_1774] : memref<512x16xf32, #tpu.memory_space<vmem>> -> memref<128x16xf32, #tpu.memory_space<vmem>>
      %dma_start3A_1776 = arith.constant 0 : i32
      %dma_start3A_1777 = arith.constant 0 : i32
      %dma_start3A_1778 = tpu.memref_slice %arg5[%rem3A_65, %dma_start3A_1776, %dma_start3A_1777] : memref<2x4x128xi32, #tpu.memory_space<vmem>> -> memref<1x4x128xi32, #tpu.memory_space<vmem>>
      %dma_start3A_1779 = tpu.memref_squeeze %dma_start3A_1778 : memref<1x4x128xi32, #tpu.memory_space<vmem>> -> memref<4x128xi32, #tpu.memory_space<vmem>>
      %dma_start3A_1780 = arith.constant 0 : i32
      %dma_start3A_1781 = tpu.memref_slice %dma_start3A_1779[%dma_start3A_1768, %dma_start3A_1780] : memref<4x128xi32, #tpu.memory_space<vmem>> -> memref<1x128xi32, #tpu.memory_space<vmem>>
      %dma_start3A_1782 = tpu.memref_squeeze %dma_start3A_1781 : memref<1x128xi32, #tpu.memory_space<vmem>> -> memref<128xi32, #tpu.memory_space<vmem>>
      %dma_start3A_1783 = arith.constant 0 : i32
      %dma_start3A_1784 = arith.constant 0 : i32
      %dma_start3A_1785 = tpu.memref_slice %arg3[%dma_start3A_1783, %dma_start3A_1784] : memref<3200000x16xf32, #tpu.memory_space<hbm>> -> memref<3200000x16xf32, #tpu.memory_space<hbm>>
      %dma_start3A_1786 = tpu.memref_slice %arg8[%rem3A_65] : memref<2x!tpu.dma_semaphore, #tpu.memory_space<semaphore_mem>> -> memref<1x!tpu.dma_semaphore, #tpu.memory_space<semaphore_mem>>
      %dma_start3A_1787 = tpu.memref_squeeze %dma_start3A_1786 : memref<1x!tpu.dma_semaphore, #tpu.memory_space<semaphore_mem>> -> memref<!tpu.dma_semaphore, #tpu.memory_space<semaphore_mem>>
      tpu.enqueue_indirect_dma source(%dma_start3A_1785 : memref<3200000x16xf32, #tpu.memory_space<hbm>>) target(%dma_start3A_1775 : memref<128x16xf32, #tpu.memory_space<vmem>>) offsets(%dma_start3A_1782 : memref<128xi32, #tpu.memory_space<vmem>>) semaphore(%dma_start3A_1787 : memref<!tpu.dma_semaphore, #tpu.memory_space<semaphore_mem>>)
      %dma_start3A_1788 = arith.constant 2 : i32
      %dma_start3A_1789 = arith.constant 0 : i32
      %dma_start3A_1790 = arith.constant 0 : i32
      %dma_start3A_1791 = tpu.memref_slice %arg6[%rem3A_65, %dma_start3A_1789, %dma_start3A_1790] : memref<2x512x16xf32, #tpu.memory_space<vmem>> -> memref<1x512x16xf32, #tpu.memory_space<vmem>>
      %dma_start3A_1792 = tpu.memref_squeeze %dma_start3A_1791 : memref<1x512x16xf32, #tpu.memory_space<vmem>> -> memref<512x16xf32, #tpu.memory_space<vmem>>
      %dma_start3A_1793 = arith.constant 256 : i32
      %dma_start3A_1794 = arith.constant 0 : i32
      %dma_start3A_1795 = tpu.memref_slice %dma_start3A_1792[%dma_start3A_1793, %dma_start3A_1794] : memref<512x16xf32, #tpu.memory_space<vmem>> -> memref<128x16xf32, #tpu.memory_space<vmem>>
      %dma_start3A_1796 = arith.constant 0 : i32
      %dma_start3A_1797 = arith.constant 0 : i32
      %dma_start3A_1798 = tpu.memref_slice %arg5[%rem3A_65, %dma_start3A_1796, %dma_start3A_1797] : memref<2x4x128xi32, #tpu.memory_space<vmem>> -> memref<1x4x128xi32, #tpu.memory_space<vmem>>
      %dma_start3A_1799 = tpu.memref_squeeze %dma_start3A_1798 : memref<1x4x128xi32, #tpu.memory_space<vmem>> -> memref<4x128xi32, #tpu.memory_space<vmem>>
      %dma_start3A_1800 = arith.constant 0 : i32
      %dma_start3A_1801 = tpu.memref_slice %dma_start3A_1799[%dma_start3A_1788, %dma_start3A_1800] : memref<4x128xi32, #tpu.memory_space<vmem>> -> memref<1x128xi32, #tpu.memory_space<vmem>>
      %dma_start3A_1802 = tpu.memref_squeeze %dma_start3A_1801 : memref<1x128xi32, #tpu.memory_space<vmem>> -> memref<128xi32, #tpu.memory_space<vmem>>
      %dma_start3A_1803 = arith.constant 0 : i32
      %dma_start3A_1804 = arith.constant 0 : i32
      %dma_start3A_1805 = tpu.memref_slice %arg3[%dma_start3A_1803, %dma_start3A_1804] : memref<3200000x16xf32, #tpu.memory_space<hbm>> -> memref<3200000x16xf32, #tpu.memory_space<hbm>>
      %dma_start3A_1806 = tpu.memref_slice %arg8[%rem3A_65] : memref<2x!tpu.dma_semaphore, #tpu.memory_space<semaphore_mem>> -> memref<1x!tpu.dma_semaphore, #tpu.memory_space<semaphore_mem>>
      %dma_start3A_1807 = tpu.memref_squeeze %dma_start3A_1806 : memref<1x!tpu.dma_semaphore, #tpu.memory_space<semaphore_mem>> -> memref<!tpu.dma_semaphore, #tpu.memory_space<semaphore_mem>>
      tpu.enqueue_indirect_dma source(%dma_start3A_1805 : memref<3200000x16xf32, #tpu.memory_space<hbm>>) target(%dma_start3A_1795 : memref<128x16xf32, #tpu.memory_space<vmem>>) offsets(%dma_start3A_1802 : memref<128xi32, #tpu.memory_space<vmem>>) semaphore(%dma_start3A_1807 : memref<!tpu.dma_semaphore, #tpu.memory_space<semaphore_mem>>)
      %dma_start3A_1808 = arith.constant 3 : i32
      %dma_start3A_1809 = arith.constant 0 : i32
      %dma_start3A_1810 = arith.constant 0 : i32
      %dma_start3A_1811 = tpu.memref_slice %arg6[%rem3A_65, %dma_start3A_1809, %dma_start3A_1810] : memref<2x512x16xf32, #tpu.memory_space<vmem>> -> memref<1x512x16xf32, #tpu.memory_space<vmem>>
      %dma_start3A_1812 = tpu.memref_squeeze %dma_start3A_1811 : memref<1x512x16xf32, #tpu.memory_space<vmem>> -> memref<512x16xf32, #tpu.memory_space<vmem>>
      %dma_start3A_1813 = arith.constant 384 : i32
      %dma_start3A_1814 = arith.constant 0 : i32
      %dma_start3A_1815 = tpu.memref_slice %dma_start3A_1812[%dma_start3A_1813, %dma_start3A_1814] : memref<512x16xf32, #tpu.memory_space<vmem>> -> memref<128x16xf32, #tpu.memory_space<vmem>>
      %dma_start3A_1816 = arith.constant 0 : i32
      %dma_start3A_1817 = arith.constant 0 : i32
      %dma_start3A_1818 = tpu.memref_slice %arg5[%rem3A_65, %dma_start3A_1816, %dma_start3A_1817] : memref<2x4x128xi32, #tpu.memory_space<vmem>> -> memref<1x4x128xi32, #tpu.memory_space<vmem>>
      %dma_start3A_1819 = tpu.memref_squeeze %dma_start3A_1818 : memref<1x4x128xi32, #tpu.memory_space<vmem>> -> memref<4x128xi32, #tpu.memory_space<vmem>>
      %dma_start3A_1820 = arith.constant 0 : i32
      %dma_start3A_1821 = tpu.memref_slice %dma_start3A_1819[%dma_start3A_1808, %dma_start3A_1820] : memref<4x128xi32, #tpu.memory_space<vmem>> -> memref<1x128xi32, #tpu.memory_space<vmem>>
      %dma_start3A_1822 = tpu.memref_squeeze %dma_start3A_1821 : memref<1x128xi32, #tpu.memory_space<vmem>> -> memref<128xi32, #tpu.memory_space<vmem>>
      %dma_start3A_1823 = arith.constant 0 : i32
      %dma_start3A_1824 = arith.constant 0 : i32
      %dma_start3A_1825 = tpu.memref_slice %arg3[%dma_start3A_1823, %dma_start3A_1824] : memref<3200000x16xf32, #tpu.memory_space<hbm>> -> memref<3200000x16xf32, #tpu.memory_space<hbm>>
      %dma_start3A_1826 = tpu.memref_slice %arg8[%rem3A_65] : memref<2x!tpu.dma_semaphore, #tpu.memory_space<semaphore_mem>> -> memref<1x!tpu.dma_semaphore, #tpu.memory_space<semaphore_mem>>
      %dma_start3A_1827 = tpu.memref_squeeze %dma_start3A_1826 : memref<1x!tpu.dma_semaphore, #tpu.memory_space<semaphore_mem>> -> memref<!tpu.dma_semaphore, #tpu.memory_space<semaphore_mem>>
      tpu.enqueue_indirect_dma source(%dma_start3A_1825 : memref<3200000x16xf32, #tpu.memory_space<hbm>>) target(%dma_start3A_1815 : memref<128x16xf32, #tpu.memory_space<vmem>>) offsets(%dma_start3A_1822 : memref<128xi32, #tpu.memory_space<vmem>>) semaphore(%dma_start3A_1827 : memref<!tpu.dma_semaphore, #tpu.memory_space<semaphore_mem>>)
      %dma_wait3A_1828 = arith.constant 0 : i32
      %dma_wait3A_1829 = arith.constant 0 : i32
      %dma_wait3A_1830 = arith.constant 0 : i32
      %dma_wait3A_1831 = tpu.memref_slice %arg6[%rem3A_65, %dma_wait3A_1829, %dma_wait3A_1830] : memref<2x512x16xf32, #tpu.memory_space<vmem>> -> memref<1x512x16xf32, #tpu.memory_space<vmem>>
      %dma_wait3A_1832 = tpu.memref_squeeze %dma_wait3A_1831 : memref<1x512x16xf32, #tpu.memory_space<vmem>> -> memref<512x16xf32, #tpu.memory_space<vmem>>
      %dma_wait3A_1833 = arith.constant 0 : i32
      %dma_wait3A_1834 = arith.constant 0 : i32
      %dma_wait3A_1835 = tpu.memref_slice %dma_wait3A_1832[%dma_wait3A_1833, %dma_wait3A_1834] : memref<512x16xf32, #tpu.memory_space<vmem>> -> memref<128x16xf32, #tpu.memory_space<vmem>>
      %dma_wait3A_1836 = arith.constant 0 : i32
      %dma_wait3A_1837 = arith.constant 0 : i32
      %dma_wait3A_1838 = tpu.memref_slice %arg5[%rem3A_65, %dma_wait3A_1836, %dma_wait3A_1837] : memref<2x4x128xi32, #tpu.memory_space<vmem>> -> memref<1x4x128xi32, #tpu.memory_space<vmem>>
      %dma_wait3A_1839 = tpu.memref_squeeze %dma_wait3A_1838 : memref<1x4x128xi32, #tpu.memory_space<vmem>> -> memref<4x128xi32, #tpu.memory_space<vmem>>
      %dma_wait3A_1840 = arith.constant 0 : i32
      %dma_wait3A_1841 = tpu.memref_slice %dma_wait3A_1839[%dma_wait3A_1828, %dma_wait3A_1840] : memref<4x128xi32, #tpu.memory_space<vmem>> -> memref<1x128xi32, #tpu.memory_space<vmem>>
      %dma_wait3A_1842 = tpu.memref_squeeze %dma_wait3A_1841 : memref<1x128xi32, #tpu.memory_space<vmem>> -> memref<128xi32, #tpu.memory_space<vmem>>
      %dma_wait3A_1843 = arith.constant 0 : i32
      %dma_wait3A_1844 = arith.constant 0 : i32
      %dma_wait3A_1845 = tpu.memref_slice %arg3[%dma_wait3A_1843, %dma_wait3A_1844] : memref<3200000x16xf32, #tpu.memory_space<hbm>> -> memref<3200000x16xf32, #tpu.memory_space<hbm>>
      %dma_wait3A_1846 = tpu.memref_slice %arg8[%rem3A_65] : memref<2x!tpu.dma_semaphore, #tpu.memory_space<semaphore_mem>> -> memref<1x!tpu.dma_semaphore, #tpu.memory_space<semaphore_mem>>
      %dma_wait3A_1847 = tpu.memref_squeeze %dma_wait3A_1846 : memref<1x!tpu.dma_semaphore, #tpu.memory_space<semaphore_mem>> -> memref<!tpu.dma_semaphore, #tpu.memory_space<semaphore_mem>>
      tpu.wait_indirect_dma semaphore(%dma_wait3A_1847 : memref<!tpu.dma_semaphore, #tpu.memory_space<semaphore_mem>>) src(%dma_wait3A_1845 : memref<3200000x16xf32, #tpu.memory_space<hbm>>) dst(%dma_wait3A_1835 : memref<128x16xf32, #tpu.memory_space<vmem>>)
      %dma_wait3A_1848 = arith.constant 1 : i32
      %dma_wait3A_1849 = arith.constant 0 : i32
      %dma_wait3A_1850 = arith.constant 0 : i32
      %dma_wait3A_1851 = tpu.memref_slice %arg6[%rem3A_65, %dma_wait3A_1849, %dma_wait3A_1850] : memref<2x512x16xf32, #tpu.memory_space<vmem>> -> memref<1x512x16xf32, #tpu.memory_space<vmem>>
      %dma_wait3A_1852 = tpu.memref_squeeze %dma_wait3A_1851 : memref<1x512x16xf32, #tpu.memory_space<vmem>> -> memref<512x16xf32, #tpu.memory_space<vmem>>
      %dma_wait3A_1853 = arith.constant 128 : i32
      %dma_wait3A_1854 = arith.constant 0 : i32
      %dma_wait3A_1855 = tpu.memref_slice %dma_wait3A_1852[%dma_wait3A_1853, %dma_wait3A_1854] : memref<512x16xf32, #tpu.memory_space<vmem>> -> memref<128x16xf32, #tpu.memory_space<vmem>>
      %dma_wait3A_1856 = arith.constant 0 : i32
      %dma_wait3A_1857 = arith.constant 0 : i32
      %dma_wait3A_1858 = tpu.memref_slice %arg5[%rem3A_65, %dma_wait3A_1856, %dma_wait3A_1857] : memref<2x4x128xi32, #tpu.memory_space<vmem>> -> memref<1x4x128xi32, #tpu.memory_space<vmem>>
      %dma_wait3A_1859 = tpu.memref_squeeze %dma_wait3A_1858 : memref<1x4x128xi32, #tpu.memory_space<vmem>> -> memref<4x128xi32, #tpu.memory_space<vmem>>
      %dma_wait3A_1860 = arith.constant 0 : i32
      %dma_wait3A_1861 = tpu.memref_slice %dma_wait3A_1859[%dma_wait3A_1848, %dma_wait3A_1860] : memref<4x128xi32, #tpu.memory_space<vmem>> -> memref<1x128xi32, #tpu.memory_space<vmem>>
      %dma_wait3A_1862 = tpu.memref_squeeze %dma_wait3A_1861 : memref<1x128xi32, #tpu.memory_space<vmem>> -> memref<128xi32, #tpu.memory_space<vmem>>
      %dma_wait3A_1863 = arith.constant 0 : i32
      %dma_wait3A_1864 = arith.constant 0 : i32
      %dma_wait3A_1865 = tpu.memref_slice %arg3[%dma_wait3A_1863, %dma_wait3A_1864] : memref<3200000x16xf32, #tpu.memory_space<hbm>> -> memref<3200000x16xf32, #tpu.memory_space<hbm>>
      %dma_wait3A_1866 = tpu.memref_slice %arg8[%rem3A_65] : memref<2x!tpu.dma_semaphore, #tpu.memory_space<semaphore_mem>> -> memref<1x!tpu.dma_semaphore, #tpu.memory_space<semaphore_mem>>
      %dma_wait3A_1867 = tpu.memref_squeeze %dma_wait3A_1866 : memref<1x!tpu.dma_semaphore, #tpu.memory_space<semaphore_mem>> -> memref<!tpu.dma_semaphore, #tpu.memory_space<semaphore_mem>>
      tpu.wait_indirect_dma semaphore(%dma_wait3A_1867 : memref<!tpu.dma_semaphore, #tpu.memory_space<semaphore_mem>>) src(%dma_wait3A_1865 : memref<3200000x16xf32, #tpu.memory_space<hbm>>) dst(%dma_wait3A_1855 : memref<128x16xf32, #tpu.memory_space<vmem>>)
      %dma_wait3A_1868 = arith.constant 2 : i32
      %dma_wait3A_1869 = arith.constant 0 : i32
      %dma_wait3A_1870 = arith.constant 0 : i32
      %dma_wait3A_1871 = tpu.memref_slice %arg6[%rem3A_65, %dma_wait3A_1869, %dma_wait3A_1870] : memref<2x512x16xf32, #tpu.memory_space<vmem>> -> memref<1x512x16xf32, #tpu.memory_space<vmem>>
      %dma_wait3A_1872 = tpu.memref_squeeze %dma_wait3A_1871 : memref<1x512x16xf32, #tpu.memory_space<vmem>> -> memref<512x16xf32, #tpu.memory_space<vmem>>
      %dma_wait3A_1873 = arith.constant 256 : i32
      %dma_wait3A_1874 = arith.constant 0 : i32
      %dma_wait3A_1875 = tpu.memref_slice %dma_wait3A_1872[%dma_wait3A_1873, %dma_wait3A_1874] : memref<512x16xf32, #tpu.memory_space<vmem>> -> memref<128x16xf32, #tpu.memory_space<vmem>>
      %dma_wait3A_1876 = arith.constant 0 : i32
      %dma_wait3A_1877 = arith.constant 0 : i32
      %dma_wait3A_1878 = tpu.memref_slice %arg5[%rem3A_65, %dma_wait3A_1876, %dma_wait3A_1877] : memref<2x4x128xi32, #tpu.memory_space<vmem>> -> memref<1x4x128xi32, #tpu.memory_space<vmem>>
      %dma_wait3A_1879 = tpu.memref_squeeze %dma_wait3A_1878 : memref<1x4x128xi32, #tpu.memory_space<vmem>> -> memref<4x128xi32, #tpu.memory_space<vmem>>
      %dma_wait3A_1880 = arith.constant 0 : i32
      %dma_wait3A_1881 = tpu.memref_slice %dma_wait3A_1879[%dma_wait3A_1868, %dma_wait3A_1880] : memref<4x128xi32, #tpu.memory_space<vmem>> -> memref<1x128xi32, #tpu.memory_space<vmem>>
      %dma_wait3A_1882 = tpu.memref_squeeze %dma_wait3A_1881 : memref<1x128xi32, #tpu.memory_space<vmem>> -> memref<128xi32, #tpu.memory_space<vmem>>
      %dma_wait3A_1883 = arith.constant 0 : i32
      %dma_wait3A_1884 = arith.constant 0 : i32
      %dma_wait3A_1885 = tpu.memref_slice %arg3[%dma_wait3A_1883, %dma_wait3A_1884] : memref<3200000x16xf32, #tpu.memory_space<hbm>> -> memref<3200000x16xf32, #tpu.memory_space<hbm>>
      %dma_wait3A_1886 = tpu.memref_slice %arg8[%rem3A_65] : memref<2x!tpu.dma_semaphore, #tpu.memory_space<semaphore_mem>> -> memref<1x!tpu.dma_semaphore, #tpu.memory_space<semaphore_mem>>
      %dma_wait3A_1887 = tpu.memref_squeeze %dma_wait3A_1886 : memref<1x!tpu.dma_semaphore, #tpu.memory_space<semaphore_mem>> -> memref<!tpu.dma_semaphore, #tpu.memory_space<semaphore_mem>>
      tpu.wait_indirect_dma semaphore(%dma_wait3A_1887 : memref<!tpu.dma_semaphore, #tpu.memory_space<semaphore_mem>>) src(%dma_wait3A_1885 : memref<3200000x16xf32, #tpu.memory_space<hbm>>) dst(%dma_wait3A_1875 : memref<128x16xf32, #tpu.memory_space<vmem>>)
      %dma_wait3A_1888 = arith.constant 3 : i32
      %dma_wait3A_1889 = arith.constant 0 : i32
      %dma_wait3A_1890 = arith.constant 0 : i32
      %dma_wait3A_1891 = tpu.memref_slice %arg6[%rem3A_65, %dma_wait3A_1889, %dma_wait3A_1890] : memref<2x512x16xf32, #tpu.memory_space<vmem>> -> memref<1x512x16xf32, #tpu.memory_space<vmem>>
      %dma_wait3A_1892 = tpu.memref_squeeze %dma_wait3A_1891 : memref<1x512x16xf32, #tpu.memory_space<vmem>> -> memref<512x16xf32, #tpu.memory_space<vmem>>
      %dma_wait3A_1893 = arith.constant 384 : i32
      %dma_wait3A_1894 = arith.constant 0 : i32
      %dma_wait3A_1895 = tpu.memref_slice %dma_wait3A_1892[%dma_wait3A_1893, %dma_wait3A_1894] : memref<512x16xf32, #tpu.memory_space<vmem>> -> memref<128x16xf32, #tpu.memory_space<vmem>>
      %dma_wait3A_1896 = arith.constant 0 : i32
      %dma_wait3A_1897 = arith.constant 0 : i32
      %dma_wait3A_1898 = tpu.memref_slice %arg5[%rem3A_65, %dma_wait3A_1896, %dma_wait3A_1897] : memref<2x4x128xi32, #tpu.memory_space<vmem>> -> memref<1x4x128xi32, #tpu.memory_space<vmem>>
      %dma_wait3A_1899 = tpu.memref_squeeze %dma_wait3A_1898 : memref<1x4x128xi32, #tpu.memory_space<vmem>> -> memref<4x128xi32, #tpu.memory_space<vmem>>
      %dma_wait3A_1900 = arith.constant 0 : i32
      %dma_wait3A_1901 = tpu.memref_slice %dma_wait3A_1899[%dma_wait3A_1888, %dma_wait3A_1900] : memref<4x128xi32, #tpu.memory_space<vmem>> -> memref<1x128xi32, #tpu.memory_space<vmem>>
      %dma_wait3A_1902 = tpu.memref_squeeze %dma_wait3A_1901 : memref<1x128xi32, #tpu.memory_space<vmem>> -> memref<128xi32, #tpu.memory_space<vmem>>
      %dma_wait3A_1903 = arith.constant 0 : i32
      %dma_wait3A_1904 = arith.constant 0 : i32
      %dma_wait3A_1905 = tpu.memref_slice %arg3[%dma_wait3A_1903, %dma_wait3A_1904] : memref<3200000x16xf32, #tpu.memory_space<hbm>> -> memref<3200000x16xf32, #tpu.memory_space<hbm>>
      %dma_wait3A_1906 = tpu.memref_slice %arg8[%rem3A_65] : memref<2x!tpu.dma_semaphore, #tpu.memory_space<semaphore_mem>> -> memref<1x!tpu.dma_semaphore, #tpu.memory_space<semaphore_mem>>
      %dma_wait3A_1907 = tpu.memref_squeeze %dma_wait3A_1906 : memref<1x!tpu.dma_semaphore, #tpu.memory_space<semaphore_mem>> -> memref<!tpu.dma_semaphore, #tpu.memory_space<semaphore_mem>>
      tpu.wait_indirect_dma semaphore(%dma_wait3A_1907 : memref<!tpu.dma_semaphore, #tpu.memory_space<semaphore_mem>>) src(%dma_wait3A_1905 : memref<3200000x16xf32, #tpu.memory_space<hbm>>) dst(%dma_wait3A_1895 : memref<128x16xf32, #tpu.memory_space<vmem>>)
      %mul3A_1908 = arith.constant 4 : i32
      %mul3A_1909 = arith.muli %scan3A_64, %mul3A_1908 : i32
      %add3A_1910 = arith.addi %mul3A_2, %mul3A_1909 : i32
      %mul3A_1911 = arith.constant 128 : i32
      %mul3A_1912 = arith.muli %add3A_1910, %mul3A_1911 : i32
      %dma_start3A_1913 = arith.constant 0 : i32
      %dma_start3A_1914 = arith.constant 0 : i32
      %dma_start3A_1915 = tpu.memref_slice %arg6[%rem3A_65, %dma_start3A_1913, %dma_start3A_1914] : memref<2x512x16xf32, #tpu.memory_space<vmem>> -> memref<1x512x16xf32, #tpu.memory_space<vmem>>
      %dma_start3A_1916 = tpu.memref_squeeze %dma_start3A_1915 : memref<1x512x16xf32, #tpu.memory_space<vmem>> -> memref<512x16xf32, #tpu.memory_space<vmem>>
      %dma_start3A_1917 = arith.constant 0 : i32
      %dma_start3A_1918 = tpu.memref_slice %arg4[%mul3A_1912, %dma_start3A_1917] : memref<212992x16xf32, #tpu.memory_space<hbm>> -> memref<512x16xf32, #tpu.memory_space<hbm>>
      %dma_start3A_1919 = tpu.memref_slice %arg9[%rem3A_65] : memref<2x!tpu.dma_semaphore, #tpu.memory_space<semaphore_mem>> -> memref<1x!tpu.dma_semaphore, #tpu.memory_space<semaphore_mem>>
      %dma_start3A_1920 = tpu.memref_squeeze %dma_start3A_1919 : memref<1x!tpu.dma_semaphore, #tpu.memory_space<semaphore_mem>> -> memref<!tpu.dma_semaphore, #tpu.memory_space<semaphore_mem>>
      %dma_start3A_1921 = arith.constant 0 : i32
      %dma_start3A_1922 = tpu.memref_slice %arg4[%mul3A_1912, %dma_start3A_1921] : memref<212992x16xf32, #tpu.memory_space<hbm>> -> memref<512x16xf32, #tpu.memory_space<hbm>>
      %dma_start3A_1923 = arith.constant 0 : i32
      %dma_start3A_1924 = arith.constant 0 : i32
      %dma_start3A_1925 = tpu.memref_slice %arg6[%rem3A_65, %dma_start3A_1923, %dma_start3A_1924] : memref<2x512x16xf32, #tpu.memory_space<vmem>> -> memref<1x512x16xf32, #tpu.memory_space<vmem>>
      %dma_start3A_1926 = tpu.memref_squeeze %dma_start3A_1925 : memref<1x512x16xf32, #tpu.memory_space<vmem>> -> memref<512x16xf32, #tpu.memory_space<vmem>>
      tpu.enqueue_dma source(%dma_start3A_1926 : memref<512x16xf32, #tpu.memory_space<vmem>>) target(%dma_start3A_1922 : memref<512x16xf32, #tpu.memory_space<hbm>>) target_semaphore(%dma_start3A_1920 : memref<!tpu.dma_semaphore, #tpu.memory_space<semaphore_mem>>)
    }
    %scan3A_24 = arith.constant 13 : i32
    %add3A_25 = arith.constant 44 : i32
    %add3A_26 = arith.addi %mul3A_2, %add3A_25 : i32
    %mul3A_27 = arith.constant 128 : i32
    %mul3A_28 = arith.muli %add3A_26, %mul3A_27 : i32
    %dma_wait3A = arith.constant 1 : i32
    %dma_wait3A_29 = arith.constant 1 : i32
    %dma_wait3A_30 = arith.constant 0 : i32
    %dma_wait3A_31 = arith.constant 0 : i32
    %dma_wait3A_32 = tpu.memref_slice %arg6[%dma_wait3A, %dma_wait3A_30, %dma_wait3A_31] : memref<2x512x16xf32, #tpu.memory_space<vmem>> -> memref<1x512x16xf32, #tpu.memory_space<vmem>>
    %dma_wait3A_33 = tpu.memref_squeeze %dma_wait3A_32 : memref<1x512x16xf32, #tpu.memory_space<vmem>> -> memref<512x16xf32, #tpu.memory_space<vmem>>
    %dma_wait3A_34 = arith.constant 0 : i32
    %dma_wait3A_35 = tpu.memref_slice %arg4[%mul3A_28, %dma_wait3A_34] : memref<212992x16xf32, #tpu.memory_space<hbm>> -> memref<512x16xf32, #tpu.memory_space<hbm>>
    %dma_wait3A_36 = tpu.memref_slice %arg9[%dma_wait3A_29] : memref<2x!tpu.dma_semaphore, #tpu.memory_space<semaphore_mem>> -> memref<1x!tpu.dma_semaphore, #tpu.memory_space<semaphore_mem>>
    %dma_wait3A_37 = tpu.memref_squeeze %dma_wait3A_36 : memref<1x!tpu.dma_semaphore, #tpu.memory_space<semaphore_mem>> -> memref<!tpu.dma_semaphore, #tpu.memory_space<semaphore_mem>>
    %dma_wait3A_38 = arith.constant 0 : i32
    %dma_wait3A_39 = tpu.memref_slice %arg4[%mul3A_28, %dma_wait3A_38] : memref<212992x16xf32, #tpu.memory_space<hbm>> -> memref<512x16xf32, #tpu.memory_space<hbm>>
    %dma_wait3A_40 = arith.constant 0 : i32
    %dma_wait3A_41 = arith.constant 0 : i32
    %dma_wait3A_42 = tpu.memref_slice %arg6[%dma_wait3A, %dma_wait3A_40, %dma_wait3A_41] : memref<2x512x16xf32, #tpu.memory_space<vmem>> -> memref<1x512x16xf32, #tpu.memory_space<vmem>>
    %dma_wait3A_43 = tpu.memref_squeeze %dma_wait3A_42 : memref<1x512x16xf32, #tpu.memory_space<vmem>> -> memref<512x16xf32, #tpu.memory_space<vmem>>
    tpu.wait_dma2 semaphore(%dma_wait3A_37 : memref<!tpu.dma_semaphore, #tpu.memory_space<semaphore_mem>>) src(%dma_wait3A_43 : memref<512x16xf32, #tpu.memory_space<vmem>>) dst(%dma_wait3A_39 : memref<512x16xf32, #tpu.memory_space<hbm>>)
    %add3A_44 = arith.constant 48 : i32
    %add3A_45 = arith.addi %mul3A_2, %add3A_44 : i32
    %mul3A_46 = arith.constant 128 : i32
    %mul3A_47 = arith.muli %add3A_45, %mul3A_46 : i32
    %dma_wait3A_48 = arith.constant 0 : i32
    %dma_wait3A_49 = arith.constant 0 : i32
    %dma_wait3A_50 = arith.constant 0 : i32
    %dma_wait3A_51 = arith.constant 0 : i32
    %dma_wait3A_52 = tpu.memref_slice %arg6[%dma_wait3A_48, %dma_wait3A_50, %dma_wait3A_51] : memref<2x512x16xf32, #tpu.memory_space<vmem>> -> memref<1x512x16xf32, #tpu.memory_space<vmem>>
    %dma_wait3A_53 = tpu.memref_squeeze %dma_wait3A_52 : memref<1x512x16xf32, #tpu.memory_space<vmem>> -> memref<512x16xf32, #tpu.memory_space<vmem>>
    %dma_wait3A_54 = arith.constant 0 : i32
    %dma_wait3A_55 = tpu.memref_slice %arg4[%mul3A_47, %dma_wait3A_54] : memref<212992x16xf32, #tpu.memory_space<hbm>> -> memref<512x16xf32, #tpu.memory_space<hbm>>
    %dma_wait3A_56 = tpu.memref_slice %arg9[%dma_wait3A_49] : memref<2x!tpu.dma_semaphore, #tpu.memory_space<semaphore_mem>> -> memref<1x!tpu.dma_semaphore, #tpu.memory_space<semaphore_mem>>
    %dma_wait3A_57 = tpu.memref_squeeze %dma_wait3A_56 : memref<1x!tpu.dma_semaphore, #tpu.memory_space<semaphore_mem>> -> memref<!tpu.dma_semaphore, #tpu.memory_space<semaphore_mem>>
    %dma_wait3A_58 = arith.constant 0 : i32
    %dma_wait3A_59 = tpu.memref_slice %arg4[%mul3A_47, %dma_wait3A_58] : memref<212992x16xf32, #tpu.memory_space<hbm>> -> memref<512x16xf32, #tpu.memory_space<hbm>>
    %dma_wait3A_60 = arith.constant 0 : i32
    %dma_wait3A_61 = arith.constant 0 : i32
    %dma_wait3A_62 = tpu.memref_slice %arg6[%dma_wait3A_48, %dma_wait3A_60, %dma_wait3A_61] : memref<2x512x16xf32, #tpu.memory_space<vmem>> -> memref<1x512x16xf32, #tpu.memory_space<vmem>>
    %dma_wait3A_63 = tpu.memref_squeeze %dma_wait3A_62 : memref<1x512x16xf32, #tpu.memory_space<vmem>> -> memref<512x16xf32, #tpu.memory_space<vmem>>
    tpu.wait_dma2 semaphore(%dma_wait3A_57 : memref<!tpu.dma_semaphore, #tpu.memory_space<semaphore_mem>>) src(%dma_wait3A_63 : memref<512x16xf32, #tpu.memory_space<vmem>>) dst(%dma_wait3A_59 : memref<512x16xf32, #tpu.memory_space<hbm>>)
    return
  }
}

module attributes {stable_mosaic.version = 14 : i64} {
  func.func @body(%arg0: i32, %arg1: i32, %arg2: memref<128x128xf32, #tpu.memory_space<vmem>>, %arg3: memref<26x16x100000xf32, #tpu.memory_space<any>>, %arg4: memref<1x9088x128xf32, #tpu.memory_space<vmem>>, %arg5: memref<3x8x16x9088xf32, #tpu.memory_space<vmem>>, %arg6: memref<3x!tpu.dma_semaphore, #tpu.memory_space<semaphore_mem>>) attributes {dimension_semantics = [#tpu.dimension_semantics<arbitrary>, #tpu.dimension_semantics<arbitrary>], iteration_bounds = array<i64: 4, 11>, scalar_prefetch = 0 : i64, scratch_operands = 2 : i64, tpu.core_type = #tpu.core_type<tc>, window_params = [{pipeline_mode = #tpu.pipeline_mode<synchronous>, transform_indices = @transform_0, window_bounds = array<i64: 128, 128>}, {}, {transform_indices = @transform_2, window_bounds = array<i64: 1, 9088, 128>}]} {
    %mul3A = arith.constant 11 : i32
    %mul3A_0 = arith.muli %arg0, %mul3A : i32
    %add3A = arith.addi %mul3A_0, %arg1 : i32
    %rem3A = arith.constant 3 : i32
    %rem3A_1 = arith.remsi %add3A, %rem3A : i32
    %add3A_2 = arith.constant 2 : i32
    %add3A_3 = arith.addi %add3A, %add3A_2 : i32
    %rem3A_4 = arith.constant 3 : i32
    %rem3A_5 = arith.remsi %add3A_3, %rem3A_4 : i32
    %eq3A = arith.constant 0 : i32
    %eq3A_6 = arith.cmpi eq, %add3A, %eq3A : i32
    %convert_element_type3A = arith.extui %eq3A_6 : i1 to i32
    %cond3A = arith.constant 0 : i32
    %cond3A_7 = arith.cmpi ne, %convert_element_type3A, %cond3A : i32
    scf.if %cond3A_7 {
      %min3A_62 = arith.constant 0 : i32
      %min3A_63 = arith.constant 3 : i32
      %min3A_64 = arith.minsi %min3A_62, %min3A_63 : i32
      %rem3A_65 = arith.constant 0 : i32
      %rem3A_66 = arith.constant 11 : i32
      %rem3A_67 = arith.remsi %rem3A_65, %rem3A_66 : i32
      %mul3A_68 = arith.constant 6 : i32
      %mul3A_69 = arith.muli %mul3A_68, %min3A_64 : i32
      %mul3A_70 = arith.constant 9088 : i32
      %mul3A_71 = arith.muli %rem3A_67, %mul3A_70 : i32
      %dma_start3A = arith.constant 0 : i32
      %dma_start3A_72 = arith.constant 0 : i32
      %dma_start3A_73 = tpu.memref_slice %arg6[%dma_start3A_72] : memref<3x!tpu.dma_semaphore, #tpu.memory_space<semaphore_mem>> -> memref<1x!tpu.dma_semaphore, #tpu.memory_space<semaphore_mem>>
      %dma_start3A_74 = tpu.memref_squeeze %dma_start3A_73 : memref<1x!tpu.dma_semaphore, #tpu.memory_space<semaphore_mem>> -> memref<!tpu.dma_semaphore, #tpu.memory_space<semaphore_mem>>
      %dma_start3A_75 = arith.constant 0 : i32
      %dma_start3A_76 = arith.constant 0 : i32
      %dma_start3A_77 = arith.constant 0 : i32
      %dma_start3A_78 = tpu.memref_slice %arg5[%dma_start3A, %dma_start3A_75, %dma_start3A_76, %dma_start3A_77] : memref<3x8x16x9088xf32, #tpu.memory_space<vmem>> -> memref<1x8x16x9088xf32, #tpu.memory_space<vmem>>
      %dma_start3A_79 = tpu.memref_squeeze %dma_start3A_78 : memref<1x8x16x9088xf32, #tpu.memory_space<vmem>> -> memref<8x16x9088xf32, #tpu.memory_space<vmem>>
      %dma_start3A_80 = arith.constant 0 : i32
      %dma_start3A_81 = tpu.memref_slice %arg3[%mul3A_69, %dma_start3A_80, %mul3A_71] : memref<26x16x100000xf32, #tpu.memory_space<any>> -> memref<8x16x9088xf32, #tpu.memory_space<any>>
      tpu.enqueue_dma source(%dma_start3A_81 : memref<8x16x9088xf32, #tpu.memory_space<any>>) target(%dma_start3A_79 : memref<8x16x9088xf32, #tpu.memory_space<vmem>>) target_semaphore(%dma_start3A_74 : memref<!tpu.dma_semaphore, #tpu.memory_space<semaphore_mem>>)
      %min3A_82 = arith.constant 0 : i32
      %min3A_83 = arith.constant 3 : i32
      %min3A_84 = arith.minsi %min3A_82, %min3A_83 : i32
      %rem3A_85 = arith.constant 1 : i32
      %rem3A_86 = arith.constant 11 : i32
      %rem3A_87 = arith.remsi %rem3A_85, %rem3A_86 : i32
      %mul3A_88 = arith.constant 6 : i32
      %mul3A_89 = arith.muli %mul3A_88, %min3A_84 : i32
      %mul3A_90 = arith.constant 9088 : i32
      %mul3A_91 = arith.muli %rem3A_87, %mul3A_90 : i32
      %dma_start3A_92 = arith.constant 1 : i32
      %dma_start3A_93 = arith.constant 1 : i32
      %dma_start3A_94 = tpu.memref_slice %arg6[%dma_start3A_93] : memref<3x!tpu.dma_semaphore, #tpu.memory_space<semaphore_mem>> -> memref<1x!tpu.dma_semaphore, #tpu.memory_space<semaphore_mem>>
      %dma_start3A_95 = tpu.memref_squeeze %dma_start3A_94 : memref<1x!tpu.dma_semaphore, #tpu.memory_space<semaphore_mem>> -> memref<!tpu.dma_semaphore, #tpu.memory_space<semaphore_mem>>
      %dma_start3A_96 = arith.constant 0 : i32
      %dma_start3A_97 = arith.constant 0 : i32
      %dma_start3A_98 = arith.constant 0 : i32
      %dma_start3A_99 = tpu.memref_slice %arg5[%dma_start3A_92, %dma_start3A_96, %dma_start3A_97, %dma_start3A_98] : memref<3x8x16x9088xf32, #tpu.memory_space<vmem>> -> memref<1x8x16x9088xf32, #tpu.memory_space<vmem>>
      %dma_start3A_100 = tpu.memref_squeeze %dma_start3A_99 : memref<1x8x16x9088xf32, #tpu.memory_space<vmem>> -> memref<8x16x9088xf32, #tpu.memory_space<vmem>>
      %dma_start3A_101 = arith.constant 0 : i32
      %dma_start3A_102 = tpu.memref_slice %arg3[%mul3A_89, %dma_start3A_101, %mul3A_91] : memref<26x16x100000xf32, #tpu.memory_space<any>> -> memref<8x16x9088xf32, #tpu.memory_space<any>>
      tpu.enqueue_dma source(%dma_start3A_102 : memref<8x16x9088xf32, #tpu.memory_space<any>>) target(%dma_start3A_100 : memref<8x16x9088xf32, #tpu.memory_space<vmem>>) target_semaphore(%dma_start3A_95 : memref<!tpu.dma_semaphore, #tpu.memory_space<semaphore_mem>>)
    } else {
    }
    %gt3A = arith.constant 0 : i32
    %gt3A_8 = arith.cmpi sgt, %add3A, %gt3A : i32
    %lt3A = arith.constant 42 : i32
    %lt3A_9 = arith.cmpi slt, %add3A, %lt3A : i32
    %and3A = arith.andi %gt3A_8, %lt3A_9 : i1
    %eq3A_10 = arith.constant 0 : i32
    %eq3A_11 = arith.cmpi eq, %add3A, %eq3A_10 : i32
    %or3A = arith.ori %and3A, %eq3A_11 : i1
    %convert_element_type3A_12 = arith.extui %or3A : i1 to i32
    %cond3A_13 = arith.constant 0 : i32
    %cond3A_14 = arith.cmpi ne, %convert_element_type3A_12, %cond3A_13 : i32
    scf.if %cond3A_14 {
      %add3A_62 = arith.constant 2 : i32
      %add3A_63 = arith.addi %add3A, %add3A_62 : i32
      %jit3A_64 = arith.constant 11 : i32
      %div3A_65 = arith.divsi %add3A_63, %jit3A_64 : i32
      %sign3A_66 = arith.constant 0 : i32
      %sign3A_67 = arith.cmpi sgt, %add3A_63, %sign3A_66 : i32
      %sign3A_68 = arith.extui %sign3A_67 : i1 to i32
      %sign3A_69 = arith.constant 0 : i32
      %sign3A_70 = arith.cmpi slt, %add3A_63, %sign3A_69 : i32
      %sign3A_71 = arith.extui %sign3A_70 : i1 to i32
      %sign3A_72 = arith.subi %sign3A_68, %sign3A_71 : i32
      %sign3A_73 = arith.constant 0 : i32
      %sign3A_74 = arith.cmpi sgt, %jit3A_64, %sign3A_73 : i32
      %sign3A_75 = arith.extui %sign3A_74 : i1 to i32
      %sign3A_76 = arith.constant 0 : i32
      %sign3A_77 = arith.cmpi slt, %jit3A_64, %sign3A_76 : i32
      %sign3A_78 = arith.extui %sign3A_77 : i1 to i32
      %sign3A_79 = arith.subi %sign3A_75, %sign3A_78 : i32
      %ne3A_80 = arith.cmpi ne, %sign3A_72, %sign3A_79 : i32
      %rem3A_81 = arith.remsi %add3A_63, %jit3A_64 : i32
      %ne3A_82 = arith.constant 0 : i32
      %ne3A_83 = arith.cmpi ne, %rem3A_81, %ne3A_82 : i32
      %and3A_84 = arith.andi %ne3A_80, %ne3A_83 : i1
      %sub3A_85 = arith.constant 1 : i32
      %sub3A_86 = arith.subi %div3A_65, %sub3A_85 : i32
      %select_n3A_87 = arith.select %and3A_84, %sub3A_86, %div3A_65 : i32
      %min3A_88 = arith.constant 3 : i32
      %min3A_89 = arith.minsi %select_n3A_87, %min3A_88 : i32
      %rem3A_90 = arith.constant 11 : i32
      %rem3A_91 = arith.remsi %add3A_63, %rem3A_90 : i32
      %mul3A_92 = arith.constant 6 : i32
      %mul3A_93 = arith.muli %mul3A_92, %min3A_89 : i32
      %mul3A_94 = arith.constant 9088 : i32
      %mul3A_95 = arith.muli %rem3A_91, %mul3A_94 : i32
      %dma_start3A = tpu.memref_slice %arg6[%rem3A_5] : memref<3x!tpu.dma_semaphore, #tpu.memory_space<semaphore_mem>> -> memref<1x!tpu.dma_semaphore, #tpu.memory_space<semaphore_mem>>
      %dma_start3A_96 = tpu.memref_squeeze %dma_start3A : memref<1x!tpu.dma_semaphore, #tpu.memory_space<semaphore_mem>> -> memref<!tpu.dma_semaphore, #tpu.memory_space<semaphore_mem>>
      %dma_start3A_97 = arith.constant 0 : i32
      %dma_start3A_98 = arith.constant 0 : i32
      %dma_start3A_99 = arith.constant 0 : i32
      %dma_start3A_100 = tpu.memref_slice %arg5[%rem3A_5, %dma_start3A_97, %dma_start3A_98, %dma_start3A_99] : memref<3x8x16x9088xf32, #tpu.memory_space<vmem>> -> memref<1x8x16x9088xf32, #tpu.memory_space<vmem>>
      %dma_start3A_101 = tpu.memref_squeeze %dma_start3A_100 : memref<1x8x16x9088xf32, #tpu.memory_space<vmem>> -> memref<8x16x9088xf32, #tpu.memory_space<vmem>>
      %dma_start3A_102 = arith.constant 0 : i32
      %dma_start3A_103 = tpu.memref_slice %arg3[%mul3A_93, %dma_start3A_102, %mul3A_95] : memref<26x16x100000xf32, #tpu.memory_space<any>> -> memref<8x16x9088xf32, #tpu.memory_space<any>>
      tpu.enqueue_dma source(%dma_start3A_103 : memref<8x16x9088xf32, #tpu.memory_space<any>>) target(%dma_start3A_101 : memref<8x16x9088xf32, #tpu.memory_space<vmem>>) target_semaphore(%dma_start3A_96 : memref<!tpu.dma_semaphore, #tpu.memory_space<semaphore_mem>>)
    } else {
    }
    %jit3A = arith.constant 11 : i32
    %div3A = arith.divsi %add3A, %jit3A : i32
    %sign3A = arith.constant 0 : i32
    %sign3A_15 = arith.cmpi sgt, %add3A, %sign3A : i32
    %sign3A_16 = arith.extui %sign3A_15 : i1 to i32
    %sign3A_17 = arith.constant 0 : i32
    %sign3A_18 = arith.cmpi slt, %add3A, %sign3A_17 : i32
    %sign3A_19 = arith.extui %sign3A_18 : i1 to i32
    %sign3A_20 = arith.subi %sign3A_16, %sign3A_19 : i32
    %sign3A_21 = arith.constant 0 : i32
    %sign3A_22 = arith.cmpi sgt, %jit3A, %sign3A_21 : i32
    %sign3A_23 = arith.extui %sign3A_22 : i1 to i32
    %sign3A_24 = arith.constant 0 : i32
    %sign3A_25 = arith.cmpi slt, %jit3A, %sign3A_24 : i32
    %sign3A_26 = arith.extui %sign3A_25 : i1 to i32
    %sign3A_27 = arith.subi %sign3A_23, %sign3A_26 : i32
    %ne3A = arith.cmpi ne, %sign3A_20, %sign3A_27 : i32
    %rem3A_28 = arith.remsi %add3A, %jit3A : i32
    %ne3A_29 = arith.constant 0 : i32
    %ne3A_30 = arith.cmpi ne, %rem3A_28, %ne3A_29 : i32
    %and3A_31 = arith.andi %ne3A, %ne3A_30 : i1
    %sub3A = arith.constant 1 : i32
    %sub3A_32 = arith.subi %div3A, %sub3A : i32
    %select_n3A = arith.select %and3A_31, %sub3A_32, %div3A : i32
    %min3A = arith.constant 3 : i32
    %min3A_33 = arith.minsi %select_n3A, %min3A : i32
    %rem3A_34 = arith.constant 11 : i32
    %rem3A_35 = arith.remsi %add3A, %rem3A_34 : i32
    %mul3A_36 = arith.constant 6 : i32
    %mul3A_37 = arith.muli %mul3A_36, %min3A_33 : i32
    %mul3A_38 = arith.constant 9088 : i32
    %mul3A_39 = arith.muli %rem3A_35, %mul3A_38 : i32
    %dma_wait3A = tpu.memref_slice %arg6[%rem3A_1] : memref<3x!tpu.dma_semaphore, #tpu.memory_space<semaphore_mem>> -> memref<1x!tpu.dma_semaphore, #tpu.memory_space<semaphore_mem>>
    %dma_wait3A_40 = tpu.memref_squeeze %dma_wait3A : memref<1x!tpu.dma_semaphore, #tpu.memory_space<semaphore_mem>> -> memref<!tpu.dma_semaphore, #tpu.memory_space<semaphore_mem>>
    %dma_wait3A_41 = arith.constant 0 : i32
    %dma_wait3A_42 = arith.constant 0 : i32
    %dma_wait3A_43 = arith.constant 0 : i32
    %dma_wait3A_44 = tpu.memref_slice %arg5[%rem3A_1, %dma_wait3A_41, %dma_wait3A_42, %dma_wait3A_43] : memref<3x8x16x9088xf32, #tpu.memory_space<vmem>> -> memref<1x8x16x9088xf32, #tpu.memory_space<vmem>>
    %dma_wait3A_45 = tpu.memref_squeeze %dma_wait3A_44 : memref<1x8x16x9088xf32, #tpu.memory_space<vmem>> -> memref<8x16x9088xf32, #tpu.memory_space<vmem>>
    %dma_wait3A_46 = arith.constant 0 : i32
    %dma_wait3A_47 = tpu.memref_slice %arg3[%mul3A_37, %dma_wait3A_46, %mul3A_39] : memref<26x16x100000xf32, #tpu.memory_space<any>> -> memref<8x16x9088xf32, #tpu.memory_space<any>>
    tpu.wait_dma2 semaphore(%dma_wait3A_40 : memref<!tpu.dma_semaphore, #tpu.memory_space<semaphore_mem>>) src(%dma_wait3A_47 : memref<8x16x9088xf32, #tpu.memory_space<any>>) dst(%dma_wait3A_45 : memref<8x16x9088xf32, #tpu.memory_space<vmem>>)
    %get3A = arith.index_cast %rem3A_1 : i32 to index
    %get3A_48 = arith.constant 0 : index
    %get3A_49 = arith.constant 0 : index
    %get3A_50 = arith.constant 0 : index
    %get3A_51 = vector.load %arg5[%get3A, %get3A_48, %get3A_49, %get3A_50] : memref<3x8x16x9088xf32, #tpu.memory_space<vmem>>, vector<1x8x16x9088xf32>
    %get3A_52 = vector.shape_cast %get3A_51 : vector<1x8x16x9088xf32> to vector<8x16x9088xf32>
    %reshape3A = vector.shape_cast %get3A_52 : vector<8x16x9088xf32> to vector<128x9088xf32>
    %get3A_53 = arith.constant 0 : index
    %get3A_54 = arith.constant 0 : index
    %get3A_55 = vector.load %arg2[%get3A_53, %get3A_54] : memref<128x128xf32, #tpu.memory_space<vmem>>, vector<128x128xf32>
    %dot_general3A = arith.constant dense<0.000000e+00> : vector<9088x128xf32>
    %dot_general3A_56 = tpu.matmul %reshape3A, %get3A_55, %dot_general3A {dimension_numbers = #tpu.dot_dimension_numbers<[0], [0], [1], [1], [0, 1, 1, 1], [], []>, transpose_lhs_hint = false} : vector<128x9088xf32>, vector<128x128xf32>, vector<9088x128xf32> -> vector<9088x128xf32>
    %swap3A = arith.constant 0 : index
    %swap3A_57 = arith.constant 0 : index
    %swap3A_58 = arith.constant 0 : index
    %swap3A_59 = vector.load %arg4[%swap3A, %swap3A_57, %swap3A_58] : memref<1x9088x128xf32, #tpu.memory_space<vmem>>, vector<1x9088x128xf32>
    %swap3A_60 = vector.shape_cast %swap3A_59 : vector<1x9088x128xf32> to vector<9088x128xf32>
    %swap3A_61 = vector.shape_cast %dot_general3A_56 : vector<9088x128xf32> to vector<1x9088x128xf32>
    tpu.vector_store %arg4[%swap3A, %swap3A_57, %swap3A_58], %swap3A_61 {strides = array<i32>} : memref<1x9088x128xf32, #tpu.memory_space<vmem>>, vector<1x9088x128xf32>,
    return
  }
  func.func @transform_0(%arg0: i32, %arg1: i32) -> (i32, i32) {
    %c0_i32 = arith.constant 0 : i32
    %c0_i32_0 = arith.constant 0 : i32
    %c0_i32_1 = arith.constant 0 : i32
    return %c0_i32, %c0_i32_0 : i32, i32
  }
  func.func @transform_2(%arg0: i32, %arg1: i32) -> (i32, i32, i32) {
    %c0_i32 = arith.constant 0 : i32
    %c0_i32_0 = arith.constant 0 : i32
    return %arg0, %arg1, %c0_i32 : i32, i32, i32
  }
}

module attributes {stable_mosaic.version = 14 : i64} {
  func.func @tail_body(%arg0: i32, %arg1: memref<128x128xf32, #tpu.memory_space<vmem>>, %arg2: memref<1x8x16x128xf32, #tpu.memory_space<vmem>>, %arg3: memref<4x100000x128xf32, #tpu.memory_space<any>>, %arg4: memref<1x32x128xf32, #tpu.memory_space<vmem>>) attributes {dimension_semantics = [#tpu.dimension_semantics<arbitrary>], iteration_bounds = array<i64: 4>, scalar_prefetch = 0 : i64, scratch_operands = 0 : i64, tpu.core_type = #tpu.core_type<tc>, window_params = [{pipeline_mode = #tpu.pipeline_mode<synchronous>, transform_indices = @transform_0, window_bounds = array<i64: 128, 128>}, {transform_indices = @transform_1, window_bounds = array<i64: 1, 8, 16, 128>}, {}, {transform_indices = @transform_3, window_bounds = array<i64: 1, 32, 128>}]} {
    %get3A = arith.constant 0 : index
    %get3A_0 = arith.constant 0 : index
    %get3A_1 = arith.constant 0 : index
    %get3A_2 = arith.constant 0 : index
    %get3A_3 = vector.load %arg2[%get3A, %get3A_0, %get3A_1, %get3A_2] : memref<1x8x16x128xf32, #tpu.memory_space<vmem>>, vector<1x8x16x128xf32>
    %get3A_4 = vector.shape_cast %get3A_3 : vector<1x8x16x128xf32> to vector<8x16x128xf32>
    %reshape3A = vector.shape_cast %get3A_4 : vector<8x16x128xf32> to vector<128x128xf32>
    %get3A_5 = arith.constant 0 : index
    %get3A_6 = arith.constant 0 : index
    %get3A_7 = vector.load %arg1[%get3A_5, %get3A_6] : memref<128x128xf32, #tpu.memory_space<vmem>>, vector<128x128xf32>
    %dot_general3A = arith.constant dense<0.000000e+00> : vector<128x128xf32>
    %dot_general3A_8 = tpu.matmul %reshape3A, %get3A_7, %dot_general3A {dimension_numbers = #tpu.dot_dimension_numbers<[0], [0], [1], [1], [0, 1, 1, 1], [], []>, transpose_lhs_hint = false} : vector<128x128xf32>, vector<128x128xf32>, vector<128x128xf32> -> vector<128x128xf32>
    %slice3A = vector.extract_strided_slice %dot_general3A_8 {offsets = [0, 0], sizes = [32, 128], strides = [1, 1]} : vector<128x128xf32> to vector<32x128xf32>
    %swap3A = arith.constant 0 : index
    %swap3A_9 = arith.constant 0 : index
    %swap3A_10 = arith.constant 0 : index
    %swap3A_11 = vector.load %arg4[%swap3A, %swap3A_9, %swap3A_10] : memref<1x32x128xf32, #tpu.memory_space<vmem>>, vector<1x32x128xf32>
    %swap3A_12 = vector.shape_cast %swap3A_11 : vector<1x32x128xf32> to vector<32x128xf32>
    %swap3A_13 = vector.shape_cast %slice3A : vector<32x128xf32> to vector<1x32x128xf32>
    tpu.vector_store %arg4[%swap3A, %swap3A_9, %swap3A_10], %swap3A_13 {strides = array<i32>} : memref<1x32x128xf32, #tpu.memory_space<vmem>>, vector<1x32x128xf32>,
    return
  }
  func.func @transform_0(%arg0: i32) -> (i32, i32) {
    %c0_i32 = arith.constant 0 : i32
    %c0_i32_0 = arith.constant 0 : i32
    %c0_i32_1 = arith.constant 0 : i32
    return %c0_i32, %c0_i32_0 : i32, i32
  }
  func.func @transform_1(%arg0: i32) -> (i32, i32, i32, i32) {
    %c0_i32 = arith.constant 0 : i32
    %c0_i32_0 = arith.constant 0 : i32
    %c0_i32_1 = arith.constant 0 : i32
    %c0_i32_2 = arith.constant 0 : i32
    return %arg0, %c0_i32, %c0_i32_0, %c0_i32_1 : i32, i32, i32, i32
  }
  func.func @transform_3(%arg0: i32) -> (i32, i32, i32) {
    %c3124_i32 = arith.constant 3124 : i32
    %c0_i32 = arith.constant 0 : i32
    %c0_i32_0 = arith.constant 0 : i32
    return %arg0, %c3124_i32, %c0_i32 : i32, i32, i32
  }
}

module attributes {stable_mosaic.version = 14 : i64} {
  func.func @body(%arg0: i32, %arg1: memref<2048x416xf32, #tpu.memory_space<vmem>>, %arg2: memref<2048x16xf32, #tpu.memory_space<vmem>>, %arg3: memref<16x64xf32, #tpu.memory_space<vmem>>, %arg4: memref<1x64xf32, #tpu.memory_space<vmem>>, %arg5: memref<64x32xf32, #tpu.memory_space<vmem>>, %arg6: memref<1x32xf32, #tpu.memory_space<vmem>>, %arg7: memref<32x16xf32, #tpu.memory_space<vmem>>, %arg8: memref<1x16xf32, #tpu.memory_space<vmem>>, %arg9: memref<416x128xf32, #tpu.memory_space<vmem>>, %arg10: memref<16x128xf32, #tpu.memory_space<vmem>>, %arg11: memref<1x128xf32, #tpu.memory_space<vmem>>, %arg12: memref<128x64xf32, #tpu.memory_space<vmem>>, %arg13: memref<1x64xf32, #tpu.memory_space<vmem>>, %arg14: memref<64x1xf32, #tpu.memory_space<vmem>>, %arg15: memref<1x1xf32, #tpu.memory_space<vmem>>, %arg16: memref<2048x1xf32, #tpu.memory_space<vmem>>) attributes {dimension_semantics = [#tpu.dimension_semantics<arbitrary>], iteration_bounds = array<i64: 4>, scalar_prefetch = 0 : i64, scratch_operands = 0 : i64, tpu.core_type = #tpu.core_type<tc>, window_params = [{transform_indices = @transform_0, window_bounds = array<i64: 2048, 416>}, {transform_indices = @transform_1, window_bounds = array<i64: 2048, 16>}, {pipeline_mode = #tpu.pipeline_mode<synchronous>, transform_indices = @transform_2, window_bounds = array<i64: 16, 64>}, {pipeline_mode = #tpu.pipeline_mode<synchronous>, transform_indices = @transform_3, window_bounds = array<i64: 1, 64>}, {pipeline_mode = #tpu.pipeline_mode<synchronous>, transform_indices = @transform_4, window_bounds = array<i64: 64, 32>}, {pipeline_mode = #tpu.pipeline_mode<synchronous>, transform_indices = @transform_5, window_bounds = array<i64: 1, 32>}, {pipeline_mode = #tpu.pipeline_mode<synchronous>, transform_indices = @transform_6, window_bounds = array<i64: 32, 16>}, {pipeline_mode = #tpu.pipeline_mode<synchronous>, transform_indices = @transform_7, window_bounds = array<i64: 1, 16>}, {pipeline_mode = #tpu.pipeline_mode<synchronous>, transform_indices = @transform_8, window_bounds = array<i64: 416, 128>}, {pipeline_mode = #tpu.pipeline_mode<synchronous>, transform_indices = @transform_9, window_bounds = array<i64: 16, 128>}, {pipeline_mode = #tpu.pipeline_mode<synchronous>, transform_indices = @transform_10, window_bounds = array<i64: 1, 128>}, {pipeline_mode = #tpu.pipeline_mode<synchronous>, transform_indices = @transform_11, window_bounds = array<i64: 128, 64>}, {pipeline_mode = #tpu.pipeline_mode<synchronous>, transform_indices = @transform_12, window_bounds = array<i64: 1, 64>}, {pipeline_mode = #tpu.pipeline_mode<synchronous>, transform_indices = @transform_13, window_bounds = array<i64: 64, 1>}, {pipeline_mode = #tpu.pipeline_mode<synchronous>, transform_indices = @transform_14, window_bounds = array<i64: 1, 1>}, {transform_indices = @transform_15, window_bounds = array<i64: 2048, 1>}]} {
    %get3A = arith.constant 0 : index
    %get3A_0 = arith.constant 0 : index
    %get3A_1 = vector.load %arg2[%get3A, %get3A_0] : memref<2048x16xf32, #tpu.memory_space<vmem>>, vector<2048x16xf32>
    %get3A_2 = arith.constant 0 : index
    %get3A_3 = arith.constant 0 : index
    %get3A_4 = vector.load %arg3[%get3A_2, %get3A_3] : memref<16x64xf32, #tpu.memory_space<vmem>>, vector<16x64xf32>
    %dot_general3A = arith.constant dense<0.000000e+00> : vector<2048x64xf32>
    %dot_general3A_5 = tpu.matmul %get3A_1, %get3A_4, %dot_general3A {dimension_numbers = #tpu.dot_dimension_numbers<[1], [0], [0], [1], [0, 0, 1, 1], [], []>, transpose_lhs_hint = false} : vector<2048x16xf32>, vector<16x64xf32>, vector<2048x64xf32> -> vector<2048x64xf32>
    %get3A_6 = arith.constant 0 : index
    %get3A_7 = arith.constant 0 : index
    %get3A_8 = vector.load %arg4[%get3A_6, %get3A_7] : memref<1x64xf32, #tpu.memory_space<vmem>>, vector<1x64xf32>
    %add3A = vector.broadcast %get3A_8 : vector<1x64xf32> to vector<2048x64xf32>
    %add3A_9 = arith.addf %dot_general3A_5, %add3A : vector<2048x64xf32>
    %max3A = arith.constant 0.000000e+00 : f32
    %max3A_10 = vector.broadcast %max3A : f32 to vector<2048x64xf32>
    %max3A_11 = arith.maximumf %add3A_9, %max3A_10 : vector<2048x64xf32>
    %get3A_12 = arith.constant 0 : index
    %get3A_13 = arith.constant 0 : index
    %get3A_14 = vector.load %arg5[%get3A_12, %get3A_13] : memref<64x32xf32, #tpu.memory_space<vmem>>, vector<64x32xf32>
    %dot_general3A_15 = arith.constant dense<0.000000e+00> : vector<2048x32xf32>
    %dot_general3A_16 = tpu.matmul %max3A_11, %get3A_14, %dot_general3A_15 {dimension_numbers = #tpu.dot_dimension_numbers<[1], [0], [0], [1], [0, 0, 1, 1], [], []>, transpose_lhs_hint = false} : vector<2048x64xf32>, vector<64x32xf32>, vector<2048x32xf32> -> vector<2048x32xf32>
    %get3A_17 = arith.constant 0 : index
    %get3A_18 = arith.constant 0 : index
    %get3A_19 = vector.load %arg6[%get3A_17, %get3A_18] : memref<1x32xf32, #tpu.memory_space<vmem>>, vector<1x32xf32>
    %add3A_20 = vector.broadcast %get3A_19 : vector<1x32xf32> to vector<2048x32xf32>
    %add3A_21 = arith.addf %dot_general3A_16, %add3A_20 : vector<2048x32xf32>
    %max3A_22 = arith.constant 0.000000e+00 : f32
    %max3A_23 = vector.broadcast %max3A_22 : f32 to vector<2048x32xf32>
    %max3A_24 = arith.maximumf %add3A_21, %max3A_23 : vector<2048x32xf32>
    %get3A_25 = arith.constant 0 : index
    %get3A_26 = arith.constant 0 : index
    %get3A_27 = vector.load %arg7[%get3A_25, %get3A_26] : memref<32x16xf32, #tpu.memory_space<vmem>>, vector<32x16xf32>
    %dot_general3A_28 = arith.constant dense<0.000000e+00> : vector<2048x16xf32>
    %dot_general3A_29 = tpu.matmul %max3A_24, %get3A_27, %dot_general3A_28 {dimension_numbers = #tpu.dot_dimension_numbers<[1], [0], [0], [1], [0, 0, 1, 1], [], []>, transpose_lhs_hint = false} : vector<2048x32xf32>, vector<32x16xf32>, vector<2048x16xf32> -> vector<2048x16xf32>
    %get3A_30 = arith.constant 0 : index
    %get3A_31 = arith.constant 0 : index
    %get3A_32 = vector.load %arg8[%get3A_30, %get3A_31] : memref<1x16xf32, #tpu.memory_space<vmem>>, vector<1x16xf32>
    %add3A_33 = vector.broadcast %get3A_32 : vector<1x16xf32> to vector<2048x16xf32>
    %add3A_34 = arith.addf %dot_general3A_29, %add3A_33 : vector<2048x16xf32>
    %max3A_35 = arith.constant 0.000000e+00 : f32
    %max3A_36 = vector.broadcast %max3A_35 : f32 to vector<2048x16xf32>
    %max3A_37 = arith.maximumf %add3A_34, %max3A_36 : vector<2048x16xf32>
    %get3A_38 = arith.constant 0 : index
    %get3A_39 = arith.constant 0 : index
    %get3A_40 = vector.load %arg1[%get3A_38, %get3A_39] : memref<2048x416xf32, #tpu.memory_space<vmem>>, vector<2048x416xf32>
    %get3A_41 = arith.constant 0 : index
    %get3A_42 = arith.constant 0 : index
    %get3A_43 = vector.load %arg9[%get3A_41, %get3A_42] : memref<416x128xf32, #tpu.memory_space<vmem>>, vector<416x128xf32>
    %dot_general3A_44 = arith.constant dense<0.000000e+00> : vector<2048x128xf32>
    %dot_general3A_45 = tpu.matmul %get3A_40, %get3A_43, %dot_general3A_44 {dimension_numbers = #tpu.dot_dimension_numbers<[1], [0], [0], [1], [0, 0, 1, 1], [], []>, transpose_lhs_hint = false} : vector<2048x416xf32>, vector<416x128xf32>, vector<2048x128xf32> -> vector<2048x128xf32>
    %get3A_46 = arith.constant 0 : index
    %get3A_47 = arith.constant 0 : index
    %get3A_48 = vector.load %arg10[%get3A_46, %get3A_47] : memref<16x128xf32, #tpu.memory_space<vmem>>, vector<16x128xf32>
    %dot_general3A_49 = arith.constant dense<0.000000e+00> : vector<2048x128xf32>
    %dot_general3A_50 = tpu.matmul %max3A_37, %get3A_48, %dot_general3A_49 {dimension_numbers = #tpu.dot_dimension_numbers<[1], [0], [0], [1], [0, 0, 1, 1], [], []>, transpose_lhs_hint = false} : vector<2048x16xf32>, vector<16x128xf32>, vector<2048x128xf32> -> vector<2048x128xf32>
    %add3A_51 = arith.addf %dot_general3A_45, %dot_general3A_50 : vector<2048x128xf32>
    %get3A_52 = arith.constant 0 : index
    %get3A_53 = arith.constant 0 : index
    %get3A_54 = vector.load %arg11[%get3A_52, %get3A_53] : memref<1x128xf32, #tpu.memory_space<vmem>>, vector<1x128xf32>
    %add3A_55 = vector.broadcast %get3A_54 : vector<1x128xf32> to vector<2048x128xf32>
    %add3A_56 = arith.addf %add3A_51, %add3A_55 : vector<2048x128xf32>
    %max3A_57 = arith.constant 0.000000e+00 : f32
    %max3A_58 = vector.broadcast %max3A_57 : f32 to vector<2048x128xf32>
    %max3A_59 = arith.maximumf %add3A_56, %max3A_58 : vector<2048x128xf32>
    %get3A_60 = arith.constant 0 : index
    %get3A_61 = arith.constant 0 : index
    %get3A_62 = vector.load %arg12[%get3A_60, %get3A_61] : memref<128x64xf32, #tpu.memory_space<vmem>>, vector<128x64xf32>
    %dot_general3A_63 = arith.constant dense<0.000000e+00> : vector<2048x64xf32>
    %dot_general3A_64 = tpu.matmul %max3A_59, %get3A_62, %dot_general3A_63 {dimension_numbers = #tpu.dot_dimension_numbers<[1], [0], [0], [1], [0, 0, 1, 1], [], []>, transpose_lhs_hint = false} : vector<2048x128xf32>, vector<128x64xf32>, vector<2048x64xf32> -> vector<2048x64xf32>
    %get3A_65 = arith.constant 0 : index
    %get3A_66 = arith.constant 0 : index
    %get3A_67 = vector.load %arg13[%get3A_65, %get3A_66] : memref<1x64xf32, #tpu.memory_space<vmem>>, vector<1x64xf32>
    %add3A_68 = vector.broadcast %get3A_67 : vector<1x64xf32> to vector<2048x64xf32>
    %add3A_69 = arith.addf %dot_general3A_64, %add3A_68 : vector<2048x64xf32>
    %max3A_70 = arith.constant 0.000000e+00 : f32
    %max3A_71 = vector.broadcast %max3A_70 : f32 to vector<2048x64xf32>
    %max3A_72 = arith.maximumf %add3A_69, %max3A_71 : vector<2048x64xf32>
    %get3A_73 = arith.constant 0 : index
    %get3A_74 = arith.constant 0 : index
    %get3A_75 = vector.load %arg14[%get3A_73, %get3A_74] : memref<64x1xf32, #tpu.memory_space<vmem>>, vector<64x1xf32>
    %dot_general3A_76 = arith.constant dense<0.000000e+00> : vector<2048x1xf32>
    %dot_general3A_77 = tpu.matmul %max3A_72, %get3A_75, %dot_general3A_76 {dimension_numbers = #tpu.dot_dimension_numbers<[1], [0], [0], [1], [0, 0, 1, 1], [], []>, transpose_lhs_hint = false} : vector<2048x64xf32>, vector<64x1xf32>, vector<2048x1xf32> -> vector<2048x1xf32>
    %get3A_78 = arith.constant 0 : index
    %get3A_79 = arith.constant 0 : index
    %get3A_80 = vector.load %arg15[%get3A_78, %get3A_79] : memref<1x1xf32, #tpu.memory_space<vmem>>, vector<1x1xf32>
    %add3A_81 = vector.broadcast %get3A_80 : vector<1x1xf32> to vector<2048x1xf32>
    %add3A_82 = arith.addf %dot_general3A_77, %add3A_81 : vector<2048x1xf32>
    %logistic3A = arith.negf %add3A_82 : vector<2048x1xf32>
    %logistic3A_83 = math.exp %logistic3A : vector<2048x1xf32>
    %logistic3A_84 = arith.constant 1.000000e+00 : f32
    %logistic3A_85 = vector.broadcast %logistic3A_84 : f32 to vector<2048x1xf32>
    %logistic3A_86 = arith.addf %logistic3A_85, %logistic3A_83 : vector<2048x1xf32>
    %logistic3A_87 = arith.divf %logistic3A_85, %logistic3A_86 : vector<2048x1xf32>
    %swap3A = arith.constant 0 : index
    %swap3A_88 = arith.constant 0 : index
    %swap3A_89 = vector.load %arg16[%swap3A, %swap3A_88] : memref<2048x1xf32, #tpu.memory_space<vmem>>, vector<2048x1xf32>
    tpu.vector_store %arg16[%swap3A, %swap3A_88], %logistic3A_87 {strides = array<i32>} : memref<2048x1xf32, #tpu.memory_space<vmem>>, vector<2048x1xf32>,
    return
  }
  func.func @transform_0(%arg0: i32) -> (i32, i32) {
    %c0_i32 = arith.constant 0 : i32
    %c0_i32_0 = arith.constant 0 : i32
    return %arg0, %c0_i32 : i32, i32
  }
  func.func @transform_1(%arg0: i32) -> (i32, i32) {
    %c0_i32 = arith.constant 0 : i32
    %c0_i32_0 = arith.constant 0 : i32
    return %arg0, %c0_i32 : i32, i32
  }
  func.func @transform_2(%arg0: i32) -> (i32, i32) {
    %c0_i32 = arith.constant 0 : i32
    %c0_i32_0 = arith.constant 0 : i32
    %c0_i32_1 = arith.constant 0 : i32
    return %c0_i32, %c0_i32_0 : i32, i32
  }
  func.func @transform_3(%arg0: i32) -> (i32, i32) {
    %c0_i32 = arith.constant 0 : i32
    %c0_i32_0 = arith.constant 0 : i32
    %c0_i32_1 = arith.constant 0 : i32
    return %c0_i32, %c0_i32_0 : i32, i32
  }
  func.func @transform_4(%arg0: i32) -> (i32, i32) {
    %c0_i32 = arith.constant 0 : i32
    %c0_i32_0 = arith.constant 0 : i32
    %c0_i32_1 = arith.constant 0 : i32
    return %c0_i32, %c0_i32_0 : i32, i32
  }
  func.func @transform_5(%arg0: i32) -> (i32, i32) {
    %c0_i32 = arith.constant 0 : i32
    %c0_i32_0 = arith.constant 0 : i32
    %c0_i32_1 = arith.constant 0 : i32
    return %c0_i32, %c0_i32_0 : i32, i32
  }
  func.func @transform_6(%arg0: i32) -> (i32, i32) {
    %c0_i32 = arith.constant 0 : i32
    %c0_i32_0 = arith.constant 0 : i32
    %c0_i32_1 = arith.constant 0 : i32
    return %c0_i32, %c0_i32_0 : i32, i32
  }
  func.func @transform_7(%arg0: i32) -> (i32, i32) {
    %c0_i32 = arith.constant 0 : i32
    %c0_i32_0 = arith.constant 0 : i32
    %c0_i32_1 = arith.constant 0 : i32
    return %c0_i32, %c0_i32_0 : i32, i32
  }
  func.func @transform_8(%arg0: i32) -> (i32, i32) {
    %c0_i32 = arith.constant 0 : i32
    %c0_i32_0 = arith.constant 0 : i32
    %c0_i32_1 = arith.constant 0 : i32
    return %c0_i32, %c0_i32_0 : i32, i32
  }
  func.func @transform_9(%arg0: i32) -> (i32, i32) {
    %c0_i32 = arith.constant 0 : i32
    %c0_i32_0 = arith.constant 0 : i32
    %c0_i32_1 = arith.constant 0 : i32
    return %c0_i32, %c0_i32_0 : i32, i32
  }
  func.func @transform_10(%arg0: i32) -> (i32, i32) {
    %c0_i32 = arith.constant 0 : i32
    %c0_i32_0 = arith.constant 0 : i32
    %c0_i32_1 = arith.constant 0 : i32
    return %c0_i32, %c0_i32_0 : i32, i32
  }
  func.func @transform_11(%arg0: i32) -> (i32, i32) {
    %c0_i32 = arith.constant 0 : i32
    %c0_i32_0 = arith.constant 0 : i32
    %c0_i32_1 = arith.constant 0 : i32
    return %c0_i32, %c0_i32_0 : i32, i32
  }
  func.func @transform_12(%arg0: i32) -> (i32, i32) {
    %c0_i32 = arith.constant 0 : i32
    %c0_i32_0 = arith.constant 0 : i32
    %c0_i32_1 = arith.constant 0 : i32
    return %c0_i32, %c0_i32_0 : i32, i32
  }
  func.func @transform_13(%arg0: i32) -> (i32, i32) {
    %c0_i32 = arith.constant 0 : i32
    %c0_i32_0 = arith.constant 0 : i32
    %c0_i32_1 = arith.constant 0 : i32
    return %c0_i32, %c0_i32_0 : i32, i32
  }
  func.func @transform_14(%arg0: i32) -> (i32, i32) {
    %c0_i32 = arith.constant 0 : i32
    %c0_i32_0 = arith.constant 0 : i32
    %c0_i32_1 = arith.constant 0 : i32
    return %c0_i32, %c0_i32_0 : i32, i32
  }
  func.func @transform_15(%arg0: i32) -> (i32, i32) {
    %c0_i32 = arith.constant 0 : i32
    %c0_i32_0 = arith.constant 0 : i32
    return %arg0, %c0_i32 : i32, i32
  }
}

</mosaic_0001>

<sc_bundles>
// kernel: kernel.11.cloned.1.call-start
scs
__scs_entry_jumppad:
0x0: {  	(pc) =	sbr.rel $0x88, $3  }
0x1: {  	(tag) =	ssettag $0x0;
	lr =	simm.s32 $0x1  }
0x2: {  	[smem:$0x3F92] =	sst lr;
	_ =	strace $0xD0000000  }
0x3: {  	_ = 	snop  }
0x4: {  	_ = 	snop  }
0x5: {  	_ = 	snop  }
0x6: {  	_ = 	snop  }
0x7: {  	_ = 	snop  }
__scs_overlays_trampoline_lowered:
0x8: {  	[smem:$0x3FA1] =	sst s0  }
0x9: {  	[smem:$0x3FA2] =	sst s1  }
0xa: {  	[smem:$0x3FA3] =	sst s2  }
0xb: {  	[smem:$0x3FA4] =	sst s3  }
0xc: {  	[smem:$0x3FA5] =	sst s4  }
0xd: {  	[smem:$0x3FA6] =	sst s5  }
0xe: {  	[smem:$0x3FA7] =	sst s6  }
0xf: {  	[smem:$0x3FA8] =	sst s7  }
0x10: {  	[smem:$0x3FA9] =	sst s8  }
0x11: {  	[smem:$0x3FAA] =	sst s9;
	s0 =	simm.s32 @!p0 $0x0  }
0x12: {  	s1 =	sld [smem:$0x3F90];
	s0 =	simm.s32 @p0 $0x1  }
0x13: {  	[smem:$0x3FAB] =	sst s0;
	s0 =	simm.s32 @!p1 $0x0  }
0x14: {  	s2 =	sld [smem:$0x3F8F];
	s0 =	simm.s32 @p1 $0x1  }
0x15: {  	[smem:$0x3FAC] =	sst s0;
	s0 =	simm.s32 @!p2 $0x0  }
0x16: {  	s3 =	sld [smem:$0x3FDB];
	s0 =	simm.s32 @p2 $0x1  }
0x17: {  	s4 =	simm.s32 $0x1BF5;
	[smem:$0x3FAE] =	sst s0  }
0x18: {  	s0 =	sld [smem:$0x3F91];
	_ =	swait.ge [sflag:s4], $0x0  }
0x19: {  	s7 =	sld [smem:$0x3F92]  }
0x1a: {  	s8 =	sadd.s32 $0xFFFFE003, lr  }
0x1b: {  	s9 =	sadd.s32 $0xFFFFFEF7, lr;
	s5 =	simm.s32 $0xFFFFFFFF;
	p2 =	slt.u32 s8, $0xFFFFF086  }
0x1c: {  	p1 =	slt.u32 s9, $0xF7A;
	s5 =	simm.s32 @!p2 $0x0  }
0x1d: {  	s5 =	simm.s32 @p1 $0x1;
	p0 =	seq.s32 s7, s2  }
0x1e: {  	s7 =	smul.u32 @!p0 $0xF7A, s2;
	p2 =	seq.s32 @!p0 s5, $0x0  }
0x1f: {  	s9 =	smul.u32 $0xF7A, s1;
	s8 =	simm.s32 @!p0 $0x1BF5;
	p2 =	por !p2, p0  }
0x20: {  	[sflag:s8] =	ssyncset.s32 @!p0 $0xFFFFF086;
	s6 =	sadd.s32 @!p0 s3, s7;
	s7 =	simm.s32 @!p0 $0x108  }
0x21: {  	s3 =	sadd.s32 s3, s9;
	s6 =	sadd.s32 @!p0 $0x88, s6;
	s7 =	simm.s32 @p2 $0x1082  }
0x22: {  	[simem:s7], [sflag:s8] =	dma.local @!p0 [hbm:s6], $0xF7A  }
0x23: {  	s9 =	sor.u32 $0xD0000000, s2;
	s6 =	simm.s32 $0x108;
	_ =	swait.ge @!p0 [sflag:s8], $0x0  }
0x24: {  	s3 =	sadd.s32 $0x88, s3;
	s6 =	simm.s32 @!p1 $0x1082;
	[sflag:s4] =	ssyncset.s32 $0xFFFFF086  }
0x25: {  	[simem:s6], [sflag:s4] =	dma.local [hbm:s3], $0xF7A  }
0x26: {  	[smem:$0x3F92] =	sst s1;
	(tag) =	ssettag s2;
	_ =	strace s9  }
0x27: {  	s1 =	sld [smem:$0x3FA2]  }
0x28: {  	s2 =	sld [smem:$0x3FA3]  }
0x29: {  	s4 =	sld [smem:$0x3FA5]  }
0x2a: {  	p0 =	seq.s32 s5, $0x0;
	s5 =	sld [smem:$0x3FA6]  }
0x2b: {  	s6 =	sld [smem:$0x3FA7]  }
0x2c: {  	s7 =	sld [smem:$0x3FA8]  }
0x2d: {  	s3 =	simm.s32 $0x108;
	s8 =	sld [smem:$0x3FA9]  }
0x2e: {  	s3 =	simm.s32 @!p0 $0x1082;
	s9 =	sld [smem:$0x3FAA]  }
0x2f: {  	lr =	sadd.s32 s0, s3;
	s0 =	sld [smem:$0x3FA1]  }
0x30: {  	s3 =	sld [smem:$0x3FA4]  }
0x31: {  	[smem:$0x3FAD] =	sst s10  }
0x32: {  	s10 =	sld [smem:$0x3FAB];
	_ =	sdelay $0x3  }
0x33: {  	p0 =	seq.s32 s10, $0x1;
	s10 =	sld [smem:$0x3FAD];
	_ =	sdelay $0x3  }
0x34: {  	[smem:$0x3FAD] =	sst s10  }
0x35: {  	s10 =	sld [smem:$0x3FAC];
	_ =	sdelay $0x3  }
0x36: {  	p1 =	seq.s32 s10, $0x1;
	s10 =	sld [smem:$0x3FAD];
	_ =	sdelay $0x3  }
0x37: {  	[smem:$0x3FAD] =	sst s10  }
0x38: {  	s10 =	sld [smem:$0x3FAE]  }
0x39: {  	_ = 	snop;
	(pc) =	sbr.ind lr, $3  }
0x3a: {  	_ = 	snop  }
0x3b: {  	_ = 	snop  }
0x3c: {  	p2 =	seq.s32 s10, $0x1;
	s10 =	sld [smem:$0x3FAD]  }
0x3d: {  	_ =	shalt  }
0x3e: {  	_ =	shalt  }
0x3f: {  	_ =	shalt  }
0x40: {  	_ =	shalt  }
0x41: {  	_ =	shalt  }
0x42: {  	_ =	shalt  }
0x43: {  	_ =	shalt  }
0x44: {  	_ =	shalt  }
0x45: {  	_ =	shalt  }
0x46: {  	_ =	shalt  }
0x47: {  	_ =	shalt  }
0x48: {  	_ =	shalt  }
0x49: {  	_ =	shalt  }
0x4a: {  	_ =	shalt  }
0x4b: {  	_ =	shalt  }
0x4c: {  	_ =	shalt  }
0x4d: {  	_ =	shalt  }
0x4e: {  	_ =	shalt  }
0x4f: {  	_ =	shalt  }
0x50: {  	_ =	shalt  }
0x51: {  	_ =	shalt  }
0x52: {  	_ =	shalt  }
0x53: {  	_ =	shalt  }
0x54: {  	_ =	shalt  }
0x55: {  	_ =	shalt  }
0x56: {  	_ =	shalt  }
0x57: {  	_ =	shalt  }
0x58: {  	_ =	shalt  }
0x59: {  	_ =	shalt  }
0x5a: {  	_ =	shalt  }
0x5b: {  	_ =	shalt  }
0x5c: {  	_ =	shalt  }
0x5d: {  	_ =	shalt  }
0x5e: {  	_ =	shalt  }
0x5f: {  	_ =	shalt  }
0x60: {  	_ =	shalt  }
0x61: {  	_ =	shalt  }
0x62: {  	_ =	shalt  }
0x63: {  	_ =	shalt  }
0x64: {  	_ =	shalt  }
0x65: {  	_ =	shalt  }
0x66: {  	_ =	shalt  }
0x67: {  	_ =	shalt  }
0x68: {  	_ =	shalt  }
0x69: {  	_ =	shalt  }
0x6a: {  	_ =	shalt  }
0x6b: {  	_ =	shalt  }
0x6c: {  	_ =	shalt  }
0x6d: {  	_ =	shalt  }
0x6e: {  	_ =	shalt  }
0x6f: {  	_ =	shalt  }
0x70: {  	_ =	shalt  }
0x71: {  	_ =	shalt  }
0x72: {  	_ =	shalt  }
0x73: {  	_ =	shalt  }
0x74: {  	_ =	shalt  }
0x75: {  	_ =	shalt  }
0x76: {  	_ =	shalt  }
0x77: {  	_ =	shalt  }
0x78: {  	_ =	shalt  }
0x79: {  	_ =	shalt  }
0x7a: {  	_ =	shalt  }
0x7b: {  	_ =	shalt  }
0x7c: {  	_ =	shalt  }
0x7d: {  	_ =	shalt  }
0x7e: {  	_ =	shalt  }
0x7f: {  	_ =	shalt  }
0x80: {  	_ =	shalt  }
0x81: {  	_ =	shalt  }
0x82: {  	_ =	shalt  }
0x83: {  	_ =	shalt  }
0x84: {  	_ =	shalt  }
0x85: {  	_ =	shalt  }
0x86: {  	_ =	shalt  }
0x87: {  	_ =	shalt  }
.Lfunc_end0:
.L_simem_size_0:
called_computation.1_lowered:
.L_overlay_start_0:
0x88: {  	s2 =	sld [smem:$0x3FD9]  }
0x89: {  	s3 =	sld [smem:$0x3FFE];
	_ =	sdelay $0x1  }
0x8a: {  	s1 =	srdreg.scid  }
0x8b: {  	s0 =	sand.u32 $0x1, s1  }
0x8c: {  	s16 =	sshll.u32 s0, $0xA;
	s2 =	sadd.s32 s3, s2  }
0x8d: {  	s2 =	sadd.s32 s2, s16  }
0x8e: {  	[smem:$0x3FB9] =	sst s2  }
0x8f: {  	_ = 	snop  }
0x90: {  	(tm) =	ssettm $0x1  }
0x91: {  	s17 =	sld [smem:$0x3FFB];
	_ =	sdelay $0x3  }
0x92: {  	_ =	strace s17  }
0x93: {  	s2 =	sld [smem:$0x3FFC];
	_ =	sdelay $0x3  }
0x94: {  	_ =	strace s2  }
0x95: {  	s2 =	sld [smem:$0x3FFD];
	_ =	sdelay $0x3  }
0x96: {  	_ =	strace s2  }
0x97: {  	_ =	strace $0x8FFFFFFF  }
0x98: {  	s18 =	sld [smem:$0x3FDB];
	_ =	sdelay $0x1  }
0x99: {  	s19 =	simm.s32 $_scs_section_size  }
0x9a: {  	s4 =	simm.s32 $_size__tile_overlayer_lowered;
	s5 =	simm.s32 $_tile_overlayer_lowered  }
0x9b: {  	s22 =	simm.s32 $0x1BFF;
	s21 =	sshll.u32 s5, $0x1;
	s2 =	sadd.s32 s19, s18  }
0x9c: {  	s6 =	simm.s32 $0x0;
	s20 =	sshll.u32 s4, $0x1;
	s4 =	sadd.s32 s21, s2  }
0x9d: {  	[timem:s6], [sflag:s22] =	dma.local [hbm:s4], s20  }
0x9e: {  	_ =	swait.ge [sflag:s22], s20  }
0x9f: {  	s3 =	ssub.s32 $0x0, s20;
	[sflag:s22] =	ssyncset.done $0x0  }
0xa0: {  	[sflag:s22] =	ssyncadd.s32 s3;
	_ =	sdelay $0x1  }
0xa1: {  	s23 =	simm.s32 $0x1B8B  }
0xa2: {  	_ =	swait.ge [sflag:s23], $0x1  }
0xa3: {  	[sflag:s23] =	ssyncset.done $0x0  }
0xa4: {  	s25 =	simm.s32 $0x1B8E;
	s24 =	sld [smem:$0x3FFE];
	[sflag:s23] =	ssyncadd.s32 $0xFFFFFFFF  }
0xa5: {  	s26 =	simm.s32 $execute0_lowered;
	[smem:$0x3FD2] =	sst s25  }
0xa6: {  	s4 =	sshll.u32 s26, $0x1;
	_ =	strace $0x80000046;
	[dreg:$0x1] =	wrdreg $0xFFFFFFFF  }
0xa7: {  	s28 =	simm.s32 $_size_execute0_lowered;
	s2 =	sadd.s32 s2, s4;
	[dreg:$0x0] =	wrdreg $0x0  }
0xa8: {  	s4 =	sshll.u32 s28, $0x1;
	[dreg:$0x2] =	wrdreg s2  }
0xa9: {  	[dreg:$0x3] =	wrdreg s4  }
0xaa: {  	[dreg:$0x4] =	wrdreg $0xC0  }
0xab: {  	_ =	task [dreg:s6], $0x5FFFF  }
0xac: {  	[dreg:$0x1] =	wrdreg $0xFFFFFFFF  }
0xad: {  	[dreg:$0x0] =	wrdreg $0x60  }
0xae: {  	[dreg:$0x2] =	wrdreg s24  }
0xaf: {  	[dreg:$0x3] =	wrdreg $0xA  }
0xb0: {  	_ =	task.clear_ibuf [dreg:s6], $0x4FFFF;
	_ =	strace $0x90000046  }
0xb1: {  	s29 =	simm.s32 $0xA;
	_ =	strace $0x80000048  }
0xb2: {  	_ =	swait.ge [sflag:s29], $0x1  }
0xb3: {  	[sflag:s29] =	ssyncadd.s32 $0xFFFFFFFF  }
0xb4: {  	_ =	strace $0x90000048  }
0xb5: {  	_ =	sfence  }
0xb6: {  	s30 =	sld [smem:$0x0];
	_ =	sdelay $0x2  }
0xb7: {  	s31 =	sshll.u32 s1, $0xD;
	s1 =	sshrl.u32 s1, $0x2  }
0xb8: {  	s3 =	sand.u32 $0x4000, s31;
	s1 =	sadd.s32 s1, s30  }
0xb9: {  	s0 =	sor.u32 s3, s0;
	s1 =	sshll.u32 s1, $0x11  }
0xba: {  	s0 =	sor.u32 s1, s0  }
0xbb: {  	s0 =	sadd.s32 $0x8F2B, s0  }
0xbc: {  	[sflag:s0] =	ssyncadd.remote.s32 $0x1  }
0xbd: {  	_ =	sfence.sel $0xFFFF  }
0xbe: {  	[dreg:$0x0] =	wrdreg $0xFFFFFFFF;
	(pc) =	sbr.abs _section_cstart, $3  }
0xbf: {  	[dreg:$0x1] =	wrdreg $0xFFFFFFFF  }
0xc0: {  	_ =	task.clear_ibuf [dreg:s6], $0x2FFFF;
	_ =	strace $0x9FFFFFFF  }
0xc1: {  	(tm) =	ssettm $0x7FFFFFFF  }
tec
execute0_lowered:
.L_overlay_start_1:
0x0: {  	(tag) =	ssettag $0x1  }
0x1: {  	s5 =	rddreg [dreg:$0x0]  }
0x2: {  	s0 =	rddreg [dreg:$0x1];
	s1 =	stileid.u32  }
0x3: {  	s3 =	srdreg.scid;
	s2 =	simm.s32 $0x0;
	s7 =	smul.u32 $0x6800, s1  }
0x4: {  	s6 =	sand.u32 $0x1, s3;
	s30 =	sshll.u32 s1, $0x1;
	s12 =	smul.u32 $0x3400, s1  }
0x5: {  	[smem:$0x7FF] =	sst s2;
	s4 =	sadd.s32 $0x2A00, s5;
	s10 =	smul.u32 $0x3400, s6  }
0x6: {  	s3 =	sor.u32 s6, s30;
	s9 =	ssub.s32 $0x2, s6;
	s31 =	smul.u32 $0x1A00, s6  }
0x7: {  	_ =	strace $0x80000047;
	s8 =	smul.u32 $0x340, s3;
	s11 =	sshrl.u32 s9, $0x1  }
0x8: {  	s3 =	sadd.s32 $0x61D200, s5;
	s7 =	sadd.s32 s7, s5;
	s9 =	ssub.s32 s9, s11  }
0x9: {  	s7 =	sadd.s32 s10, s7;
	s10 =	simm.s32 $0x6;
	s11 =	simm.s32 $0x5  }
0xa: {  	s5 =	sadd.s32 s3, s8;
	s6 =	smax.u32 s9, $0x1;
	s7 =	sadd.s32 $0x623A00, s7  }
0xb: {  	v0 =	vlaneseq.u32;
	s8 =	sadd.s32 s31, s12;
	s9 =	simm.s32 $0x80;
	s12 =	simm.s32 $0x0  }
.LBB2_1:
0xc: {  	[tilespmem:s2], [sflag:$0x1] =	stream.linear.gather [hbm4b:s5+s2], $0x200, $0x38;
	[tilespmem:$0x4400] =	vst v63  }
0xd: {  	s13 =	simm.s32 $0x0;
	s14 =	smov.u32 s7;
	s17 =	simm.s32 $0x0  }
.LBB2_2:
0xe: {  	s19 =	sadd.s32 s13, s8  }
0xf: {  	s15 =	sadd.s32 $0x34000, s19  }
0x10: {  	s24 =	sadd.s32 $0x34010, s19;
	v1 =	vor.u32 s15, v0  }
0x11: {  	s25 =	sadd.s32 $0x34020, s19;
	v4 =	vor.u32 s24, v0;
	v2 =	vmulhi.u32 $0x4EC4EC4F, v1  }
0x12: {  	p0 =	seq.s32 s13, $0x1800;
	s26 =	sadd.s32 $0x34030, s19;
	v15 =	vor.u32 s25, v0;
	v6 =	vmulhi.u32 $0x4EC4EC4F, v4  }
0x13: {  	s16 =	sadd.s32 @!p0 s13, s8;
	s22 =	simm.s32 @!p0 $0x0;
	s28 =	sadd.s32 $0x34040, s19;
	v18 =	vor.u32 s26, v0;
	v16 =	vmulhi.u32 $0x4EC4EC4F, v15  }
0x14: {  	s29 =	sadd.s32 $0x34050, s19;
	s30 =	sadd.s32 $0x34060, s19;
	s31 =	sadd.s32 $0x34070, s19;
	v25 =	vor.u32 s28, v0;
	v9 =	vmulhi.u32 $0x4EC4EC4F, v18  }
0x15: {  	s15 =	sadd.s32 $0x1, s17;
	s18 =	sadd.s32 @!p0 $0x200, s16;
	s16 =	sand.u32 $0x1, s17;
	v30 =	vor.u32 s29, v0;
	v27 =	vmulhi.u32 $0x4EC4EC4F, v25  }
0x16: {  	v13 =	vor.u32 s30, v0;
	v46 =	vor.u32 s31, v0;
	s20 =	sand.u32 @!p0 $0x1, s15;
	s18 =	sshrl.u32 @!p0 s18, $0x3;
	s23 =	sadd.s32 $0x1, s16;
	v11 =	vmulhi.u32 $0x4EC4EC4F, v30  }
0x17: {  	v48 =	vmulhi.u32 $0x4EC4EC4F, v46;
	s21 =	sshll.u32 @!p0 s20, $0x9;
	s20 =	sadd.s32 @!p0 $0x1, s20;
	s18 =	sadd.s32 @!p0 s3, s18;
	v2 =	vshrl.u32 v2, $0x3;
	v14 =	vshrl.u32 v6, $0x3  }
0x18: {  	[tilespmem:s21], [sflag:s20] =	stream.linear.gather @!p0 [hbm4b:s18+s22], $0x200, $0x38;
	v6 =	vshrl.u32 v16, $0x3;
	v9 =	vshrl.u32 v9, $0x3;
	v2 =	vmul.u32 $0x1A, v2;
	[tilespmem:$0x4400] =	vst v63  }
0x19: {  	v32 =	vshrl.u32 v11, $0x3;
	s21 =	sadd.s32 $0x34080, s19;
	v50 =	vshrl.u32 v48, $0x3;
	_ =	swait.ge [sflag:s23], $0x200;
	v6 =	vmul.u32 $0x1A, v6  }
0x1a: {  	v23 =	vmul.u32 $0x1A, v9;
	v51 =	vor.u32 s21, v0;
	[sflag:s23] =	ssyncset.done $0x0;
	v1 =	vsub.s32 v1, v2  }
0x1b: {  	s18 =	sshll.u32 s16, $0x9;
	v52 =	vmulhi.u32 $0x4EC4EC4F, v51;
	[sflag:s23] =	ssyncadd.s32 $0xFFFFFE00;
	v2 =	vadd.s32 $0xFFFFFFFA, v1;
	v3 =	vadd.s32 $0xFFFFFFF4, v1  }
0x1c: {  	v5 =	vadd.s32 $0xFFFFFFEE, v1;
	v22 =	vld [tilespmem:s18+$0x20];
	v2 =	vshra.s32 v2, $0x1F;
	v3 =	vshra.s32 v3, $0x1F  }
0x1d: {  	s22 =	sadd.s32 $0x34090, s19;
	v37 =	vld [tilespmem:s18+$0x30];
	v2 =	vadd.s32 v3, v2;
	v3 =	vshra.s32 v5, $0x1F;
	v5 =	vmul.u32 $0x1A, v14  }
0x1e: {  	v63 =	vor.u32 s22, v0;
	v42 =	vld [tilespmem:s18+$0x50];
	v55 =	vshrl.u32 v52, $0x3;
	v2 =	vadd.s32 v3, v2  }
0x1f: {  	v61 =	vld [tilespmem:s18+$0x70];
	v2 =	vadd.s32 $0x3, v2;
	v4 =	vsub.s32 v4, v5;
	v5 =	vsub.s32 v15, v6  }
0x20: {  	v6 =	vsub.s32 v18, v23;
	v15 =	vmulhi.u32 $0x4EC4EC4F, v13;
	v2 =	vmul.u32 $0xC34FA, v2  }
0x21: {  	v7 =	vadd.s32 $0xFFFFFFF4, v4;
	v8 =	vadd.s32 $0xFFFFFFEE, v4;
	v19 =	vadd.s32 $0xFFFFFFFA, v5  }
0x22: {  	v20 =	vadd.s32 $0xFFFFFFF4, v5;
	v10 =	vadd.s32 $0xFFFFFFEE, v5;
	v26 =	vadd.s32 $0xFFFFFFFA, v6  }
0x23: {  	v3 =	vld [tilespmem:s18+$0x0];
	v28 =	vshll.u32 v22, $0x3;
	v29 =	vadd.s32 $0xFFFFFFF4, v6;
	v31 =	vadd.s32 $0xFFFFFFEE, v6  }
0x24: {  	v41 =	vshll.u32 v37, $0x3;
	v11 =	vshll.u32 v42, $0x3;
	v22 =	vshll.u32 v61, $0x3  }
0x25: {  	v7 =	vshra.s32 v7, $0x1F;
	v17 =	vshra.s32 v8, $0x1F;
	v8 =	vshra.s32 v20, $0x1F  }
0x26: {  	v57 =	vld [tilespmem:s18+$0x60];
	v21 =	vshra.s32 v10, $0x1F;
	v1 =	vadd.s32 v1, v2;
	v2 =	vadd.s32 $0xFFFFFFFA, v4  }
0x27: {  	v9 =	vshra.s32 v29, $0x1F;
	v40 =	vshrl.u32 v15, $0x3;
	v2 =	vshra.s32 v2, $0x1F  }
0x28: {  	v3 =	vshll.u32 v3, $0x3;
	v2 =	vadd.s32 v7, v2;
	v7 =	vshra.s32 v19, $0x1F  }
0x29: {  	v1 =	vadd.s32 v3, v1;
	v3 =	vld [tilespmem:s18+$0x10];
	v2 =	vadd.s32 v17, v2;
	v7 =	vadd.s32 v8, v7  }
0x2a: {  	v8 =	vshrl.u32 v27, $0x3;
	v17 =	vmulhi.u32 $0x4EC4EC4F, v63;
	v2 =	vmul.u32 $0xC34FA, v2  }
0x2b: {  	v15 =	vshll.u32 v57, $0x3;
	v7 =	vadd.s32 v21, v7;
	v8 =	vmul.u32 $0x1A, v8  }
0x2c: {  	v24 =	vmul.u32 $0xC34FA, v7;
	v21 =	vshrl.u32 v17, $0x3;
	v2 =	vadd.s32 $0x249EEE, v2  }
0x2d: {  	v7 =	vsub.s32 v25, v8;
	v8 =	vmul.u32 $0x1A, v32;
	v2 =	vadd.s32 v4, v2  }
0x2e: {  	v3 =	vshll.u32 v3, $0x3;
	v4 =	vshra.s32 v26, $0x1F;
	v33 =	vadd.s32 $0xFFFFFFFA, v7  }
0x2f: {  	v34 =	vadd.s32 $0xFFFFFFF4, v7;
	v35 =	vadd.s32 $0xFFFFFFEE, v7;
	v2 =	vadd.s32 v3, v2  }
0x30: {  	s23 =	sadd.s32 $0x340A0, s19;
	v3 =	vadd.s32 $0x249EEE, v24;
	v4 =	vadd.s32 v9, v4;
	v9 =	vshra.s32 v34, $0x1F  }
0x31: {  	v8 =	vsub.s32 v30, v8;
	v36 =	vshra.s32 v35, $0x1F;
	v24 =	vor.u32 s23, v0  }
0x32: {  	v3 =	vadd.s32 v5, v3;
	v5 =	vshra.s32 v31, $0x1F;
	v10 =	vadd.s32 $0xFFFFFFFA, v8  }
0x33: {  	s24 =	sadd.s32 $0x340B0, s19;
	v38 =	vld [tilespmem:s18+$0x40];
	v12 =	vadd.s32 $0xFFFFFFF4, v8;
	v14 =	vadd.s32 $0xFFFFFFEE, v8;
	v26 =	vmulhi.u32 $0x4EC4EC4F, v24  }
0x34: {  	v31 =	vor.u32 s24, v0;
	v3 =	vadd.s32 v28, v3;
	v4 =	vadd.s32 v5, v4  }
0x35: {  	v35 =	vld [tilespmem:s18+$0xA0];
	v5 =	vshra.s32 v33, $0x1F;
	v10 =	vshra.s32 v10, $0x1F;
	v12 =	vshra.s32 v12, $0x1F  }
0x36: {  	v39 =	vshra.s32 v14, $0x1F;
	v33 =	vmulhi.u32 $0x4EC4EC4F, v31;
	v4 =	vmul.u32 $0xC34FA, v4  }
0x37: {  	s25 =	sadd.s32 $0x340C0, s19;
	v5 =	vadd.s32 v9, v5;
	v10 =	vadd.s32 v12, v10;
	v12 =	vmul.u32 $0x1A, v40  }
0x38: {  	v9 =	vshll.u32 v38, $0x3;
	v38 =	vor.u32 s25, v0;
	v5 =	vadd.s32 v36, v5  }
0x39: {  	v10 =	vadd.s32 v39, v10;
	v5 =	vmul.u32 $0xC34FA, v5;
	v4 =	vadd.s32 $0x249EEE, v4  }
0x3a: {  	v10 =	vmul.u32 $0xC34FA, v10;
	v44 =	vsub.s32 v13, v12;
	v42 =	vshll.u32 v35, $0x3  }
0x3b: {  	v4 =	vadd.s32 v6, v4;
	v45 =	vadd.s32 $0xFFFFFFFA, v44;
	v12 =	vadd.s32 $0xFFFFFFF4, v44  }
0x3c: {  	v47 =	vadd.s32 $0xFFFFFFEE, v44;
	v5 =	vadd.s32 $0x249EEE, v5;
	v43 =	vadd.s32 $0x249EEE, v10  }
0x3d: {  	v12 =	vshra.s32 v12, $0x1F;
	v49 =	vshra.s32 v47, $0x1F;
	v6 =	vadd.s32 v41, v4  }
0x3e: {  	v5 =	vadd.s32 v7, v5;
	v7 =	vadd.s32 v8, v43;
	v8 =	vshra.s32 v45, $0x1F  }
0x3f: {  	v41 =	vmulhi.u32 $0x4EC4EC4F, v38;
	v8 =	vadd.s32 v12, v8;
	v12 =	vmul.u32 $0x1A, v50  }
0x40: {  	v5 =	vadd.s32 v9, v5;
	v9 =	vmul.u32 $0x1A, v55;
	v8 =	vadd.s32 v49, v8  }
0x41: {  	v4 =	vadd.s32 v11, v7;
	v8 =	vmul.u32 $0xC34FA, v8;
	v54 =	vsub.s32 v46, v12  }
0x42: {  	v9 =	vsub.s32 v51, v9;
	v56 =	vadd.s32 $0xFFFFFFFA, v54;
	v12 =	vadd.s32 $0xFFFFFFF4, v54  }
0x43: {  	v13 =	vadd.s32 $0xFFFFFFEE, v54;
	v60 =	vadd.s32 $0xFFFFFFFA, v9;
	v62 =	vadd.s32 $0xFFFFFFF4, v9  }
0x44: {  	v16 =	vadd.s32 $0xFFFFFFEE, v9;
	v53 =	vadd.s32 $0x249EEE, v8;
	v11 =	vshra.s32 v56, $0x1F  }
0x45: {  	s28 =	sadd.s32 $0x340E0, s19;
	v12 =	vshra.s32 v12, $0x1F;
	v58 =	vshra.s32 v13, $0x1F;
	v13 =	vshra.s32 v62, $0x1F  }
0x46: {  	s26 =	sadd.s32 $0x340D0, s19;
	v20 =	vld [tilespmem:s18+$0x80];
	v19 =	vshra.s32 v16, $0x1F;
	v16 =	vmul.u32 $0x1A, v21;
	v21 =	vor.u32 s28, v0  }
0x47: {  	v51 =	vld [tilespmem:s18+$0xB0];
	v11 =	vadd.s32 v12, v11;
	v7 =	vadd.s32 v44, v53;
	v44 =	vor.u32 s26, v0  }
0x48: {  	s29 =	sadd.s32 $0x340F0, s19;
	v59 =	vadd.s32 v58, v11;
	v11 =	vshra.s32 v60, $0x1F;
	v7 =	vadd.s32 v15, v7  }
0x49: {  	v23 =	vsub.s32 v63, v16;
	v15 =	vshrl.u32 v26, $0x3;
	v60 =	vor.u32 s29, v0  }
0x4a: {  	v10 =	vmul.u32 $0xC34FA, v59;
	v11 =	vadd.s32 v13, v11;
	v25 =	vadd.s32 $0xFFFFFFFA, v23  }
0x4b: {  	v13 =	vshll.u32 v20, $0x3;
	v16 =	vadd.s32 $0xFFFFFFF4, v23;
	v27 =	vadd.s32 $0xFFFFFFEE, v23  }
0x4c: {  	v56 =	vld [tilespmem:s18+$0xD0];
	v15 =	vmul.u32 $0x1A, v15;
	v55 =	vshll.u32 v51, $0x3;
	v62 =	vmulhi.u32 $0x4EC4EC4F, v60  }
0x4d: {  	v11 =	vadd.s32 v19, v11;
	v16 =	vshra.s32 v16, $0x1F;
	v17 =	vshra.s32 v27, $0x1F  }
0x4e: {  	v19 =	vmulhi.u32 $0x4EC4EC4F, v44;
	v10 =	vadd.s32 $0x249EEE, v10;
	v11 =	vmul.u32 $0xC34FA, v11  }
0x4f: {  	v29 =	vld [tilespmem:s18+$0x90];
	v30 =	vsub.s32 v24, v15;
	v24 =	vshrl.u32 v62, $0x3;
	v8 =	vadd.s32 v54, v10  }
0x50: {  	v15 =	vadd.s32 $0xFFFFFFFA, v30;
	v32 =	vadd.s32 $0xFFFFFFF4, v30;
	v18 =	vadd.s32 $0xFFFFFFEE, v30  }
0x51: {  	v46 =	vshrl.u32 v19, $0x3;
	v19 =	vshll.u32 v56, $0x3;
	v11 =	vadd.s32 $0x249EEE, v11  }
0x52: {  	s30 =	sadd.s32 $0x34100, s19;
	v15 =	vshra.s32 v15, $0x1F;
	v11 =	vadd.s32 v9, v11;
	v9 =	vshra.s32 v25, $0x1F  }
0x53: {  	v35 =	vld [tilespmem:s18+$0xF0];
	v34 =	vshra.s32 v18, $0x1F;
	v25 =	vor.u32 s30, v0;
	v16 =	vadd.s32 v16, v9  }
0x54: {  	v9 =	vadd.s32 v22, v8;
	v8 =	vadd.s32 v13, v11;
	v11 =	vshll.u32 v29, $0x3  }
0x55: {  	v26 =	vmulhi.u32 $0x4EC4EC4F, v25;
	v28 =	vadd.s32 v17, v16;
	v16 =	vshra.s32 v32, $0x1F  }
0x56: {  	v17 =	vshrl.u32 v33, $0x3;
	v10 =	vmul.u32 $0xC34FA, v28;
	v15 =	vadd.s32 v16, v15  }
0x57: {  	v36 =	vmul.u32 $0x1A, v17;
	v16 =	vshrl.u32 v41, $0x3;
	v29 =	vshrl.u32 v26, $0x3  }
0x58: {  	v41 =	vshll.u32 v35, $0x3;
	v15 =	vadd.s32 v34, v15;
	v16 =	vmul.u32 $0x1A, v16  }
0x59: {  	v10 =	vadd.s32 $0x249EEE, v10;
	v37 =	vmul.u32 $0xC34FA, v15;
	v14 =	vsub.s32 v31, v36  }
0x5a: {  	v10 =	vadd.s32 v23, v10;
	v40 =	vadd.s32 $0xFFFFFFFA, v14;
	v43 =	vadd.s32 $0xFFFFFFF4, v14  }
0x5b: {  	v45 =	vadd.s32 $0xFFFFFFEE, v14;
	v15 =	vsub.s32 v38, v16;
	v16 =	vmul.u32 $0x1A, v46  }
0x5c: {  	v23 =	vmulhi.u32 $0x4EC4EC4F, v21;
	v10 =	vadd.s32 v11, v10;
	v39 =	vadd.s32 $0x249EEE, v37  }
0x5d: {  	v12 =	vshra.s32 v40, $0x1F;
	v17 =	vshra.s32 v43, $0x1F;
	v13 =	vshra.s32 v45, $0x1F  }
0x5e: {  	s31 =	sadd.s32 $0x34110, s19;
	s21 =	sadd.s32 $0x34120, s19;
	v47 =	vadd.s32 $0xFFFFFFFA, v15;
	v48 =	vadd.s32 $0xFFFFFFF4, v15;
	v49 =	vadd.s32 $0xFFFFFFEE, v15  }
0x5f: {  	v37 =	vor.u32 s31, v0;
	v43 =	vor.u32 s21, v0;
	v11 =	vadd.s32 v30, v39  }
0x60: {  	v52 =	vld [tilespmem:s18+$0xC0];
	v12 =	vadd.s32 v17, v12;
	v17 =	vshra.s32 v48, $0x1F;
	v16 =	vsub.s32 v44, v16  }
0x61: {  	v31 =	vld [tilespmem:s18+$0xE0];
	v50 =	vshra.s32 v49, $0x1F;
	v54 =	vshrl.u32 v23, $0x3;
	v45 =	vmulhi.u32 $0x4EC4EC4F, v43  }
0x62: {  	v11 =	vadd.s32 v42, v11;
	v12 =	vadd.s32 v13, v12;
	v13 =	vshra.s32 v47, $0x1F  }
0x63: {  	v18 =	vadd.s32 $0xFFFFFFFA, v16;
	v20 =	vadd.s32 $0xFFFFFFF4, v16;
	v22 =	vadd.s32 $0xFFFFFFEE, v16  }
0x64: {  	v12 =	vmul.u32 $0xC34FA, v12;
	v13 =	vadd.s32 v17, v13;
	v18 =	vshra.s32 v18, $0x1F  }
0x65: {  	v20 =	vshra.s32 v20, $0x1F;
	v53 =	vshra.s32 v22, $0x1F;
	v17 =	vshll.u32 v52, $0x3  }
0x66: {  	s22 =	sadd.s32 $0x34130, s19;
	v23 =	vshll.u32 v31, $0x3;
	v13 =	vadd.s32 v50, v13;
	v18 =	vadd.s32 v20, v18  }
0x67: {  	v20 =	vmul.u32 $0x1A, v54;
	v50 =	vor.u32 s22, v0;
	v13 =	vmul.u32 $0xC34FA, v13  }
0x68: {  	v18 =	vadd.s32 v53, v18;
	v12 =	vadd.s32 $0x249EEE, v12;
	v52 =	vmulhi.u32 $0x4EC4EC4F, v50  }
0x69: {  	v54 =	vld [tilespmem:s18+$0x120];
	v18 =	vmul.u32 $0xC34FA, v18;
	v12 =	vadd.s32 v14, v12;
	v58 =	vsub.s32 v21, v20  }
0x6a: {  	v13 =	vadd.s32 $0x249EEE, v13;
	v59 =	vadd.s32 $0xFFFFFFFA, v58;
	v20 =	vadd.s32 $0xFFFFFFF4, v58  }
0x6b: {  	v61 =	vadd.s32 $0xFFFFFFEE, v58;
	v14 =	vadd.s32 v55, v12;
	v13 =	vadd.s32 v15, v13  }
0x6c: {  	v57 =	vadd.s32 $0x249EEE, v18;
	v20 =	vshra.s32 v20, $0x1F;
	v63 =	vshra.s32 v61, $0x1F  }
0x6d: {  	s23 =	sadd.s32 $0x34140, s19;
	v15 =	vadd.s32 v16, v57;
	v16 =	vshra.s32 v59, $0x1F;
	v13 =	vadd.s32 v17, v13  }
0x6e: {  	s25 =	sadd.s32 $0x34160, s19;
	v17 =	vmul.u32 $0x1A, v29;
	v57 =	vor.u32 s23, v0;
	v61 =	vshll.u32 v54, $0x3  }
0x6f: {  	v29 =	vor.u32 s25, v0;
	v16 =	vadd.s32 v20, v16;
	v20 =	vmul.u32 $0x1A, v24  }
0x70: {  	s24 =	sadd.s32 $0x34150, s19;
	v12 =	vadd.s32 v19, v15;
	v16 =	vadd.s32 v63, v16;
	v17 =	vsub.s32 v25, v17  }
0x71: {  	v25 =	vmulhi.u32 $0x4EC4EC4F, v37;
	v63 =	vor.u32 s24, v0;
	v16 =	vmul.u32 $0xC34FA, v16  }
0x72: {  	v28 =	vsub.s32 v60, v20;
	v34 =	vadd.s32 $0xFFFFFFFA, v17;
	v36 =	vadd.s32 $0xFFFFFFF4, v17  }
0x73: {  	v24 =	vadd.s32 $0xFFFFFFEE, v17;
	v60 =	vmulhi.u32 $0x4EC4EC4F, v57;
	v30 =	vadd.s32 $0xFFFFFFFA, v28  }
0x74: {  	v20 =	vadd.s32 $0xFFFFFFF4, v28;
	v21 =	vadd.s32 $0xFFFFFFEE, v28;
	v38 =	vshra.s32 v24, $0x1F  }
0x75: {  	v40 =	vshrl.u32 v25, $0x3;
	v27 =	vadd.s32 $0x249EEE, v16;
	v19 =	vshra.s32 v30, $0x1F  }
0x76: {  	v39 =	vld [tilespmem:s18+$0x100];
	v20 =	vshra.s32 v20, $0x1F;
	v32 =	vshra.s32 v21, $0x1F;
	v21 =	vshra.s32 v36, $0x1F  }
0x77: {  	v24 =	vmul.u32 $0x1A, v40;
	v19 =	vadd.s32 v20, v19;
	v15 =	vadd.s32 v58, v27  }
0x78: {  	v27 =	vmulhi.u32 $0x4EC4EC4F, v63;
	v33 =	vadd.s32 v32, v19;
	v19 =	vshra.s32 v34, $0x1F  }
0x79: {  	s26 =	sadd.s32 $0x34170, s19;
	v15 =	vadd.s32 v23, v15;
	v42 =	vsub.s32 v37, v24;
	v23 =	vshrl.u32 v45, $0x3  }
0x7a: {  	v36 =	vld [tilespmem:s18+$0x130];
	v45 =	vor.u32 s26, v0;
	v18 =	vmul.u32 $0xC34FA, v33;
	v19 =	vadd.s32 v21, v19  }
0x7b: {  	v44 =	vadd.s32 $0xFFFFFFFA, v42;
	v21 =	vshll.u32 v39, $0x3;
	v24 =	vadd.s32 $0xFFFFFFF4, v42  }
0x7c: {  	v46 =	vadd.s32 $0xFFFFFFEE, v42;
	v23 =	vmul.u32 $0x1A, v23;
	v31 =	vshrl.u32 v27, $0x3  }
0x7d: {  	v19 =	vadd.s32 v38, v19;
	v24 =	vshra.s32 v24, $0x1F;
	v25 =	vshra.s32 v46, $0x1F  }
0x7e: {  	v48 =	vld [tilespmem:s18+$0x110];
	v18 =	vadd.s32 $0x249EEE, v18;
	v19 =	vmul.u32 $0xC34FA, v19;
	v49 =	vsub.s32 v43, v23  }
0x7f: {  	v40 =	vshll.u32 v36, $0x3;
	v16 =	vadd.s32 v28, v18;
	v23 =	vadd.s32 $0xFFFFFFFA, v49  }
0x80: {  	v51 =	vadd.s32 $0xFFFFFFF4, v49;
	v26 =	vadd.s32 $0xFFFFFFEE, v49;
	v19 =	vadd.s32 $0x249EEE, v19  }
0x81: {  	v23 =	vshra.s32 v23, $0x1F;
	v19 =	vadd.s32 v17, v19;
	v17 =	vshra.s32 v44, $0x1F  }
0x82: {  	v53 =	vshra.s32 v26, $0x1F;
	v24 =	vadd.s32 v24, v17;
	v17 =	vadd.s32 v41, v16  }
0x83: {  	s28 =	sadd.s32 $0x34180, s19;
	v16 =	vadd.s32 v21, v19;
	v19 =	vshll.u32 v48, $0x3;
	v47 =	vadd.s32 v25, v24  }
0x84: {  	v24 =	vshra.s32 v51, $0x1F;
	v25 =	vshrl.u32 v52, $0x3;
	v51 =	vor.u32 s28, v0  }
0x85: {  	v18 =	vmul.u32 $0xC34FA, v47;
	v23 =	vadd.s32 v24, v23;
	v55 =	vmul.u32 $0x1A, v25  }
0x86: {  	v41 =	vld [tilespmem:s18+$0x150];
	v24 =	vshrl.u32 v60, $0x3;
	v47 =	vmulhi.u32 $0x4EC4EC4F, v45;
	v23 =	vadd.s32 v53, v23  }
0x87: {  	v24 =	vmul.u32 $0x1A, v24;
	v18 =	vadd.s32 $0x249EEE, v18;
	v56 =	vmul.u32 $0xC34FA, v23  }
0x88: {  	v22 =	vsub.s32 v50, v55;
	v50 =	vshrl.u32 v47, $0x3;
	v18 =	vadd.s32 v42, v18  }
0x89: {  	v59 =	vadd.s32 $0xFFFFFFFA, v22;
	v62 =	vadd.s32 $0xFFFFFFF4, v22;
	v30 =	vadd.s32 $0xFFFFFFEE, v22  }
0x8a: {  	v23 =	vsub.s32 v57, v24;
	v24 =	vmul.u32 $0x1A, v31;
	v31 =	vmulhi.u32 $0x4EC4EC4F, v29  }
0x8b: {  	v27 =	vshll.u32 v41, $0x3;
	v18 =	vadd.s32 v19, v18;
	v58 =	vadd.s32 $0x249EEE, v56  }
0x8c: {  	v20 =	vshra.s32 v59, $0x1F;
	v25 =	vshra.s32 v62, $0x1F;
	v21 =	vshra.s32 v30, $0x1F  }
0x8d: {  	v32 =	vadd.s32 $0xFFFFFFFA, v23;
	v33 =	vadd.s32 $0xFFFFFFF4, v23;
	v34 =	vadd.s32 $0xFFFFFFEE, v23  }
0x8e: {  	v19 =	vadd.s32 v49, v58;
	v20 =	vadd.s32 v25, v20;
	v25 =	vshra.s32 v33, $0x1F  }
0x8f: {  	s29 =	sadd.s32 $0x34190, s19;
	v37 =	vld [tilespmem:s18+$0x140];
	v24 =	vsub.s32 v63, v24;
	v35 =	vshra.s32 v34, $0x1F;
	v39 =	vshrl.u32 v31, $0x3  }
0x90: {  	v63 =	vor.u32 s29, v0;
	v19 =	vadd.s32 v61, v19;
	v20 =	vadd.s32 v21, v20  }
0x91: {  	v21 =	vshra.s32 v32, $0x1F;
	v26 =	vadd.s32 $0xFFFFFFFA, v24;
	v32 =	vmulhi.u32 $0x4EC4EC4F, v51  }
0x92: {  	v28 =	vadd.s32 $0xFFFFFFF4, v24;
	v30 =	vadd.s32 $0xFFFFFFEE, v24;
	v34 =	vmulhi.u32 $0x4EC4EC4F, v63  }
0x93: {  	v20 =	vmul.u32 $0xC34FA, v20;
	v21 =	vadd.s32 v25, v21;
	v26 =	vshra.s32 v26, $0x1F  }
0x94: {  	s30 =	sadd.s32 $0x341A0, s19;
	v62 =	vld [tilespmem:s18+$0x170];
	v28 =	vshra.s32 v28, $0x1F;
	v38 =	vshra.s32 v30, $0x1F;
	v25 =	vshll.u32 v37, $0x3  }
0x95: {  	v49 =	vld [tilespmem:s18+$0x160];
	v30 =	vmul.u32 $0x1A, v50;
	v37 =	vor.u32 s30, v0;
	v21 =	vadd.s32 v35, v21  }
0x96: {  	v26 =	vadd.s32 v28, v26;
	v28 =	vmul.u32 $0x1A, v39;
	v54 =	vshrl.u32 v32, $0x3  }
0x97: {  	v36 =	vshrl.u32 v34, $0x3;
	v21 =	vmul.u32 $0xC34FA, v21;
	v26 =	vadd.s32 v38, v26  }
0x98: {  	v20 =	vadd.s32 $0x249EEE, v20;
	v53 =	vsub.s32 v45, v30;
	v38 =	vmulhi.u32 $0x4EC4EC4F, v37  }
0x99: {  	v39 =	vshll.u32 v62, $0x3;
	v26 =	vmul.u32 $0xC34FA, v26;
	v20 =	vadd.s32 v22, v20  }
0x9a: {  	v43 =	vsub.s32 v29, v28;
	v55 =	vadd.s32 $0xFFFFFFFA, v53;
	v56 =	vshll.u32 v49, $0x3  }
0x9b: {  	v57 =	vadd.s32 $0xFFFFFFF4, v53;
	v29 =	vadd.s32 $0xFFFFFFEE, v53;
	v21 =	vadd.s32 $0x249EEE, v21  }
0x9c: {  	v44 =	vadd.s32 $0xFFFFFFFA, v43;
	v28 =	vadd.s32 $0xFFFFFFF4, v43;
	v46 =	vadd.s32 $0xFFFFFFEE, v43  }
0x9d: {  	v22 =	vadd.s32 v40, v20;
	v58 =	vshra.s32 v29, $0x1F;
	v21 =	vadd.s32 v23, v21  }
0x9e: {  	v49 =	vld [tilespmem:s18+$0x190];
	v42 =	vadd.s32 $0x249EEE, v26;
	v28 =	vshra.s32 v28, $0x1F;
	v48 =	vshra.s32 v46, $0x1F  }
0x9f: {  	v26 =	vshra.s32 v55, $0x1F;
	v23 =	vadd.s32 v24, v42;
	v24 =	vshra.s32 v44, $0x1F  }
0xa0: {  	v21 =	vadd.s32 v25, v21;
	v25 =	vmul.u32 $0x1A, v54;
	v42 =	vshrl.u32 v38, $0x3  }
0xa1: {  	v24 =	vadd.s32 v28, v24;
	v20 =	vadd.s32 v27, v23;
	v28 =	vshra.s32 v57, $0x1F  }
0xa2: {  	v40 =	vld [tilespmem:s18+$0x180];
	v24 =	vadd.s32 v48, v24;
	v25 =	vsub.s32 v51, v25;
	v26 =	vadd.s32 v28, v26  }
0xa3: {  	[tilespmem:s18+$0x0] =	vst v1;
	v1 =	vshll.u32 v49, $0x3;
	v24 =	vmul.u32 $0xC34FA, v24;
	v59 =	vadd.s32 $0xFFFFFFFA, v25  }
0xa4: {  	v26 =	vadd.s32 v58, v26;
	v61 =	vadd.s32 $0xFFFFFFF4, v25;
	v31 =	vadd.s32 $0xFFFFFFEE, v25  }
0xa5: {  	v60 =	vshra.s32 v59, $0x1F;
	v29 =	vshra.s32 v61, $0x1F;
	v33 =	vshra.s32 v31, $0x1F  }
0xa6: {  	v55 =	vld [tilespmem:s18+$0x1A0];
	v26 =	vmul.u32 $0xC34FA, v26;
	v52 =	vadd.s32 $0x249EEE, v24;
	v28 =	vadd.s32 v29, v60  }
0xa7: {  	v45 =	vshll.u32 v40, $0x3;
	v40 =	vld [tilespmem:s18+$0x1B0];
	v23 =	vadd.s32 v43, v52;
	v35 =	vadd.s32 v33, v28  }
0xa8: {  	s31 =	sadd.s32 $0x341B0, s19;
	v26 =	vadd.s32 $0x249EEE, v26;
	v28 =	vmul.u32 $0x1A, v36;
	v23 =	vadd.s32 v56, v23  }
0xa9: {  	s21 =	sadd.s32 $0x341C0, s19;
	v27 =	vmul.u32 $0xC34FA, v35;
	v24 =	vadd.s32 v53, v26;
	v35 =	vor.u32 s31, v0  }
0xaa: {  	v56 =	vor.u32 s21, v0;
	v41 =	vsub.s32 v63, v28;
	v51 =	vmulhi.u32 $0x4EC4EC4F, v35  }
0xab: {  	v28 =	vmul.u32 $0x1A, v42;
	v24 =	vadd.s32 v39, v24;
	v57 =	vmulhi.u32 $0x4EC4EC4F, v56  }
0xac: {  	[tilespmem:s18+$0x80] =	vst v8;
	v63 =	vshll.u32 v55, $0x3;
	v8 =	vshll.u32 v40, $0x3;
	v27 =	vadd.s32 $0x249EEE, v27  }
0xad: {  	v43 =	vadd.s32 $0xFFFFFFFA, v41;
	v32 =	vadd.s32 $0xFFFFFFF4, v41;
	v33 =	vadd.s32 $0xFFFFFFEE, v41  }
0xae: {  	v25 =	vadd.s32 v25, v27;
	v31 =	vshra.s32 v43, $0x1F;
	v32 =	vshra.s32 v32, $0x1F  }
0xaf: {  	s23 =	sadd.s32 $0x341E0, s19;
	v44 =	vshra.s32 v33, $0x1F;
	v28 =	vsub.s32 v37, v28;
	v54 =	vshrl.u32 v51, $0x3  }
0xb0: {  	v60 =	vshrl.u32 v57, $0x3;
	v43 =	vor.u32 s23, v0;
	v31 =	vadd.s32 v32, v31  }
0xb1: {  	v47 =	vadd.s32 $0xFFFFFFFA, v28;
	v48 =	vadd.s32 $0xFFFFFFF4, v28;
	v34 =	vadd.s32 $0xFFFFFFEE, v28  }
0xb2: {  	v25 =	vadd.s32 v45, v25;
	v62 =	vmul.u32 $0x1A, v60;
	v46 =	vadd.s32 v44, v31  }
0xb3: {  	s22 =	sadd.s32 $0x341D0, s19;
	v31 =	vshra.s32 v47, $0x1F;
	v32 =	vshra.s32 v48, $0x1F;
	v50 =	vshra.s32 v34, $0x1F  }
0xb4: {  	v34 =	vor.u32 s22, v0;
	v44 =	vmulhi.u32 $0x4EC4EC4F, v43;
	v30 =	vmul.u32 $0xC34FA, v46  }
0xb5: {  	s19 =	sadd.s32 $0x341F0, s19;
	v31 =	vadd.s32 v32, v31;
	v33 =	vsub.s32 v56, v62;
	v36 =	vmulhi.u32 $0x4EC4EC4F, v34  }
0xb6: {  	[tilespmem:s18+$0x10] =	vst v2;
	v46 =	vor.u32 s19, v0;
	v52 =	vadd.s32 v50, v31;
	v37 =	vadd.s32 $0xFFFFFFF4, v33  }
0xb7: {  	[tilespmem:s18+$0xA0] =	vst v11;
	v39 =	vadd.s32 $0xFFFFFFEE, v33;
	v11 =	vshrl.u32 v44, $0x3;
	v47 =	vmulhi.u32 $0x4EC4EC4F, v46  }
0xb8: {  	[tilespmem:s18+$0x60] =	vst v7;
	v53 =	vadd.s32 $0x249EEE, v30;
	v26 =	vmul.u32 $0xC34FA, v52;
	v30 =	vmul.u32 $0x1A, v54  }
0xb9: {  	[tilespmem:s18+$0x70] =	vst v9;
	v38 =	vshra.s32 v37, $0x1F;
	v7 =	vshrl.u32 v36, $0x3;
	v9 =	vshra.s32 v39, $0x1F  }
0xba: {  	[tilespmem:s18+$0x20] =	vst v3;
	v11 =	vmul.u32 $0x1A, v11;
	v27 =	vadd.s32 v41, v53;
	v7 =	vmul.u32 $0x1A, v7  }
0xbb: {  	[tilespmem:s18+$0x30] =	vst v6;
	v50 =	vshrl.u32 v47, $0x3;
	v26 =	vadd.s32 $0x249EEE, v26;
	v1 =	vadd.s32 v1, v27  }
0xbc: {  	[tilespmem:s18+$0x40] =	vst v5;
	v58 =	vsub.s32 v35, v30;
	v35 =	vadd.s32 $0xFFFFFFFA, v33;
	v49 =	vsub.s32 v43, v11  }
0xbd: {  	[tilespmem:s18+$0x50] =	vst v4;
	v2 =	vadd.s32 v28, v26;
	v3 =	vadd.s32 $0xFFFFFFFA, v58;
	v59 =	vadd.s32 $0xFFFFFFF4, v58  }
0xbe: {  	[tilespmem:s18+$0x90] =	vst v10;
	v30 =	vadd.s32 $0xFFFFFFEE, v58;
	v4 =	vshra.s32 v35, $0x1F;
	v41 =	vsub.s32 v34, v7  }
0xbf: {  	[tilespmem:s18+$0xB0] =	vst v14;
	v51 =	vadd.s32 $0xFFFFFFFA, v49;
	v10 =	vadd.s32 $0xFFFFFFF4, v49;
	v53 =	vadd.s32 $0xFFFFFFEE, v49  }
0xc0: {  	[tilespmem:s18+$0xC0] =	vst v13;
	v52 =	vld [tilespmem:s18+$0x1C0];
	v3 =	vshra.s32 v3, $0x1F;
	v61 =	vshra.s32 v59, $0x1F;
	v32 =	vshra.s32 v30, $0x1F  }
0xc1: {  	[tilespmem:s18+$0xD0] =	vst v12;
	v54 =	vld [tilespmem:s18+$0x1D0];
	v4 =	vadd.s32 v38, v4;
	v2 =	vadd.s32 v63, v2;
	v3 =	vadd.s32 v61, v3  }
0xc2: {  	[tilespmem:s18+$0xE0] =	vst v15;
	v7 =	vadd.s32 $0xFFFFFFFA, v41;
	v42 =	vadd.s32 $0xFFFFFFF4, v41;
	v3 =	vadd.s32 v32, v3  }
0xc3: {  	[tilespmem:s18+$0xF0] =	vst v17;
	v45 =	vadd.s32 $0xFFFFFFEE, v41;
	v10 =	vshra.s32 v10, $0x1F;
	v3 =	vmul.u32 $0xC34FA, v3  }
0xc4: {  	[tilespmem:s18+$0x100] =	vst v16;
	v13 =	vshra.s32 v53, $0x1F;
	v4 =	vadd.s32 v9, v4;
	v7 =	vshra.s32 v7, $0x1F  }
0xc5: {  	v9 =	vshra.s32 v42, $0x1F;
	[tilespmem:s18+$0x1A0] =	vst v2;
	v2 =	vshll.u32 v52, $0x3;
	v3 =	vadd.s32 $0x249EEE, v3  }
0xc6: {  	[tilespmem:s18+$0x110] =	vst v18;
	v62 =	vshll.u32 v54, $0x3;
	v7 =	vadd.s32 v9, v7;
	v3 =	vadd.s32 v58, v3  }
0xc7: {  	[tilespmem:s18+$0x120] =	vst v19;
	v9 =	vshra.s32 v45, $0x1F;
	v3 =	vadd.s32 v8, v3;
	v8 =	vmul.u32 $0x1A, v50  }
0xc8: {  	[tilespmem:s18+$0x130] =	vst v22;
	v4 =	vmul.u32 $0xC34FA, v4;
	v48 =	vadd.s32 v9, v7;
	v9 =	vshra.s32 v51, $0x1F  }
0xc9: {  	[tilespmem:s18+$0x140] =	vst v21;
	v6 =	vmul.u32 $0xC34FA, v48;
	v9 =	vadd.s32 v10, v9;
	v8 =	vsub.s32 v46, v8  }
0xca: {  	[tilespmem:s18+$0x150] =	vst v20;
	v9 =	vadd.s32 v13, v9;
	v12 =	vadd.s32 $0xFFFFFFFA, v8;
	v55 =	vadd.s32 $0xFFFFFFF4, v8  }
0xcb: {  	[tilespmem:s18+$0x160] =	vst v23;
	v56 =	vld [tilespmem:s18+$0x1E0];
	v57 =	vadd.s32 $0xFFFFFFEE, v8;
	v12 =	vshra.s32 v12, $0x1F;
	v13 =	vshra.s32 v55, $0x1F  }
0xcc: {  	[tilespmem:s18+$0x170] =	vst v24;
	v59 =	vld [tilespmem:s18+$0x1F0];
	v4 =	vadd.s32 $0x249EEE, v4;
	v58 =	vshra.s32 v57, $0x1F;
	v12 =	vadd.s32 v13, v12  }
0xcd: {  	[tilespmem:s18+$0x180] =	vst v25;
	v6 =	vadd.s32 $0x249EEE, v6;
	v61 =	vmul.u32 $0xC34FA, v9;
	v60 =	vadd.s32 v58, v12  }
0xce: {  	[tilespmem:s18+$0x190] =	vst v1;
	v4 =	vadd.s32 v33, v4;
	v1 =	vadd.s32 v41, v6;
	v5 =	vmul.u32 $0xC34FA, v60  }
0xcf: {  	v2 =	vadd.s32 v2, v4;
	[tilespmem:s18+$0x1B0] =	vst v3;
	v1 =	vadd.s32 v62, v1;
	v3 =	vadd.s32 $0x249EEE, v61  }
0xd0: {  	[tilespmem:s18+$0x1C0] =	vst v2;
	v2 =	vadd.s32 v49, v3;
	v3 =	vshll.u32 v56, $0x3;
	v63 =	vadd.s32 $0x249EEE, v5  }
0xd1: {  	[tilespmem:s18+$0x1D0] =	vst v1;
	v1 =	vadd.s32 v3, v2;
	v3 =	vshll.u32 v59, $0x3;
	v2 =	vadd.s32 v8, v63  }
0xd2: {  	p0 =	slt.u32 s17, $0x2;
	[tilespmem:s18+$0x1E0] =	vst v1;
	v1 =	vadd.s32 v3, v2  }
0xd3: {  	s17 =	sadd.s32 @!p0 $0x5, s16;
	[tilespmem:s18+$0x1F0] =	vst v1  }
0xd4: {  	_ =	swait.ge @!p0 [sflag:s17], $0x2000  }
0xd5: {  	s24 =	sshll.u32 s16, $0xD;
	[sflag:s17] =	ssyncset.done @!p0 $0x0  }
0xd6: {  	s25 =	sor.u32 $0x400, s24;
	s26 =	sadd.s32 $0x3, s16;
	[sflag:s17] =	ssyncadd.s32 @!p0 $0xFFFFE000  }
0xd7: {  	[tilespmem:s25], [sflag:s26] =	stream.indirect.gather [hbm4b:s4+s9], $0x10, s18, s9, $0xb8;
	[tilespmem:$0x4400] =	vst v63  }
0xd8: {  	s28 =	sor.u32 $0x80, s18;
	s29 =	sor.u32 $0xC00, s24  }
0xd9: {  	[tilespmem:s29], [sflag:s26] =	stream.indirect.gather [hbm4b:s4+s9], $0x10, s28, s9, $0xb8;
	[tilespmem:$0x4400] =	vst v63  }
0xda: {  	s30 =	sor.u32 $0x100, s18;
	s31 =	sor.u32 $0x1400, s24  }
0xdb: {  	[tilespmem:s31], [sflag:s26] =	stream.indirect.gather [hbm4b:s4+s9], $0x10, s30, s9, $0xb8;
	[tilespmem:$0x4400] =	vst v63  }
0xdc: {  	s19 =	sor.u32 $0x1C00, s24;
	s18 =	sor.u32 $0x180, s18  }
0xdd: {  	[tilespmem:s19], [sflag:s26] =	stream.indirect.gather [hbm4b:s4+s9], $0x10, s18, s9, $0xb8;
	[tilespmem:$0x4400] =	vst v63  }
0xde: {  	_ =	swait.ge [sflag:s26], $0x800  }
0xdf: {  	[sflag:s26] =	ssyncset.done $0x0  }
0xe0: {  	[sflag:s26] =	ssyncadd.s32 $0xFFFFF800  }
0xe1: {  	_ =	swait.ge [sflag:s26], $0x800  }
0xe2: {  	[sflag:s26] =	ssyncset.done $0x0  }
0xe3: {  	[sflag:s26] =	ssyncadd.s32 $0xFFFFF800  }
0xe4: {  	_ =	swait.ge [sflag:s26], $0x800  }
0xe5: {  	s13 =	sadd.s32 $0x200, s13;
	[sflag:s26] =	ssyncset.done $0x0  }
0xe6: {  	p0 =	sne.s32 s13, $0x1A00;
	[sflag:s26] =	ssyncadd.s32 $0xFFFFF800  }
.Ltmp0:
0xe7: {  	_ =	swait.ge [sflag:s26], $0x800;
	(pc) =	sbr.rel @p0 .LBB2_2-.Ltmp0, $4  }
0xe8: {  	[sflag:s26] =	ssyncset.done $0x0  }
0xe9: {  	s16 =	sadd.s32 $0x5, s16;
	[sflag:s26] =	ssyncadd.s32 $0xFFFFF800  }
0xea: {  	[hbm4b:s14+s2] =	stream.linear.scatter [tilespmem:s25], [sflag:s16], $0x2000, $0x38;
	[tilespmem:$0x4400] =	vst v63  }
0xeb: {  	s17 =	smov.u32 s15;
	s14 =	sadd.s32 $0x400, s14  }
0xec: {  	s12 =	sadd.s32 $0x1, s12  }
0xed: {  	_ =	swait.ge [sflag:s10], $0x2000;
	p0 =	sne.s32 s12, s6  }
.Ltmp1:
0xee: {  	[sflag:s10] =	ssyncset.done $0x0;
	(pc) =	sbr.rel @p0 .LBB2_1-.Ltmp1, $4  }
0xef: {  	[sflag:s10] =	ssyncadd.s32 $0xFFFFE000  }
0xf0: {  	_ =	swait.ge [sflag:s11], $0x2000  }
0xf1: {  	[sflag:s11] =	ssyncset.done $0x0  }
0xf2: {  	[sflag:s11] =	ssyncadd.s32 $0xFFFFE000  }
0xf3: {  	_ =	sfence.sel $0x180000  }
0xf4: {  	[bflag:$0x0] =	sbarrier.arrive $0xFFFF  }
0xf5: {  	p0 =	sne.s32 s1, $0x0;
	_ =	strace $0x90000047  }
0xf6: {  	s0 =	sadd.s32 @!p0 $0x100000, s0;
	[bflag:$0x2] =	sbarrier.arrive $0xFFFF  }
0xf7: {  	[sflag:s0] =	ssyncadd.tile.s32 @!p0 $0x1;
	_ =	shalt  }
.Lfunc_end2:
_tile_overlayer_lowered:
.L_overlay_start_2:
0xf8: {  	(tag) =	ssettag $0x2  }
0xf9: {  	s0 =	rddreg [dreg:$0x0];
	s2 =	stileid.u32  }
0xfa: {  	s1 =	rddreg [dreg:$0x1];
	p0 =	sne.s32 s2, $0x0  }
0xfb: {  	s3 =	rddreg [dreg:$0x2];
	[bflag:$0x3] =	sbarrier.arrive $0xFFFF;
	s2 =	simm.s32 @!p0 $0x1C07  }
0xfc: {  	[timem:s3], [sflag:s2] =	dma.local @!p0 [hbm:s0], s1  }
0xfd: {  	s0 =	simm.s32 @!p0 $0x7  }
0xfe: {  	_ =	swait.ge @!p0 [sflag:s0], s1  }
0xff: {  	s1 =	ssub.s32 @!p0 $0x0, s1;
	[sflag:s0] =	ssyncset.done @!p0 $0x0  }
0x100: {  	[sflag:s0] =	ssyncadd.s32 @!p0 s1  }
0x101: {  	[bflag:$0x3] =	sbarrier.arrive $0xFFFF  }
0x102: {  	_ =	shalt  }

// kernel: kernel.8.cloned.1.call-start
scs
__scs_entry_jumppad:
0x0: {  	(pc) =	sbr.rel $0x88, $3  }
0x1: {  	(tag) =	ssettag $0x0;
	lr =	simm.s32 $0x1  }
0x2: {  	[smem:$0x3F92] =	sst lr;
	_ =	strace $0xD0000000  }
0x3: {  	_ = 	snop  }
0x4: {  	_ = 	snop  }
0x5: {  	_ = 	snop  }
0x6: {  	_ = 	snop  }
0x7: {  	_ = 	snop  }
__scs_overlays_trampoline_lowered:
0x8: {  	[smem:$0x3FA1] =	sst s0  }
0x9: {  	[smem:$0x3FA2] =	sst s1  }
0xa: {  	[smem:$0x3FA3] =	sst s2  }
0xb: {  	[smem:$0x3FA4] =	sst s3  }
0xc: {  	[smem:$0x3FA5] =	sst s4  }
0xd: {  	[smem:$0x3FA6] =	sst s5  }
0xe: {  	[smem:$0x3FA7] =	sst s6  }
0xf: {  	[smem:$0x3FA8] =	sst s7  }
0x10: {  	[smem:$0x3FA9] =	sst s8  }
0x11: {  	[smem:$0x3FAA] =	sst s9;
	s0 =	simm.s32 @!p0 $0x0  }
0x12: {  	s1 =	sld [smem:$0x3F90];
	s0 =	simm.s32 @p0 $0x1  }
0x13: {  	[smem:$0x3FAB] =	sst s0;
	s0 =	simm.s32 @!p1 $0x0  }
0x14: {  	s2 =	sld [smem:$0x3F8F];
	s0 =	simm.s32 @p1 $0x1  }
0x15: {  	[smem:$0x3FAC] =	sst s0;
	s0 =	simm.s32 @!p2 $0x0  }
0x16: {  	s3 =	sld [smem:$0x3FDB];
	s0 =	simm.s32 @p2 $0x1  }
0x17: {  	s4 =	simm.s32 $0x1BF5;
	[smem:$0x3FAE] =	sst s0  }
0x18: {  	s0 =	sld [smem:$0x3F91];
	_ =	swait.ge [sflag:s4], $0x0  }
0x19: {  	s7 =	sld [smem:$0x3F92]  }
0x1a: {  	s8 =	sadd.s32 $0xFFFFE003, lr  }
0x1b: {  	s9 =	sadd.s32 $0xFFFFFEF7, lr;
	s5 =	simm.s32 $0xFFFFFFFF;
	p2 =	slt.u32 s8, $0xFFFFF086  }
0x1c: {  	p1 =	slt.u32 s9, $0xF7A;
	s5 =	simm.s32 @!p2 $0x0  }
0x1d: {  	s5 =	simm.s32 @p1 $0x1;
	p0 =	seq.s32 s7, s2  }
0x1e: {  	s7 =	smul.u32 @!p0 $0xF7A, s2;
	p2 =	seq.s32 @!p0 s5, $0x0  }
0x1f: {  	s9 =	smul.u32 $0xF7A, s1;
	s8 =	simm.s32 @!p0 $0x1BF5;
	p2 =	por !p2, p0  }
0x20: {  	[sflag:s8] =	ssyncset.s32 @!p0 $0xFFFFF086;
	s6 =	sadd.s32 @!p0 s3, s7;
	s7 =	simm.s32 @!p0 $0x108  }
0x21: {  	s3 =	sadd.s32 s3, s9;
	s6 =	sadd.s32 @!p0 $0x88, s6;
	s7 =	simm.s32 @p2 $0x1082  }
0x22: {  	[simem:s7], [sflag:s8] =	dma.local @!p0 [hbm:s6], $0xF7A  }
0x23: {  	s9 =	sor.u32 $0xD0000000, s2;
	s6 =	simm.s32 $0x108;
	_ =	swait.ge @!p0 [sflag:s8], $0x0  }
0x24: {  	s3 =	sadd.s32 $0x88, s3;
	s6 =	simm.s32 @!p1 $0x1082;
	[sflag:s4] =	ssyncset.s32 $0xFFFFF086  }
0x25: {  	[simem:s6], [sflag:s4] =	dma.local [hbm:s3], $0xF7A  }
0x26: {  	[smem:$0x3F92] =	sst s1;
	(tag) =	ssettag s2;
	_ =	strace s9  }
0x27: {  	s1 =	sld [smem:$0x3FA2]  }
0x28: {  	s2 =	sld [smem:$0x3FA3]  }
0x29: {  	s4 =	sld [smem:$0x3FA5]  }
0x2a: {  	p0 =	seq.s32 s5, $0x0;
	s5 =	sld [smem:$0x3FA6]  }
0x2b: {  	s6 =	sld [smem:$0x3FA7]  }
0x2c: {  	s7 =	sld [smem:$0x3FA8]  }
0x2d: {  	s3 =	simm.s32 $0x108;
	s8 =	sld [smem:$0x3FA9]  }
0x2e: {  	s3 =	simm.s32 @!p0 $0x1082;
	s9 =	sld [smem:$0x3FAA]  }
0x2f: {  	lr =	sadd.s32 s0, s3;
	s0 =	sld [smem:$0x3FA1]  }
0x30: {  	s3 =	sld [smem:$0x3FA4]  }
0x31: {  	[smem:$0x3FAD] =	sst s10  }
0x32: {  	s10 =	sld [smem:$0x3FAB];
	_ =	sdelay $0x3  }
0x33: {  	p0 =	seq.s32 s10, $0x1;
	s10 =	sld [smem:$0x3FAD];
	_ =	sdelay $0x3  }
0x34: {  	[smem:$0x3FAD] =	sst s10  }
0x35: {  	s10 =	sld [smem:$0x3FAC];
	_ =	sdelay $0x3  }
0x36: {  	p1 =	seq.s32 s10, $0x1;
	s10 =	sld [smem:$0x3FAD];
	_ =	sdelay $0x3  }
0x37: {  	[smem:$0x3FAD] =	sst s10  }
0x38: {  	s10 =	sld [smem:$0x3FAE]  }
0x39: {  	_ = 	snop;
	(pc) =	sbr.ind lr, $3  }
0x3a: {  	_ = 	snop  }
0x3b: {  	_ = 	snop  }
0x3c: {  	p2 =	seq.s32 s10, $0x1;
	s10 =	sld [smem:$0x3FAD]  }
0x3d: {  	_ =	shalt  }
0x3e: {  	_ =	shalt  }
0x3f: {  	_ =	shalt  }
0x40: {  	_ =	shalt  }
0x41: {  	_ =	shalt  }
0x42: {  	_ =	shalt  }
0x43: {  	_ =	shalt  }
0x44: {  	_ =	shalt  }
0x45: {  	_ =	shalt  }
0x46: {  	_ =	shalt  }
0x47: {  	_ =	shalt  }
0x48: {  	_ =	shalt  }
0x49: {  	_ =	shalt  }
0x4a: {  	_ =	shalt  }
0x4b: {  	_ =	shalt  }
0x4c: {  	_ =	shalt  }
0x4d: {  	_ =	shalt  }
0x4e: {  	_ =	shalt  }
0x4f: {  	_ =	shalt  }
0x50: {  	_ =	shalt  }
0x51: {  	_ =	shalt  }
0x52: {  	_ =	shalt  }
0x53: {  	_ =	shalt  }
0x54: {  	_ =	shalt  }
0x55: {  	_ =	shalt  }
0x56: {  	_ =	shalt  }
0x57: {  	_ =	shalt  }
0x58: {  	_ =	shalt  }
0x59: {  	_ =	shalt  }
0x5a: {  	_ =	shalt  }
0x5b: {  	_ =	shalt  }
0x5c: {  	_ =	shalt  }
0x5d: {  	_ =	shalt  }
0x5e: {  	_ =	shalt  }
0x5f: {  	_ =	shalt  }
0x60: {  	_ =	shalt  }
0x61: {  	_ =	shalt  }
0x62: {  	_ =	shalt  }
0x63: {  	_ =	shalt  }
0x64: {  	_ =	shalt  }
0x65: {  	_ =	shalt  }
0x66: {  	_ =	shalt  }
0x67: {  	_ =	shalt  }
0x68: {  	_ =	shalt  }
0x69: {  	_ =	shalt  }
0x6a: {  	_ =	shalt  }
0x6b: {  	_ =	shalt  }
0x6c: {  	_ =	shalt  }
0x6d: {  	_ =	shalt  }
0x6e: {  	_ =	shalt  }
0x6f: {  	_ =	shalt  }
0x70: {  	_ =	shalt  }
0x71: {  	_ =	shalt  }
0x72: {  	_ =	shalt  }
0x73: {  	_ =	shalt  }
0x74: {  	_ =	shalt  }
0x75: {  	_ =	shalt  }
0x76: {  	_ =	shalt  }
0x77: {  	_ =	shalt  }
0x78: {  	_ =	shalt  }
0x79: {  	_ =	shalt  }
0x7a: {  	_ =	shalt  }
0x7b: {  	_ =	shalt  }
0x7c: {  	_ =	shalt  }
0x7d: {  	_ =	shalt  }
0x7e: {  	_ =	shalt  }
0x7f: {  	_ =	shalt  }
0x80: {  	_ =	shalt  }
0x81: {  	_ =	shalt  }
0x82: {  	_ =	shalt  }
0x83: {  	_ =	shalt  }
0x84: {  	_ =	shalt  }
0x85: {  	_ =	shalt  }
0x86: {  	_ =	shalt  }
0x87: {  	_ =	shalt  }
.Lfunc_end0:
.L_simem_size_0:
called_computation_lowered:
.L_overlay_start_0:
0x88: {  	s2 =	sld [smem:$0x3FD9]  }
0x89: {  	s3 =	sld [smem:$0x3FFE];
	_ =	sdelay $0x1  }
0x8a: {  	s1 =	srdreg.scid  }
0x8b: {  	s0 =	sand.u32 $0x1, s1  }
0x8c: {  	s17 =	sshll.u32 s0, $0xA;
	s2 =	sadd.s32 s3, s2  }
0x8d: {  	s2 =	sadd.s32 s2, s17  }
0x8e: {  	[smem:$0x3FB9] =	sst s2  }
0x8f: {  	_ = 	snop  }
0x90: {  	(tm) =	ssettm $0x1  }
0x91: {  	s18 =	sld [smem:$0x3FFB];
	_ =	sdelay $0x3  }
0x92: {  	_ =	strace s18  }
0x93: {  	s2 =	sld [smem:$0x3FFC];
	_ =	sdelay $0x3  }
0x94: {  	_ =	strace s2  }
0x95: {  	s2 =	sld [smem:$0x3FFD];
	_ =	sdelay $0x3  }
0x96: {  	_ =	strace s2  }
0x97: {  	_ =	strace $0x8FFFFFFF  }
0x98: {  	s19 =	sld [smem:$0x3FDB];
	_ =	sdelay $0x1  }
0x99: {  	s20 =	simm.s32 $_scs_section_size  }
0x9a: {  	s4 =	simm.s32 $_size__tile_overlayer_lowered;
	s5 =	simm.s32 $_tile_overlayer_lowered  }
0x9b: {  	s6 =	simm.s32 $0x1BFF;
	s21 =	sshll.u32 s5, $0x1;
	s3 =	sadd.s32 s20, s19  }
0x9c: {  	s22 =	simm.s32 $0x0;
	s4 =	sshll.u32 s4, $0x1;
	s5 =	sadd.s32 s21, s3  }
0x9d: {  	[timem:s22], [sflag:s6] =	dma.local [hbm:s5], s4  }
0x9e: {  	_ =	swait.ge [sflag:s6], s4  }
0x9f: {  	s4 =	ssub.s32 $0x0, s4;
	[sflag:s6] =	ssyncset.done $0x0  }
0xa0: {  	[sflag:s6] =	ssyncadd.s32 s4;
	_ =	sdelay $0x1  }
0xa1: {  	s23 =	simm.s32 $0x1B8B  }
0xa2: {  	_ =	swait.ge [sflag:s23], $0x1  }
0xa3: {  	[sflag:s23] =	ssyncset.done $0x0  }
0xa4: {  	[sflag:s23] =	ssyncadd.s32 $0xFFFFFFFF  }
0xa5: {  	s4 =	sld [smem:$0x0]  }
0xa6: {  	s5 =	sand.u32 $0xFFFFFFFE, s1  }
0xa7: {  	p0 =	sne.s32 s1, s5  }
0xa8: {  	s5 =	sshll.u32 @p0 s5, $0xE  }
0xa9: {  	s5 =	sadd.s32 @p0 $0x11B8D, s5;
	s6 =	sshll.u32 @p0 s4, $0x11  }
0xaa: {  	s5 =	sor.u32 @p0 s6, s5  }
0xab: {  	[sflag:s5] =	ssyncadd.remote.s32 @p0 $0x1;
	_ =	sdelay $0x1  }
0xac: {  	s5 =	simm.s32 @p0 $0x1B8D  }
0xad: {  	_ =	swait.eq @p0 [sflag:s5], $0x1  }
0xae: {  	[sflag:s5] =	ssyncadd.s32 @p0 $0xFFFFFFFF  }
0xaf: {  	s6 =	sshll.u32 @!p0 s1, $0xE  }
0xb0: {  	s6 =	sor.u32 @!p0 $0x4000, s6;
	s5 =	simm.s32 @!p0 $0x1B8D  }
0xb1: {  	s4 =	sshll.u32 @!p0 s4, $0x11;
	s6 =	sadd.s32 @!p0 $0x11B8D, s6;
	_ =	swait.eq @!p0 [sflag:s5], $0x1  }
0xb2: {  	s4 =	sor.u32 @!p0 s4, s6;
	[sflag:s5] =	ssyncadd.s32 @!p0 $0xFFFFFFFF  }
0xb3: {  	s25 =	simm.s32 $0x1B8E;
	s24 =	sld [smem:$0x3FFE];
	[sflag:s4] =	ssyncadd.remote.s32 @!p0 $0x1  }
0xb4: {  	s26 =	simm.s32 $execute0_lowered;
	[smem:$0x3FD2] =	sst s25  }
0xb5: {  	s5 =	sshll.u32 s26, $0x1;
	_ =	strace $0x80000049;
	[dreg:$0x1] =	wrdreg $0xFFFFFFFF  }
0xb6: {  	s28 =	simm.s32 $_size_execute0_lowered;
	s3 =	sadd.s32 s3, s5;
	[dreg:$0x0] =	wrdreg $0x0  }
0xb7: {  	s5 =	sshll.u32 s28, $0x1;
	[dreg:$0x2] =	wrdreg s3  }
0xb8: {  	[dreg:$0x3] =	wrdreg s5  }
0xb9: {  	[dreg:$0x4] =	wrdreg $0xC0  }
0xba: {  	_ =	task [dreg:s22], $0x5FFFF  }
0xbb: {  	[dreg:$0x1] =	wrdreg $0xFFFFFFFF  }
0xbc: {  	[dreg:$0x0] =	wrdreg $0x60  }
0xbd: {  	[dreg:$0x2] =	wrdreg s24  }
0xbe: {  	[dreg:$0x3] =	wrdreg $0x9  }
0xbf: {  	_ =	task.clear_ibuf [dreg:s22], $0x4FFFF;
	_ =	strace $0x90000049  }
0xc0: {  	s29 =	simm.s32 $0x9;
	_ =	strace $0x8000004B  }
0xc1: {  	_ =	swait.ge [sflag:s29], $0x1  }
0xc2: {  	[sflag:s29] =	ssyncadd.s32 $0xFFFFFFFF  }
0xc3: {  	_ =	strace $0x9000004B  }
0xc4: {  	_ =	sfence  }
0xc5: {  	s30 =	sld [smem:$0x0];
	_ =	sdelay $0x2  }
0xc6: {  	s31 =	sshll.u32 s1, $0xD;
	s1 =	sshrl.u32 s1, $0x2  }
0xc7: {  	s4 =	sand.u32 $0x4000, s31;
	s1 =	sadd.s32 s1, s30  }
0xc8: {  	s0 =	sor.u32 s4, s0;
	s1 =	sshll.u32 s1, $0x11  }
0xc9: {  	s0 =	sor.u32 s1, s0  }
0xca: {  	s0 =	sadd.s32 $0x8F2B, s0  }
0xcb: {  	[sflag:s0] =	ssyncadd.remote.s32 $0x1  }
0xcc: {  	_ =	sfence.sel $0xFFFF  }
0xcd: {  	[dreg:$0x0] =	wrdreg $0xFFFFFFFF;
	(pc) =	sbr.abs _section_cstart, $3  }
0xce: {  	[dreg:$0x1] =	wrdreg $0xFFFFFFFF  }
0xcf: {  	_ =	task.clear_ibuf [dreg:s22], $0x2FFFF;
	_ =	strace $0x9FFFFFFF  }
0xd0: {  	(tm) =	ssettm $0x7FFFFFFF  }
0xd1: {  	_ =	shalt  }
tec
execute0_lowered:
.L_overlay_start_1:
0x0: {  	(tag) =	ssettag $0x1  }
0x1: {  	s5 =	rddreg [dreg:$0x0]  }
0x2: {  	s0 =	rddreg [dreg:$0x1];
	s1 =	stileid.u32  }
0x3: {  	s3 =	srdreg.scid;
	s2 =	simm.s32 $0x0;
	s7 =	smul.u32 $0x6800, s1  }
0x4: {  	s6 =	sand.u32 $0x1, s3;
	s30 =	sshll.u32 s1, $0x1;
	s12 =	smul.u32 $0x3400, s1  }
0x5: {  	[smem:$0x7FF] =	sst s2;
	s4 =	sadd.s32 $0x2A00, s5;
	s10 =	smul.u32 $0x3400, s6  }
0x6: {  	s3 =	sor.u32 s6, s30;
	s9 =	ssub.s32 $0x2, s6;
	s31 =	smul.u32 $0x1A00, s6  }
0x7: {  	_ =	strace $0x8000004A;
	s8 =	smul.u32 $0x340, s3;
	s11 =	sshrl.u32 s9, $0x1  }
0x8: {  	s3 =	sadd.s32 $0x68BA00, s5;
	s7 =	sadd.s32 s7, s5;
	s9 =	ssub.s32 s9, s11  }
0x9: {  	s7 =	sadd.s32 s10, s7;
	s10 =	simm.s32 $0x6;
	s11 =	simm.s32 $0x5  }
0xa: {  	s5 =	sadd.s32 s3, s8;
	s6 =	smax.u32 s9, $0x1;
	s7 =	sadd.s32 $0x692200, s7  }
0xb: {  	v0 =	vlaneseq.u32;
	s8 =	sadd.s32 s31, s12;
	s9 =	simm.s32 $0x80;
	s12 =	simm.s32 $0x0  }
.LBB2_1:
0xc: {  	[tilespmem:s2], [sflag:$0x1] =	stream.linear.gather [hbm4b:s5+s2], $0x200, $0x38;
	[tilespmem:$0x4400] =	vst v63  }
0xd: {  	s13 =	simm.s32 $0x0;
	s14 =	smov.u32 s7;
	s17 =	simm.s32 $0x0  }
.LBB2_2:
0xe: {  	s19 =	sadd.s32 s13, s8  }
0xf: {  	v1 =	vor.u32 s19, v0;
	s24 =	sadd.s32 $0x10, s19  }
0x10: {  	s25 =	sadd.s32 $0x20, s19;
	v2 =	vmulhi.u32 $0x4EC4EC4F, v1;
	v4 =	vor.u32 s24, v0  }
0x11: {  	s26 =	sadd.s32 $0x30, s19;
	v15 =	vor.u32 s25, v0;
	v6 =	vmulhi.u32 $0x4EC4EC4F, v4  }
0x12: {  	p0 =	seq.s32 s13, $0x1800;
	s28 =	sadd.s32 $0x40, s19;
	v18 =	vor.u32 s26, v0;
	v16 =	vmulhi.u32 $0x4EC4EC4F, v15  }
0x13: {  	s15 =	sadd.s32 $0x1, s17;
	s16 =	sadd.s32 @!p0 s13, s8;
	s29 =	sadd.s32 $0x50, s19;
	v25 =	vor.u32 s28, v0;
	v9 =	vmulhi.u32 $0x4EC4EC4F, v18  }
0x14: {  	s20 =	sand.u32 @!p0 $0x1, s15;
	s31 =	sadd.s32 $0x70, s19;
	s18 =	sadd.s32 @!p0 $0x200, s16;
	v30 =	vor.u32 s29, v0;
	v27 =	vmulhi.u32 $0x4EC4EC4F, v25  }
0x15: {  	s22 =	simm.s32 @!p0 $0x0;
	s30 =	sadd.s32 $0x60, s19;
	v46 =	vor.u32 s31, v0;
	s18 =	sshrl.u32 @!p0 s18, $0x3;
	v11 =	vmulhi.u32 $0x4EC4EC4F, v30;
	v2 =	vshrl.u32 v2, $0x3  }
0x16: {  	s21 =	sshll.u32 @!p0 s20, $0x9;
	s20 =	sadd.s32 @!p0 $0x1, s20;
	v13 =	vor.u32 s30, v0;
	v48 =	vmulhi.u32 $0x4EC4EC4F, v46;
	s18 =	sadd.s32 @!p0 s3, s18;
	v2 =	vmul.u32 $0x1A, v2  }
0x17: {  	[tilespmem:s21], [sflag:s20] =	stream.linear.gather @!p0 [hbm4b:s18+s22], $0x200, $0x38;
	v14 =	vshrl.u32 v6, $0x3;
	v6 =	vshrl.u32 v16, $0x3;
	v9 =	vshrl.u32 v9, $0x3;
	[tilespmem:$0x4400] =	vst v63  }
0x18: {  	v32 =	vshrl.u32 v11, $0x3;
	s21 =	sadd.s32 $0x80, s19;
	v50 =	vshrl.u32 v48, $0x3;
	v6 =	vmul.u32 $0x1A, v6  }
0x19: {  	s16 =	sand.u32 $0x1, s17;
	v23 =	vmul.u32 $0x1A, v9;
	v51 =	vor.u32 s21, v0;
	v1 =	vsub.s32 v1, v2  }
0x1a: {  	s23 =	sadd.s32 $0x1, s16;
	v52 =	vmulhi.u32 $0x4EC4EC4F, v51;
	v2 =	vadd.s32 $0xFFFFFFFA, v1;
	v3 =	vadd.s32 $0xFFFFFFF4, v1  }
0x1b: {  	_ =	swait.ge [sflag:s23], $0x200;
	v5 =	vadd.s32 $0xFFFFFFEE, v1;
	v2 =	vshra.s32 v2, $0x1F;
	v3 =	vshra.s32 v3, $0x1F  }
0x1c: {  	s22 =	sadd.s32 $0x90, s19;
	[sflag:s23] =	ssyncset.done $0x0;
	v2 =	vadd.s32 v3, v2;
	v3 =	vshra.s32 v5, $0x1F;
	v5 =	vmul.u32 $0x1A, v14  }
0x1d: {  	s18 =	sshll.u32 s16, $0x9;
	v63 =	vor.u32 s22, v0;
	[sflag:s23] =	ssyncadd.s32 $0xFFFFFE00;
	v55 =	vshrl.u32 v52, $0x3;
	v2 =	vadd.s32 v3, v2  }
0x1e: {  	v22 =	vld [tilespmem:s18+$0x20];
	v2 =	vadd.s32 $0x3, v2;
	v4 =	vsub.s32 v4, v5;
	v5 =	vsub.s32 v15, v6  }
0x1f: {  	v37 =	vld [tilespmem:s18+$0x30];
	v6 =	vsub.s32 v18, v23;
	v15 =	vmulhi.u32 $0x4EC4EC4F, v13;
	v2 =	vmul.u32 $0xC34FA, v2  }
0x20: {  	v42 =	vld [tilespmem:s18+$0x50];
	v7 =	vadd.s32 $0xFFFFFFF4, v4;
	v8 =	vadd.s32 $0xFFFFFFEE, v4;
	v19 =	vadd.s32 $0xFFFFFFFA, v5  }
0x21: {  	v57 =	vld [tilespmem:s18+$0x60];
	v20 =	vadd.s32 $0xFFFFFFF4, v5;
	v10 =	vadd.s32 $0xFFFFFFEE, v5;
	v26 =	vadd.s32 $0xFFFFFFFA, v6  }
0x22: {  	v3 =	vld [tilespmem:s18+$0x0];
	v29 =	vadd.s32 $0xFFFFFFF4, v6;
	v31 =	vadd.s32 $0xFFFFFFEE, v6;
	v7 =	vshra.s32 v7, $0x1F  }
0x23: {  	v17 =	vshra.s32 v8, $0x1F;
	v8 =	vshra.s32 v20, $0x1F;
	v21 =	vshra.s32 v10, $0x1F  }
0x24: {  	v28 =	vshll.u32 v22, $0x3;
	v9 =	vshra.s32 v29, $0x1F;
	v40 =	vshrl.u32 v15, $0x3  }
0x25: {  	v61 =	vld [tilespmem:s18+$0x70];
	v41 =	vshll.u32 v37, $0x3;
	v1 =	vadd.s32 v1, v2;
	v2 =	vadd.s32 $0xFFFFFFFA, v4  }
0x26: {  	v11 =	vshll.u32 v42, $0x3;
	v15 =	vshll.u32 v57, $0x3;
	v2 =	vshra.s32 v2, $0x1F  }
0x27: {  	v3 =	vshll.u32 v3, $0x3;
	v2 =	vadd.s32 v7, v2;
	v7 =	vshra.s32 v19, $0x1F  }
0x28: {  	v1 =	vadd.s32 v3, v1;
	v3 =	vld [tilespmem:s18+$0x10];
	v2 =	vadd.s32 v17, v2;
	v7 =	vadd.s32 v8, v7  }
0x29: {  	v8 =	vshrl.u32 v27, $0x3;
	v17 =	vmulhi.u32 $0x4EC4EC4F, v63;
	v2 =	vmul.u32 $0xC34FA, v2  }
0x2a: {  	v22 =	vshll.u32 v61, $0x3;
	v7 =	vadd.s32 v21, v7;
	v8 =	vmul.u32 $0x1A, v8  }
0x2b: {  	v24 =	vmul.u32 $0xC34FA, v7;
	v21 =	vshrl.u32 v17, $0x3;
	v2 =	vadd.s32 $0x249EEE, v2  }
0x2c: {  	v7 =	vsub.s32 v25, v8;
	v8 =	vmul.u32 $0x1A, v32;
	v2 =	vadd.s32 v4, v2  }
0x2d: {  	v3 =	vshll.u32 v3, $0x3;
	v4 =	vshra.s32 v26, $0x1F;
	v33 =	vadd.s32 $0xFFFFFFFA, v7  }
0x2e: {  	v34 =	vadd.s32 $0xFFFFFFF4, v7;
	v35 =	vadd.s32 $0xFFFFFFEE, v7;
	v2 =	vadd.s32 v3, v2  }
0x2f: {  	s23 =	sadd.s32 $0xA0, s19;
	v3 =	vadd.s32 $0x249EEE, v24;
	v4 =	vadd.s32 v9, v4;
	v9 =	vshra.s32 v34, $0x1F  }
0x30: {  	v8 =	vsub.s32 v30, v8;
	v36 =	vshra.s32 v35, $0x1F;
	v24 =	vor.u32 s23, v0  }
0x31: {  	v3 =	vadd.s32 v5, v3;
	v5 =	vshra.s32 v31, $0x1F;
	v10 =	vadd.s32 $0xFFFFFFFA, v8  }
0x32: {  	s24 =	sadd.s32 $0xB0, s19;
	v38 =	vld [tilespmem:s18+$0x40];
	v12 =	vadd.s32 $0xFFFFFFF4, v8;
	v14 =	vadd.s32 $0xFFFFFFEE, v8;
	v26 =	vmulhi.u32 $0x4EC4EC4F, v24  }
0x33: {  	v31 =	vor.u32 s24, v0;
	v3 =	vadd.s32 v28, v3;
	v4 =	vadd.s32 v5, v4  }
0x34: {  	v35 =	vld [tilespmem:s18+$0xA0];
	v5 =	vshra.s32 v33, $0x1F;
	v10 =	vshra.s32 v10, $0x1F;
	v12 =	vshra.s32 v12, $0x1F  }
0x35: {  	v39 =	vshra.s32 v14, $0x1F;
	v33 =	vmulhi.u32 $0x4EC4EC4F, v31;
	v4 =	vmul.u32 $0xC34FA, v4  }
0x36: {  	s25 =	sadd.s32 $0xC0, s19;
	v5 =	vadd.s32 v9, v5;
	v10 =	vadd.s32 v12, v10;
	v12 =	vmul.u32 $0x1A, v40  }
0x37: {  	v9 =	vshll.u32 v38, $0x3;
	v38 =	vor.u32 s25, v0;
	v5 =	vadd.s32 v36, v5  }
0x38: {  	v10 =	vadd.s32 v39, v10;
	v5 =	vmul.u32 $0xC34FA, v5;
	v4 =	vadd.s32 $0x249EEE, v4  }
0x39: {  	v10 =	vmul.u32 $0xC34FA, v10;
	v44 =	vsub.s32 v13, v12;
	v42 =	vshll.u32 v35, $0x3  }
0x3a: {  	v4 =	vadd.s32 v6, v4;
	v45 =	vadd.s32 $0xFFFFFFFA, v44;
	v12 =	vadd.s32 $0xFFFFFFF4, v44  }
0x3b: {  	v47 =	vadd.s32 $0xFFFFFFEE, v44;
	v5 =	vadd.s32 $0x249EEE, v5;
	v43 =	vadd.s32 $0x249EEE, v10  }
0x3c: {  	v12 =	vshra.s32 v12, $0x1F;
	v49 =	vshra.s32 v47, $0x1F;
	v6 =	vadd.s32 v41, v4  }
0x3d: {  	v5 =	vadd.s32 v7, v5;
	v7 =	vadd.s32 v8, v43;
	v8 =	vshra.s32 v45, $0x1F  }
0x3e: {  	v41 =	vmulhi.u32 $0x4EC4EC4F, v38;
	v8 =	vadd.s32 v12, v8;
	v12 =	vmul.u32 $0x1A, v50  }
0x3f: {  	v5 =	vadd.s32 v9, v5;
	v9 =	vmul.u32 $0x1A, v55;
	v8 =	vadd.s32 v49, v8  }
0x40: {  	v4 =	vadd.s32 v11, v7;
	v8 =	vmul.u32 $0xC34FA, v8;
	v54 =	vsub.s32 v46, v12  }
0x41: {  	v9 =	vsub.s32 v51, v9;
	v56 =	vadd.s32 $0xFFFFFFFA, v54;
	v12 =	vadd.s32 $0xFFFFFFF4, v54  }
0x42: {  	v13 =	vadd.s32 $0xFFFFFFEE, v54;
	v60 =	vadd.s32 $0xFFFFFFFA, v9;
	v62 =	vadd.s32 $0xFFFFFFF4, v9  }
0x43: {  	v16 =	vadd.s32 $0xFFFFFFEE, v9;
	v53 =	vadd.s32 $0x249EEE, v8;
	v11 =	vshra.s32 v56, $0x1F  }
0x44: {  	s28 =	sadd.s32 $0xE0, s19;
	v12 =	vshra.s32 v12, $0x1F;
	v58 =	vshra.s32 v13, $0x1F;
	v13 =	vshra.s32 v62, $0x1F  }
0x45: {  	s26 =	sadd.s32 $0xD0, s19;
	v20 =	vld [tilespmem:s18+$0x80];
	v19 =	vshra.s32 v16, $0x1F;
	v16 =	vmul.u32 $0x1A, v21;
	v21 =	vor.u32 s28, v0  }
0x46: {  	v51 =	vld [tilespmem:s18+$0xB0];
	v11 =	vadd.s32 v12, v11;
	v7 =	vadd.s32 v44, v53;
	v44 =	vor.u32 s26, v0  }
0x47: {  	s29 =	sadd.s32 $0xF0, s19;
	v59 =	vadd.s32 v58, v11;
	v11 =	vshra.s32 v60, $0x1F;
	v7 =	vadd.s32 v15, v7  }
0x48: {  	v23 =	vsub.s32 v63, v16;
	v15 =	vshrl.u32 v26, $0x3;
	v60 =	vor.u32 s29, v0  }
0x49: {  	v10 =	vmul.u32 $0xC34FA, v59;
	v11 =	vadd.s32 v13, v11;
	v25 =	vadd.s32 $0xFFFFFFFA, v23  }
0x4a: {  	v13 =	vshll.u32 v20, $0x3;
	v16 =	vadd.s32 $0xFFFFFFF4, v23;
	v27 =	vadd.s32 $0xFFFFFFEE, v23  }
0x4b: {  	v56 =	vld [tilespmem:s18+$0xD0];
	v15 =	vmul.u32 $0x1A, v15;
	v55 =	vshll.u32 v51, $0x3;
	v62 =	vmulhi.u32 $0x4EC4EC4F, v60  }
0x4c: {  	v11 =	vadd.s32 v19, v11;
	v16 =	vshra.s32 v16, $0x1F;
	v17 =	vshra.s32 v27, $0x1F  }
0x4d: {  	v19 =	vmulhi.u32 $0x4EC4EC4F, v44;
	v10 =	vadd.s32 $0x249EEE, v10;
	v11 =	vmul.u32 $0xC34FA, v11  }
0x4e: {  	v29 =	vld [tilespmem:s18+$0x90];
	v30 =	vsub.s32 v24, v15;
	v24 =	vshrl.u32 v62, $0x3;
	v8 =	vadd.s32 v54, v10  }
0x4f: {  	v15 =	vadd.s32 $0xFFFFFFFA, v30;
	v32 =	vadd.s32 $0xFFFFFFF4, v30;
	v18 =	vadd.s32 $0xFFFFFFEE, v30  }
0x50: {  	v46 =	vshrl.u32 v19, $0x3;
	v19 =	vshll.u32 v56, $0x3;
	v11 =	vadd.s32 $0x249EEE, v11  }
0x51: {  	s30 =	sadd.s32 $0x100, s19;
	v15 =	vshra.s32 v15, $0x1F;
	v11 =	vadd.s32 v9, v11;
	v9 =	vshra.s32 v25, $0x1F  }
0x52: {  	v35 =	vld [tilespmem:s18+$0xF0];
	v34 =	vshra.s32 v18, $0x1F;
	v25 =	vor.u32 s30, v0;
	v16 =	vadd.s32 v16, v9  }
0x53: {  	v9 =	vadd.s32 v22, v8;
	v8 =	vadd.s32 v13, v11;
	v11 =	vshll.u32 v29, $0x3  }
0x54: {  	v26 =	vmulhi.u32 $0x4EC4EC4F, v25;
	v28 =	vadd.s32 v17, v16;
	v16 =	vshra.s32 v32, $0x1F  }
0x55: {  	v17 =	vshrl.u32 v33, $0x3;
	v10 =	vmul.u32 $0xC34FA, v28;
	v15 =	vadd.s32 v16, v15  }
0x56: {  	v36 =	vmul.u32 $0x1A, v17;
	v16 =	vshrl.u32 v41, $0x3;
	v29 =	vshrl.u32 v26, $0x3  }
0x57: {  	v41 =	vshll.u32 v35, $0x3;
	v15 =	vadd.s32 v34, v15;
	v16 =	vmul.u32 $0x1A, v16  }
0x58: {  	v10 =	vadd.s32 $0x249EEE, v10;
	v37 =	vmul.u32 $0xC34FA, v15;
	v14 =	vsub.s32 v31, v36  }
0x59: {  	v10 =	vadd.s32 v23, v10;
	v40 =	vadd.s32 $0xFFFFFFFA, v14;
	v43 =	vadd.s32 $0xFFFFFFF4, v14  }
0x5a: {  	v45 =	vadd.s32 $0xFFFFFFEE, v14;
	v15 =	vsub.s32 v38, v16;
	v16 =	vmul.u32 $0x1A, v46  }
0x5b: {  	v23 =	vmulhi.u32 $0x4EC4EC4F, v21;
	v10 =	vadd.s32 v11, v10;
	v39 =	vadd.s32 $0x249EEE, v37  }
0x5c: {  	v12 =	vshra.s32 v40, $0x1F;
	v17 =	vshra.s32 v43, $0x1F;
	v13 =	vshra.s32 v45, $0x1F  }
0x5d: {  	s31 =	sadd.s32 $0x110, s19;
	s21 =	sadd.s32 $0x120, s19;
	v47 =	vadd.s32 $0xFFFFFFFA, v15;
	v48 =	vadd.s32 $0xFFFFFFF4, v15;
	v49 =	vadd.s32 $0xFFFFFFEE, v15  }
0x5e: {  	v37 =	vor.u32 s31, v0;
	v43 =	vor.u32 s21, v0;
	v11 =	vadd.s32 v30, v39  }
0x5f: {  	v52 =	vld [tilespmem:s18+$0xC0];
	v12 =	vadd.s32 v17, v12;
	v17 =	vshra.s32 v48, $0x1F;
	v16 =	vsub.s32 v44, v16  }
0x60: {  	v31 =	vld [tilespmem:s18+$0xE0];
	v50 =	vshra.s32 v49, $0x1F;
	v54 =	vshrl.u32 v23, $0x3;
	v45 =	vmulhi.u32 $0x4EC4EC4F, v43  }
0x61: {  	v11 =	vadd.s32 v42, v11;
	v12 =	vadd.s32 v13, v12;
	v13 =	vshra.s32 v47, $0x1F  }
0x62: {  	v18 =	vadd.s32 $0xFFFFFFFA, v16;
	v20 =	vadd.s32 $0xFFFFFFF4, v16;
	v22 =	vadd.s32 $0xFFFFFFEE, v16  }
0x63: {  	v12 =	vmul.u32 $0xC34FA, v12;
	v13 =	vadd.s32 v17, v13;
	v18 =	vshra.s32 v18, $0x1F  }
0x64: {  	v20 =	vshra.s32 v20, $0x1F;
	v53 =	vshra.s32 v22, $0x1F;
	v17 =	vshll.u32 v52, $0x3  }
0x65: {  	s22 =	sadd.s32 $0x130, s19;
	v23 =	vshll.u32 v31, $0x3;
	v13 =	vadd.s32 v50, v13;
	v18 =	vadd.s32 v20, v18  }
0x66: {  	v20 =	vmul.u32 $0x1A, v54;
	v50 =	vor.u32 s22, v0;
	v13 =	vmul.u32 $0xC34FA, v13  }
0x67: {  	v18 =	vadd.s32 v53, v18;
	v12 =	vadd.s32 $0x249EEE, v12;
	v52 =	vmulhi.u32 $0x4EC4EC4F, v50  }
0x68: {  	v54 =	vld [tilespmem:s18+$0x120];
	v18 =	vmul.u32 $0xC34FA, v18;
	v12 =	vadd.s32 v14, v12;
	v58 =	vsub.s32 v21, v20  }
0x69: {  	v13 =	vadd.s32 $0x249EEE, v13;
	v59 =	vadd.s32 $0xFFFFFFFA, v58;
	v20 =	vadd.s32 $0xFFFFFFF4, v58  }
0x6a: {  	v61 =	vadd.s32 $0xFFFFFFEE, v58;
	v14 =	vadd.s32 v55, v12;
	v13 =	vadd.s32 v15, v13  }
0x6b: {  	v57 =	vadd.s32 $0x249EEE, v18;
	v20 =	vshra.s32 v20, $0x1F;
	v63 =	vshra.s32 v61, $0x1F  }
0x6c: {  	s23 =	sadd.s32 $0x140, s19;
	v15 =	vadd.s32 v16, v57;
	v16 =	vshra.s32 v59, $0x1F;
	v13 =	vadd.s32 v17, v13  }
0x6d: {  	s25 =	sadd.s32 $0x160, s19;
	v17 =	vmul.u32 $0x1A, v29;
	v57 =	vor.u32 s23, v0;
	v61 =	vshll.u32 v54, $0x3  }
0x6e: {  	v29 =	vor.u32 s25, v0;
	v16 =	vadd.s32 v20, v16;
	v20 =	vmul.u32 $0x1A, v24  }
0x6f: {  	s24 =	sadd.s32 $0x150, s19;
	v12 =	vadd.s32 v19, v15;
	v16 =	vadd.s32 v63, v16;
	v17 =	vsub.s32 v25, v17  }
0x70: {  	v25 =	vmulhi.u32 $0x4EC4EC4F, v37;
	v63 =	vor.u32 s24, v0;
	v16 =	vmul.u32 $0xC34FA, v16  }
0x71: {  	v28 =	vsub.s32 v60, v20;
	v34 =	vadd.s32 $0xFFFFFFFA, v17;
	v36 =	vadd.s32 $0xFFFFFFF4, v17  }
0x72: {  	v24 =	vadd.s32 $0xFFFFFFEE, v17;
	v60 =	vmulhi.u32 $0x4EC4EC4F, v57;
	v30 =	vadd.s32 $0xFFFFFFFA, v28  }
0x73: {  	v20 =	vadd.s32 $0xFFFFFFF4, v28;
	v21 =	vadd.s32 $0xFFFFFFEE, v28;
	v38 =	vshra.s32 v24, $0x1F  }
0x74: {  	v40 =	vshrl.u32 v25, $0x3;
	v27 =	vadd.s32 $0x249EEE, v16;
	v19 =	vshra.s32 v30, $0x1F  }
0x75: {  	v39 =	vld [tilespmem:s18+$0x100];
	v20 =	vshra.s32 v20, $0x1F;
	v32 =	vshra.s32 v21, $0x1F;
	v21 =	vshra.s32 v36, $0x1F  }
0x76: {  	v24 =	vmul.u32 $0x1A, v40;
	v19 =	vadd.s32 v20, v19;
	v15 =	vadd.s32 v58, v27  }
0x77: {  	v27 =	vmulhi.u32 $0x4EC4EC4F, v63;
	v33 =	vadd.s32 v32, v19;
	v19 =	vshra.s32 v34, $0x1F  }
0x78: {  	s26 =	sadd.s32 $0x170, s19;
	v15 =	vadd.s32 v23, v15;
	v42 =	vsub.s32 v37, v24;
	v23 =	vshrl.u32 v45, $0x3  }
0x79: {  	v36 =	vld [tilespmem:s18+$0x130];
	v45 =	vor.u32 s26, v0;
	v18 =	vmul.u32 $0xC34FA, v33;
	v19 =	vadd.s32 v21, v19  }
0x7a: {  	v44 =	vadd.s32 $0xFFFFFFFA, v42;
	v21 =	vshll.u32 v39, $0x3;
	v24 =	vadd.s32 $0xFFFFFFF4, v42  }
0x7b: {  	v46 =	vadd.s32 $0xFFFFFFEE, v42;
	v23 =	vmul.u32 $0x1A, v23;
	v31 =	vshrl.u32 v27, $0x3  }
0x7c: {  	v19 =	vadd.s32 v38, v19;
	v24 =	vshra.s32 v24, $0x1F;
	v25 =	vshra.s32 v46, $0x1F  }
0x7d: {  	v48 =	vld [tilespmem:s18+$0x110];
	v18 =	vadd.s32 $0x249EEE, v18;
	v19 =	vmul.u32 $0xC34FA, v19;
	v49 =	vsub.s32 v43, v23  }
0x7e: {  	v40 =	vshll.u32 v36, $0x3;
	v16 =	vadd.s32 v28, v18;
	v23 =	vadd.s32 $0xFFFFFFFA, v49  }
0x7f: {  	v51 =	vadd.s32 $0xFFFFFFF4, v49;
	v26 =	vadd.s32 $0xFFFFFFEE, v49;
	v19 =	vadd.s32 $0x249EEE, v19  }
0x80: {  	v23 =	vshra.s32 v23, $0x1F;
	v19 =	vadd.s32 v17, v19;
	v17 =	vshra.s32 v44, $0x1F  }
0x81: {  	v53 =	vshra.s32 v26, $0x1F;
	v24 =	vadd.s32 v24, v17;
	v17 =	vadd.s32 v41, v16  }
0x82: {  	s28 =	sadd.s32 $0x180, s19;
	v16 =	vadd.s32 v21, v19;
	v19 =	vshll.u32 v48, $0x3;
	v47 =	vadd.s32 v25, v24  }
0x83: {  	v24 =	vshra.s32 v51, $0x1F;
	v25 =	vshrl.u32 v52, $0x3;
	v51 =	vor.u32 s28, v0  }
0x84: {  	v18 =	vmul.u32 $0xC34FA, v47;
	v23 =	vadd.s32 v24, v23;
	v55 =	vmul.u32 $0x1A, v25  }
0x85: {  	v41 =	vld [tilespmem:s18+$0x150];
	v24 =	vshrl.u32 v60, $0x3;
	v47 =	vmulhi.u32 $0x4EC4EC4F, v45;
	v23 =	vadd.s32 v53, v23  }
0x86: {  	v24 =	vmul.u32 $0x1A, v24;
	v18 =	vadd.s32 $0x249EEE, v18;
	v56 =	vmul.u32 $0xC34FA, v23  }
0x87: {  	v22 =	vsub.s32 v50, v55;
	v50 =	vshrl.u32 v47, $0x3;
	v18 =	vadd.s32 v42, v18  }
0x88: {  	v59 =	vadd.s32 $0xFFFFFFFA, v22;
	v62 =	vadd.s32 $0xFFFFFFF4, v22;
	v30 =	vadd.s32 $0xFFFFFFEE, v22  }
0x89: {  	v23 =	vsub.s32 v57, v24;
	v24 =	vmul.u32 $0x1A, v31;
	v31 =	vmulhi.u32 $0x4EC4EC4F, v29  }
0x8a: {  	v27 =	vshll.u32 v41, $0x3;
	v18 =	vadd.s32 v19, v18;
	v58 =	vadd.s32 $0x249EEE, v56  }
0x8b: {  	v20 =	vshra.s32 v59, $0x1F;
	v25 =	vshra.s32 v62, $0x1F;
	v21 =	vshra.s32 v30, $0x1F  }
0x8c: {  	v32 =	vadd.s32 $0xFFFFFFFA, v23;
	v33 =	vadd.s32 $0xFFFFFFF4, v23;
	v34 =	vadd.s32 $0xFFFFFFEE, v23  }
0x8d: {  	v19 =	vadd.s32 v49, v58;
	v20 =	vadd.s32 v25, v20;
	v25 =	vshra.s32 v33, $0x1F  }
0x8e: {  	s29 =	sadd.s32 $0x190, s19;
	v37 =	vld [tilespmem:s18+$0x140];
	v24 =	vsub.s32 v63, v24;
	v35 =	vshra.s32 v34, $0x1F;
	v39 =	vshrl.u32 v31, $0x3  }
0x8f: {  	v63 =	vor.u32 s29, v0;
	v19 =	vadd.s32 v61, v19;
	v20 =	vadd.s32 v21, v20  }
0x90: {  	v21 =	vshra.s32 v32, $0x1F;
	v26 =	vadd.s32 $0xFFFFFFFA, v24;
	v32 =	vmulhi.u32 $0x4EC4EC4F, v51  }
0x91: {  	v28 =	vadd.s32 $0xFFFFFFF4, v24;
	v30 =	vadd.s32 $0xFFFFFFEE, v24;
	v34 =	vmulhi.u32 $0x4EC4EC4F, v63  }
0x92: {  	v20 =	vmul.u32 $0xC34FA, v20;
	v21 =	vadd.s32 v25, v21;
	v26 =	vshra.s32 v26, $0x1F  }
0x93: {  	s30 =	sadd.s32 $0x1A0, s19;
	v62 =	vld [tilespmem:s18+$0x170];
	v28 =	vshra.s32 v28, $0x1F;
	v38 =	vshra.s32 v30, $0x1F;
	v25 =	vshll.u32 v37, $0x3  }
0x94: {  	v49 =	vld [tilespmem:s18+$0x160];
	v30 =	vmul.u32 $0x1A, v50;
	v37 =	vor.u32 s30, v0;
	v21 =	vadd.s32 v35, v21  }
0x95: {  	v26 =	vadd.s32 v28, v26;
	v28 =	vmul.u32 $0x1A, v39;
	v54 =	vshrl.u32 v32, $0x3  }
0x96: {  	v36 =	vshrl.u32 v34, $0x3;
	v21 =	vmul.u32 $0xC34FA, v21;
	v26 =	vadd.s32 v38, v26  }
0x97: {  	v20 =	vadd.s32 $0x249EEE, v20;
	v53 =	vsub.s32 v45, v30;
	v38 =	vmulhi.u32 $0x4EC4EC4F, v37  }
0x98: {  	v39 =	vshll.u32 v62, $0x3;
	v26 =	vmul.u32 $0xC34FA, v26;
	v20 =	vadd.s32 v22, v20  }
0x99: {  	v43 =	vsub.s32 v29, v28;
	v55 =	vadd.s32 $0xFFFFFFFA, v53;
	v56 =	vshll.u32 v49, $0x3  }
0x9a: {  	v57 =	vadd.s32 $0xFFFFFFF4, v53;
	v29 =	vadd.s32 $0xFFFFFFEE, v53;
	v21 =	vadd.s32 $0x249EEE, v21  }
0x9b: {  	v44 =	vadd.s32 $0xFFFFFFFA, v43;
	v28 =	vadd.s32 $0xFFFFFFF4, v43;
	v46 =	vadd.s32 $0xFFFFFFEE, v43  }
0x9c: {  	v22 =	vadd.s32 v40, v20;
	v58 =	vshra.s32 v29, $0x1F;
	v21 =	vadd.s32 v23, v21  }
0x9d: {  	v49 =	vld [tilespmem:s18+$0x190];
	v42 =	vadd.s32 $0x249EEE, v26;
	v28 =	vshra.s32 v28, $0x1F;
	v48 =	vshra.s32 v46, $0x1F  }
0x9e: {  	v26 =	vshra.s32 v55, $0x1F;
	v23 =	vadd.s32 v24, v42;
	v24 =	vshra.s32 v44, $0x1F  }
0x9f: {  	v21 =	vadd.s32 v25, v21;
	v25 =	vmul.u32 $0x1A, v54;
	v42 =	vshrl.u32 v38, $0x3  }
0xa0: {  	v24 =	vadd.s32 v28, v24;
	v20 =	vadd.s32 v27, v23;
	v28 =	vshra.s32 v57, $0x1F  }
0xa1: {  	v40 =	vld [tilespmem:s18+$0x180];
	v24 =	vadd.s32 v48, v24;
	v25 =	vsub.s32 v51, v25;
	v26 =	vadd.s32 v28, v26  }
0xa2: {  	[tilespmem:s18+$0x0] =	vst v1;
	v1 =	vshll.u32 v49, $0x3;
	v24 =	vmul.u32 $0xC34FA, v24;
	v59 =	vadd.s32 $0xFFFFFFFA, v25  }
0xa3: {  	v26 =	vadd.s32 v58, v26;
	v61 =	vadd.s32 $0xFFFFFFF4, v25;
	v31 =	vadd.s32 $0xFFFFFFEE, v25  }
0xa4: {  	v60 =	vshra.s32 v59, $0x1F;
	v29 =	vshra.s32 v61, $0x1F;
	v33 =	vshra.s32 v31, $0x1F  }
0xa5: {  	v55 =	vld [tilespmem:s18+$0x1A0];
	v26 =	vmul.u32 $0xC34FA, v26;
	v52 =	vadd.s32 $0x249EEE, v24;
	v28 =	vadd.s32 v29, v60  }
0xa6: {  	v45 =	vshll.u32 v40, $0x3;
	v40 =	vld [tilespmem:s18+$0x1B0];
	v23 =	vadd.s32 v43, v52;
	v35 =	vadd.s32 v33, v28  }
0xa7: {  	s31 =	sadd.s32 $0x1B0, s19;
	v26 =	vadd.s32 $0x249EEE, v26;
	v28 =	vmul.u32 $0x1A, v36;
	v23 =	vadd.s32 v56, v23  }
0xa8: {  	s21 =	sadd.s32 $0x1C0, s19;
	v27 =	vmul.u32 $0xC34FA, v35;
	v24 =	vadd.s32 v53, v26;
	v35 =	vor.u32 s31, v0  }
0xa9: {  	v56 =	vor.u32 s21, v0;
	v41 =	vsub.s32 v63, v28;
	v51 =	vmulhi.u32 $0x4EC4EC4F, v35  }
0xaa: {  	v28 =	vmul.u32 $0x1A, v42;
	v24 =	vadd.s32 v39, v24;
	v57 =	vmulhi.u32 $0x4EC4EC4F, v56  }
0xab: {  	[tilespmem:s18+$0x80] =	vst v8;
	v63 =	vshll.u32 v55, $0x3;
	v8 =	vshll.u32 v40, $0x3;
	v27 =	vadd.s32 $0x249EEE, v27  }
0xac: {  	v43 =	vadd.s32 $0xFFFFFFFA, v41;
	v32 =	vadd.s32 $0xFFFFFFF4, v41;
	v33 =	vadd.s32 $0xFFFFFFEE, v41  }
0xad: {  	v25 =	vadd.s32 v25, v27;
	v31 =	vshra.s32 v43, $0x1F;
	v32 =	vshra.s32 v32, $0x1F  }
0xae: {  	s23 =	sadd.s32 $0x1E0, s19;
	v44 =	vshra.s32 v33, $0x1F;
	v28 =	vsub.s32 v37, v28;
	v54 =	vshrl.u32 v51, $0x3  }
0xaf: {  	v60 =	vshrl.u32 v57, $0x3;
	v43 =	vor.u32 s23, v0;
	v31 =	vadd.s32 v32, v31  }
0xb0: {  	v47 =	vadd.s32 $0xFFFFFFFA, v28;
	v48 =	vadd.s32 $0xFFFFFFF4, v28;
	v34 =	vadd.s32 $0xFFFFFFEE, v28  }
0xb1: {  	v25 =	vadd.s32 v45, v25;
	v62 =	vmul.u32 $0x1A, v60;
	v46 =	vadd.s32 v44, v31  }
0xb2: {  	s22 =	sadd.s32 $0x1D0, s19;
	v31 =	vshra.s32 v47, $0x1F;
	v32 =	vshra.s32 v48, $0x1F;
	v50 =	vshra.s32 v34, $0x1F  }
0xb3: {  	v34 =	vor.u32 s22, v0;
	v44 =	vmulhi.u32 $0x4EC4EC4F, v43;
	v30 =	vmul.u32 $0xC34FA, v46  }
0xb4: {  	s19 =	sadd.s32 $0x1F0, s19;
	v31 =	vadd.s32 v32, v31;
	v33 =	vsub.s32 v56, v62;
	v36 =	vmulhi.u32 $0x4EC4EC4F, v34  }
0xb5: {  	[tilespmem:s18+$0x10] =	vst v2;
	v46 =	vor.u32 s19, v0;
	v52 =	vadd.s32 v50, v31;
	v37 =	vadd.s32 $0xFFFFFFF4, v33  }
0xb6: {  	[tilespmem:s18+$0xA0] =	vst v11;
	v39 =	vadd.s32 $0xFFFFFFEE, v33;
	v11 =	vshrl.u32 v44, $0x3;
	v47 =	vmulhi.u32 $0x4EC4EC4F, v46  }
0xb7: {  	[tilespmem:s18+$0x60] =	vst v7;
	v53 =	vadd.s32 $0x249EEE, v30;
	v26 =	vmul.u32 $0xC34FA, v52;
	v30 =	vmul.u32 $0x1A, v54  }
0xb8: {  	[tilespmem:s18+$0x70] =	vst v9;
	v38 =	vshra.s32 v37, $0x1F;
	v7 =	vshrl.u32 v36, $0x3;
	v9 =	vshra.s32 v39, $0x1F  }
0xb9: {  	[tilespmem:s18+$0x20] =	vst v3;
	v11 =	vmul.u32 $0x1A, v11;
	v27 =	vadd.s32 v41, v53;
	v7 =	vmul.u32 $0x1A, v7  }
0xba: {  	[tilespmem:s18+$0x30] =	vst v6;
	v50 =	vshrl.u32 v47, $0x3;
	v26 =	vadd.s32 $0x249EEE, v26;
	v1 =	vadd.s32 v1, v27  }
0xbb: {  	[tilespmem:s18+$0x40] =	vst v5;
	v58 =	vsub.s32 v35, v30;
	v35 =	vadd.s32 $0xFFFFFFFA, v33;
	v49 =	vsub.s32 v43, v11  }
0xbc: {  	[tilespmem:s18+$0x50] =	vst v4;
	v2 =	vadd.s32 v28, v26;
	v3 =	vadd.s32 $0xFFFFFFFA, v58;
	v59 =	vadd.s32 $0xFFFFFFF4, v58  }
0xbd: {  	[tilespmem:s18+$0x90] =	vst v10;
	v30 =	vadd.s32 $0xFFFFFFEE, v58;
	v4 =	vshra.s32 v35, $0x1F;
	v41 =	vsub.s32 v34, v7  }
0xbe: {  	[tilespmem:s18+$0xB0] =	vst v14;
	v51 =	vadd.s32 $0xFFFFFFFA, v49;
	v10 =	vadd.s32 $0xFFFFFFF4, v49;
	v53 =	vadd.s32 $0xFFFFFFEE, v49  }
0xbf: {  	[tilespmem:s18+$0xC0] =	vst v13;
	v52 =	vld [tilespmem:s18+$0x1C0];
	v3 =	vshra.s32 v3, $0x1F;
	v61 =	vshra.s32 v59, $0x1F;
	v32 =	vshra.s32 v30, $0x1F  }
0xc0: {  	[tilespmem:s18+$0xD0] =	vst v12;
	v54 =	vld [tilespmem:s18+$0x1D0];
	v4 =	vadd.s32 v38, v4;
	v2 =	vadd.s32 v63, v2;
	v3 =	vadd.s32 v61, v3  }
0xc1: {  	[tilespmem:s18+$0xE0] =	vst v15;
	v7 =	vadd.s32 $0xFFFFFFFA, v41;
	v42 =	vadd.s32 $0xFFFFFFF4, v41;
	v3 =	vadd.s32 v32, v3  }
0xc2: {  	[tilespmem:s18+$0xF0] =	vst v17;
	v45 =	vadd.s32 $0xFFFFFFEE, v41;
	v10 =	vshra.s32 v10, $0x1F;
	v3 =	vmul.u32 $0xC34FA, v3  }
0xc3: {  	[tilespmem:s18+$0x100] =	vst v16;
	v13 =	vshra.s32 v53, $0x1F;
	v4 =	vadd.s32 v9, v4;
	v7 =	vshra.s32 v7, $0x1F  }
0xc4: {  	v9 =	vshra.s32 v42, $0x1F;
	[tilespmem:s18+$0x1A0] =	vst v2;
	v2 =	vshll.u32 v52, $0x3;
	v3 =	vadd.s32 $0x249EEE, v3  }
0xc5: {  	[tilespmem:s18+$0x110] =	vst v18;
	v62 =	vshll.u32 v54, $0x3;
	v7 =	vadd.s32 v9, v7;
	v3 =	vadd.s32 v58, v3  }
0xc6: {  	[tilespmem:s18+$0x120] =	vst v19;
	v9 =	vshra.s32 v45, $0x1F;
	v3 =	vadd.s32 v8, v3;
	v8 =	vmul.u32 $0x1A, v50  }
0xc7: {  	[tilespmem:s18+$0x130] =	vst v22;
	v4 =	vmul.u32 $0xC34FA, v4;
	v48 =	vadd.s32 v9, v7;
	v9 =	vshra.s32 v51, $0x1F  }
0xc8: {  	[tilespmem:s18+$0x140] =	vst v21;
	v6 =	vmul.u32 $0xC34FA, v48;
	v9 =	vadd.s32 v10, v9;
	v8 =	vsub.s32 v46, v8  }
0xc9: {  	[tilespmem:s18+$0x150] =	vst v20;
	v9 =	vadd.s32 v13, v9;
	v12 =	vadd.s32 $0xFFFFFFFA, v8;
	v55 =	vadd.s32 $0xFFFFFFF4, v8  }
0xca: {  	[tilespmem:s18+$0x160] =	vst v23;
	v56 =	vld [tilespmem:s18+$0x1E0];
	v57 =	vadd.s32 $0xFFFFFFEE, v8;
	v12 =	vshra.s32 v12, $0x1F;
	v13 =	vshra.s32 v55, $0x1F  }
0xcb: {  	[tilespmem:s18+$0x170] =	vst v24;
	v59 =	vld [tilespmem:s18+$0x1F0];
	v4 =	vadd.s32 $0x249EEE, v4;
	v58 =	vshra.s32 v57, $0x1F;
	v12 =	vadd.s32 v13, v12  }
0xcc: {  	[tilespmem:s18+$0x180] =	vst v25;
	v6 =	vadd.s32 $0x249EEE, v6;
	v61 =	vmul.u32 $0xC34FA, v9;
	v60 =	vadd.s32 v58, v12  }
0xcd: {  	[tilespmem:s18+$0x190] =	vst v1;
	v4 =	vadd.s32 v33, v4;
	v1 =	vadd.s32 v41, v6;
	v5 =	vmul.u32 $0xC34FA, v60  }
0xce: {  	v2 =	vadd.s32 v2, v4;
	[tilespmem:s18+$0x1B0] =	vst v3;
	v1 =	vadd.s32 v62, v1;
	v3 =	vadd.s32 $0x249EEE, v61  }
0xcf: {  	[tilespmem:s18+$0x1C0] =	vst v2;
	v2 =	vadd.s32 v49, v3;
	v3 =	vshll.u32 v56, $0x3;
	v63 =	vadd.s32 $0x249EEE, v5  }
0xd0: {  	[tilespmem:s18+$0x1D0] =	vst v1;
	v1 =	vadd.s32 v3, v2;
	v3 =	vshll.u32 v59, $0x3;
	v2 =	vadd.s32 v8, v63  }
0xd1: {  	p0 =	slt.u32 s17, $0x2;
	[tilespmem:s18+$0x1E0] =	vst v1;
	v1 =	vadd.s32 v3, v2  }
0xd2: {  	s17 =	sadd.s32 @!p0 $0x5, s16;
	[tilespmem:s18+$0x1F0] =	vst v1  }
0xd3: {  	_ =	swait.ge @!p0 [sflag:s17], $0x2000  }
0xd4: {  	s24 =	sshll.u32 s16, $0xD;
	[sflag:s17] =	ssyncset.done @!p0 $0x0  }
0xd5: {  	s25 =	sor.u32 $0x400, s24;
	s26 =	sadd.s32 $0x3, s16;
	[sflag:s17] =	ssyncadd.s32 @!p0 $0xFFFFE000  }
0xd6: {  	[tilespmem:s25], [sflag:s26] =	stream.indirect.gather [hbm4b:s4+s9], $0x10, s18, s9, $0xb8;
	[tilespmem:$0x4400] =	vst v63  }
0xd7: {  	s28 =	sor.u32 $0x80, s18;
	s29 =	sor.u32 $0xC00, s24  }
0xd8: {  	[tilespmem:s29], [sflag:s26] =	stream.indirect.gather [hbm4b:s4+s9], $0x10, s28, s9, $0xb8;
	[tilespmem:$0x4400] =	vst v63  }
0xd9: {  	s30 =	sor.u32 $0x100, s18;
	s31 =	sor.u32 $0x1400, s24  }
0xda: {  	[tilespmem:s31], [sflag:s26] =	stream.indirect.gather [hbm4b:s4+s9], $0x10, s30, s9, $0xb8;
	[tilespmem:$0x4400] =	vst v63  }
0xdb: {  	s19 =	sor.u32 $0x1C00, s24;
	s18 =	sor.u32 $0x180, s18  }
0xdc: {  	[tilespmem:s19], [sflag:s26] =	stream.indirect.gather [hbm4b:s4+s9], $0x10, s18, s9, $0xb8;
	[tilespmem:$0x4400] =	vst v63  }
0xdd: {  	_ =	swait.ge [sflag:s26], $0x800  }
0xde: {  	[sflag:s26] =	ssyncset.done $0x0  }
0xdf: {  	[sflag:s26] =	ssyncadd.s32 $0xFFFFF800  }
0xe0: {  	_ =	swait.ge [sflag:s26], $0x800  }
0xe1: {  	[sflag:s26] =	ssyncset.done $0x0  }
0xe2: {  	[sflag:s26] =	ssyncadd.s32 $0xFFFFF800  }
0xe3: {  	_ =	swait.ge [sflag:s26], $0x800  }
0xe4: {  	s13 =	sadd.s32 $0x200, s13;
	[sflag:s26] =	ssyncset.done $0x0  }
0xe5: {  	p0 =	sne.s32 s13, $0x1A00;
	[sflag:s26] =	ssyncadd.s32 $0xFFFFF800  }
.Ltmp0:
0xe6: {  	_ =	swait.ge [sflag:s26], $0x800;
	(pc) =	sbr.rel @p0 .LBB2_2-.Ltmp0, $4  }
0xe7: {  	[sflag:s26] =	ssyncset.done $0x0  }
0xe8: {  	s16 =	sadd.s32 $0x5, s16;
	[sflag:s26] =	ssyncadd.s32 $0xFFFFF800  }
0xe9: {  	[hbm4b:s14+s2] =	stream.linear.scatter [tilespmem:s25], [sflag:s16], $0x2000, $0x38;
	[tilespmem:$0x4400] =	vst v63  }
0xea: {  	s17 =	smov.u32 s15;
	s14 =	sadd.s32 $0x400, s14  }
0xeb: {  	s12 =	sadd.s32 $0x1, s12  }
0xec: {  	_ =	swait.ge [sflag:s10], $0x2000;
	p0 =	sne.s32 s12, s6  }
.Ltmp1:
0xed: {  	[sflag:s10] =	ssyncset.done $0x0;
	(pc) =	sbr.rel @p0 .LBB2_1-.Ltmp1, $4  }
0xee: {  	[sflag:s10] =	ssyncadd.s32 $0xFFFFE000  }
0xef: {  	_ =	swait.ge [sflag:s11], $0x2000  }
0xf0: {  	[sflag:s11] =	ssyncset.done $0x0  }
0xf1: {  	[sflag:s11] =	ssyncadd.s32 $0xFFFFE000  }
0xf2: {  	_ =	sfence.sel $0x180000  }
0xf3: {  	[bflag:$0x0] =	sbarrier.arrive $0xFFFF  }
0xf4: {  	p0 =	sne.s32 s1, $0x0;
	_ =	strace $0x9000004A  }
0xf5: {  	s0 =	sadd.s32 @!p0 $0x100000, s0;
	[bflag:$0x2] =	sbarrier.arrive $0xFFFF  }
0xf6: {  	[sflag:s0] =	ssyncadd.tile.s32 @!p0 $0x1;
	_ =	shalt  }
.Lfunc_end2:
_tile_overlayer_lowered:
.L_overlay_start_2:
0xf7: {  	(tag) =	ssettag $0x2  }
0xf8: {  	s0 =	rddreg [dreg:$0x0];
	s2 =	stileid.u32  }
0xf9: {  	s1 =	rddreg [dreg:$0x1];
	p0 =	sne.s32 s2, $0x0  }
0xfa: {  	s3 =	rddreg [dreg:$0x2];
	[bflag:$0x3] =	sbarrier.arrive $0xFFFF;
	s2 =	simm.s32 @!p0 $0x1C07  }
0xfb: {  	[timem:s3], [sflag:s2] =	dma.local @!p0 [hbm:s0], s1  }
0xfc: {  	s0 =	simm.s32 @!p0 $0x7  }
0xfd: {  	_ =	swait.ge @!p0 [sflag:s0], s1  }
0xfe: {  	s1 =	ssub.s32 @!p0 $0x0, s1;
	[sflag:s0] =	ssyncset.done @!p0 $0x0  }
0xff: {  	[sflag:s0] =	ssyncadd.s32 @!p0 s1  }
0x100: {  	[bflag:$0x3] =	sbarrier.arrive $0xFFFF  }
0x101: {  	_ =	shalt  }

</sc_bundles>
